<compile_context>
chip_gen: v7x
topology: tpu7x:2x2x1
jax: 0.10.2.dev20260603
libtpu: 0.0.44.dev20260713+nightly
codegen_flags: <defaults>
</compile_context>

<pallas_src>
import functools

import jax
import jax.numpy as jnp
from jax import lax
from jax.experimental import pallas as pl
from jax.experimental.pallas import tpu as pltpu
from jax.experimental.pallas import tpu_sc as plsc

N = 10000
E = 320000
D = 128
H = 128
HH = H // 2
G = 64

N_PAD = 10240
CHUNK = 125
IDX_ROWS = E // CHUNK
DEG_ROWS = IDX_ROWS // 32
AGG_ROWS = IDX_ROWS // 16
E_TILE = E // 32
TILE_SLICE = N_PAD // 16
NBUF = 4
BLK = 1000
NBLK = N // BLK

_mesh = plsc.VectorSubcoreMesh(core_axis_name="c", subcore_axis_name="s")
_sc_params = pltpu.CompilerParams(use_tc_tiling_on_sc=False)
_sc_gather_params = pltpu.CompilerParams(use_tc_tiling_on_sc=False,
                                         needs_layout_passes=False)



def _sc_degree(dst2d, ones_c, zeros16):

    @functools.partial(
        pl.kernel,
        mesh=_mesh,
        out_type=jax.ShapeDtypeStruct((2, N_PAD, 16), jnp.float32),
        compiler_params=_sc_params,
        scratch_types=[
            pltpu.VMEM((DEG_ROWS, CHUNK), jnp.int32),
            pltpu.VMEM((CHUNK, 16), jnp.float32),
            pltpu.VMEM_SHARED((N_PAD, 16), jnp.float32),
        ],
    )
    def k(dst_hbm, ones_hbm, z_hbm, out_hbm, didx, ones_v, acc):
        cid = lax.axis_index("c")
        sid = lax.axis_index("s")
        wrow = (cid * 16 + sid) * DEG_ROWS
        pltpu.sync_copy(dst_hbm.at[pl.ds(wrow, DEG_ROWS)], didx)
        pltpu.sync_copy(ones_hbm, ones_v)
        pltpu.sync_copy(z_hbm, acc.at[pl.ds(sid * TILE_SLICE, TILE_SLICE)])
        plsc.subcore_barrier()

        @pl.loop(0, DEG_ROWS)
        def _(r):
            pltpu.sync_copy(ones_v, acc.at[didx.at[r]], add=True)

        plsc.subcore_barrier()
        pltpu.sync_copy(
            acc.at[pl.ds(sid * TILE_SLICE, TILE_SLICE)],
            out_hbm.at[cid, pl.ds(sid * TILE_SLICE, TILE_SLICE)],
        )

    return k(dst2d, ones_c, zeros16)


def _sc_norm(dinv_flat, srcN, dstN):

    @functools.partial(
        pl.kernel,
        mesh=_mesh,
        out_type=jax.ShapeDtypeStruct((32, E_TILE), jnp.float32),
        compiler_params=_sc_gather_params,
        scratch_types=[
            pltpu.VMEM((N_PAD,), jnp.float32),
            pltpu.VMEM((E_TILE,), jnp.int32),
            pltpu.VMEM((E_TILE,), jnp.int32),
            pltpu.VMEM((E_TILE,), jnp.float32),
        ],
    )
    def k(dinv_hbm, src_hbm, dst_hbm, out_hbm, df, sflat, dflat, nflat):
        cid = lax.axis_index("c")
        sid = lax.axis_index("s")
        tid = cid * 16 + sid
        pltpu.sync_copy(dinv_hbm, df)
        pltpu.sync_copy(src_hbm.at[tid], sflat)
        pltpu.sync_copy(dst_hbm.at[tid], dflat)

        @pl.loop(0, E_TILE // 16)
        def _(v):
            sl = pl.ds(v * 16, 16)
            ns = plsc.load_gather(df, [sflat[sl]])
            nd = plsc.load_gather(df, [dflat[sl]])
            nflat[sl] = ns * nd

        pltpu.sync_copy(nflat, out_hbm.at[tid])

    return k(dinv_flat, srcN, dstN)


def _sc_aggregate(xw2, src2d, dst2d, norm16, zeros64):

    @functools.partial(
        pl.kernel,
        mesh=_mesh,
        out_type=jax.ShapeDtypeStruct((2, N_PAD, HH), jnp.float32),
        compiler_params=_sc_params,
        scratch_types=(
            [pltpu.VMEM((AGG_ROWS, CHUNK), jnp.int32),
             pltpu.VMEM((AGG_ROWS, CHUNK), jnp.int32),
             pltpu.VMEM_SHARED((N_PAD, HH), jnp.float32)]
            + [pltpu.VMEM((CHUNK, HH), jnp.float32)] * NBUF
            + [pltpu.VMEM((CHUNK, 16), jnp.float32)] * NBUF
            + [pltpu.SemaphoreType.DMA] * (3 * NBUF)
        ),
    )
    def k(y_hbm, src_hbm, dst_hbm, nrm_hbm, z_hbm, out_hbm,
          sidx, didx, acc, *rest):
        bufs = rest[:NBUF]
        nbufs = rest[NBUF:2 * NBUF]
        gsems = rest[2 * NBUF:3 * NBUF]
        ssems = rest[3 * NBUF:4 * NBUF]
        nsems = rest[4 * NBUF:]
        cid = lax.axis_index("c")
        sid = lax.axis_index("s")
        wrow = sid * AGG_ROWS
        yc = y_hbm.at[cid]
        pltpu.sync_copy(src_hbm.at[pl.ds(wrow, AGG_ROWS)], sidx)
        pltpu.sync_copy(dst_hbm.at[pl.ds(wrow, AGG_ROWS)], didx)
        pltpu.sync_copy(z_hbm, acc.at[pl.ds(sid * TILE_SLICE, TILE_SLICE)])
        plsc.subcore_barrier()

        def scale_rows(k_):
            @pl.loop(0, CHUNK)
            def _(row):
                nv = nbufs[k_][row, :]
                for c in range(HH // 16):
                    sl = pl.ds(c * 16, 16)
                    bufs[k_][row, sl] = bufs[k_][row, sl] * nv

        for k2 in range(NBUF):
            pltpu.async_copy(yc.at[sidx.at[k2]], bufs[k2], gsems[k2])
            pltpu.async_copy(nrm_hbm.at[wrow + k2], nbufs[k2], nsems[k2])

        @pl.loop(0, AGG_ROWS // NBUF)
        def _(j):
            r = j * NBUF
            scat = []
            for k2 in range(NBUF):
                pltpu.make_async_copy(
                    yc.at[sidx.at[r + k2]], bufs[k2], gsems[k2]).wait()
                pltpu.make_async_copy(
                    nrm_hbm.at[wrow + r + k2], nbufs[k2], nsems[k2]).wait()
                scale_rows(k2)
                scat.append(pltpu.async_copy(
                    bufs[k2], acc.at[didx.at[r + k2]], ssems[k2], add=True))
            for k2 in range(NBUF):
                scat[k2].wait()

                @pl.when(r + k2 + NBUF < AGG_ROWS)
                def _():
                    pltpu.async_copy(
                        yc.at[sidx.at[r + k2 + NBUF]], bufs[k2], gsems[k2])
                    pltpu.async_copy(
                        nrm_hbm.at[wrow + r + k2 + NBUF], nbufs[k2],
                        nsems[k2])

        plsc.subcore_barrier()
        pltpu.sync_copy(
            acc.at[pl.ds(sid * TILE_SLICE, TILE_SLICE)],
            out_hbm.at[cid, pl.ds(sid * TILE_SLICE, TILE_SLICE)],
        )

    return k(xw2, src2d, dst2d, norm16, zeros64)



def _dot(a, b):
    return lax.dot_general(a, b, (((1,), (0,)), ((), ())),
                           preferred_element_type=jnp.float32)


def _split(o_ref, y):
    o_ref[0] = y[:, :HH]
    o_ref[1] = y[:, HH:]


def _deg(d_ref):
    return d_ref[0, :, :1] + d_ref[1, :, :1] + 1.0


def _tc_matmul0(x, w):
    def body(x_ref, w_ref, o_ref):
        _split(o_ref, _dot(x_ref[...], w_ref[...]))

    return pl.pallas_call(
        body,
        grid=(NBLK,),
        in_specs=[
            pl.BlockSpec((BLK, D), lambda i: (i, 0)),
            pl.BlockSpec((D, H), lambda i: (0, 0)),
        ],
        out_specs=pl.BlockSpec((2, BLK, HH), lambda i: (0, i, 0)),
        out_shape=jax.ShapeDtypeStruct((2, N, HH), jnp.float32),
    )(x, w)


def _tc_norm16(norm_col):
    EB = 10000

    def body(n_ref, o_ref):
        o_ref[...] = jnp.broadcast_to(n_ref[...], (EB, 16))

    return pl.pallas_call(
        body,
        grid=(E // EB,),
        in_specs=[pl.BlockSpec((EB, 1), lambda i: (i, 0))],
        out_specs=pl.BlockSpec((EB, 16), lambda i: (i, 0)),
        out_shape=jax.ShapeDtypeStruct((E, 16), jnp.float32),
    )(norm_col)


def _tc_dinv(degp):
    def body(d_ref, o_ref):
        o_ref[...] = lax.rsqrt(_deg(d_ref))

    NPB = N_PAD // 8

    return pl.pallas_call(
        body,
        grid=(8,),
        in_specs=[pl.BlockSpec((2, NPB, 16), lambda i: (0, i, 0))],
        out_specs=pl.BlockSpec((NPB, 1), lambda i: (i, 0)),
        out_shape=jax.ShapeDtypeStruct((N_PAD, 1), jnp.float32),
    )(degp)


def _h_block(p_ref, y_ref, d_ref, b_ref):
    dinv = lax.rsqrt(_deg(d_ref))
    nself = dinv * dinv
    agg = jnp.concatenate([p_ref[0], p_ref[1]], axis=1)
    xw = jnp.concatenate([y_ref[0], y_ref[1]], axis=1)
    return jnp.maximum(agg + nself * xw + b_ref[...], 0.0)


def _tc_layer(parts, xw2, degp, b, w_next):
    def body(p_ref, y_ref, d_ref, b_ref, w_ref, o_ref):
        h = _h_block(p_ref, y_ref, d_ref, b_ref)
        _split(o_ref, _dot(h, w_ref[...]))

    return pl.pallas_call(
        body,
        grid=(NBLK,),
        in_specs=[
            pl.BlockSpec((2, BLK, HH), lambda i: (0, i, 0)),
            pl.BlockSpec((2, BLK, HH), lambda i: (0, i, 0)),
            pl.BlockSpec((2, BLK, 16), lambda i: (0, i, 0)),
            pl.BlockSpec((1, H), lambda i: (0, 0)),
            pl.BlockSpec((H, H), lambda i: (0, 0)),
        ],
        out_specs=pl.BlockSpec((2, BLK, HH), lambda i: (0, i, 0)),
        out_shape=jax.ShapeDtypeStruct((2, N, HH), jnp.float32),
    )(parts, xw2, degp, b, w_next)


def _tc_final(parts, xw2, degp, b, batch2d, w0, b0, w1, b1):
    def body(p_ref, y_ref, d_ref, b_ref, bat_ref, w0_ref, b0_ref, w1_ref,
             b1_ref, o_ref, acc_ref):
        i = pl.program_id(0)

        @pl.when(i == 0)
        def _():
            acc_ref[...] = jnp.full((G, H), -jnp.inf, jnp.float32)

        h = _h_block(p_ref, y_ref, d_ref, b_ref)
        bat = bat_ref[...]
        g_lo = bat_ref[0, 0]
        g_hi = bat_ref[BLK - 1, 0]
        seg_col = lax.broadcasted_iota(jnp.int32, (G, 1), 0)

        def seg_body(g, m):
            sel = jnp.where(bat == g, h, -jnp.inf)
            row = jnp.max(sel, axis=0, keepdims=True)
            return jnp.maximum(m, jnp.where(seg_col == g, row, -jnp.inf))

        acc_ref[...] = lax.fori_loop(g_lo, g_hi + 1, seg_body, acc_ref[...])

        @pl.when(i == NBLK - 1)
        def _():
            g1 = _dot(acc_ref[...], w0_ref[...]) + b0_ref[...]
            o_ref[...] = _dot(g1, w1_ref[...]) + b1_ref[...]

    return pl.pallas_call(
        body,
        grid=(NBLK,),
        in_specs=[
            pl.BlockSpec((2, BLK, HH), lambda i: (0, i, 0)),
            pl.BlockSpec((2, BLK, HH), lambda i: (0, i, 0)),
            pl.BlockSpec((2, BLK, 16), lambda i: (0, i, 0)),
            pl.BlockSpec((1, H), lambda i: (0, 0)),
            pl.BlockSpec((BLK, 1), lambda i: (i, 0)),
            pl.BlockSpec((H, H), lambda i: (0, 0)),
            pl.BlockSpec((1, H), lambda i: (0, 0)),
            pl.BlockSpec((H, 1), lambda i: (0, 0)),
            pl.BlockSpec((1, 1), lambda i: (0, 0)),
        ],
        out_specs=pl.BlockSpec((G, 1), lambda i: (0, 0)),
        out_shape=jax.ShapeDtypeStruct((G, 1), jnp.float32),
        scratch_shapes=[pltpu.VMEM((G, H), jnp.float32)],
    )(parts, xw2, degp, b, batch2d, w0, b0, w1, b1)



def kernel(x_p, edge_index_p, x_p_batch, W_conv0, b_conv0, W_conv1, b_conv1,
           W_conv2, b_conv2, W_lin0, b_lin0, W_lin1, b_lin1):
    src2d = edge_index_p[0].reshape(IDX_ROWS, CHUNK)
    dst2d = edge_index_p[1].reshape(IDX_ROWS, CHUNK)
    srcN = edge_index_p[0].reshape(32, E_TILE)
    dstN = edge_index_p[1].reshape(32, E_TILE)
    batch2d = x_p_batch.reshape(N, 1)
    ones_c = jnp.ones((CHUNK, 16), jnp.float32)
    zeros16 = jnp.zeros((TILE_SLICE, 16), jnp.float32)
    zeros64 = jnp.zeros((TILE_SLICE, HH), jnp.float32)
    b0 = b_conv0.reshape(1, H)
    b1 = b_conv1.reshape(1, H)
    b2 = b_conv2.reshape(1, H)
    bl0 = b_lin0.reshape(1, H)
    bl1 = b_lin1.reshape(1, 1)

    degp = _sc_degree(dst2d, ones_c, zeros16)
    dinv_flat = _tc_dinv(degp).reshape(N_PAD)
    norm_col = _sc_norm(dinv_flat, srcN, dstN).reshape(E, 1)
    norm16 = _tc_norm16(norm_col).reshape(IDX_ROWS, CHUNK, 16)
    xw0 = _tc_matmul0(x_p, W_conv0)
    p0 = _sc_aggregate(xw0, src2d, dst2d, norm16, zeros64)
    xw1 = _tc_layer(p0, xw0, degp, b0, W_conv1)
    p1 = _sc_aggregate(xw1, src2d, dst2d, norm16, zeros64)
    xw2 = _tc_layer(p1, xw1, degp, b1, W_conv2)
    p2 = _sc_aggregate(xw2, src2d, dst2d, norm16, zeros64)
    return _tc_final(p2, xw2, degp, b2, batch2d, W_lin0, bl0, W_lin1, bl1)

# --- scband reference (transcript-rebuilt; emitter-appended) ---
"""Pipeline reference for scband-gcn-prot-42073499632111 (READ-ONLY COPY).

The authoritative reference and input builder live on the scoring server;
editing this copy changes nothing except your own understanding.
"""

import jax, jax.numpy as jnp
import numpy as np

N = 10000
E = 320000
D = 128
H = 128
G = 64


def setup_inputs(seed: int = 0) -> dict:
    key = jax.random.key(seed)
    ks = jax.random.split(key, 16)
    x_p = jax.random.normal(ks[0], (N, D), dtype=jnp.float32)
    edge_index_p = jax.random.randint(ks[1], (2, E), 0, N, dtype=jnp.int32)
    x_p_batch = jnp.sort(jax.random.randint(ks[2], (N,), 0, G, dtype=jnp.int32))
    s = 1.0 / np.sqrt(D)
    params = {
        'W_conv0': jax.random.uniform(ks[3], (D, H), jnp.float32, -s, s),
        'b_conv0': jnp.zeros((H,), jnp.float32),
        'W_conv1': jax.random.uniform(ks[4], (H, H), jnp.float32, -s, s),
        'b_conv1': jnp.zeros((H,), jnp.float32),
        'W_conv2': jax.random.uniform(ks[5], (H, H), jnp.float32, -s, s),
        'b_conv2': jnp.zeros((H,), jnp.float32),
        'W_lin0': jax.random.uniform(ks[6], (H, H), jnp.float32, -s, s),
        'b_lin0': jax.random.uniform(ks[7], (H,), jnp.float32, -s, s),
        'W_lin1': jax.random.uniform(ks[8], (H, 1), jnp.float32, -s, s),
        'b_lin1': jax.random.uniform(ks[9], (1,), jnp.float32, -s, s),
    }
    return {'x_p': x_p, 'edge_index_p': edge_index_p, 'x_p_batch': x_p_batch, **params}


def _gcn_conv(x, src, dst, W, b, n):
    # PyG GCNConv: x @ W, add self-loops, symmetric normalization, scatter-add, + bias
    xw = x @ W
    loop = jnp.arange(n, dtype=src.dtype)
    s = jnp.concatenate([src, loop])
    d = jnp.concatenate([dst, loop])
    deg = jax.ops.segment_sum(jnp.ones(s.shape[0], dtype=xw.dtype), d, num_segments=n)
    dinv = jnp.where(deg > 0, jax.lax.rsqrt(deg), 0.0)
    norm = dinv[s] * dinv[d]
    msg = norm[:, None] * jnp.take(xw, s, axis=0)
    out = jax.ops.segment_sum(msg, d, num_segments=n)
    return out + b


def reference(x_p, edge_index_p, x_p_batch, W_conv0, b_conv0, W_conv1, b_conv1, W_conv2, b_conv2, W_lin0, b_lin0, W_lin1, b_lin1):
    src = edge_index_p[0]
    dst = edge_index_p[1]
    h = jax.nn.relu(_gcn_conv(x_p, src, dst, W_conv0, b_conv0, N))
    h = jax.nn.relu(_gcn_conv(h, src, dst, W_conv1, b_conv1, N))
    h = jax.nn.relu(_gcn_conv(h, src, dst, W_conv2, b_conv2, N))
    g = jax.ops.segment_max(h, x_p_batch, num_segments=G)  # global_max_pool
    # F.dropout with training=False is identity in eval mode
    g = g @ W_lin0 + b_lin0
    g = g @ W_lin1 + b_lin1
    return g

if __name__ == "__main__":
    import jax
    _d = setup_inputs()
    print(jax.jit(kernel)(*tuple(_d.values())))

</pallas_src>

<mosaic_0001>
#map = affine_map<(d0, d1) -> (0)>
#map1 = affine_map<(d0, d1) -> (0, 0)>
module attributes {stable_mosaic.version = 14 : i64} {
  func.func @k(%arg0: i32, %arg1: i32, %arg2: memref<10240xf32, #tpu.memory_space<hbm>>, %arg3: memref<32x10000xi32, #tpu.memory_space<hbm>>, %arg4: memref<32x10000xi32, #tpu.memory_space<hbm>>, %arg5: memref<32x10000xf32, #tpu.memory_space<hbm>>, %arg6: memref<10240xf32, #tpu.memory_space<vmem>>, %arg7: memref<10000xi32, #tpu.memory_space<vmem>>, %arg8: memref<10000xi32, #tpu.memory_space<vmem>>, %arg9: memref<10000xf32, #tpu.memory_space<vmem>>) attributes {dimension_semantics = [#tpu.dimension_semantics<core_parallel>, #tpu.dimension_semantics<subcore_parallel>], iteration_bounds = array<i64: 2, 16>, scalar_prefetch = 0 : i64, scratch_operands = 4 : i64, tpu.core_type = #tpu.core_type<sc_vector_subcore>, window_params = [{transform_indices = #map}, {transform_indices = #map1}, {transform_indices = #map1}, {transform_indices = #map1}]} {
    %mul3A = arith.constant 16 : i32
    %mul3A_0 = arith.muli %arg0, %mul3A : i32
    %add3A = arith.addi %mul3A_0, %arg1 : i32
    "tpu.region"() ({
      %run_scoped3A = tpu.sem_alloc : memref<!tpu.dma_semaphore, #tpu.memory_space<semaphore_mem>>
      tpu.enqueue_dma source(%arg2 : memref<10240xf32, #tpu.memory_space<hbm>>) target(%arg6 : memref<10240xf32, #tpu.memory_space<vmem>>) target_semaphore(%run_scoped3A : memref<!tpu.dma_semaphore, #tpu.memory_space<semaphore_mem>>)
      tpu.wait_dma2 semaphore(%run_scoped3A : memref<!tpu.dma_semaphore, #tpu.memory_space<semaphore_mem>>) src(%arg2 : memref<10240xf32, #tpu.memory_space<hbm>>) dst(%arg6 : memref<10240xf32, #tpu.memory_space<vmem>>)
      tpu.yield
    }) : () -> ()
    "tpu.region"() ({
      %run_scoped3A = tpu.sem_alloc : memref<!tpu.dma_semaphore, #tpu.memory_space<semaphore_mem>>
      %dma_start3A = arith.constant 0 : i32
      %dma_start3A_5 = tpu.memref_slice %arg3[%add3A, %dma_start3A] : memref<32x10000xi32, #tpu.memory_space<hbm>> -> memref<1x10000xi32, #tpu.memory_space<hbm>>
      %dma_start3A_6 = tpu.memref_squeeze %dma_start3A_5 : memref<1x10000xi32, #tpu.memory_space<hbm>> -> memref<10000xi32, #tpu.memory_space<hbm>>
      %dma_start3A_7 = arith.constant 0 : i32
      %dma_start3A_8 = tpu.memref_slice %arg3[%add3A, %dma_start3A_7] : memref<32x10000xi32, #tpu.memory_space<hbm>> -> memref<1x10000xi32, #tpu.memory_space<hbm>>
      %dma_start3A_9 = tpu.memref_squeeze %dma_start3A_8 : memref<1x10000xi32, #tpu.memory_space<hbm>> -> memref<10000xi32, #tpu.memory_space<hbm>>
      tpu.enqueue_dma source(%dma_start3A_9 : memref<10000xi32, #tpu.memory_space<hbm>>) target(%arg7 : memref<10000xi32, #tpu.memory_space<vmem>>) target_semaphore(%run_scoped3A : memref<!tpu.dma_semaphore, #tpu.memory_space<semaphore_mem>>)
      %dma_wait3A = arith.constant 0 : i32
      %dma_wait3A_10 = tpu.memref_slice %arg3[%add3A, %dma_wait3A] : memref<32x10000xi32, #tpu.memory_space<hbm>> -> memref<1x10000xi32, #tpu.memory_space<hbm>>
      %dma_wait3A_11 = tpu.memref_squeeze %dma_wait3A_10 : memref<1x10000xi32, #tpu.memory_space<hbm>> -> memref<10000xi32, #tpu.memory_space<hbm>>
      %dma_wait3A_12 = arith.constant 0 : i32
      %dma_wait3A_13 = tpu.memref_slice %arg3[%add3A, %dma_wait3A_12] : memref<32x10000xi32, #tpu.memory_space<hbm>> -> memref<1x10000xi32, #tpu.memory_space<hbm>>
      %dma_wait3A_14 = tpu.memref_squeeze %dma_wait3A_13 : memref<1x10000xi32, #tpu.memory_space<hbm>> -> memref<10000xi32, #tpu.memory_space<hbm>>
      tpu.wait_dma2 semaphore(%run_scoped3A : memref<!tpu.dma_semaphore, #tpu.memory_space<semaphore_mem>>) src(%dma_wait3A_14 : memref<10000xi32, #tpu.memory_space<hbm>>) dst(%arg7 : memref<10000xi32, #tpu.memory_space<vmem>>)
      tpu.yield
    }) : () -> ()
    "tpu.region"() ({
      %run_scoped3A = tpu.sem_alloc : memref<!tpu.dma_semaphore, #tpu.memory_space<semaphore_mem>>
      %dma_start3A = arith.constant 0 : i32
      %dma_start3A_5 = tpu.memref_slice %arg4[%add3A, %dma_start3A] : memref<32x10000xi32, #tpu.memory_space<hbm>> -> memref<1x10000xi32, #tpu.memory_space<hbm>>
      %dma_start3A_6 = tpu.memref_squeeze %dma_start3A_5 : memref<1x10000xi32, #tpu.memory_space<hbm>> -> memref<10000xi32, #tpu.memory_space<hbm>>
      %dma_start3A_7 = arith.constant 0 : i32
      %dma_start3A_8 = tpu.memref_slice %arg4[%add3A, %dma_start3A_7] : memref<32x10000xi32, #tpu.memory_space<hbm>> -> memref<1x10000xi32, #tpu.memory_space<hbm>>
      %dma_start3A_9 = tpu.memref_squeeze %dma_start3A_8 : memref<1x10000xi32, #tpu.memory_space<hbm>> -> memref<10000xi32, #tpu.memory_space<hbm>>
      tpu.enqueue_dma source(%dma_start3A_9 : memref<10000xi32, #tpu.memory_space<hbm>>) target(%arg8 : memref<10000xi32, #tpu.memory_space<vmem>>) target_semaphore(%run_scoped3A : memref<!tpu.dma_semaphore, #tpu.memory_space<semaphore_mem>>)
      %dma_wait3A = arith.constant 0 : i32
      %dma_wait3A_10 = tpu.memref_slice %arg4[%add3A, %dma_wait3A] : memref<32x10000xi32, #tpu.memory_space<hbm>> -> memref<1x10000xi32, #tpu.memory_space<hbm>>
      %dma_wait3A_11 = tpu.memref_squeeze %dma_wait3A_10 : memref<1x10000xi32, #tpu.memory_space<hbm>> -> memref<10000xi32, #tpu.memory_space<hbm>>
      %dma_wait3A_12 = arith.constant 0 : i32
      %dma_wait3A_13 = tpu.memref_slice %arg4[%add3A, %dma_wait3A_12] : memref<32x10000xi32, #tpu.memory_space<hbm>> -> memref<1x10000xi32, #tpu.memory_space<hbm>>
      %dma_wait3A_14 = tpu.memref_squeeze %dma_wait3A_13 : memref<1x10000xi32, #tpu.memory_space<hbm>> -> memref<10000xi32, #tpu.memory_space<hbm>>
      tpu.wait_dma2 semaphore(%run_scoped3A : memref<!tpu.dma_semaphore, #tpu.memory_space<semaphore_mem>>) src(%dma_wait3A_14 : memref<10000xi32, #tpu.memory_space<hbm>>) dst(%arg8 : memref<10000xi32, #tpu.memory_space<vmem>>)
      tpu.yield
    }) : () -> ()
    %scan3A = arith.constant 0 : i32
    %scan3A_1 = arith.constant 625 : i32
    %scan3A_2 = arith.addi %scan3A, %scan3A_1 : i32
    %scan3A_3 = arith.constant 1 : i32
    scf.for %scan3A_5 = %scan3A to %scan3A_2 step %scan3A_3  : i32 {
      %mul3A_6 = arith.constant 1 : i32
      %mul3A_7 = arith.muli %scan3A_5, %mul3A_6 : i32
      %add3A_8 = arith.constant 0 : i32
      %add3A_9 = arith.addi %add3A_8, %mul3A_7 : i32
      %mul3A_10 = arith.constant 16 : i32
      %mul3A_11 = arith.muli %add3A_9, %mul3A_10 : i32
      %get3A = arith.index_cast %mul3A_11 : i32 to index
      %get3A_12 = tpu.vector_load %arg7[%get3A] {strides = array<i32>} : memref<10000xi32, #tpu.memory_space<vmem>>, vector<16xi32>,
      %gather3A = tpu.vector_load_idx %arg6[%get3A_12] : memref<10240xf32, #tpu.memory_space<vmem>>[vector<16xi32>], vector<16xf32>,
      %get3A_13 = arith.index_cast %mul3A_11 : i32 to index
      %get3A_14 = tpu.vector_load %arg8[%get3A_13] {strides = array<i32>} : memref<10000xi32, #tpu.memory_space<vmem>>, vector<16xi32>,
      %gather3A_15 = tpu.vector_load_idx %arg6[%get3A_14] : memref<10240xf32, #tpu.memory_space<vmem>>[vector<16xi32>], vector<16xf32>,
      %mul3A_16 = arith.mulf %gather3A, %gather3A_15 : vector<16xf32>
      %swap3A = arith.index_cast %mul3A_11 : i32 to index
      %swap3A_17 = tpu.vector_load %arg9[%swap3A] {strides = array<i32>} : memref<10000xf32, #tpu.memory_space<vmem>>, vector<16xf32>,
      tpu.vector_store %arg9[%swap3A], %mul3A_16 {strides = array<i32>} : memref<10000xf32, #tpu.memory_space<vmem>>, vector<16xf32>,
    }
    %scan3A_4 = arith.constant 625 : i32
    "tpu.region"() ({
      %run_scoped3A = tpu.sem_alloc : memref<!tpu.dma_semaphore, #tpu.memory_space<semaphore_mem>>
      %dma_start3A = arith.constant 0 : i32
      %dma_start3A_5 = tpu.memref_slice %arg5[%add3A, %dma_start3A] : memref<32x10000xf32, #tpu.memory_space<hbm>> -> memref<1x10000xf32, #tpu.memory_space<hbm>>
      %dma_start3A_6 = tpu.memref_squeeze %dma_start3A_5 : memref<1x10000xf32, #tpu.memory_space<hbm>> -> memref<10000xf32, #tpu.memory_space<hbm>>
      %dma_start3A_7 = arith.constant 0 : i32
      %dma_start3A_8 = tpu.memref_slice %arg5[%add3A, %dma_start3A_7] : memref<32x10000xf32, #tpu.memory_space<hbm>> -> memref<1x10000xf32, #tpu.memory_space<hbm>>
      %dma_start3A_9 = tpu.memref_squeeze %dma_start3A_8 : memref<1x10000xf32, #tpu.memory_space<hbm>> -> memref<10000xf32, #tpu.memory_space<hbm>>
      tpu.enqueue_dma source(%arg9 : memref<10000xf32, #tpu.memory_space<vmem>>) target(%dma_start3A_9 : memref<10000xf32, #tpu.memory_space<hbm>>) target_semaphore(%run_scoped3A : memref<!tpu.dma_semaphore, #tpu.memory_space<semaphore_mem>>)
      %dma_wait3A = arith.constant 0 : i32
      %dma_wait3A_10 = tpu.memref_slice %arg5[%add3A, %dma_wait3A] : memref<32x10000xf32, #tpu.memory_space<hbm>> -> memref<1x10000xf32, #tpu.memory_space<hbm>>
      %dma_wait3A_11 = tpu.memref_squeeze %dma_wait3A_10 : memref<1x10000xf32, #tpu.memory_space<hbm>> -> memref<10000xf32, #tpu.memory_space<hbm>>
      %dma_wait3A_12 = arith.constant 0 : i32
      %dma_wait3A_13 = tpu.memref_slice %arg5[%add3A, %dma_wait3A_12] : memref<32x10000xf32, #tpu.memory_space<hbm>> -> memref<1x10000xf32, #tpu.memory_space<hbm>>
      %dma_wait3A_14 = tpu.memref_squeeze %dma_wait3A_13 : memref<1x10000xf32, #tpu.memory_space<hbm>> -> memref<10000xf32, #tpu.memory_space<hbm>>
      tpu.wait_dma2 semaphore(%run_scoped3A : memref<!tpu.dma_semaphore, #tpu.memory_space<semaphore_mem>>) src(%arg9 : memref<10000xf32, #tpu.memory_space<vmem>>) dst(%dma_wait3A_14 : memref<10000xf32, #tpu.memory_space<hbm>>)
      tpu.yield
    }) : () -> ()
    return
  }
}

#map = affine_map<(d0, d1) -> (0, 0, 0)>
#map1 = affine_map<(d0, d1) -> (0, 0)>
module attributes {stable_mosaic.version = 14 : i64} {
  func.func @k(%arg0: i32, %arg1: i32, %arg2: memref<2x10000x64xf32, #tpu.memory_space<hbm>>, %arg3: memref<2560x125xi32, #tpu.memory_space<hbm>>, %arg4: memref<2560x125xi32, #tpu.memory_space<hbm>>, %arg5: memref<2560x125x16xf32, #tpu.memory_space<hbm>>, %arg6: memref<640x64xf32, #tpu.memory_space<hbm>>, %arg7: memref<2x10240x64xf32, #tpu.memory_space<hbm>>, %arg8: memref<160x125xi32, #tpu.memory_space<vmem>>, %arg9: memref<160x125xi32, #tpu.memory_space<vmem>>, %arg10: memref<10240x64xf32, #tpu.memory_space<vmem_shared>>, %arg11: memref<125x64xf32, #tpu.memory_space<vmem>>, %arg12: memref<125x64xf32, #tpu.memory_space<vmem>>, %arg13: memref<125x64xf32, #tpu.memory_space<vmem>>, %arg14: memref<125x64xf32, #tpu.memory_space<vmem>>, %arg15: memref<125x16xf32, #tpu.memory_space<vmem>>, %arg16: memref<125x16xf32, #tpu.memory_space<vmem>>, %arg17: memref<125x16xf32, #tpu.memory_space<vmem>>, %arg18: memref<125x16xf32, #tpu.memory_space<vmem>>, %arg19: memref<!tpu.dma_semaphore, #tpu.memory_space<semaphore_mem>>, %arg20: memref<!tpu.dma_semaphore, #tpu.memory_space<semaphore_mem>>, %arg21: memref<!tpu.dma_semaphore, #tpu.memory_space<semaphore_mem>>, %arg22: memref<!tpu.dma_semaphore, #tpu.memory_space<semaphore_mem>>, %arg23: memref<!tpu.dma_semaphore, #tpu.memory_space<semaphore_mem>>, %arg24: memref<!tpu.dma_semaphore, #tpu.memory_space<semaphore_mem>>, %arg25: memref<!tpu.dma_semaphore, #tpu.memory_space<semaphore_mem>>, %arg26: memref<!tpu.dma_semaphore, #tpu.memory_space<semaphore_mem>>, %arg27: memref<!tpu.dma_semaphore, #tpu.memory_space<semaphore_mem>>, %arg28: memref<!tpu.dma_semaphore, #tpu.memory_space<semaphore_mem>>, %arg29: memref<!tpu.dma_semaphore, #tpu.memory_space<semaphore_mem>>, %arg30: memref<!tpu.dma_semaphore, #tpu.memory_space<semaphore_mem>>) attributes {dimension_semantics = [#tpu.dimension_semantics<core_parallel>, #tpu.dimension_semantics<subcore_parallel>], iteration_bounds = array<i64: 2, 16>, scalar_prefetch = 0 : i64, scratch_operands = 23 : i64, tpu.core_type = #tpu.core_type<sc_vector_subcore>, window_params = [{transform_indices = #map}, {transform_indices = #map1}, {transform_indices = #map1}, {transform_indices = #map}, {transform_indices = #map1}, {transform_indices = #map}]} {
    %mul3A = arith.constant 160 : i32
    %mul3A_0 = arith.muli %arg1, %mul3A : i32
    "tpu.region"() ({
      %run_scoped3A = tpu.sem_alloc : memref<!tpu.dma_semaphore, #tpu.memory_space<semaphore_mem>>
      %dma_start3A_94 = arith.constant 0 : i32
      %dma_start3A_95 = tpu.memref_slice %arg3[%mul3A_0, %dma_start3A_94] : memref<2560x125xi32, #tpu.memory_space<hbm>> -> memref<160x125xi32, #tpu.memory_space<hbm>>
      %dma_start3A_96 = arith.constant 0 : i32
      %dma_start3A_97 = tpu.memref_slice %arg3[%mul3A_0, %dma_start3A_96] : memref<2560x125xi32, #tpu.memory_space<hbm>> -> memref<160x125xi32, #tpu.memory_space<hbm>>
      tpu.enqueue_dma source(%dma_start3A_97 : memref<160x125xi32, #tpu.memory_space<hbm>>) target(%arg8 : memref<160x125xi32, #tpu.memory_space<vmem>>) target_semaphore(%run_scoped3A : memref<!tpu.dma_semaphore, #tpu.memory_space<semaphore_mem>>)
      %dma_wait3A = arith.constant 0 : i32
      %dma_wait3A_98 = tpu.memref_slice %arg3[%mul3A_0, %dma_wait3A] : memref<2560x125xi32, #tpu.memory_space<hbm>> -> memref<160x125xi32, #tpu.memory_space<hbm>>
      %dma_wait3A_99 = arith.constant 0 : i32
      %dma_wait3A_100 = tpu.memref_slice %arg3[%mul3A_0, %dma_wait3A_99] : memref<2560x125xi32, #tpu.memory_space<hbm>> -> memref<160x125xi32, #tpu.memory_space<hbm>>
      tpu.wait_dma2 semaphore(%run_scoped3A : memref<!tpu.dma_semaphore, #tpu.memory_space<semaphore_mem>>) src(%dma_wait3A_100 : memref<160x125xi32, #tpu.memory_space<hbm>>) dst(%arg8 : memref<160x125xi32, #tpu.memory_space<vmem>>)
      tpu.yield
    }) : () -> ()
    "tpu.region"() ({
      %run_scoped3A = tpu.sem_alloc : memref<!tpu.dma_semaphore, #tpu.memory_space<semaphore_mem>>
      %dma_start3A_94 = arith.constant 0 : i32
      %dma_start3A_95 = tpu.memref_slice %arg4[%mul3A_0, %dma_start3A_94] : memref<2560x125xi32, #tpu.memory_space<hbm>> -> memref<160x125xi32, #tpu.memory_space<hbm>>
      %dma_start3A_96 = arith.constant 0 : i32
      %dma_start3A_97 = tpu.memref_slice %arg4[%mul3A_0, %dma_start3A_96] : memref<2560x125xi32, #tpu.memory_space<hbm>> -> memref<160x125xi32, #tpu.memory_space<hbm>>
      tpu.enqueue_dma source(%dma_start3A_97 : memref<160x125xi32, #tpu.memory_space<hbm>>) target(%arg9 : memref<160x125xi32, #tpu.memory_space<vmem>>) target_semaphore(%run_scoped3A : memref<!tpu.dma_semaphore, #tpu.memory_space<semaphore_mem>>)
      %dma_wait3A = arith.constant 0 : i32
      %dma_wait3A_98 = tpu.memref_slice %arg4[%mul3A_0, %dma_wait3A] : memref<2560x125xi32, #tpu.memory_space<hbm>> -> memref<160x125xi32, #tpu.memory_space<hbm>>
      %dma_wait3A_99 = arith.constant 0 : i32
      %dma_wait3A_100 = tpu.memref_slice %arg4[%mul3A_0, %dma_wait3A_99] : memref<2560x125xi32, #tpu.memory_space<hbm>> -> memref<160x125xi32, #tpu.memory_space<hbm>>
      tpu.wait_dma2 semaphore(%run_scoped3A : memref<!tpu.dma_semaphore, #tpu.memory_space<semaphore_mem>>) src(%dma_wait3A_100 : memref<160x125xi32, #tpu.memory_space<hbm>>) dst(%arg9 : memref<160x125xi32, #tpu.memory_space<vmem>>)
      tpu.yield
    }) : () -> ()
    %mul3A_1 = arith.constant 640 : i32
    %mul3A_2 = arith.muli %arg1, %mul3A_1 : i32
    "tpu.region"() ({
      %run_scoped3A = tpu.sem_alloc : memref<!tpu.dma_semaphore, #tpu.memory_space<semaphore_mem>>
      %dma_start3A_94 = arith.constant 0 : i32
      %dma_start3A_95 = tpu.memref_slice %arg10[%mul3A_2, %dma_start3A_94] : memref<10240x64xf32, #tpu.memory_space<vmem_shared>> -> memref<640x64xf32, #tpu.memory_space<vmem_shared>>
      tpu.enqueue_dma source(%arg6 : memref<640x64xf32, #tpu.memory_space<hbm>>) target(%dma_start3A_95 : memref<640x64xf32, #tpu.memory_space<vmem_shared>>) target_semaphore(%run_scoped3A : memref<!tpu.dma_semaphore, #tpu.memory_space<semaphore_mem>>)
      %dma_wait3A = arith.constant 0 : i32
      %dma_wait3A_96 = tpu.memref_slice %arg10[%mul3A_2, %dma_wait3A] : memref<10240x64xf32, #tpu.memory_space<vmem_shared>> -> memref<640x64xf32, #tpu.memory_space<vmem_shared>>
      tpu.wait_dma2 semaphore(%run_scoped3A : memref<!tpu.dma_semaphore, #tpu.memory_space<semaphore_mem>>) src(%arg6 : memref<640x64xf32, #tpu.memory_space<hbm>>) dst(%dma_wait3A_96 : memref<640x64xf32, #tpu.memory_space<vmem_shared>>)
      tpu.yield
    }) : () -> ()
    %barrier3A = arith.constant 0 : index
    tpu.barrier barrier_id(%barrier3A)
    %dma_start3A = arith.constant 0 : i32
    %dma_start3A_3 = arith.constant 0 : i32
    %dma_start3A_4 = tpu.memref_slice %arg8[%dma_start3A, %dma_start3A_3] : memref<160x125xi32, #tpu.memory_space<vmem>> -> memref<1x125xi32, #tpu.memory_space<vmem>>
    %dma_start3A_5 = tpu.memref_squeeze %dma_start3A_4 : memref<1x125xi32, #tpu.memory_space<vmem>> -> memref<125xi32, #tpu.memory_space<vmem>>
    %dma_start3A_6 = arith.constant 0 : i32
    %dma_start3A_7 = arith.constant 0 : i32
    %dma_start3A_8 = tpu.memref_slice %arg2[%arg0, %dma_start3A_6, %dma_start3A_7] : memref<2x10000x64xf32, #tpu.memory_space<hbm>> -> memref<1x10000x64xf32, #tpu.memory_space<hbm>>
    %dma_start3A_9 = tpu.memref_squeeze %dma_start3A_8 : memref<1x10000x64xf32, #tpu.memory_space<hbm>> -> memref<10000x64xf32, #tpu.memory_space<hbm>>
    %dma_start3A_10 = arith.constant 0 : i32
    %dma_start3A_11 = arith.constant 0 : i32
    %dma_start3A_12 = tpu.memref_slice %dma_start3A_9[%dma_start3A_10, %dma_start3A_11] : memref<10000x64xf32, #tpu.memory_space<hbm>> -> memref<10000x64xf32, #tpu.memory_space<hbm>>
    tpu.enqueue_indirect_dma source(%dma_start3A_12 : memref<10000x64xf32, #tpu.memory_space<hbm>>) target(%arg11 : memref<125x64xf32, #tpu.memory_space<vmem>>) offsets(%dma_start3A_5 : memref<125xi32, #tpu.memory_space<vmem>>) semaphore(%arg19 : memref<!tpu.dma_semaphore, #tpu.memory_space<semaphore_mem>>)
    %add3A = arith.constant 0 : i32
    %add3A_13 = arith.addi %mul3A_0, %add3A : i32
    %dma_start3A_14 = arith.constant 0 : i32
    %dma_start3A_15 = arith.constant 0 : i32
    %dma_start3A_16 = tpu.memref_slice %arg5[%add3A_13, %dma_start3A_14, %dma_start3A_15] : memref<2560x125x16xf32, #tpu.memory_space<hbm>> -> memref<1x125x16xf32, #tpu.memory_space<hbm>>
    %dma_start3A_17 = tpu.memref_squeeze %dma_start3A_16 : memref<1x125x16xf32, #tpu.memory_space<hbm>> -> memref<125x16xf32, #tpu.memory_space<hbm>>
    %dma_start3A_18 = arith.constant 0 : i32
    %dma_start3A_19 = arith.constant 0 : i32
    %dma_start3A_20 = tpu.memref_slice %arg5[%add3A_13, %dma_start3A_18, %dma_start3A_19] : memref<2560x125x16xf32, #tpu.memory_space<hbm>> -> memref<1x125x16xf32, #tpu.memory_space<hbm>>
    %dma_start3A_21 = tpu.memref_squeeze %dma_start3A_20 : memref<1x125x16xf32, #tpu.memory_space<hbm>> -> memref<125x16xf32, #tpu.memory_space<hbm>>
    tpu.enqueue_dma source(%dma_start3A_21 : memref<125x16xf32, #tpu.memory_space<hbm>>) target(%arg15 : memref<125x16xf32, #tpu.memory_space<vmem>>) target_semaphore(%arg27 : memref<!tpu.dma_semaphore, #tpu.memory_space<semaphore_mem>>)
    %dma_start3A_22 = arith.constant 1 : i32
    %dma_start3A_23 = arith.constant 0 : i32
    %dma_start3A_24 = tpu.memref_slice %arg8[%dma_start3A_22, %dma_start3A_23] : memref<160x125xi32, #tpu.memory_space<vmem>> -> memref<1x125xi32, #tpu.memory_space<vmem>>
    %dma_start3A_25 = tpu.memref_squeeze %dma_start3A_24 : memref<1x125xi32, #tpu.memory_space<vmem>> -> memref<125xi32, #tpu.memory_space<vmem>>
    %dma_start3A_26 = arith.constant 0 : i32
    %dma_start3A_27 = arith.constant 0 : i32
    %dma_start3A_28 = tpu.memref_slice %arg2[%arg0, %dma_start3A_26, %dma_start3A_27] : memref<2x10000x64xf32, #tpu.memory_space<hbm>> -> memref<1x10000x64xf32, #tpu.memory_space<hbm>>
    %dma_start3A_29 = tpu.memref_squeeze %dma_start3A_28 : memref<1x10000x64xf32, #tpu.memory_space<hbm>> -> memref<10000x64xf32, #tpu.memory_space<hbm>>
    %dma_start3A_30 = arith.constant 0 : i32
    %dma_start3A_31 = arith.constant 0 : i32
    %dma_start3A_32 = tpu.memref_slice %dma_start3A_29[%dma_start3A_30, %dma_start3A_31] : memref<10000x64xf32, #tpu.memory_space<hbm>> -> memref<10000x64xf32, #tpu.memory_space<hbm>>
    tpu.enqueue_indirect_dma source(%dma_start3A_32 : memref<10000x64xf32, #tpu.memory_space<hbm>>) target(%arg12 : memref<125x64xf32, #tpu.memory_space<vmem>>) offsets(%dma_start3A_25 : memref<125xi32, #tpu.memory_space<vmem>>) semaphore(%arg20 : memref<!tpu.dma_semaphore, #tpu.memory_space<semaphore_mem>>)
    %add3A_33 = arith.constant 1 : i32
    %add3A_34 = arith.addi %mul3A_0, %add3A_33 : i32
    %dma_start3A_35 = arith.constant 0 : i32
    %dma_start3A_36 = arith.constant 0 : i32
    %dma_start3A_37 = tpu.memref_slice %arg5[%add3A_34, %dma_start3A_35, %dma_start3A_36] : memref<2560x125x16xf32, #tpu.memory_space<hbm>> -> memref<1x125x16xf32, #tpu.memory_space<hbm>>
    %dma_start3A_38 = tpu.memref_squeeze %dma_start3A_37 : memref<1x125x16xf32, #tpu.memory_space<hbm>> -> memref<125x16xf32, #tpu.memory_space<hbm>>
    %dma_start3A_39 = arith.constant 0 : i32
    %dma_start3A_40 = arith.constant 0 : i32
    %dma_start3A_41 = tpu.memref_slice %arg5[%add3A_34, %dma_start3A_39, %dma_start3A_40] : memref<2560x125x16xf32, #tpu.memory_space<hbm>> -> memref<1x125x16xf32, #tpu.memory_space<hbm>>
    %dma_start3A_42 = tpu.memref_squeeze %dma_start3A_41 : memref<1x125x16xf32, #tpu.memory_space<hbm>> -> memref<125x16xf32, #tpu.memory_space<hbm>>
    tpu.enqueue_dma source(%dma_start3A_42 : memref<125x16xf32, #tpu.memory_space<hbm>>) target(%arg16 : memref<125x16xf32, #tpu.memory_space<vmem>>) target_semaphore(%arg28 : memref<!tpu.dma_semaphore, #tpu.memory_space<semaphore_mem>>)
    %dma_start3A_43 = arith.constant 2 : i32
    %dma_start3A_44 = arith.constant 0 : i32
    %dma_start3A_45 = tpu.memref_slice %arg8[%dma_start3A_43, %dma_start3A_44] : memref<160x125xi32, #tpu.memory_space<vmem>> -> memref<1x125xi32, #tpu.memory_space<vmem>>
    %dma_start3A_46 = tpu.memref_squeeze %dma_start3A_45 : memref<1x125xi32, #tpu.memory_space<vmem>> -> memref<125xi32, #tpu.memory_space<vmem>>
    %dma_start3A_47 = arith.constant 0 : i32
    %dma_start3A_48 = arith.constant 0 : i32
    %dma_start3A_49 = tpu.memref_slice %arg2[%arg0, %dma_start3A_47, %dma_start3A_48] : memref<2x10000x64xf32, #tpu.memory_space<hbm>> -> memref<1x10000x64xf32, #tpu.memory_space<hbm>>
    %dma_start3A_50 = tpu.memref_squeeze %dma_start3A_49 : memref<1x10000x64xf32, #tpu.memory_space<hbm>> -> memref<10000x64xf32, #tpu.memory_space<hbm>>
    %dma_start3A_51 = arith.constant 0 : i32
    %dma_start3A_52 = arith.constant 0 : i32
    %dma_start3A_53 = tpu.memref_slice %dma_start3A_50[%dma_start3A_51, %dma_start3A_52] : memref<10000x64xf32, #tpu.memory_space<hbm>> -> memref<10000x64xf32, #tpu.memory_space<hbm>>
    tpu.enqueue_indirect_dma source(%dma_start3A_53 : memref<10000x64xf32, #tpu.memory_space<hbm>>) target(%arg13 : memref<125x64xf32, #tpu.memory_space<vmem>>) offsets(%dma_start3A_46 : memref<125xi32, #tpu.memory_space<vmem>>) semaphore(%arg21 : memref<!tpu.dma_semaphore, #tpu.memory_space<semaphore_mem>>)
    %add3A_54 = arith.constant 2 : i32
    %add3A_55 = arith.addi %mul3A_0, %add3A_54 : i32
    %dma_start3A_56 = arith.constant 0 : i32
    %dma_start3A_57 = arith.constant 0 : i32
    %dma_start3A_58 = tpu.memref_slice %arg5[%add3A_55, %dma_start3A_56, %dma_start3A_57] : memref<2560x125x16xf32, #tpu.memory_space<hbm>> -> memref<1x125x16xf32, #tpu.memory_space<hbm>>
    %dma_start3A_59 = tpu.memref_squeeze %dma_start3A_58 : memref<1x125x16xf32, #tpu.memory_space<hbm>> -> memref<125x16xf32, #tpu.memory_space<hbm>>
    %dma_start3A_60 = arith.constant 0 : i32
    %dma_start3A_61 = arith.constant 0 : i32
    %dma_start3A_62 = tpu.memref_slice %arg5[%add3A_55, %dma_start3A_60, %dma_start3A_61] : memref<2560x125x16xf32, #tpu.memory_space<hbm>> -> memref<1x125x16xf32, #tpu.memory_space<hbm>>
    %dma_start3A_63 = tpu.memref_squeeze %dma_start3A_62 : memref<1x125x16xf32, #tpu.memory_space<hbm>> -> memref<125x16xf32, #tpu.memory_space<hbm>>
    tpu.enqueue_dma source(%dma_start3A_63 : memref<125x16xf32, #tpu.memory_space<hbm>>) target(%arg17 : memref<125x16xf32, #tpu.memory_space<vmem>>) target_semaphore(%arg29 : memref<!tpu.dma_semaphore, #tpu.memory_space<semaphore_mem>>)
    %dma_start3A_64 = arith.constant 3 : i32
    %dma_start3A_65 = arith.constant 0 : i32
    %dma_start3A_66 = tpu.memref_slice %arg8[%dma_start3A_64, %dma_start3A_65] : memref<160x125xi32, #tpu.memory_space<vmem>> -> memref<1x125xi32, #tpu.memory_space<vmem>>
    %dma_start3A_67 = tpu.memref_squeeze %dma_start3A_66 : memref<1x125xi32, #tpu.memory_space<vmem>> -> memref<125xi32, #tpu.memory_space<vmem>>
    %dma_start3A_68 = arith.constant 0 : i32
    %dma_start3A_69 = arith.constant 0 : i32
    %dma_start3A_70 = tpu.memref_slice %arg2[%arg0, %dma_start3A_68, %dma_start3A_69] : memref<2x10000x64xf32, #tpu.memory_space<hbm>> -> memref<1x10000x64xf32, #tpu.memory_space<hbm>>
    %dma_start3A_71 = tpu.memref_squeeze %dma_start3A_70 : memref<1x10000x64xf32, #tpu.memory_space<hbm>> -> memref<10000x64xf32, #tpu.memory_space<hbm>>
    %dma_start3A_72 = arith.constant 0 : i32
    %dma_start3A_73 = arith.constant 0 : i32
    %dma_start3A_74 = tpu.memref_slice %dma_start3A_71[%dma_start3A_72, %dma_start3A_73] : memref<10000x64xf32, #tpu.memory_space<hbm>> -> memref<10000x64xf32, #tpu.memory_space<hbm>>
    tpu.enqueue_indirect_dma source(%dma_start3A_74 : memref<10000x64xf32, #tpu.memory_space<hbm>>) target(%arg14 : memref<125x64xf32, #tpu.memory_space<vmem>>) offsets(%dma_start3A_67 : memref<125xi32, #tpu.memory_space<vmem>>) semaphore(%arg22 : memref<!tpu.dma_semaphore, #tpu.memory_space<semaphore_mem>>)
    %add3A_75 = arith.constant 3 : i32
    %add3A_76 = arith.addi %mul3A_0, %add3A_75 : i32
    %dma_start3A_77 = arith.constant 0 : i32
    %dma_start3A_78 = arith.constant 0 : i32
    %dma_start3A_79 = tpu.memref_slice %arg5[%add3A_76, %dma_start3A_77, %dma_start3A_78] : memref<2560x125x16xf32, #tpu.memory_space<hbm>> -> memref<1x125x16xf32, #tpu.memory_space<hbm>>
    %dma_start3A_80 = tpu.memref_squeeze %dma_start3A_79 : memref<1x125x16xf32, #tpu.memory_space<hbm>> -> memref<125x16xf32, #tpu.memory_space<hbm>>
    %dma_start3A_81 = arith.constant 0 : i32
    %dma_start3A_82 = arith.constant 0 : i32
    %dma_start3A_83 = tpu.memref_slice %arg5[%add3A_76, %dma_start3A_81, %dma_start3A_82] : memref<2560x125x16xf32, #tpu.memory_space<hbm>> -> memref<1x125x16xf32, #tpu.memory_space<hbm>>
    %dma_start3A_84 = tpu.memref_squeeze %dma_start3A_83 : memref<1x125x16xf32, #tpu.memory_space<hbm>> -> memref<125x16xf32, #tpu.memory_space<hbm>>
    tpu.enqueue_dma source(%dma_start3A_84 : memref<125x16xf32, #tpu.memory_space<hbm>>) target(%arg18 : memref<125x16xf32, #tpu.memory_space<vmem>>) target_semaphore(%arg30 : memref<!tpu.dma_semaphore, #tpu.memory_space<semaphore_mem>>)
    %scan3A = arith.constant 0 : i32
    %scan3A_85 = arith.constant 40 : i32
    %scan3A_86 = arith.addi %scan3A, %scan3A_85 : i32
    %scan3A_87 = arith.constant 1 : i32
    scf.for %scan3A_94 = %scan3A to %scan3A_86 step %scan3A_87  : i32 {
      %mul3A_95 = arith.constant 1 : i32
      %mul3A_96 = arith.muli %scan3A_94, %mul3A_95 : i32
      %add3A_97 = arith.constant 0 : i32
      %add3A_98 = arith.addi %add3A_97, %mul3A_96 : i32
      %mul3A_99 = arith.constant 4 : i32
      %mul3A_100 = arith.muli %add3A_98, %mul3A_99 : i32
      %add3A_101 = arith.constant 0 : i32
      %add3A_102 = arith.addi %mul3A_100, %add3A_101 : i32
      %dma_wait3A = arith.constant 0 : i32
      %dma_wait3A_103 = tpu.memref_slice %arg8[%add3A_102, %dma_wait3A] : memref<160x125xi32, #tpu.memory_space<vmem>> -> memref<1x125xi32, #tpu.memory_space<vmem>>
      %dma_wait3A_104 = tpu.memref_squeeze %dma_wait3A_103 : memref<1x125xi32, #tpu.memory_space<vmem>> -> memref<125xi32, #tpu.memory_space<vmem>>
      %dma_wait3A_105 = arith.constant 0 : i32
      %dma_wait3A_106 = arith.constant 0 : i32
      %dma_wait3A_107 = tpu.memref_slice %arg2[%arg0, %dma_wait3A_105, %dma_wait3A_106] : memref<2x10000x64xf32, #tpu.memory_space<hbm>> -> memref<1x10000x64xf32, #tpu.memory_space<hbm>>
      %dma_wait3A_108 = tpu.memref_squeeze %dma_wait3A_107 : memref<1x10000x64xf32, #tpu.memory_space<hbm>> -> memref<10000x64xf32, #tpu.memory_space<hbm>>
      %dma_wait3A_109 = arith.constant 0 : i32
      %dma_wait3A_110 = arith.constant 0 : i32
      %dma_wait3A_111 = tpu.memref_slice %dma_wait3A_108[%dma_wait3A_109, %dma_wait3A_110] : memref<10000x64xf32, #tpu.memory_space<hbm>> -> memref<10000x64xf32, #tpu.memory_space<hbm>>
      tpu.wait_indirect_dma semaphore(%arg19 : memref<!tpu.dma_semaphore, #tpu.memory_space<semaphore_mem>>) src(%dma_wait3A_111 : memref<10000x64xf32, #tpu.memory_space<hbm>>) dst(%arg11 : memref<125x64xf32, #tpu.memory_space<vmem>>)
      %add3A_112 = arith.addi %mul3A_0, %mul3A_100 : i32
      %add3A_113 = arith.constant 0 : i32
      %add3A_114 = arith.addi %add3A_112, %add3A_113 : i32
      %dma_wait3A_115 = arith.constant 0 : i32
      %dma_wait3A_116 = arith.constant 0 : i32
      %dma_wait3A_117 = tpu.memref_slice %arg5[%add3A_114, %dma_wait3A_115, %dma_wait3A_116] : memref<2560x125x16xf32, #tpu.memory_space<hbm>> -> memref<1x125x16xf32, #tpu.memory_space<hbm>>
      %dma_wait3A_118 = tpu.memref_squeeze %dma_wait3A_117 : memref<1x125x16xf32, #tpu.memory_space<hbm>> -> memref<125x16xf32, #tpu.memory_space<hbm>>
      %dma_wait3A_119 = arith.constant 0 : i32
      %dma_wait3A_120 = arith.constant 0 : i32
      %dma_wait3A_121 = tpu.memref_slice %arg5[%add3A_114, %dma_wait3A_119, %dma_wait3A_120] : memref<2560x125x16xf32, #tpu.memory_space<hbm>> -> memref<1x125x16xf32, #tpu.memory_space<hbm>>
      %dma_wait3A_122 = tpu.memref_squeeze %dma_wait3A_121 : memref<1x125x16xf32, #tpu.memory_space<hbm>> -> memref<125x16xf32, #tpu.memory_space<hbm>>
      tpu.wait_dma2 semaphore(%arg27 : memref<!tpu.dma_semaphore, #tpu.memory_space<semaphore_mem>>) src(%dma_wait3A_122 : memref<125x16xf32, #tpu.memory_space<hbm>>) dst(%arg15 : memref<125x16xf32, #tpu.memory_space<vmem>>)
      %scan3A_123 = arith.constant 0 : i32
      %scan3A_124 = arith.constant 125 : i32
      %scan3A_125 = arith.addi %scan3A_123, %scan3A_124 : i32
      %scan3A_126 = arith.constant 1 : i32
      scf.for %scan3A_301 = %scan3A_123 to %scan3A_125 step %scan3A_126  : i32 {
        %mul3A_302 = arith.constant 1 : i32
        %mul3A_303 = arith.muli %scan3A_301, %mul3A_302 : i32
        %add3A_304 = arith.constant 0 : i32
        %add3A_305 = arith.addi %add3A_304, %mul3A_303 : i32
        %get3A = arith.index_cast %add3A_305 : i32 to index
        %get3A_306 = arith.constant 0 : index
        %get3A_307 = tpu.vector_load %arg15[%get3A, %get3A_306] {strides = array<i32>} : memref<125x16xf32, #tpu.memory_space<vmem>>, vector<1x16xf32>,
        %get3A_308 = vector.shape_cast %get3A_307 : vector<1x16xf32> to vector<16xf32>
        %get3A_309 = arith.index_cast %add3A_305 : i32 to index
        %get3A_310 = arith.constant 0 : index
        %get3A_311 = tpu.vector_load %arg11[%get3A_309, %get3A_310] {strides = array<i32>} : memref<125x64xf32, #tpu.memory_space<vmem>>, vector<1x16xf32>,
        %get3A_312 = vector.shape_cast %get3A_311 : vector<1x16xf32> to vector<16xf32>
        %mul3A_313 = arith.mulf %get3A_312, %get3A_308 : vector<16xf32>
        %swap3A = arith.index_cast %add3A_305 : i32 to index
        %swap3A_314 = arith.constant 0 : index
        %swap3A_315 = tpu.vector_load %arg11[%swap3A, %swap3A_314] {strides = array<i32>} : memref<125x64xf32, #tpu.memory_space<vmem>>, vector<1x16xf32>,
        %swap3A_316 = vector.shape_cast %swap3A_315 : vector<1x16xf32> to vector<16xf32>
        %swap3A_317 = vector.shape_cast %mul3A_313 : vector<16xf32> to vector<1x16xf32>
        tpu.vector_store %arg11[%swap3A, %swap3A_314], %swap3A_317 {strides = array<i32>} : memref<125x64xf32, #tpu.memory_space<vmem>>, vector<1x16xf32>,
        %get3A_318 = arith.index_cast %add3A_305 : i32 to index
        %get3A_319 = arith.constant 16 : index
        %get3A_320 = tpu.vector_load %arg11[%get3A_318, %get3A_319] {strides = array<i32>} : memref<125x64xf32, #tpu.memory_space<vmem>>, vector<1x16xf32>,
        %get3A_321 = vector.shape_cast %get3A_320 : vector<1x16xf32> to vector<16xf32>
        %mul3A_322 = arith.mulf %get3A_321, %get3A_308 : vector<16xf32>
        %swap3A_323 = arith.index_cast %add3A_305 : i32 to index
        %swap3A_324 = arith.constant 16 : index
        %swap3A_325 = tpu.vector_load %arg11[%swap3A_323, %swap3A_324] {strides = array<i32>} : memref<125x64xf32, #tpu.memory_space<vmem>>, vector<1x16xf32>,
        %swap3A_326 = vector.shape_cast %swap3A_325 : vector<1x16xf32> to vector<16xf32>
        %swap3A_327 = vector.shape_cast %mul3A_322 : vector<16xf32> to vector<1x16xf32>
        tpu.vector_store %arg11[%swap3A_323, %swap3A_324], %swap3A_327 {strides = array<i32>} : memref<125x64xf32, #tpu.memory_space<vmem>>, vector<1x16xf32>,
        %get3A_328 = arith.index_cast %add3A_305 : i32 to index
        %get3A_329 = arith.constant 32 : index
        %get3A_330 = tpu.vector_load %arg11[%get3A_328, %get3A_329] {strides = array<i32>} : memref<125x64xf32, #tpu.memory_space<vmem>>, vector<1x16xf32>,
        %get3A_331 = vector.shape_cast %get3A_330 : vector<1x16xf32> to vector<16xf32>
        %mul3A_332 = arith.mulf %get3A_331, %get3A_308 : vector<16xf32>
        %swap3A_333 = arith.index_cast %add3A_305 : i32 to index
        %swap3A_334 = arith.constant 32 : index
        %swap3A_335 = tpu.vector_load %arg11[%swap3A_333, %swap3A_334] {strides = array<i32>} : memref<125x64xf32, #tpu.memory_space<vmem>>, vector<1x16xf32>,
        %swap3A_336 = vector.shape_cast %swap3A_335 : vector<1x16xf32> to vector<16xf32>
        %swap3A_337 = vector.shape_cast %mul3A_332 : vector<16xf32> to vector<1x16xf32>
        tpu.vector_store %arg11[%swap3A_333, %swap3A_334], %swap3A_337 {strides = array<i32>} : memref<125x64xf32, #tpu.memory_space<vmem>>, vector<1x16xf32>,
        %get3A_338 = arith.index_cast %add3A_305 : i32 to index
        %get3A_339 = arith.constant 48 : index
        %get3A_340 = tpu.vector_load %arg11[%get3A_338, %get3A_339] {strides = array<i32>} : memref<125x64xf32, #tpu.memory_space<vmem>>, vector<1x16xf32>,
        %get3A_341 = vector.shape_cast %get3A_340 : vector<1x16xf32> to vector<16xf32>
        %mul3A_342 = arith.mulf %get3A_341, %get3A_308 : vector<16xf32>
        %swap3A_343 = arith.index_cast %add3A_305 : i32 to index
        %swap3A_344 = arith.constant 48 : index
        %swap3A_345 = tpu.vector_load %arg11[%swap3A_343, %swap3A_344] {strides = array<i32>} : memref<125x64xf32, #tpu.memory_space<vmem>>, vector<1x16xf32>,
        %swap3A_346 = vector.shape_cast %swap3A_345 : vector<1x16xf32> to vector<16xf32>
        %swap3A_347 = vector.shape_cast %mul3A_342 : vector<16xf32> to vector<1x16xf32>
        tpu.vector_store %arg11[%swap3A_343, %swap3A_344], %swap3A_347 {strides = array<i32>} : memref<125x64xf32, #tpu.memory_space<vmem>>, vector<1x16xf32>,
      }
      %scan3A_127 = arith.constant 125 : i32
      %add3A_128 = arith.constant 0 : i32
      %add3A_129 = arith.addi %mul3A_100, %add3A_128 : i32
      %dma_start3A_130 = arith.constant 0 : i32
      %dma_start3A_131 = tpu.memref_slice %arg9[%add3A_129, %dma_start3A_130] : memref<160x125xi32, #tpu.memory_space<vmem>> -> memref<1x125xi32, #tpu.memory_space<vmem>>
      %dma_start3A_132 = tpu.memref_squeeze %dma_start3A_131 : memref<1x125xi32, #tpu.memory_space<vmem>> -> memref<125xi32, #tpu.memory_space<vmem>>
      %dma_start3A_133 = arith.constant 0 : i32
      %dma_start3A_134 = arith.constant 0 : i32
      %dma_start3A_135 = tpu.memref_slice %arg10[%dma_start3A_133, %dma_start3A_134] : memref<10240x64xf32, #tpu.memory_space<vmem_shared>> -> memref<10240x64xf32, #tpu.memory_space<vmem_shared>>
      tpu.enqueue_indirect_dma source(%arg11 : memref<125x64xf32, #tpu.memory_space<vmem>>) target(%dma_start3A_135 : memref<10240x64xf32, #tpu.memory_space<vmem_shared>>) offsets(%dma_start3A_132 : memref<125xi32, #tpu.memory_space<vmem>>) semaphore(%arg23 : memref<!tpu.dma_semaphore, #tpu.memory_space<semaphore_mem>>) {add = true}
      %add3A_136 = arith.constant 1 : i32
      %add3A_137 = arith.addi %mul3A_100, %add3A_136 : i32
      %dma_wait3A_138 = arith.constant 0 : i32
      %dma_wait3A_139 = tpu.memref_slice %arg8[%add3A_137, %dma_wait3A_138] : memref<160x125xi32, #tpu.memory_space<vmem>> -> memref<1x125xi32, #tpu.memory_space<vmem>>
      %dma_wait3A_140 = tpu.memref_squeeze %dma_wait3A_139 : memref<1x125xi32, #tpu.memory_space<vmem>> -> memref<125xi32, #tpu.memory_space<vmem>>
      %dma_wait3A_141 = arith.constant 0 : i32
      %dma_wait3A_142 = arith.constant 0 : i32
      %dma_wait3A_143 = tpu.memref_slice %arg2[%arg0, %dma_wait3A_141, %dma_wait3A_142] : memref<2x10000x64xf32, #tpu.memory_space<hbm>> -> memref<1x10000x64xf32, #tpu.memory_space<hbm>>
      %dma_wait3A_144 = tpu.memref_squeeze %dma_wait3A_143 : memref<1x10000x64xf32, #tpu.memory_space<hbm>> -> memref<10000x64xf32, #tpu.memory_space<hbm>>
      %dma_wait3A_145 = arith.constant 0 : i32
      %dma_wait3A_146 = arith.constant 0 : i32
      %dma_wait3A_147 = tpu.memref_slice %dma_wait3A_144[%dma_wait3A_145, %dma_wait3A_146] : memref<10000x64xf32, #tpu.memory_space<hbm>> -> memref<10000x64xf32, #tpu.memory_space<hbm>>
      tpu.wait_indirect_dma semaphore(%arg20 : memref<!tpu.dma_semaphore, #tpu.memory_space<semaphore_mem>>) src(%dma_wait3A_147 : memref<10000x64xf32, #tpu.memory_space<hbm>>) dst(%arg12 : memref<125x64xf32, #tpu.memory_space<vmem>>)
      %add3A_148 = arith.addi %mul3A_0, %mul3A_100 : i32
      %add3A_149 = arith.constant 1 : i32
      %add3A_150 = arith.addi %add3A_148, %add3A_149 : i32
      %dma_wait3A_151 = arith.constant 0 : i32
      %dma_wait3A_152 = arith.constant 0 : i32
      %dma_wait3A_153 = tpu.memref_slice %arg5[%add3A_150, %dma_wait3A_151, %dma_wait3A_152] : memref<2560x125x16xf32, #tpu.memory_space<hbm>> -> memref<1x125x16xf32, #tpu.memory_space<hbm>>
      %dma_wait3A_154 = tpu.memref_squeeze %dma_wait3A_153 : memref<1x125x16xf32, #tpu.memory_space<hbm>> -> memref<125x16xf32, #tpu.memory_space<hbm>>
      %dma_wait3A_155 = arith.constant 0 : i32
      %dma_wait3A_156 = arith.constant 0 : i32
      %dma_wait3A_157 = tpu.memref_slice %arg5[%add3A_150, %dma_wait3A_155, %dma_wait3A_156] : memref<2560x125x16xf32, #tpu.memory_space<hbm>> -> memref<1x125x16xf32, #tpu.memory_space<hbm>>
      %dma_wait3A_158 = tpu.memref_squeeze %dma_wait3A_157 : memref<1x125x16xf32, #tpu.memory_space<hbm>> -> memref<125x16xf32, #tpu.memory_space<hbm>>
      tpu.wait_dma2 semaphore(%arg28 : memref<!tpu.dma_semaphore, #tpu.memory_space<semaphore_mem>>) src(%dma_wait3A_158 : memref<125x16xf32, #tpu.memory_space<hbm>>) dst(%arg16 : memref<125x16xf32, #tpu.memory_space<vmem>>)
      %scan3A_159 = arith.constant 0 : i32
      %scan3A_160 = arith.constant 125 : i32
      %scan3A_161 = arith.addi %scan3A_159, %scan3A_160 : i32
      %scan3A_162 = arith.constant 1 : i32
      scf.for %scan3A_301 = %scan3A_159 to %scan3A_161 step %scan3A_162  : i32 {
        %mul3A_302 = arith.constant 1 : i32
        %mul3A_303 = arith.muli %scan3A_301, %mul3A_302 : i32
        %add3A_304 = arith.constant 0 : i32
        %add3A_305 = arith.addi %add3A_304, %mul3A_303 : i32
        %get3A = arith.index_cast %add3A_305 : i32 to index
        %get3A_306 = arith.constant 0 : index
        %get3A_307 = tpu.vector_load %arg16[%get3A, %get3A_306] {strides = array<i32>} : memref<125x16xf32, #tpu.memory_space<vmem>>, vector<1x16xf32>,
        %get3A_308 = vector.shape_cast %get3A_307 : vector<1x16xf32> to vector<16xf32>
        %get3A_309 = arith.index_cast %add3A_305 : i32 to index
        %get3A_310 = arith.constant 0 : index
        %get3A_311 = tpu.vector_load %arg12[%get3A_309, %get3A_310] {strides = array<i32>} : memref<125x64xf32, #tpu.memory_space<vmem>>, vector<1x16xf32>,
        %get3A_312 = vector.shape_cast %get3A_311 : vector<1x16xf32> to vector<16xf32>
        %mul3A_313 = arith.mulf %get3A_312, %get3A_308 : vector<16xf32>
        %swap3A = arith.index_cast %add3A_305 : i32 to index
        %swap3A_314 = arith.constant 0 : index
        %swap3A_315 = tpu.vector_load %arg12[%swap3A, %swap3A_314] {strides = array<i32>} : memref<125x64xf32, #tpu.memory_space<vmem>>, vector<1x16xf32>,
        %swap3A_316 = vector.shape_cast %swap3A_315 : vector<1x16xf32> to vector<16xf32>
        %swap3A_317 = vector.shape_cast %mul3A_313 : vector<16xf32> to vector<1x16xf32>
        tpu.vector_store %arg12[%swap3A, %swap3A_314], %swap3A_317 {strides = array<i32>} : memref<125x64xf32, #tpu.memory_space<vmem>>, vector<1x16xf32>,
        %get3A_318 = arith.index_cast %add3A_305 : i32 to index
        %get3A_319 = arith.constant 16 : index
        %get3A_320 = tpu.vector_load %arg12[%get3A_318, %get3A_319] {strides = array<i32>} : memref<125x64xf32, #tpu.memory_space<vmem>>, vector<1x16xf32>,
        %get3A_321 = vector.shape_cast %get3A_320 : vector<1x16xf32> to vector<16xf32>
        %mul3A_322 = arith.mulf %get3A_321, %get3A_308 : vector<16xf32>
        %swap3A_323 = arith.index_cast %add3A_305 : i32 to index
        %swap3A_324 = arith.constant 16 : index
        %swap3A_325 = tpu.vector_load %arg12[%swap3A_323, %swap3A_324] {strides = array<i32>} : memref<125x64xf32, #tpu.memory_space<vmem>>, vector<1x16xf32>,
        %swap3A_326 = vector.shape_cast %swap3A_325 : vector<1x16xf32> to vector<16xf32>
        %swap3A_327 = vector.shape_cast %mul3A_322 : vector<16xf32> to vector<1x16xf32>
        tpu.vector_store %arg12[%swap3A_323, %swap3A_324], %swap3A_327 {strides = array<i32>} : memref<125x64xf32, #tpu.memory_space<vmem>>, vector<1x16xf32>,
        %get3A_328 = arith.index_cast %add3A_305 : i32 to index
        %get3A_329 = arith.constant 32 : index
        %get3A_330 = tpu.vector_load %arg12[%get3A_328, %get3A_329] {strides = array<i32>} : memref<125x64xf32, #tpu.memory_space<vmem>>, vector<1x16xf32>,
        %get3A_331 = vector.shape_cast %get3A_330 : vector<1x16xf32> to vector<16xf32>
        %mul3A_332 = arith.mulf %get3A_331, %get3A_308 : vector<16xf32>
        %swap3A_333 = arith.index_cast %add3A_305 : i32 to index
        %swap3A_334 = arith.constant 32 : index
        %swap3A_335 = tpu.vector_load %arg12[%swap3A_333, %swap3A_334] {strides = array<i32>} : memref<125x64xf32, #tpu.memory_space<vmem>>, vector<1x16xf32>,
        %swap3A_336 = vector.shape_cast %swap3A_335 : vector<1x16xf32> to vector<16xf32>
        %swap3A_337 = vector.shape_cast %mul3A_332 : vector<16xf32> to vector<1x16xf32>
        tpu.vector_store %arg12[%swap3A_333, %swap3A_334], %swap3A_337 {strides = array<i32>} : memref<125x64xf32, #tpu.memory_space<vmem>>, vector<1x16xf32>,
        %get3A_338 = arith.index_cast %add3A_305 : i32 to index
        %get3A_339 = arith.constant 48 : index
        %get3A_340 = tpu.vector_load %arg12[%get3A_338, %get3A_339] {strides = array<i32>} : memref<125x64xf32, #tpu.memory_space<vmem>>, vector<1x16xf32>,
        %get3A_341 = vector.shape_cast %get3A_340 : vector<1x16xf32> to vector<16xf32>
        %mul3A_342 = arith.mulf %get3A_341, %get3A_308 : vector<16xf32>
        %swap3A_343 = arith.index_cast %add3A_305 : i32 to index
        %swap3A_344 = arith.constant 48 : index
        %swap3A_345 = tpu.vector_load %arg12[%swap3A_343, %swap3A_344] {strides = array<i32>} : memref<125x64xf32, #tpu.memory_space<vmem>>, vector<1x16xf32>,
        %swap3A_346 = vector.shape_cast %swap3A_345 : vector<1x16xf32> to vector<16xf32>
        %swap3A_347 = vector.shape_cast %mul3A_342 : vector<16xf32> to vector<1x16xf32>
        tpu.vector_store %arg12[%swap3A_343, %swap3A_344], %swap3A_347 {strides = array<i32>} : memref<125x64xf32, #tpu.memory_space<vmem>>, vector<1x16xf32>,
      }
      %scan3A_163 = arith.constant 125 : i32
      %add3A_164 = arith.constant 1 : i32
      %add3A_165 = arith.addi %mul3A_100, %add3A_164 : i32
      %dma_start3A_166 = arith.constant 0 : i32
      %dma_start3A_167 = tpu.memref_slice %arg9[%add3A_165, %dma_start3A_166] : memref<160x125xi32, #tpu.memory_space<vmem>> -> memref<1x125xi32, #tpu.memory_space<vmem>>
      %dma_start3A_168 = tpu.memref_squeeze %dma_start3A_167 : memref<1x125xi32, #tpu.memory_space<vmem>> -> memref<125xi32, #tpu.memory_space<vmem>>
      %dma_start3A_169 = arith.constant 0 : i32
      %dma_start3A_170 = arith.constant 0 : i32
      %dma_start3A_171 = tpu.memref_slice %arg10[%dma_start3A_169, %dma_start3A_170] : memref<10240x64xf32, #tpu.memory_space<vmem_shared>> -> memref<10240x64xf32, #tpu.memory_space<vmem_shared>>
      tpu.enqueue_indirect_dma source(%arg12 : memref<125x64xf32, #tpu.memory_space<vmem>>) target(%dma_start3A_171 : memref<10240x64xf32, #tpu.memory_space<vmem_shared>>) offsets(%dma_start3A_168 : memref<125xi32, #tpu.memory_space<vmem>>) semaphore(%arg24 : memref<!tpu.dma_semaphore, #tpu.memory_space<semaphore_mem>>) {add = true}
      %add3A_172 = arith.constant 2 : i32
      %add3A_173 = arith.addi %mul3A_100, %add3A_172 : i32
      %dma_wait3A_174 = arith.constant 0 : i32
      %dma_wait3A_175 = tpu.memref_slice %arg8[%add3A_173, %dma_wait3A_174] : memref<160x125xi32, #tpu.memory_space<vmem>> -> memref<1x125xi32, #tpu.memory_space<vmem>>
      %dma_wait3A_176 = tpu.memref_squeeze %dma_wait3A_175 : memref<1x125xi32, #tpu.memory_space<vmem>> -> memref<125xi32, #tpu.memory_space<vmem>>
      %dma_wait3A_177 = arith.constant 0 : i32
      %dma_wait3A_178 = arith.constant 0 : i32
      %dma_wait3A_179 = tpu.memref_slice %arg2[%arg0, %dma_wait3A_177, %dma_wait3A_178] : memref<2x10000x64xf32, #tpu.memory_space<hbm>> -> memref<1x10000x64xf32, #tpu.memory_space<hbm>>
      %dma_wait3A_180 = tpu.memref_squeeze %dma_wait3A_179 : memref<1x10000x64xf32, #tpu.memory_space<hbm>> -> memref<10000x64xf32, #tpu.memory_space<hbm>>
      %dma_wait3A_181 = arith.constant 0 : i32
      %dma_wait3A_182 = arith.constant 0 : i32
      %dma_wait3A_183 = tpu.memref_slice %dma_wait3A_180[%dma_wait3A_181, %dma_wait3A_182] : memref<10000x64xf32, #tpu.memory_space<hbm>> -> memref<10000x64xf32, #tpu.memory_space<hbm>>
      tpu.wait_indirect_dma semaphore(%arg21 : memref<!tpu.dma_semaphore, #tpu.memory_space<semaphore_mem>>) src(%dma_wait3A_183 : memref<10000x64xf32, #tpu.memory_space<hbm>>) dst(%arg13 : memref<125x64xf32, #tpu.memory_space<vmem>>)
      %add3A_184 = arith.addi %mul3A_0, %mul3A_100 : i32
      %add3A_185 = arith.constant 2 : i32
      %add3A_186 = arith.addi %add3A_184, %add3A_185 : i32
      %dma_wait3A_187 = arith.constant 0 : i32
      %dma_wait3A_188 = arith.constant 0 : i32
      %dma_wait3A_189 = tpu.memref_slice %arg5[%add3A_186, %dma_wait3A_187, %dma_wait3A_188] : memref<2560x125x16xf32, #tpu.memory_space<hbm>> -> memref<1x125x16xf32, #tpu.memory_space<hbm>>
      %dma_wait3A_190 = tpu.memref_squeeze %dma_wait3A_189 : memref<1x125x16xf32, #tpu.memory_space<hbm>> -> memref<125x16xf32, #tpu.memory_space<hbm>>
      %dma_wait3A_191 = arith.constant 0 : i32
      %dma_wait3A_192 = arith.constant 0 : i32
      %dma_wait3A_193 = tpu.memref_slice %arg5[%add3A_186, %dma_wait3A_191, %dma_wait3A_192] : memref<2560x125x16xf32, #tpu.memory_space<hbm>> -> memref<1x125x16xf32, #tpu.memory_space<hbm>>
      %dma_wait3A_194 = tpu.memref_squeeze %dma_wait3A_193 : memref<1x125x16xf32, #tpu.memory_space<hbm>> -> memref<125x16xf32, #tpu.memory_space<hbm>>
      tpu.wait_dma2 semaphore(%arg29 : memref<!tpu.dma_semaphore, #tpu.memory_space<semaphore_mem>>) src(%dma_wait3A_194 : memref<125x16xf32, #tpu.memory_space<hbm>>) dst(%arg17 : memref<125x16xf32, #tpu.memory_space<vmem>>)
      %scan3A_195 = arith.constant 0 : i32
      %scan3A_196 = arith.constant 125 : i32
      %scan3A_197 = arith.addi %scan3A_195, %scan3A_196 : i32
      %scan3A_198 = arith.constant 1 : i32
      scf.for %scan3A_301 = %scan3A_195 to %scan3A_197 step %scan3A_198  : i32 {
        %mul3A_302 = arith.constant 1 : i32
        %mul3A_303 = arith.muli %scan3A_301, %mul3A_302 : i32
        %add3A_304 = arith.constant 0 : i32
        %add3A_305 = arith.addi %add3A_304, %mul3A_303 : i32
        %get3A = arith.index_cast %add3A_305 : i32 to index
        %get3A_306 = arith.constant 0 : index
        %get3A_307 = tpu.vector_load %arg17[%get3A, %get3A_306] {strides = array<i32>} : memref<125x16xf32, #tpu.memory_space<vmem>>, vector<1x16xf32>,
        %get3A_308 = vector.shape_cast %get3A_307 : vector<1x16xf32> to vector<16xf32>
        %get3A_309 = arith.index_cast %add3A_305 : i32 to index
        %get3A_310 = arith.constant 0 : index
        %get3A_311 = tpu.vector_load %arg13[%get3A_309, %get3A_310] {strides = array<i32>} : memref<125x64xf32, #tpu.memory_space<vmem>>, vector<1x16xf32>,
        %get3A_312 = vector.shape_cast %get3A_311 : vector<1x16xf32> to vector<16xf32>
        %mul3A_313 = arith.mulf %get3A_312, %get3A_308 : vector<16xf32>
        %swap3A = arith.index_cast %add3A_305 : i32 to index
        %swap3A_314 = arith.constant 0 : index
        %swap3A_315 = tpu.vector_load %arg13[%swap3A, %swap3A_314] {strides = array<i32>} : memref<125x64xf32, #tpu.memory_space<vmem>>, vector<1x16xf32>,
        %swap3A_316 = vector.shape_cast %swap3A_315 : vector<1x16xf32> to vector<16xf32>
        %swap3A_317 = vector.shape_cast %mul3A_313 : vector<16xf32> to vector<1x16xf32>
        tpu.vector_store %arg13[%swap3A, %swap3A_314], %swap3A_317 {strides = array<i32>} : memref<125x64xf32, #tpu.memory_space<vmem>>, vector<1x16xf32>,
        %get3A_318 = arith.index_cast %add3A_305 : i32 to index
        %get3A_319 = arith.constant 16 : index
        %get3A_320 = tpu.vector_load %arg13[%get3A_318, %get3A_319] {strides = array<i32>} : memref<125x64xf32, #tpu.memory_space<vmem>>, vector<1x16xf32>,
        %get3A_321 = vector.shape_cast %get3A_320 : vector<1x16xf32> to vector<16xf32>
        %mul3A_322 = arith.mulf %get3A_321, %get3A_308 : vector<16xf32>
        %swap3A_323 = arith.index_cast %add3A_305 : i32 to index
        %swap3A_324 = arith.constant 16 : index
        %swap3A_325 = tpu.vector_load %arg13[%swap3A_323, %swap3A_324] {strides = array<i32>} : memref<125x64xf32, #tpu.memory_space<vmem>>, vector<1x16xf32>,
        %swap3A_326 = vector.shape_cast %swap3A_325 : vector<1x16xf32> to vector<16xf32>
        %swap3A_327 = vector.shape_cast %mul3A_322 : vector<16xf32> to vector<1x16xf32>
        tpu.vector_store %arg13[%swap3A_323, %swap3A_324], %swap3A_327 {strides = array<i32>} : memref<125x64xf32, #tpu.memory_space<vmem>>, vector<1x16xf32>,
        %get3A_328 = arith.index_cast %add3A_305 : i32 to index
        %get3A_329 = arith.constant 32 : index
        %get3A_330 = tpu.vector_load %arg13[%get3A_328, %get3A_329] {strides = array<i32>} : memref<125x64xf32, #tpu.memory_space<vmem>>, vector<1x16xf32>,
        %get3A_331 = vector.shape_cast %get3A_330 : vector<1x16xf32> to vector<16xf32>
        %mul3A_332 = arith.mulf %get3A_331, %get3A_308 : vector<16xf32>
        %swap3A_333 = arith.index_cast %add3A_305 : i32 to index
        %swap3A_334 = arith.constant 32 : index
        %swap3A_335 = tpu.vector_load %arg13[%swap3A_333, %swap3A_334] {strides = array<i32>} : memref<125x64xf32, #tpu.memory_space<vmem>>, vector<1x16xf32>,
        %swap3A_336 = vector.shape_cast %swap3A_335 : vector<1x16xf32> to vector<16xf32>
        %swap3A_337 = vector.shape_cast %mul3A_332 : vector<16xf32> to vector<1x16xf32>
        tpu.vector_store %arg13[%swap3A_333, %swap3A_334], %swap3A_337 {strides = array<i32>} : memref<125x64xf32, #tpu.memory_space<vmem>>, vector<1x16xf32>,
        %get3A_338 = arith.index_cast %add3A_305 : i32 to index
        %get3A_339 = arith.constant 48 : index
        %get3A_340 = tpu.vector_load %arg13[%get3A_338, %get3A_339] {strides = array<i32>} : memref<125x64xf32, #tpu.memory_space<vmem>>, vector<1x16xf32>,
        %get3A_341 = vector.shape_cast %get3A_340 : vector<1x16xf32> to vector<16xf32>
        %mul3A_342 = arith.mulf %get3A_341, %get3A_308 : vector<16xf32>
        %swap3A_343 = arith.index_cast %add3A_305 : i32 to index
        %swap3A_344 = arith.constant 48 : index
        %swap3A_345 = tpu.vector_load %arg13[%swap3A_343, %swap3A_344] {strides = array<i32>} : memref<125x64xf32, #tpu.memory_space<vmem>>, vector<1x16xf32>,
        %swap3A_346 = vector.shape_cast %swap3A_345 : vector<1x16xf32> to vector<16xf32>
        %swap3A_347 = vector.shape_cast %mul3A_342 : vector<16xf32> to vector<1x16xf32>
        tpu.vector_store %arg13[%swap3A_343, %swap3A_344], %swap3A_347 {strides = array<i32>} : memref<125x64xf32, #tpu.memory_space<vmem>>, vector<1x16xf32>,
      }
      %scan3A_199 = arith.constant 125 : i32
      %add3A_200 = arith.constant 2 : i32
      %add3A_201 = arith.addi %mul3A_100, %add3A_200 : i32
      %dma_start3A_202 = arith.constant 0 : i32
      %dma_start3A_203 = tpu.memref_slice %arg9[%add3A_201, %dma_start3A_202] : memref<160x125xi32, #tpu.memory_space<vmem>> -> memref<1x125xi32, #tpu.memory_space<vmem>>
      %dma_start3A_204 = tpu.memref_squeeze %dma_start3A_203 : memref<1x125xi32, #tpu.memory_space<vmem>> -> memref<125xi32, #tpu.memory_space<vmem>>
      %dma_start3A_205 = arith.constant 0 : i32
      %dma_start3A_206 = arith.constant 0 : i32
      %dma_start3A_207 = tpu.memref_slice %arg10[%dma_start3A_205, %dma_start3A_206] : memref<10240x64xf32, #tpu.memory_space<vmem_shared>> -> memref<10240x64xf32, #tpu.memory_space<vmem_shared>>
      tpu.enqueue_indirect_dma source(%arg13 : memref<125x64xf32, #tpu.memory_space<vmem>>) target(%dma_start3A_207 : memref<10240x64xf32, #tpu.memory_space<vmem_shared>>) offsets(%dma_start3A_204 : memref<125xi32, #tpu.memory_space<vmem>>) semaphore(%arg25 : memref<!tpu.dma_semaphore, #tpu.memory_space<semaphore_mem>>) {add = true}
      %add3A_208 = arith.constant 3 : i32
      %add3A_209 = arith.addi %mul3A_100, %add3A_208 : i32
      %dma_wait3A_210 = arith.constant 0 : i32
      %dma_wait3A_211 = tpu.memref_slice %arg8[%add3A_209, %dma_wait3A_210] : memref<160x125xi32, #tpu.memory_space<vmem>> -> memref<1x125xi32, #tpu.memory_space<vmem>>
      %dma_wait3A_212 = tpu.memref_squeeze %dma_wait3A_211 : memref<1x125xi32, #tpu.memory_space<vmem>> -> memref<125xi32, #tpu.memory_space<vmem>>
      %dma_wait3A_213 = arith.constant 0 : i32
      %dma_wait3A_214 = arith.constant 0 : i32
      %dma_wait3A_215 = tpu.memref_slice %arg2[%arg0, %dma_wait3A_213, %dma_wait3A_214] : memref<2x10000x64xf32, #tpu.memory_space<hbm>> -> memref<1x10000x64xf32, #tpu.memory_space<hbm>>
      %dma_wait3A_216 = tpu.memref_squeeze %dma_wait3A_215 : memref<1x10000x64xf32, #tpu.memory_space<hbm>> -> memref<10000x64xf32, #tpu.memory_space<hbm>>
      %dma_wait3A_217 = arith.constant 0 : i32
      %dma_wait3A_218 = arith.constant 0 : i32
      %dma_wait3A_219 = tpu.memref_slice %dma_wait3A_216[%dma_wait3A_217, %dma_wait3A_218] : memref<10000x64xf32, #tpu.memory_space<hbm>> -> memref<10000x64xf32, #tpu.memory_space<hbm>>
      tpu.wait_indirect_dma semaphore(%arg22 : memref<!tpu.dma_semaphore, #tpu.memory_space<semaphore_mem>>) src(%dma_wait3A_219 : memref<10000x64xf32, #tpu.memory_space<hbm>>) dst(%arg14 : memref<125x64xf32, #tpu.memory_space<vmem>>)
      %add3A_220 = arith.addi %mul3A_0, %mul3A_100 : i32
      %add3A_221 = arith.constant 3 : i32
      %add3A_222 = arith.addi %add3A_220, %add3A_221 : i32
      %dma_wait3A_223 = arith.constant 0 : i32
      %dma_wait3A_224 = arith.constant 0 : i32
      %dma_wait3A_225 = tpu.memref_slice %arg5[%add3A_222, %dma_wait3A_223, %dma_wait3A_224] : memref<2560x125x16xf32, #tpu.memory_space<hbm>> -> memref<1x125x16xf32, #tpu.memory_space<hbm>>
      %dma_wait3A_226 = tpu.memref_squeeze %dma_wait3A_225 : memref<1x125x16xf32, #tpu.memory_space<hbm>> -> memref<125x16xf32, #tpu.memory_space<hbm>>
      %dma_wait3A_227 = arith.constant 0 : i32
      %dma_wait3A_228 = arith.constant 0 : i32
      %dma_wait3A_229 = tpu.memref_slice %arg5[%add3A_222, %dma_wait3A_227, %dma_wait3A_228] : memref<2560x125x16xf32, #tpu.memory_space<hbm>> -> memref<1x125x16xf32, #tpu.memory_space<hbm>>
      %dma_wait3A_230 = tpu.memref_squeeze %dma_wait3A_229 : memref<1x125x16xf32, #tpu.memory_space<hbm>> -> memref<125x16xf32, #tpu.memory_space<hbm>>
      tpu.wait_dma2 semaphore(%arg30 : memref<!tpu.dma_semaphore, #tpu.memory_space<semaphore_mem>>) src(%dma_wait3A_230 : memref<125x16xf32, #tpu.memory_space<hbm>>) dst(%arg18 : memref<125x16xf32, #tpu.memory_space<vmem>>)
      %scan3A_231 = arith.constant 0 : i32
      %scan3A_232 = arith.constant 125 : i32
      %scan3A_233 = arith.addi %scan3A_231, %scan3A_232 : i32
      %scan3A_234 = arith.constant 1 : i32
      scf.for %scan3A_301 = %scan3A_231 to %scan3A_233 step %scan3A_234  : i32 {
        %mul3A_302 = arith.constant 1 : i32
        %mul3A_303 = arith.muli %scan3A_301, %mul3A_302 : i32
        %add3A_304 = arith.constant 0 : i32
        %add3A_305 = arith.addi %add3A_304, %mul3A_303 : i32
        %get3A = arith.index_cast %add3A_305 : i32 to index
        %get3A_306 = arith.constant 0 : index
        %get3A_307 = tpu.vector_load %arg18[%get3A, %get3A_306] {strides = array<i32>} : memref<125x16xf32, #tpu.memory_space<vmem>>, vector<1x16xf32>,
        %get3A_308 = vector.shape_cast %get3A_307 : vector<1x16xf32> to vector<16xf32>
        %get3A_309 = arith.index_cast %add3A_305 : i32 to index
        %get3A_310 = arith.constant 0 : index
        %get3A_311 = tpu.vector_load %arg14[%get3A_309, %get3A_310] {strides = array<i32>} : memref<125x64xf32, #tpu.memory_space<vmem>>, vector<1x16xf32>,
        %get3A_312 = vector.shape_cast %get3A_311 : vector<1x16xf32> to vector<16xf32>
        %mul3A_313 = arith.mulf %get3A_312, %get3A_308 : vector<16xf32>
        %swap3A = arith.index_cast %add3A_305 : i32 to index
        %swap3A_314 = arith.constant 0 : index
        %swap3A_315 = tpu.vector_load %arg14[%swap3A, %swap3A_314] {strides = array<i32>} : memref<125x64xf32, #tpu.memory_space<vmem>>, vector<1x16xf32>,
        %swap3A_316 = vector.shape_cast %swap3A_315 : vector<1x16xf32> to vector<16xf32>
        %swap3A_317 = vector.shape_cast %mul3A_313 : vector<16xf32> to vector<1x16xf32>
        tpu.vector_store %arg14[%swap3A, %swap3A_314], %swap3A_317 {strides = array<i32>} : memref<125x64xf32, #tpu.memory_space<vmem>>, vector<1x16xf32>,
        %get3A_318 = arith.index_cast %add3A_305 : i32 to index
        %get3A_319 = arith.constant 16 : index
        %get3A_320 = tpu.vector_load %arg14[%get3A_318, %get3A_319] {strides = array<i32>} : memref<125x64xf32, #tpu.memory_space<vmem>>, vector<1x16xf32>,
        %get3A_321 = vector.shape_cast %get3A_320 : vector<1x16xf32> to vector<16xf32>
        %mul3A_322 = arith.mulf %get3A_321, %get3A_308 : vector<16xf32>
        %swap3A_323 = arith.index_cast %add3A_305 : i32 to index
        %swap3A_324 = arith.constant 16 : index
        %swap3A_325 = tpu.vector_load %arg14[%swap3A_323, %swap3A_324] {strides = array<i32>} : memref<125x64xf32, #tpu.memory_space<vmem>>, vector<1x16xf32>,
        %swap3A_326 = vector.shape_cast %swap3A_325 : vector<1x16xf32> to vector<16xf32>
        %swap3A_327 = vector.shape_cast %mul3A_322 : vector<16xf32> to vector<1x16xf32>
        tpu.vector_store %arg14[%swap3A_323, %swap3A_324], %swap3A_327 {strides = array<i32>} : memref<125x64xf32, #tpu.memory_space<vmem>>, vector<1x16xf32>,
        %get3A_328 = arith.index_cast %add3A_305 : i32 to index
        %get3A_329 = arith.constant 32 : index
        %get3A_330 = tpu.vector_load %arg14[%get3A_328, %get3A_329] {strides = array<i32>} : memref<125x64xf32, #tpu.memory_space<vmem>>, vector<1x16xf32>,
        %get3A_331 = vector.shape_cast %get3A_330 : vector<1x16xf32> to vector<16xf32>
        %mul3A_332 = arith.mulf %get3A_331, %get3A_308 : vector<16xf32>
        %swap3A_333 = arith.index_cast %add3A_305 : i32 to index
        %swap3A_334 = arith.constant 32 : index
        %swap3A_335 = tpu.vector_load %arg14[%swap3A_333, %swap3A_334] {strides = array<i32>} : memref<125x64xf32, #tpu.memory_space<vmem>>, vector<1x16xf32>,
        %swap3A_336 = vector.shape_cast %swap3A_335 : vector<1x16xf32> to vector<16xf32>
        %swap3A_337 = vector.shape_cast %mul3A_332 : vector<16xf32> to vector<1x16xf32>
        tpu.vector_store %arg14[%swap3A_333, %swap3A_334], %swap3A_337 {strides = array<i32>} : memref<125x64xf32, #tpu.memory_space<vmem>>, vector<1x16xf32>,
        %get3A_338 = arith.index_cast %add3A_305 : i32 to index
        %get3A_339 = arith.constant 48 : index
        %get3A_340 = tpu.vector_load %arg14[%get3A_338, %get3A_339] {strides = array<i32>} : memref<125x64xf32, #tpu.memory_space<vmem>>, vector<1x16xf32>,
        %get3A_341 = vector.shape_cast %get3A_340 : vector<1x16xf32> to vector<16xf32>
        %mul3A_342 = arith.mulf %get3A_341, %get3A_308 : vector<16xf32>
        %swap3A_343 = arith.index_cast %add3A_305 : i32 to index
        %swap3A_344 = arith.constant 48 : index
        %swap3A_345 = tpu.vector_load %arg14[%swap3A_343, %swap3A_344] {strides = array<i32>} : memref<125x64xf32, #tpu.memory_space<vmem>>, vector<1x16xf32>,
        %swap3A_346 = vector.shape_cast %swap3A_345 : vector<1x16xf32> to vector<16xf32>
        %swap3A_347 = vector.shape_cast %mul3A_342 : vector<16xf32> to vector<1x16xf32>
        tpu.vector_store %arg14[%swap3A_343, %swap3A_344], %swap3A_347 {strides = array<i32>} : memref<125x64xf32, #tpu.memory_space<vmem>>, vector<1x16xf32>,
      }
      %scan3A_235 = arith.constant 125 : i32
      %add3A_236 = arith.constant 3 : i32
      %add3A_237 = arith.addi %mul3A_100, %add3A_236 : i32
      %dma_start3A_238 = arith.constant 0 : i32
      %dma_start3A_239 = tpu.memref_slice %arg9[%add3A_237, %dma_start3A_238] : memref<160x125xi32, #tpu.memory_space<vmem>> -> memref<1x125xi32, #tpu.memory_space<vmem>>
      %dma_start3A_240 = tpu.memref_squeeze %dma_start3A_239 : memref<1x125xi32, #tpu.memory_space<vmem>> -> memref<125xi32, #tpu.memory_space<vmem>>
      %dma_start3A_241 = arith.constant 0 : i32
      %dma_start3A_242 = arith.constant 0 : i32
      %dma_start3A_243 = tpu.memref_slice %arg10[%dma_start3A_241, %dma_start3A_242] : memref<10240x64xf32, #tpu.memory_space<vmem_shared>> -> memref<10240x64xf32, #tpu.memory_space<vmem_shared>>
      tpu.enqueue_indirect_dma source(%arg14 : memref<125x64xf32, #tpu.memory_space<vmem>>) target(%dma_start3A_243 : memref<10240x64xf32, #tpu.memory_space<vmem_shared>>) offsets(%dma_start3A_240 : memref<125xi32, #tpu.memory_space<vmem>>) semaphore(%arg26 : memref<!tpu.dma_semaphore, #tpu.memory_space<semaphore_mem>>) {add = true}
      %dma_wait3A_244 = arith.constant 0 : i32
      %dma_wait3A_245 = tpu.memref_slice %arg9[%add3A_129, %dma_wait3A_244] : memref<160x125xi32, #tpu.memory_space<vmem>> -> memref<1x125xi32, #tpu.memory_space<vmem>>
      %dma_wait3A_246 = tpu.memref_squeeze %dma_wait3A_245 : memref<1x125xi32, #tpu.memory_space<vmem>> -> memref<125xi32, #tpu.memory_space<vmem>>
      %dma_wait3A_247 = arith.constant 0 : i32
      %dma_wait3A_248 = arith.constant 0 : i32
      %dma_wait3A_249 = tpu.memref_slice %arg10[%dma_wait3A_247, %dma_wait3A_248] : memref<10240x64xf32, #tpu.memory_space<vmem_shared>> -> memref<10240x64xf32, #tpu.memory_space<vmem_shared>>
      tpu.wait_indirect_dma semaphore(%arg23 : memref<!tpu.dma_semaphore, #tpu.memory_space<semaphore_mem>>) src(%arg11 : memref<125x64xf32, #tpu.memory_space<vmem>>) dst(%dma_wait3A_249 : memref<10240x64xf32, #tpu.memory_space<vmem_shared>>)
      %add3A_250 = arith.constant 0 : i32
      %add3A_251 = arith.addi %mul3A_100, %add3A_250 : i32
      %add3A_252 = arith.constant 4 : i32
      %add3A_253 = arith.addi %add3A_251, %add3A_252 : i32
      %lt3A = arith.constant 160 : i32
      %lt3A_254 = arith.cmpi slt, %add3A_253, %lt3A : i32
      %convert_element_type3A = arith.extui %lt3A_254 : i1 to i32
      %cond3A = arith.constant 0 : i32
      %cond3A_255 = arith.cmpi ne, %convert_element_type3A, %cond3A : i32
      scf.if %cond3A_255 {
        %add3A_301 = arith.constant 0 : i32
        %add3A_302 = arith.addi %mul3A_100, %add3A_301 : i32
        %add3A_303 = arith.constant 4 : i32
        %add3A_304 = arith.addi %add3A_302, %add3A_303 : i32
        %dma_start3A_305 = arith.constant 0 : i32
        %dma_start3A_306 = tpu.memref_slice %arg8[%add3A_304, %dma_start3A_305] : memref<160x125xi32, #tpu.memory_space<vmem>> -> memref<1x125xi32, #tpu.memory_space<vmem>>
        %dma_start3A_307 = tpu.memref_squeeze %dma_start3A_306 : memref<1x125xi32, #tpu.memory_space<vmem>> -> memref<125xi32, #tpu.memory_space<vmem>>
        %dma_start3A_308 = arith.constant 0 : i32
        %dma_start3A_309 = arith.constant 0 : i32
        %dma_start3A_310 = tpu.memref_slice %arg2[%arg0, %dma_start3A_308, %dma_start3A_309] : memref<2x10000x64xf32, #tpu.memory_space<hbm>> -> memref<1x10000x64xf32, #tpu.memory_space<hbm>>
        %dma_start3A_311 = tpu.memref_squeeze %dma_start3A_310 : memref<1x10000x64xf32, #tpu.memory_space<hbm>> -> memref<10000x64xf32, #tpu.memory_space<hbm>>
        %dma_start3A_312 = arith.constant 0 : i32
        %dma_start3A_313 = arith.constant 0 : i32
        %dma_start3A_314 = tpu.memref_slice %dma_start3A_311[%dma_start3A_312, %dma_start3A_313] : memref<10000x64xf32, #tpu.memory_space<hbm>> -> memref<10000x64xf32, #tpu.memory_space<hbm>>
        tpu.enqueue_indirect_dma source(%dma_start3A_314 : memref<10000x64xf32, #tpu.memory_space<hbm>>) target(%arg11 : memref<125x64xf32, #tpu.memory_space<vmem>>) offsets(%dma_start3A_307 : memref<125xi32, #tpu.memory_space<vmem>>) semaphore(%arg19 : memref<!tpu.dma_semaphore, #tpu.memory_space<semaphore_mem>>)
        %add3A_315 = arith.addi %mul3A_0, %mul3A_100 : i32
        %add3A_316 = arith.constant 0 : i32
        %add3A_317 = arith.addi %add3A_315, %add3A_316 : i32
        %add3A_318 = arith.constant 4 : i32
        %add3A_319 = arith.addi %add3A_317, %add3A_318 : i32
        %dma_start3A_320 = arith.constant 0 : i32
        %dma_start3A_321 = arith.constant 0 : i32
        %dma_start3A_322 = tpu.memref_slice %arg5[%add3A_319, %dma_start3A_320, %dma_start3A_321] : memref<2560x125x16xf32, #tpu.memory_space<hbm>> -> memref<1x125x16xf32, #tpu.memory_space<hbm>>
        %dma_start3A_323 = tpu.memref_squeeze %dma_start3A_322 : memref<1x125x16xf32, #tpu.memory_space<hbm>> -> memref<125x16xf32, #tpu.memory_space<hbm>>
        %dma_start3A_324 = arith.constant 0 : i32
        %dma_start3A_325 = arith.constant 0 : i32
        %dma_start3A_326 = tpu.memref_slice %arg5[%add3A_319, %dma_start3A_324, %dma_start3A_325] : memref<2560x125x16xf32, #tpu.memory_space<hbm>> -> memref<1x125x16xf32, #tpu.memory_space<hbm>>
        %dma_start3A_327 = tpu.memref_squeeze %dma_start3A_326 : memref<1x125x16xf32, #tpu.memory_space<hbm>> -> memref<125x16xf32, #tpu.memory_space<hbm>>
        tpu.enqueue_dma source(%dma_start3A_327 : memref<125x16xf32, #tpu.memory_space<hbm>>) target(%arg15 : memref<125x16xf32, #tpu.memory_space<vmem>>) target_semaphore(%arg27 : memref<!tpu.dma_semaphore, #tpu.memory_space<semaphore_mem>>)
      } else {
      }
      %dma_wait3A_256 = arith.constant 0 : i32
      %dma_wait3A_257 = tpu.memref_slice %arg9[%add3A_165, %dma_wait3A_256] : memref<160x125xi32, #tpu.memory_space<vmem>> -> memref<1x125xi32, #tpu.memory_space<vmem>>
      %dma_wait3A_258 = tpu.memref_squeeze %dma_wait3A_257 : memref<1x125xi32, #tpu.memory_space<vmem>> -> memref<125xi32, #tpu.memory_space<vmem>>
      %dma_wait3A_259 = arith.constant 0 : i32
      %dma_wait3A_260 = arith.constant 0 : i32
      %dma_wait3A_261 = tpu.memref_slice %arg10[%dma_wait3A_259, %dma_wait3A_260] : memref<10240x64xf32, #tpu.memory_space<vmem_shared>> -> memref<10240x64xf32, #tpu.memory_space<vmem_shared>>
      tpu.wait_indirect_dma semaphore(%arg24 : memref<!tpu.dma_semaphore, #tpu.memory_space<semaphore_mem>>) src(%arg12 : memref<125x64xf32, #tpu.memory_space<vmem>>) dst(%dma_wait3A_261 : memref<10240x64xf32, #tpu.memory_space<vmem_shared>>)
      %add3A_262 = arith.constant 1 : i32
      %add3A_263 = arith.addi %mul3A_100, %add3A_262 : i32
      %add3A_264 = arith.constant 4 : i32
      %add3A_265 = arith.addi %add3A_263, %add3A_264 : i32
      %lt3A_266 = arith.constant 160 : i32
      %lt3A_267 = arith.cmpi slt, %add3A_265, %lt3A_266 : i32
      %convert_element_type3A_268 = arith.extui %lt3A_267 : i1 to i32
      %cond3A_269 = arith.constant 0 : i32
      %cond3A_270 = arith.cmpi ne, %convert_element_type3A_268, %cond3A_269 : i32
      scf.if %cond3A_270 {
        %add3A_301 = arith.constant 1 : i32
        %add3A_302 = arith.addi %mul3A_100, %add3A_301 : i32
        %add3A_303 = arith.constant 4 : i32
        %add3A_304 = arith.addi %add3A_302, %add3A_303 : i32
        %dma_start3A_305 = arith.constant 0 : i32
        %dma_start3A_306 = tpu.memref_slice %arg8[%add3A_304, %dma_start3A_305] : memref<160x125xi32, #tpu.memory_space<vmem>> -> memref<1x125xi32, #tpu.memory_space<vmem>>
        %dma_start3A_307 = tpu.memref_squeeze %dma_start3A_306 : memref<1x125xi32, #tpu.memory_space<vmem>> -> memref<125xi32, #tpu.memory_space<vmem>>
        %dma_start3A_308 = arith.constant 0 : i32
        %dma_start3A_309 = arith.constant 0 : i32
        %dma_start3A_310 = tpu.memref_slice %arg2[%arg0, %dma_start3A_308, %dma_start3A_309] : memref<2x10000x64xf32, #tpu.memory_space<hbm>> -> memref<1x10000x64xf32, #tpu.memory_space<hbm>>
        %dma_start3A_311 = tpu.memref_squeeze %dma_start3A_310 : memref<1x10000x64xf32, #tpu.memory_space<hbm>> -> memref<10000x64xf32, #tpu.memory_space<hbm>>
        %dma_start3A_312 = arith.constant 0 : i32
        %dma_start3A_313 = arith.constant 0 : i32
        %dma_start3A_314 = tpu.memref_slice %dma_start3A_311[%dma_start3A_312, %dma_start3A_313] : memref<10000x64xf32, #tpu.memory_space<hbm>> -> memref<10000x64xf32, #tpu.memory_space<hbm>>
        tpu.enqueue_indirect_dma source(%dma_start3A_314 : memref<10000x64xf32, #tpu.memory_space<hbm>>) target(%arg12 : memref<125x64xf32, #tpu.memory_space<vmem>>) offsets(%dma_start3A_307 : memref<125xi32, #tpu.memory_space<vmem>>) semaphore(%arg20 : memref<!tpu.dma_semaphore, #tpu.memory_space<semaphore_mem>>)
        %add3A_315 = arith.addi %mul3A_0, %mul3A_100 : i32
        %add3A_316 = arith.constant 1 : i32
        %add3A_317 = arith.addi %add3A_315, %add3A_316 : i32
        %add3A_318 = arith.constant 4 : i32
        %add3A_319 = arith.addi %add3A_317, %add3A_318 : i32
        %dma_start3A_320 = arith.constant 0 : i32
        %dma_start3A_321 = arith.constant 0 : i32
        %dma_start3A_322 = tpu.memref_slice %arg5[%add3A_319, %dma_start3A_320, %dma_start3A_321] : memref<2560x125x16xf32, #tpu.memory_space<hbm>> -> memref<1x125x16xf32, #tpu.memory_space<hbm>>
        %dma_start3A_323 = tpu.memref_squeeze %dma_start3A_322 : memref<1x125x16xf32, #tpu.memory_space<hbm>> -> memref<125x16xf32, #tpu.memory_space<hbm>>
        %dma_start3A_324 = arith.constant 0 : i32
        %dma_start3A_325 = arith.constant 0 : i32
        %dma_start3A_326 = tpu.memref_slice %arg5[%add3A_319, %dma_start3A_324, %dma_start3A_325] : memref<2560x125x16xf32, #tpu.memory_space<hbm>> -> memref<1x125x16xf32, #tpu.memory_space<hbm>>
        %dma_start3A_327 = tpu.memref_squeeze %dma_start3A_326 : memref<1x125x16xf32, #tpu.memory_space<hbm>> -> memref<125x16xf32, #tpu.memory_space<hbm>>
        tpu.enqueue_dma source(%dma_start3A_327 : memref<125x16xf32, #tpu.memory_space<hbm>>) target(%arg16 : memref<125x16xf32, #tpu.memory_space<vmem>>) target_semaphore(%arg28 : memref<!tpu.dma_semaphore, #tpu.memory_space<semaphore_mem>>)
      } else {
      }
      %dma_wait3A_271 = arith.constant 0 : i32
      %dma_wait3A_272 = tpu.memref_slice %arg9[%add3A_201, %dma_wait3A_271] : memref<160x125xi32, #tpu.memory_space<vmem>> -> memref<1x125xi32, #tpu.memory_space<vmem>>
      %dma_wait3A_273 = tpu.memref_squeeze %dma_wait3A_272 : memref<1x125xi32, #tpu.memory_space<vmem>> -> memref<125xi32, #tpu.memory_space<vmem>>
      %dma_wait3A_274 = arith.constant 0 : i32
      %dma_wait3A_275 = arith.constant 0 : i32
      %dma_wait3A_276 = tpu.memref_slice %arg10[%dma_wait3A_274, %dma_wait3A_275] : memref<10240x64xf32, #tpu.memory_space<vmem_shared>> -> memref<10240x64xf32, #tpu.memory_space<vmem_shared>>
      tpu.wait_indirect_dma semaphore(%arg25 : memref<!tpu.dma_semaphore, #tpu.memory_space<semaphore_mem>>) src(%arg13 : memref<125x64xf32, #tpu.memory_space<vmem>>) dst(%dma_wait3A_276 : memref<10240x64xf32, #tpu.memory_space<vmem_shared>>)
      %add3A_277 = arith.constant 2 : i32
      %add3A_278 = arith.addi %mul3A_100, %add3A_277 : i32
      %add3A_279 = arith.constant 4 : i32
      %add3A_280 = arith.addi %add3A_278, %add3A_279 : i32
      %lt3A_281 = arith.constant 160 : i32
      %lt3A_282 = arith.cmpi slt, %add3A_280, %lt3A_281 : i32
      %convert_element_type3A_283 = arith.extui %lt3A_282 : i1 to i32
      %cond3A_284 = arith.constant 0 : i32
      %cond3A_285 = arith.cmpi ne, %convert_element_type3A_283, %cond3A_284 : i32
      scf.if %cond3A_285 {
        %add3A_301 = arith.constant 2 : i32
        %add3A_302 = arith.addi %mul3A_100, %add3A_301 : i32
        %add3A_303 = arith.constant 4 : i32
        %add3A_304 = arith.addi %add3A_302, %add3A_303 : i32
        %dma_start3A_305 = arith.constant 0 : i32
        %dma_start3A_306 = tpu.memref_slice %arg8[%add3A_304, %dma_start3A_305] : memref<160x125xi32, #tpu.memory_space<vmem>> -> memref<1x125xi32, #tpu.memory_space<vmem>>
        %dma_start3A_307 = tpu.memref_squeeze %dma_start3A_306 : memref<1x125xi32, #tpu.memory_space<vmem>> -> memref<125xi32, #tpu.memory_space<vmem>>
        %dma_start3A_308 = arith.constant 0 : i32
        %dma_start3A_309 = arith.constant 0 : i32
        %dma_start3A_310 = tpu.memref_slice %arg2[%arg0, %dma_start3A_308, %dma_start3A_309] : memref<2x10000x64xf32, #tpu.memory_space<hbm>> -> memref<1x10000x64xf32, #tpu.memory_space<hbm>>
        %dma_start3A_311 = tpu.memref_squeeze %dma_start3A_310 : memref<1x10000x64xf32, #tpu.memory_space<hbm>> -> memref<10000x64xf32, #tpu.memory_space<hbm>>
        %dma_start3A_312 = arith.constant 0 : i32
        %dma_start3A_313 = arith.constant 0 : i32
        %dma_start3A_314 = tpu.memref_slice %dma_start3A_311[%dma_start3A_312, %dma_start3A_313] : memref<10000x64xf32, #tpu.memory_space<hbm>> -> memref<10000x64xf32, #tpu.memory_space<hbm>>
        tpu.enqueue_indirect_dma source(%dma_start3A_314 : memref<10000x64xf32, #tpu.memory_space<hbm>>) target(%arg13 : memref<125x64xf32, #tpu.memory_space<vmem>>) offsets(%dma_start3A_307 : memref<125xi32, #tpu.memory_space<vmem>>) semaphore(%arg21 : memref<!tpu.dma_semaphore, #tpu.memory_space<semaphore_mem>>)
        %add3A_315 = arith.addi %mul3A_0, %mul3A_100 : i32
        %add3A_316 = arith.constant 2 : i32
        %add3A_317 = arith.addi %add3A_315, %add3A_316 : i32
        %add3A_318 = arith.constant 4 : i32
        %add3A_319 = arith.addi %add3A_317, %add3A_318 : i32
        %dma_start3A_320 = arith.constant 0 : i32
        %dma_start3A_321 = arith.constant 0 : i32
        %dma_start3A_322 = tpu.memref_slice %arg5[%add3A_319, %dma_start3A_320, %dma_start3A_321] : memref<2560x125x16xf32, #tpu.memory_space<hbm>> -> memref<1x125x16xf32, #tpu.memory_space<hbm>>
        %dma_start3A_323 = tpu.memref_squeeze %dma_start3A_322 : memref<1x125x16xf32, #tpu.memory_space<hbm>> -> memref<125x16xf32, #tpu.memory_space<hbm>>
        %dma_start3A_324 = arith.constant 0 : i32
        %dma_start3A_325 = arith.constant 0 : i32
        %dma_start3A_326 = tpu.memref_slice %arg5[%add3A_319, %dma_start3A_324, %dma_start3A_325] : memref<2560x125x16xf32, #tpu.memory_space<hbm>> -> memref<1x125x16xf32, #tpu.memory_space<hbm>>
        %dma_start3A_327 = tpu.memref_squeeze %dma_start3A_326 : memref<1x125x16xf32, #tpu.memory_space<hbm>> -> memref<125x16xf32, #tpu.memory_space<hbm>>
        tpu.enqueue_dma source(%dma_start3A_327 : memref<125x16xf32, #tpu.memory_space<hbm>>) target(%arg17 : memref<125x16xf32, #tpu.memory_space<vmem>>) target_semaphore(%arg29 : memref<!tpu.dma_semaphore, #tpu.memory_space<semaphore_mem>>)
      } else {
      }
      %dma_wait3A_286 = arith.constant 0 : i32
      %dma_wait3A_287 = tpu.memref_slice %arg9[%add3A_237, %dma_wait3A_286] : memref<160x125xi32, #tpu.memory_space<vmem>> -> memref<1x125xi32, #tpu.memory_space<vmem>>
      %dma_wait3A_288 = tpu.memref_squeeze %dma_wait3A_287 : memref<1x125xi32, #tpu.memory_space<vmem>> -> memref<125xi32, #tpu.memory_space<vmem>>
      %dma_wait3A_289 = arith.constant 0 : i32
      %dma_wait3A_290 = arith.constant 0 : i32
      %dma_wait3A_291 = tpu.memref_slice %arg10[%dma_wait3A_289, %dma_wait3A_290] : memref<10240x64xf32, #tpu.memory_space<vmem_shared>> -> memref<10240x64xf32, #tpu.memory_space<vmem_shared>>
      tpu.wait_indirect_dma semaphore(%arg26 : memref<!tpu.dma_semaphore, #tpu.memory_space<semaphore_mem>>) src(%arg14 : memref<125x64xf32, #tpu.memory_space<vmem>>) dst(%dma_wait3A_291 : memref<10240x64xf32, #tpu.memory_space<vmem_shared>>)
      %add3A_292 = arith.constant 3 : i32
      %add3A_293 = arith.addi %mul3A_100, %add3A_292 : i32
      %add3A_294 = arith.constant 4 : i32
      %add3A_295 = arith.addi %add3A_293, %add3A_294 : i32
      %lt3A_296 = arith.constant 160 : i32
      %lt3A_297 = arith.cmpi slt, %add3A_295, %lt3A_296 : i32
      %convert_element_type3A_298 = arith.extui %lt3A_297 : i1 to i32
      %cond3A_299 = arith.constant 0 : i32
      %cond3A_300 = arith.cmpi ne, %convert_element_type3A_298, %cond3A_299 : i32
      scf.if %cond3A_300 {
        %add3A_301 = arith.constant 3 : i32
        %add3A_302 = arith.addi %mul3A_100, %add3A_301 : i32
        %add3A_303 = arith.constant 4 : i32
        %add3A_304 = arith.addi %add3A_302, %add3A_303 : i32
        %dma_start3A_305 = arith.constant 0 : i32
        %dma_start3A_306 = tpu.memref_slice %arg8[%add3A_304, %dma_start3A_305] : memref<160x125xi32, #tpu.memory_space<vmem>> -> memref<1x125xi32, #tpu.memory_space<vmem>>
        %dma_start3A_307 = tpu.memref_squeeze %dma_start3A_306 : memref<1x125xi32, #tpu.memory_space<vmem>> -> memref<125xi32, #tpu.memory_space<vmem>>
        %dma_start3A_308 = arith.constant 0 : i32
        %dma_start3A_309 = arith.constant 0 : i32
        %dma_start3A_310 = tpu.memref_slice %arg2[%arg0, %dma_start3A_308, %dma_start3A_309] : memref<2x10000x64xf32, #tpu.memory_space<hbm>> -> memref<1x10000x64xf32, #tpu.memory_space<hbm>>
        %dma_start3A_311 = tpu.memref_squeeze %dma_start3A_310 : memref<1x10000x64xf32, #tpu.memory_space<hbm>> -> memref<10000x64xf32, #tpu.memory_space<hbm>>
        %dma_start3A_312 = arith.constant 0 : i32
        %dma_start3A_313 = arith.constant 0 : i32
        %dma_start3A_314 = tpu.memref_slice %dma_start3A_311[%dma_start3A_312, %dma_start3A_313] : memref<10000x64xf32, #tpu.memory_space<hbm>> -> memref<10000x64xf32, #tpu.memory_space<hbm>>
        tpu.enqueue_indirect_dma source(%dma_start3A_314 : memref<10000x64xf32, #tpu.memory_space<hbm>>) target(%arg14 : memref<125x64xf32, #tpu.memory_space<vmem>>) offsets(%dma_start3A_307 : memref<125xi32, #tpu.memory_space<vmem>>) semaphore(%arg22 : memref<!tpu.dma_semaphore, #tpu.memory_space<semaphore_mem>>)
        %add3A_315 = arith.addi %mul3A_0, %mul3A_100 : i32
        %add3A_316 = arith.constant 3 : i32
        %add3A_317 = arith.addi %add3A_315, %add3A_316 : i32
        %add3A_318 = arith.constant 4 : i32
        %add3A_319 = arith.addi %add3A_317, %add3A_318 : i32
        %dma_start3A_320 = arith.constant 0 : i32
        %dma_start3A_321 = arith.constant 0 : i32
        %dma_start3A_322 = tpu.memref_slice %arg5[%add3A_319, %dma_start3A_320, %dma_start3A_321] : memref<2560x125x16xf32, #tpu.memory_space<hbm>> -> memref<1x125x16xf32, #tpu.memory_space<hbm>>
        %dma_start3A_323 = tpu.memref_squeeze %dma_start3A_322 : memref<1x125x16xf32, #tpu.memory_space<hbm>> -> memref<125x16xf32, #tpu.memory_space<hbm>>
        %dma_start3A_324 = arith.constant 0 : i32
        %dma_start3A_325 = arith.constant 0 : i32
        %dma_start3A_326 = tpu.memref_slice %arg5[%add3A_319, %dma_start3A_324, %dma_start3A_325] : memref<2560x125x16xf32, #tpu.memory_space<hbm>> -> memref<1x125x16xf32, #tpu.memory_space<hbm>>
        %dma_start3A_327 = tpu.memref_squeeze %dma_start3A_326 : memref<1x125x16xf32, #tpu.memory_space<hbm>> -> memref<125x16xf32, #tpu.memory_space<hbm>>
        tpu.enqueue_dma source(%dma_start3A_327 : memref<125x16xf32, #tpu.memory_space<hbm>>) target(%arg18 : memref<125x16xf32, #tpu.memory_space<vmem>>) target_semaphore(%arg30 : memref<!tpu.dma_semaphore, #tpu.memory_space<semaphore_mem>>)
      } else {
      }
    }
    %scan3A_88 = arith.constant 40 : i32
    %barrier3A_89 = arith.constant 0 : index
    tpu.barrier barrier_id(%barrier3A_89)
    %mul3A_90 = arith.constant 640 : i32
    %mul3A_91 = arith.muli %arg1, %mul3A_90 : i32
    %mul3A_92 = arith.constant 640 : i32
    %mul3A_93 = arith.muli %arg1, %mul3A_92 : i32
    "tpu.region"() ({
      %run_scoped3A = tpu.sem_alloc : memref<!tpu.dma_semaphore, #tpu.memory_space<semaphore_mem>>
      %dma_start3A_94 = arith.constant 0 : i32
      %dma_start3A_95 = tpu.memref_slice %arg7[%arg0, %mul3A_93, %dma_start3A_94] : memref<2x10240x64xf32, #tpu.memory_space<hbm>> -> memref<1x640x64xf32, #tpu.memory_space<hbm>>
      %dma_start3A_96 = tpu.memref_squeeze %dma_start3A_95 : memref<1x640x64xf32, #tpu.memory_space<hbm>> -> memref<640x64xf32, #tpu.memory_space<hbm>>
      %dma_start3A_97 = arith.constant 0 : i32
      %dma_start3A_98 = tpu.memref_slice %arg10[%mul3A_91, %dma_start3A_97] : memref<10240x64xf32, #tpu.memory_space<vmem_shared>> -> memref<640x64xf32, #tpu.memory_space<vmem_shared>>
      tpu.enqueue_dma source(%dma_start3A_98 : memref<640x64xf32, #tpu.memory_space<vmem_shared>>) target(%dma_start3A_96 : memref<640x64xf32, #tpu.memory_space<hbm>>) target_semaphore(%run_scoped3A : memref<!tpu.dma_semaphore, #tpu.memory_space<semaphore_mem>>)
      %dma_wait3A = arith.constant 0 : i32
      %dma_wait3A_99 = tpu.memref_slice %arg7[%arg0, %mul3A_93, %dma_wait3A] : memref<2x10240x64xf32, #tpu.memory_space<hbm>> -> memref<1x640x64xf32, #tpu.memory_space<hbm>>
      %dma_wait3A_100 = tpu.memref_squeeze %dma_wait3A_99 : memref<1x640x64xf32, #tpu.memory_space<hbm>> -> memref<640x64xf32, #tpu.memory_space<hbm>>
      %dma_wait3A_101 = arith.constant 0 : i32
      %dma_wait3A_102 = tpu.memref_slice %arg10[%mul3A_91, %dma_wait3A_101] : memref<10240x64xf32, #tpu.memory_space<vmem_shared>> -> memref<640x64xf32, #tpu.memory_space<vmem_shared>>
      tpu.wait_dma2 semaphore(%run_scoped3A : memref<!tpu.dma_semaphore, #tpu.memory_space<semaphore_mem>>) src(%dma_wait3A_102 : memref<640x64xf32, #tpu.memory_space<vmem_shared>>) dst(%dma_wait3A_100 : memref<640x64xf32, #tpu.memory_space<hbm>>)
      tpu.yield
    }) : () -> ()
    return
  }
}

#map = affine_map<(d0, d1) -> (0, 0)>
#map1 = affine_map<(d0, d1) -> (0, 0, 0)>
module attributes {stable_mosaic.version = 14 : i64} {
  func.func @k(%arg0: i32, %arg1: i32, %arg2: memref<2560x125xi32, #tpu.memory_space<hbm>>, %arg3: memref<125x16xf32, #tpu.memory_space<hbm>>, %arg4: memref<640x16xf32, #tpu.memory_space<hbm>>, %arg5: memref<2x10240x16xf32, #tpu.memory_space<hbm>>, %arg6: memref<80x125xi32, #tpu.memory_space<vmem>>, %arg7: memref<125x16xf32, #tpu.memory_space<vmem>>, %arg8: memref<10240x16xf32, #tpu.memory_space<vmem_shared>>) attributes {dimension_semantics = [#tpu.dimension_semantics<core_parallel>, #tpu.dimension_semantics<subcore_parallel>], iteration_bounds = array<i64: 2, 16>, scalar_prefetch = 0 : i64, scratch_operands = 3 : i64, tpu.core_type = #tpu.core_type<sc_vector_subcore>, window_params = [{transform_indices = #map}, {transform_indices = #map}, {transform_indices = #map}, {transform_indices = #map1}]} {
    %mul3A = arith.constant 16 : i32
    %mul3A_0 = arith.muli %arg0, %mul3A : i32
    %add3A = arith.addi %mul3A_0, %arg1 : i32
    %mul3A_1 = arith.constant 80 : i32
    %mul3A_2 = arith.muli %add3A, %mul3A_1 : i32
    "tpu.region"() ({
      %run_scoped3A = tpu.sem_alloc : memref<!tpu.dma_semaphore, #tpu.memory_space<semaphore_mem>>
      %dma_start3A = arith.constant 0 : i32
      %dma_start3A_14 = tpu.memref_slice %arg2[%mul3A_2, %dma_start3A] : memref<2560x125xi32, #tpu.memory_space<hbm>> -> memref<80x125xi32, #tpu.memory_space<hbm>>
      %dma_start3A_15 = arith.constant 0 : i32
      %dma_start3A_16 = tpu.memref_slice %arg2[%mul3A_2, %dma_start3A_15] : memref<2560x125xi32, #tpu.memory_space<hbm>> -> memref<80x125xi32, #tpu.memory_space<hbm>>
      tpu.enqueue_dma source(%dma_start3A_16 : memref<80x125xi32, #tpu.memory_space<hbm>>) target(%arg6 : memref<80x125xi32, #tpu.memory_space<vmem>>) target_semaphore(%run_scoped3A : memref<!tpu.dma_semaphore, #tpu.memory_space<semaphore_mem>>)
      %dma_wait3A = arith.constant 0 : i32
      %dma_wait3A_17 = tpu.memref_slice %arg2[%mul3A_2, %dma_wait3A] : memref<2560x125xi32, #tpu.memory_space<hbm>> -> memref<80x125xi32, #tpu.memory_space<hbm>>
      %dma_wait3A_18 = arith.constant 0 : i32
      %dma_wait3A_19 = tpu.memref_slice %arg2[%mul3A_2, %dma_wait3A_18] : memref<2560x125xi32, #tpu.memory_space<hbm>> -> memref<80x125xi32, #tpu.memory_space<hbm>>
      tpu.wait_dma2 semaphore(%run_scoped3A : memref<!tpu.dma_semaphore, #tpu.memory_space<semaphore_mem>>) src(%dma_wait3A_19 : memref<80x125xi32, #tpu.memory_space<hbm>>) dst(%arg6 : memref<80x125xi32, #tpu.memory_space<vmem>>)
      tpu.yield
    }) : () -> ()
    "tpu.region"() ({
      %run_scoped3A = tpu.sem_alloc : memref<!tpu.dma_semaphore, #tpu.memory_space<semaphore_mem>>
      tpu.enqueue_dma source(%arg3 : memref<125x16xf32, #tpu.memory_space<hbm>>) target(%arg7 : memref<125x16xf32, #tpu.memory_space<vmem>>) target_semaphore(%run_scoped3A : memref<!tpu.dma_semaphore, #tpu.memory_space<semaphore_mem>>)
      tpu.wait_dma2 semaphore(%run_scoped3A : memref<!tpu.dma_semaphore, #tpu.memory_space<semaphore_mem>>) src(%arg3 : memref<125x16xf32, #tpu.memory_space<hbm>>) dst(%arg7 : memref<125x16xf32, #tpu.memory_space<vmem>>)
      tpu.yield
    }) : () -> ()
    %mul3A_3 = arith.constant 640 : i32
    %mul3A_4 = arith.muli %arg1, %mul3A_3 : i32
    "tpu.region"() ({
      %run_scoped3A = tpu.sem_alloc : memref<!tpu.dma_semaphore, #tpu.memory_space<semaphore_mem>>
      %dma_start3A = arith.constant 0 : i32
      %dma_start3A_14 = tpu.memref_slice %arg8[%mul3A_4, %dma_start3A] : memref<10240x16xf32, #tpu.memory_space<vmem_shared>> -> memref<640x16xf32, #tpu.memory_space<vmem_shared>>
      tpu.enqueue_dma source(%arg4 : memref<640x16xf32, #tpu.memory_space<hbm>>) target(%dma_start3A_14 : memref<640x16xf32, #tpu.memory_space<vmem_shared>>) target_semaphore(%run_scoped3A : memref<!tpu.dma_semaphore, #tpu.memory_space<semaphore_mem>>)
      %dma_wait3A = arith.constant 0 : i32
      %dma_wait3A_15 = tpu.memref_slice %arg8[%mul3A_4, %dma_wait3A] : memref<10240x16xf32, #tpu.memory_space<vmem_shared>> -> memref<640x16xf32, #tpu.memory_space<vmem_shared>>
      tpu.wait_dma2 semaphore(%run_scoped3A : memref<!tpu.dma_semaphore, #tpu.memory_space<semaphore_mem>>) src(%arg4 : memref<640x16xf32, #tpu.memory_space<hbm>>) dst(%dma_wait3A_15 : memref<640x16xf32, #tpu.memory_space<vmem_shared>>)
      tpu.yield
    }) : () -> ()
    %barrier3A = arith.constant 0 : index
    tpu.barrier barrier_id(%barrier3A)
    %scan3A = arith.constant 0 : i32
    %scan3A_5 = arith.constant 80 : i32
    %scan3A_6 = arith.addi %scan3A, %scan3A_5 : i32
    %scan3A_7 = arith.constant 1 : i32
    scf.for %scan3A_14 = %scan3A to %scan3A_6 step %scan3A_7  : i32 {
      %mul3A_15 = arith.constant 1 : i32
      %mul3A_16 = arith.muli %scan3A_14, %mul3A_15 : i32
      %add3A_17 = arith.constant 0 : i32
      %add3A_18 = arith.addi %add3A_17, %mul3A_16 : i32
      "tpu.region"() ({
        %run_scoped3A = tpu.sem_alloc : memref<!tpu.dma_semaphore, #tpu.memory_space<semaphore_mem>>
        %dma_start3A = arith.constant 0 : i32
        %dma_start3A_19 = tpu.memref_slice %arg6[%add3A_18, %dma_start3A] : memref<80x125xi32, #tpu.memory_space<vmem>> -> memref<1x125xi32, #tpu.memory_space<vmem>>
        %dma_start3A_20 = tpu.memref_squeeze %dma_start3A_19 : memref<1x125xi32, #tpu.memory_space<vmem>> -> memref<125xi32, #tpu.memory_space<vmem>>
        %dma_start3A_21 = arith.constant 0 : i32
        %dma_start3A_22 = arith.constant 0 : i32
        %dma_start3A_23 = tpu.memref_slice %arg8[%dma_start3A_21, %dma_start3A_22] : memref<10240x16xf32, #tpu.memory_space<vmem_shared>> -> memref<10240x16xf32, #tpu.memory_space<vmem_shared>>
        tpu.enqueue_indirect_dma source(%arg7 : memref<125x16xf32, #tpu.memory_space<vmem>>) target(%dma_start3A_23 : memref<10240x16xf32, #tpu.memory_space<vmem_shared>>) offsets(%dma_start3A_20 : memref<125xi32, #tpu.memory_space<vmem>>) semaphore(%run_scoped3A : memref<!tpu.dma_semaphore, #tpu.memory_space<semaphore_mem>>) {add = true}
        %dma_wait3A = arith.constant 0 : i32
        %dma_wait3A_24 = tpu.memref_slice %arg6[%add3A_18, %dma_wait3A] : memref<80x125xi32, #tpu.memory_space<vmem>> -> memref<1x125xi32, #tpu.memory_space<vmem>>
        %dma_wait3A_25 = tpu.memref_squeeze %dma_wait3A_24 : memref<1x125xi32, #tpu.memory_space<vmem>> -> memref<125xi32, #tpu.memory_space<vmem>>
        %dma_wait3A_26 = arith.constant 0 : i32
        %dma_wait3A_27 = arith.constant 0 : i32
        %dma_wait3A_28 = tpu.memref_slice %arg8[%dma_wait3A_26, %dma_wait3A_27] : memref<10240x16xf32, #tpu.memory_space<vmem_shared>> -> memref<10240x16xf32, #tpu.memory_space<vmem_shared>>
        tpu.wait_indirect_dma semaphore(%run_scoped3A : memref<!tpu.dma_semaphore, #tpu.memory_space<semaphore_mem>>) src(%arg7 : memref<125x16xf32, #tpu.memory_space<vmem>>) dst(%dma_wait3A_28 : memref<10240x16xf32, #tpu.memory_space<vmem_shared>>)
        tpu.yield
      }) : () -> ()
    }
    %scan3A_8 = arith.constant 80 : i32
    %barrier3A_9 = arith.constant 0 : index
    tpu.barrier barrier_id(%barrier3A_9)
    %mul3A_10 = arith.constant 640 : i32
    %mul3A_11 = arith.muli %arg1, %mul3A_10 : i32
    %mul3A_12 = arith.constant 640 : i32
    %mul3A_13 = arith.muli %arg1, %mul3A_12 : i32
    "tpu.region"() ({
      %run_scoped3A = tpu.sem_alloc : memref<!tpu.dma_semaphore, #tpu.memory_space<semaphore_mem>>
      %dma_start3A = arith.constant 0 : i32
      %dma_start3A_14 = tpu.memref_slice %arg5[%arg0, %mul3A_13, %dma_start3A] : memref<2x10240x16xf32, #tpu.memory_space<hbm>> -> memref<1x640x16xf32, #tpu.memory_space<hbm>>
      %dma_start3A_15 = tpu.memref_squeeze %dma_start3A_14 : memref<1x640x16xf32, #tpu.memory_space<hbm>> -> memref<640x16xf32, #tpu.memory_space<hbm>>
      %dma_start3A_16 = arith.constant 0 : i32
      %dma_start3A_17 = tpu.memref_slice %arg8[%mul3A_11, %dma_start3A_16] : memref<10240x16xf32, #tpu.memory_space<vmem_shared>> -> memref<640x16xf32, #tpu.memory_space<vmem_shared>>
      tpu.enqueue_dma source(%dma_start3A_17 : memref<640x16xf32, #tpu.memory_space<vmem_shared>>) target(%dma_start3A_15 : memref<640x16xf32, #tpu.memory_space<hbm>>) target_semaphore(%run_scoped3A : memref<!tpu.dma_semaphore, #tpu.memory_space<semaphore_mem>>)
      %dma_wait3A = arith.constant 0 : i32
      %dma_wait3A_18 = tpu.memref_slice %arg5[%arg0, %mul3A_13, %dma_wait3A] : memref<2x10240x16xf32, #tpu.memory_space<hbm>> -> memref<1x640x16xf32, #tpu.memory_space<hbm>>
      %dma_wait3A_19 = tpu.memref_squeeze %dma_wait3A_18 : memref<1x640x16xf32, #tpu.memory_space<hbm>> -> memref<640x16xf32, #tpu.memory_space<hbm>>
      %dma_wait3A_20 = arith.constant 0 : i32
      %dma_wait3A_21 = tpu.memref_slice %arg8[%mul3A_11, %dma_wait3A_20] : memref<10240x16xf32, #tpu.memory_space<vmem_shared>> -> memref<640x16xf32, #tpu.memory_space<vmem_shared>>
      tpu.wait_dma2 semaphore(%run_scoped3A : memref<!tpu.dma_semaphore, #tpu.memory_space<semaphore_mem>>) src(%dma_wait3A_21 : memref<640x16xf32, #tpu.memory_space<vmem_shared>>) dst(%dma_wait3A_19 : memref<640x16xf32, #tpu.memory_space<hbm>>)
      tpu.yield
    }) : () -> ()
    return
  }
}

#map = affine_map<(d0, d1) -> (0, 0, 0)>
#map1 = affine_map<(d0, d1) -> (0, 0)>
module attributes {stable_mosaic.version = 14 : i64} {
  func.func @k(%arg0: i32, %arg1: i32, %arg2: memref<2x10000x64xf32, #tpu.memory_space<hbm>>, %arg3: memref<2560x125xi32, #tpu.memory_space<hbm>>, %arg4: memref<2560x125xi32, #tpu.memory_space<hbm>>, %arg5: memref<2560x125x16xf32, #tpu.memory_space<hbm>>, %arg6: memref<640x64xf32, #tpu.memory_space<hbm>>, %arg7: memref<2x10240x64xf32, #tpu.memory_space<hbm>>, %arg8: memref<160x125xi32, #tpu.memory_space<vmem>>, %arg9: memref<160x125xi32, #tpu.memory_space<vmem>>, %arg10: memref<10240x64xf32, #tpu.memory_space<vmem_shared>>, %arg11: memref<125x64xf32, #tpu.memory_space<vmem>>, %arg12: memref<125x64xf32, #tpu.memory_space<vmem>>, %arg13: memref<125x64xf32, #tpu.memory_space<vmem>>, %arg14: memref<125x64xf32, #tpu.memory_space<vmem>>, %arg15: memref<125x16xf32, #tpu.memory_space<vmem>>, %arg16: memref<125x16xf32, #tpu.memory_space<vmem>>, %arg17: memref<125x16xf32, #tpu.memory_space<vmem>>, %arg18: memref<125x16xf32, #tpu.memory_space<vmem>>, %arg19: memref<!tpu.dma_semaphore, #tpu.memory_space<semaphore_mem>>, %arg20: memref<!tpu.dma_semaphore, #tpu.memory_space<semaphore_mem>>, %arg21: memref<!tpu.dma_semaphore, #tpu.memory_space<semaphore_mem>>, %arg22: memref<!tpu.dma_semaphore, #tpu.memory_space<semaphore_mem>>, %arg23: memref<!tpu.dma_semaphore, #tpu.memory_space<semaphore_mem>>, %arg24: memref<!tpu.dma_semaphore, #tpu.memory_space<semaphore_mem>>, %arg25: memref<!tpu.dma_semaphore, #tpu.memory_space<semaphore_mem>>, %arg26: memref<!tpu.dma_semaphore, #tpu.memory_space<semaphore_mem>>, %arg27: memref<!tpu.dma_semaphore, #tpu.memory_space<semaphore_mem>>, %arg28: memref<!tpu.dma_semaphore, #tpu.memory_space<semaphore_mem>>, %arg29: memref<!tpu.dma_semaphore, #tpu.memory_space<semaphore_mem>>, %arg30: memref<!tpu.dma_semaphore, #tpu.memory_space<semaphore_mem>>) attributes {dimension_semantics = [#tpu.dimension_semantics<core_parallel>, #tpu.dimension_semantics<subcore_parallel>], iteration_bounds = array<i64: 2, 16>, scalar_prefetch = 0 : i64, scratch_operands = 23 : i64, tpu.core_type = #tpu.core_type<sc_vector_subcore>, window_params = [{transform_indices = #map}, {transform_indices = #map1}, {transform_indices = #map1}, {transform_indices = #map}, {transform_indices = #map1}, {transform_indices = #map}]} {
    %mul3A = arith.constant 160 : i32
    %mul3A_0 = arith.muli %arg1, %mul3A : i32
    "tpu.region"() ({
      %run_scoped3A = tpu.sem_alloc : memref<!tpu.dma_semaphore, #tpu.memory_space<semaphore_mem>>
      %dma_start3A_94 = arith.constant 0 : i32
      %dma_start3A_95 = tpu.memref_slice %arg3[%mul3A_0, %dma_start3A_94] : memref<2560x125xi32, #tpu.memory_space<hbm>> -> memref<160x125xi32, #tpu.memory_space<hbm>>
      %dma_start3A_96 = arith.constant 0 : i32
      %dma_start3A_97 = tpu.memref_slice %arg3[%mul3A_0, %dma_start3A_96] : memref<2560x125xi32, #tpu.memory_space<hbm>> -> memref<160x125xi32, #tpu.memory_space<hbm>>
      tpu.enqueue_dma source(%dma_start3A_97 : memref<160x125xi32, #tpu.memory_space<hbm>>) target(%arg8 : memref<160x125xi32, #tpu.memory_space<vmem>>) target_semaphore(%run_scoped3A : memref<!tpu.dma_semaphore, #tpu.memory_space<semaphore_mem>>)
      %dma_wait3A = arith.constant 0 : i32
      %dma_wait3A_98 = tpu.memref_slice %arg3[%mul3A_0, %dma_wait3A] : memref<2560x125xi32, #tpu.memory_space<hbm>> -> memref<160x125xi32, #tpu.memory_space<hbm>>
      %dma_wait3A_99 = arith.constant 0 : i32
      %dma_wait3A_100 = tpu.memref_slice %arg3[%mul3A_0, %dma_wait3A_99] : memref<2560x125xi32, #tpu.memory_space<hbm>> -> memref<160x125xi32, #tpu.memory_space<hbm>>
      tpu.wait_dma2 semaphore(%run_scoped3A : memref<!tpu.dma_semaphore, #tpu.memory_space<semaphore_mem>>) src(%dma_wait3A_100 : memref<160x125xi32, #tpu.memory_space<hbm>>) dst(%arg8 : memref<160x125xi32, #tpu.memory_space<vmem>>)
      tpu.yield
    }) : () -> ()
    "tpu.region"() ({
      %run_scoped3A = tpu.sem_alloc : memref<!tpu.dma_semaphore, #tpu.memory_space<semaphore_mem>>
      %dma_start3A_94 = arith.constant 0 : i32
      %dma_start3A_95 = tpu.memref_slice %arg4[%mul3A_0, %dma_start3A_94] : memref<2560x125xi32, #tpu.memory_space<hbm>> -> memref<160x125xi32, #tpu.memory_space<hbm>>
      %dma_start3A_96 = arith.constant 0 : i32
      %dma_start3A_97 = tpu.memref_slice %arg4[%mul3A_0, %dma_start3A_96] : memref<2560x125xi32, #tpu.memory_space<hbm>> -> memref<160x125xi32, #tpu.memory_space<hbm>>
      tpu.enqueue_dma source(%dma_start3A_97 : memref<160x125xi32, #tpu.memory_space<hbm>>) target(%arg9 : memref<160x125xi32, #tpu.memory_space<vmem>>) target_semaphore(%run_scoped3A : memref<!tpu.dma_semaphore, #tpu.memory_space<semaphore_mem>>)
      %dma_wait3A = arith.constant 0 : i32
      %dma_wait3A_98 = tpu.memref_slice %arg4[%mul3A_0, %dma_wait3A] : memref<2560x125xi32, #tpu.memory_space<hbm>> -> memref<160x125xi32, #tpu.memory_space<hbm>>
      %dma_wait3A_99 = arith.constant 0 : i32
      %dma_wait3A_100 = tpu.memref_slice %arg4[%mul3A_0, %dma_wait3A_99] : memref<2560x125xi32, #tpu.memory_space<hbm>> -> memref<160x125xi32, #tpu.memory_space<hbm>>
      tpu.wait_dma2 semaphore(%run_scoped3A : memref<!tpu.dma_semaphore, #tpu.memory_space<semaphore_mem>>) src(%dma_wait3A_100 : memref<160x125xi32, #tpu.memory_space<hbm>>) dst(%arg9 : memref<160x125xi32, #tpu.memory_space<vmem>>)
      tpu.yield
    }) : () -> ()
    %mul3A_1 = arith.constant 640 : i32
    %mul3A_2 = arith.muli %arg1, %mul3A_1 : i32
    "tpu.region"() ({
      %run_scoped3A = tpu.sem_alloc : memref<!tpu.dma_semaphore, #tpu.memory_space<semaphore_mem>>
      %dma_start3A_94 = arith.constant 0 : i32
      %dma_start3A_95 = tpu.memref_slice %arg10[%mul3A_2, %dma_start3A_94] : memref<10240x64xf32, #tpu.memory_space<vmem_shared>> -> memref<640x64xf32, #tpu.memory_space<vmem_shared>>
      tpu.enqueue_dma source(%arg6 : memref<640x64xf32, #tpu.memory_space<hbm>>) target(%dma_start3A_95 : memref<640x64xf32, #tpu.memory_space<vmem_shared>>) target_semaphore(%run_scoped3A : memref<!tpu.dma_semaphore, #tpu.memory_space<semaphore_mem>>)
      %dma_wait3A = arith.constant 0 : i32
      %dma_wait3A_96 = tpu.memref_slice %arg10[%mul3A_2, %dma_wait3A] : memref<10240x64xf32, #tpu.memory_space<vmem_shared>> -> memref<640x64xf32, #tpu.memory_space<vmem_shared>>
      tpu.wait_dma2 semaphore(%run_scoped3A : memref<!tpu.dma_semaphore, #tpu.memory_space<semaphore_mem>>) src(%arg6 : memref<640x64xf32, #tpu.memory_space<hbm>>) dst(%dma_wait3A_96 : memref<640x64xf32, #tpu.memory_space<vmem_shared>>)
      tpu.yield
    }) : () -> ()
    %barrier3A = arith.constant 0 : index
    tpu.barrier barrier_id(%barrier3A)
    %dma_start3A = arith.constant 0 : i32
    %dma_start3A_3 = arith.constant 0 : i32
    %dma_start3A_4 = tpu.memref_slice %arg8[%dma_start3A, %dma_start3A_3] : memref<160x125xi32, #tpu.memory_space<vmem>> -> memref<1x125xi32, #tpu.memory_space<vmem>>
    %dma_start3A_5 = tpu.memref_squeeze %dma_start3A_4 : memref<1x125xi32, #tpu.memory_space<vmem>> -> memref<125xi32, #tpu.memory_space<vmem>>
    %dma_start3A_6 = arith.constant 0 : i32
    %dma_start3A_7 = arith.constant 0 : i32
    %dma_start3A_8 = tpu.memref_slice %arg2[%arg0, %dma_start3A_6, %dma_start3A_7] : memref<2x10000x64xf32, #tpu.memory_space<hbm>> -> memref<1x10000x64xf32, #tpu.memory_space<hbm>>
    %dma_start3A_9 = tpu.memref_squeeze %dma_start3A_8 : memref<1x10000x64xf32, #tpu.memory_space<hbm>> -> memref<10000x64xf32, #tpu.memory_space<hbm>>
    %dma_start3A_10 = arith.constant 0 : i32
    %dma_start3A_11 = arith.constant 0 : i32
    %dma_start3A_12 = tpu.memref_slice %dma_start3A_9[%dma_start3A_10, %dma_start3A_11] : memref<10000x64xf32, #tpu.memory_space<hbm>> -> memref<10000x64xf32, #tpu.memory_space<hbm>>
    tpu.enqueue_indirect_dma source(%dma_start3A_12 : memref<10000x64xf32, #tpu.memory_space<hbm>>) target(%arg11 : memref<125x64xf32, #tpu.memory_space<vmem>>) offsets(%dma_start3A_5 : memref<125xi32, #tpu.memory_space<vmem>>) semaphore(%arg19 : memref<!tpu.dma_semaphore, #tpu.memory_space<semaphore_mem>>)
    %add3A = arith.constant 0 : i32
    %add3A_13 = arith.addi %mul3A_0, %add3A : i32
    %dma_start3A_14 = arith.constant 0 : i32
    %dma_start3A_15 = arith.constant 0 : i32
    %dma_start3A_16 = tpu.memref_slice %arg5[%add3A_13, %dma_start3A_14, %dma_start3A_15] : memref<2560x125x16xf32, #tpu.memory_space<hbm>> -> memref<1x125x16xf32, #tpu.memory_space<hbm>>
    %dma_start3A_17 = tpu.memref_squeeze %dma_start3A_16 : memref<1x125x16xf32, #tpu.memory_space<hbm>> -> memref<125x16xf32, #tpu.memory_space<hbm>>
    %dma_start3A_18 = arith.constant 0 : i32
    %dma_start3A_19 = arith.constant 0 : i32
    %dma_start3A_20 = tpu.memref_slice %arg5[%add3A_13, %dma_start3A_18, %dma_start3A_19] : memref<2560x125x16xf32, #tpu.memory_space<hbm>> -> memref<1x125x16xf32, #tpu.memory_space<hbm>>
    %dma_start3A_21 = tpu.memref_squeeze %dma_start3A_20 : memref<1x125x16xf32, #tpu.memory_space<hbm>> -> memref<125x16xf32, #tpu.memory_space<hbm>>
    tpu.enqueue_dma source(%dma_start3A_21 : memref<125x16xf32, #tpu.memory_space<hbm>>) target(%arg15 : memref<125x16xf32, #tpu.memory_space<vmem>>) target_semaphore(%arg27 : memref<!tpu.dma_semaphore, #tpu.memory_space<semaphore_mem>>)
    %dma_start3A_22 = arith.constant 1 : i32
    %dma_start3A_23 = arith.constant 0 : i32
    %dma_start3A_24 = tpu.memref_slice %arg8[%dma_start3A_22, %dma_start3A_23] : memref<160x125xi32, #tpu.memory_space<vmem>> -> memref<1x125xi32, #tpu.memory_space<vmem>>
    %dma_start3A_25 = tpu.memref_squeeze %dma_start3A_24 : memref<1x125xi32, #tpu.memory_space<vmem>> -> memref<125xi32, #tpu.memory_space<vmem>>
    %dma_start3A_26 = arith.constant 0 : i32
    %dma_start3A_27 = arith.constant 0 : i32
    %dma_start3A_28 = tpu.memref_slice %arg2[%arg0, %dma_start3A_26, %dma_start3A_27] : memref<2x10000x64xf32, #tpu.memory_space<hbm>> -> memref<1x10000x64xf32, #tpu.memory_space<hbm>>
    %dma_start3A_29 = tpu.memref_squeeze %dma_start3A_28 : memref<1x10000x64xf32, #tpu.memory_space<hbm>> -> memref<10000x64xf32, #tpu.memory_space<hbm>>
    %dma_start3A_30 = arith.constant 0 : i32
    %dma_start3A_31 = arith.constant 0 : i32
    %dma_start3A_32 = tpu.memref_slice %dma_start3A_29[%dma_start3A_30, %dma_start3A_31] : memref<10000x64xf32, #tpu.memory_space<hbm>> -> memref<10000x64xf32, #tpu.memory_space<hbm>>
    tpu.enqueue_indirect_dma source(%dma_start3A_32 : memref<10000x64xf32, #tpu.memory_space<hbm>>) target(%arg12 : memref<125x64xf32, #tpu.memory_space<vmem>>) offsets(%dma_start3A_25 : memref<125xi32, #tpu.memory_space<vmem>>) semaphore(%arg20 : memref<!tpu.dma_semaphore, #tpu.memory_space<semaphore_mem>>)
    %add3A_33 = arith.constant 1 : i32
    %add3A_34 = arith.addi %mul3A_0, %add3A_33 : i32
    %dma_start3A_35 = arith.constant 0 : i32
    %dma_start3A_36 = arith.constant 0 : i32
    %dma_start3A_37 = tpu.memref_slice %arg5[%add3A_34, %dma_start3A_35, %dma_start3A_36] : memref<2560x125x16xf32, #tpu.memory_space<hbm>> -> memref<1x125x16xf32, #tpu.memory_space<hbm>>
    %dma_start3A_38 = tpu.memref_squeeze %dma_start3A_37 : memref<1x125x16xf32, #tpu.memory_space<hbm>> -> memref<125x16xf32, #tpu.memory_space<hbm>>
    %dma_start3A_39 = arith.constant 0 : i32
    %dma_start3A_40 = arith.constant 0 : i32
    %dma_start3A_41 = tpu.memref_slice %arg5[%add3A_34, %dma_start3A_39, %dma_start3A_40] : memref<2560x125x16xf32, #tpu.memory_space<hbm>> -> memref<1x125x16xf32, #tpu.memory_space<hbm>>
    %dma_start3A_42 = tpu.memref_squeeze %dma_start3A_41 : memref<1x125x16xf32, #tpu.memory_space<hbm>> -> memref<125x16xf32, #tpu.memory_space<hbm>>
    tpu.enqueue_dma source(%dma_start3A_42 : memref<125x16xf32, #tpu.memory_space<hbm>>) target(%arg16 : memref<125x16xf32, #tpu.memory_space<vmem>>) target_semaphore(%arg28 : memref<!tpu.dma_semaphore, #tpu.memory_space<semaphore_mem>>)
    %dma_start3A_43 = arith.constant 2 : i32
    %dma_start3A_44 = arith.constant 0 : i32
    %dma_start3A_45 = tpu.memref_slice %arg8[%dma_start3A_43, %dma_start3A_44] : memref<160x125xi32, #tpu.memory_space<vmem>> -> memref<1x125xi32, #tpu.memory_space<vmem>>
    %dma_start3A_46 = tpu.memref_squeeze %dma_start3A_45 : memref<1x125xi32, #tpu.memory_space<vmem>> -> memref<125xi32, #tpu.memory_space<vmem>>
    %dma_start3A_47 = arith.constant 0 : i32
    %dma_start3A_48 = arith.constant 0 : i32
    %dma_start3A_49 = tpu.memref_slice %arg2[%arg0, %dma_start3A_47, %dma_start3A_48] : memref<2x10000x64xf32, #tpu.memory_space<hbm>> -> memref<1x10000x64xf32, #tpu.memory_space<hbm>>
    %dma_start3A_50 = tpu.memref_squeeze %dma_start3A_49 : memref<1x10000x64xf32, #tpu.memory_space<hbm>> -> memref<10000x64xf32, #tpu.memory_space<hbm>>
    %dma_start3A_51 = arith.constant 0 : i32
    %dma_start3A_52 = arith.constant 0 : i32
    %dma_start3A_53 = tpu.memref_slice %dma_start3A_50[%dma_start3A_51, %dma_start3A_52] : memref<10000x64xf32, #tpu.memory_space<hbm>> -> memref<10000x64xf32, #tpu.memory_space<hbm>>
    tpu.enqueue_indirect_dma source(%dma_start3A_53 : memref<10000x64xf32, #tpu.memory_space<hbm>>) target(%arg13 : memref<125x64xf32, #tpu.memory_space<vmem>>) offsets(%dma_start3A_46 : memref<125xi32, #tpu.memory_space<vmem>>) semaphore(%arg21 : memref<!tpu.dma_semaphore, #tpu.memory_space<semaphore_mem>>)
    %add3A_54 = arith.constant 2 : i32
    %add3A_55 = arith.addi %mul3A_0, %add3A_54 : i32
    %dma_start3A_56 = arith.constant 0 : i32
    %dma_start3A_57 = arith.constant 0 : i32
    %dma_start3A_58 = tpu.memref_slice %arg5[%add3A_55, %dma_start3A_56, %dma_start3A_57] : memref<2560x125x16xf32, #tpu.memory_space<hbm>> -> memref<1x125x16xf32, #tpu.memory_space<hbm>>
    %dma_start3A_59 = tpu.memref_squeeze %dma_start3A_58 : memref<1x125x16xf32, #tpu.memory_space<hbm>> -> memref<125x16xf32, #tpu.memory_space<hbm>>
    %dma_start3A_60 = arith.constant 0 : i32
    %dma_start3A_61 = arith.constant 0 : i32
    %dma_start3A_62 = tpu.memref_slice %arg5[%add3A_55, %dma_start3A_60, %dma_start3A_61] : memref<2560x125x16xf32, #tpu.memory_space<hbm>> -> memref<1x125x16xf32, #tpu.memory_space<hbm>>
    %dma_start3A_63 = tpu.memref_squeeze %dma_start3A_62 : memref<1x125x16xf32, #tpu.memory_space<hbm>> -> memref<125x16xf32, #tpu.memory_space<hbm>>
    tpu.enqueue_dma source(%dma_start3A_63 : memref<125x16xf32, #tpu.memory_space<hbm>>) target(%arg17 : memref<125x16xf32, #tpu.memory_space<vmem>>) target_semaphore(%arg29 : memref<!tpu.dma_semaphore, #tpu.memory_space<semaphore_mem>>)
    %dma_start3A_64 = arith.constant 3 : i32
    %dma_start3A_65 = arith.constant 0 : i32
    %dma_start3A_66 = tpu.memref_slice %arg8[%dma_start3A_64, %dma_start3A_65] : memref<160x125xi32, #tpu.memory_space<vmem>> -> memref<1x125xi32, #tpu.memory_space<vmem>>
    %dma_start3A_67 = tpu.memref_squeeze %dma_start3A_66 : memref<1x125xi32, #tpu.memory_space<vmem>> -> memref<125xi32, #tpu.memory_space<vmem>>
    %dma_start3A_68 = arith.constant 0 : i32
    %dma_start3A_69 = arith.constant 0 : i32
    %dma_start3A_70 = tpu.memref_slice %arg2[%arg0, %dma_start3A_68, %dma_start3A_69] : memref<2x10000x64xf32, #tpu.memory_space<hbm>> -> memref<1x10000x64xf32, #tpu.memory_space<hbm>>
    %dma_start3A_71 = tpu.memref_squeeze %dma_start3A_70 : memref<1x10000x64xf32, #tpu.memory_space<hbm>> -> memref<10000x64xf32, #tpu.memory_space<hbm>>
    %dma_start3A_72 = arith.constant 0 : i32
    %dma_start3A_73 = arith.constant 0 : i32
    %dma_start3A_74 = tpu.memref_slice %dma_start3A_71[%dma_start3A_72, %dma_start3A_73] : memref<10000x64xf32, #tpu.memory_space<hbm>> -> memref<10000x64xf32, #tpu.memory_space<hbm>>
    tpu.enqueue_indirect_dma source(%dma_start3A_74 : memref<10000x64xf32, #tpu.memory_space<hbm>>) target(%arg14 : memref<125x64xf32, #tpu.memory_space<vmem>>) offsets(%dma_start3A_67 : memref<125xi32, #tpu.memory_space<vmem>>) semaphore(%arg22 : memref<!tpu.dma_semaphore, #tpu.memory_space<semaphore_mem>>)
    %add3A_75 = arith.constant 3 : i32
    %add3A_76 = arith.addi %mul3A_0, %add3A_75 : i32
    %dma_start3A_77 = arith.constant 0 : i32
    %dma_start3A_78 = arith.constant 0 : i32
    %dma_start3A_79 = tpu.memref_slice %arg5[%add3A_76, %dma_start3A_77, %dma_start3A_78] : memref<2560x125x16xf32, #tpu.memory_space<hbm>> -> memref<1x125x16xf32, #tpu.memory_space<hbm>>
    %dma_start3A_80 = tpu.memref_squeeze %dma_start3A_79 : memref<1x125x16xf32, #tpu.memory_space<hbm>> -> memref<125x16xf32, #tpu.memory_space<hbm>>
    %dma_start3A_81 = arith.constant 0 : i32
    %dma_start3A_82 = arith.constant 0 : i32
    %dma_start3A_83 = tpu.memref_slice %arg5[%add3A_76, %dma_start3A_81, %dma_start3A_82] : memref<2560x125x16xf32, #tpu.memory_space<hbm>> -> memref<1x125x16xf32, #tpu.memory_space<hbm>>
    %dma_start3A_84 = tpu.memref_squeeze %dma_start3A_83 : memref<1x125x16xf32, #tpu.memory_space<hbm>> -> memref<125x16xf32, #tpu.memory_space<hbm>>
    tpu.enqueue_dma source(%dma_start3A_84 : memref<125x16xf32, #tpu.memory_space<hbm>>) target(%arg18 : memref<125x16xf32, #tpu.memory_space<vmem>>) target_semaphore(%arg30 : memref<!tpu.dma_semaphore, #tpu.memory_space<semaphore_mem>>)
    %scan3A = arith.constant 0 : i32
    %scan3A_85 = arith.constant 40 : i32
    %scan3A_86 = arith.addi %scan3A, %scan3A_85 : i32
    %scan3A_87 = arith.constant 1 : i32
    scf.for %scan3A_94 = %scan3A to %scan3A_86 step %scan3A_87  : i32 {
      %mul3A_95 = arith.constant 1 : i32
      %mul3A_96 = arith.muli %scan3A_94, %mul3A_95 : i32
      %add3A_97 = arith.constant 0 : i32
      %add3A_98 = arith.addi %add3A_97, %mul3A_96 : i32
      %mul3A_99 = arith.constant 4 : i32
      %mul3A_100 = arith.muli %add3A_98, %mul3A_99 : i32
      %add3A_101 = arith.constant 0 : i32
      %add3A_102 = arith.addi %mul3A_100, %add3A_101 : i32
      %dma_wait3A = arith.constant 0 : i32
      %dma_wait3A_103 = tpu.memref_slice %arg8[%add3A_102, %dma_wait3A] : memref<160x125xi32, #tpu.memory_space<vmem>> -> memref<1x125xi32, #tpu.memory_space<vmem>>
      %dma_wait3A_104 = tpu.memref_squeeze %dma_wait3A_103 : memref<1x125xi32, #tpu.memory_space<vmem>> -> memref<125xi32, #tpu.memory_space<vmem>>
      %dma_wait3A_105 = arith.constant 0 : i32
      %dma_wait3A_106 = arith.constant 0 : i32
      %dma_wait3A_107 = tpu.memref_slice %arg2[%arg0, %dma_wait3A_105, %dma_wait3A_106] : memref<2x10000x64xf32, #tpu.memory_space<hbm>> -> memref<1x10000x64xf32, #tpu.memory_space<hbm>>
      %dma_wait3A_108 = tpu.memref_squeeze %dma_wait3A_107 : memref<1x10000x64xf32, #tpu.memory_space<hbm>> -> memref<10000x64xf32, #tpu.memory_space<hbm>>
      %dma_wait3A_109 = arith.constant 0 : i32
      %dma_wait3A_110 = arith.constant 0 : i32
      %dma_wait3A_111 = tpu.memref_slice %dma_wait3A_108[%dma_wait3A_109, %dma_wait3A_110] : memref<10000x64xf32, #tpu.memory_space<hbm>> -> memref<10000x64xf32, #tpu.memory_space<hbm>>
      tpu.wait_indirect_dma semaphore(%arg19 : memref<!tpu.dma_semaphore, #tpu.memory_space<semaphore_mem>>) src(%dma_wait3A_111 : memref<10000x64xf32, #tpu.memory_space<hbm>>) dst(%arg11 : memref<125x64xf32, #tpu.memory_space<vmem>>)
      %add3A_112 = arith.addi %mul3A_0, %mul3A_100 : i32
      %add3A_113 = arith.constant 0 : i32
      %add3A_114 = arith.addi %add3A_112, %add3A_113 : i32
      %dma_wait3A_115 = arith.constant 0 : i32
      %dma_wait3A_116 = arith.constant 0 : i32
      %dma_wait3A_117 = tpu.memref_slice %arg5[%add3A_114, %dma_wait3A_115, %dma_wait3A_116] : memref<2560x125x16xf32, #tpu.memory_space<hbm>> -> memref<1x125x16xf32, #tpu.memory_space<hbm>>
      %dma_wait3A_118 = tpu.memref_squeeze %dma_wait3A_117 : memref<1x125x16xf32, #tpu.memory_space<hbm>> -> memref<125x16xf32, #tpu.memory_space<hbm>>
      %dma_wait3A_119 = arith.constant 0 : i32
      %dma_wait3A_120 = arith.constant 0 : i32
      %dma_wait3A_121 = tpu.memref_slice %arg5[%add3A_114, %dma_wait3A_119, %dma_wait3A_120] : memref<2560x125x16xf32, #tpu.memory_space<hbm>> -> memref<1x125x16xf32, #tpu.memory_space<hbm>>
      %dma_wait3A_122 = tpu.memref_squeeze %dma_wait3A_121 : memref<1x125x16xf32, #tpu.memory_space<hbm>> -> memref<125x16xf32, #tpu.memory_space<hbm>>
      tpu.wait_dma2 semaphore(%arg27 : memref<!tpu.dma_semaphore, #tpu.memory_space<semaphore_mem>>) src(%dma_wait3A_122 : memref<125x16xf32, #tpu.memory_space<hbm>>) dst(%arg15 : memref<125x16xf32, #tpu.memory_space<vmem>>)
      %scan3A_123 = arith.constant 0 : i32
      %scan3A_124 = arith.constant 125 : i32
      %scan3A_125 = arith.addi %scan3A_123, %scan3A_124 : i32
      %scan3A_126 = arith.constant 1 : i32
      scf.for %scan3A_301 = %scan3A_123 to %scan3A_125 step %scan3A_126  : i32 {
        %mul3A_302 = arith.constant 1 : i32
        %mul3A_303 = arith.muli %scan3A_301, %mul3A_302 : i32
        %add3A_304 = arith.constant 0 : i32
        %add3A_305 = arith.addi %add3A_304, %mul3A_303 : i32
        %get3A = arith.index_cast %add3A_305 : i32 to index
        %get3A_306 = arith.constant 0 : index
        %get3A_307 = tpu.vector_load %arg15[%get3A, %get3A_306] {strides = array<i32>} : memref<125x16xf32, #tpu.memory_space<vmem>>, vector<1x16xf32>,
        %get3A_308 = vector.shape_cast %get3A_307 : vector<1x16xf32> to vector<16xf32>
        %get3A_309 = arith.index_cast %add3A_305 : i32 to index
        %get3A_310 = arith.constant 0 : index
        %get3A_311 = tpu.vector_load %arg11[%get3A_309, %get3A_310] {strides = array<i32>} : memref<125x64xf32, #tpu.memory_space<vmem>>, vector<1x16xf32>,
        %get3A_312 = vector.shape_cast %get3A_311 : vector<1x16xf32> to vector<16xf32>
        %mul3A_313 = arith.mulf %get3A_312, %get3A_308 : vector<16xf32>
        %swap3A = arith.index_cast %add3A_305 : i32 to index
        %swap3A_314 = arith.constant 0 : index
        %swap3A_315 = tpu.vector_load %arg11[%swap3A, %swap3A_314] {strides = array<i32>} : memref<125x64xf32, #tpu.memory_space<vmem>>, vector<1x16xf32>,
        %swap3A_316 = vector.shape_cast %swap3A_315 : vector<1x16xf32> to vector<16xf32>
        %swap3A_317 = vector.shape_cast %mul3A_313 : vector<16xf32> to vector<1x16xf32>
        tpu.vector_store %arg11[%swap3A, %swap3A_314], %swap3A_317 {strides = array<i32>} : memref<125x64xf32, #tpu.memory_space<vmem>>, vector<1x16xf32>,
        %get3A_318 = arith.index_cast %add3A_305 : i32 to index
        %get3A_319 = arith.constant 16 : index
        %get3A_320 = tpu.vector_load %arg11[%get3A_318, %get3A_319] {strides = array<i32>} : memref<125x64xf32, #tpu.memory_space<vmem>>, vector<1x16xf32>,
        %get3A_321 = vector.shape_cast %get3A_320 : vector<1x16xf32> to vector<16xf32>
        %mul3A_322 = arith.mulf %get3A_321, %get3A_308 : vector<16xf32>
        %swap3A_323 = arith.index_cast %add3A_305 : i32 to index
        %swap3A_324 = arith.constant 16 : index
        %swap3A_325 = tpu.vector_load %arg11[%swap3A_323, %swap3A_324] {strides = array<i32>} : memref<125x64xf32, #tpu.memory_space<vmem>>, vector<1x16xf32>,
        %swap3A_326 = vector.shape_cast %swap3A_325 : vector<1x16xf32> to vector<16xf32>
        %swap3A_327 = vector.shape_cast %mul3A_322 : vector<16xf32> to vector<1x16xf32>
        tpu.vector_store %arg11[%swap3A_323, %swap3A_324], %swap3A_327 {strides = array<i32>} : memref<125x64xf32, #tpu.memory_space<vmem>>, vector<1x16xf32>,
        %get3A_328 = arith.index_cast %add3A_305 : i32 to index
        %get3A_329 = arith.constant 32 : index
        %get3A_330 = tpu.vector_load %arg11[%get3A_328, %get3A_329] {strides = array<i32>} : memref<125x64xf32, #tpu.memory_space<vmem>>, vector<1x16xf32>,
        %get3A_331 = vector.shape_cast %get3A_330 : vector<1x16xf32> to vector<16xf32>
        %mul3A_332 = arith.mulf %get3A_331, %get3A_308 : vector<16xf32>
        %swap3A_333 = arith.index_cast %add3A_305 : i32 to index
        %swap3A_334 = arith.constant 32 : index
        %swap3A_335 = tpu.vector_load %arg11[%swap3A_333, %swap3A_334] {strides = array<i32>} : memref<125x64xf32, #tpu.memory_space<vmem>>, vector<1x16xf32>,
        %swap3A_336 = vector.shape_cast %swap3A_335 : vector<1x16xf32> to vector<16xf32>
        %swap3A_337 = vector.shape_cast %mul3A_332 : vector<16xf32> to vector<1x16xf32>
        tpu.vector_store %arg11[%swap3A_333, %swap3A_334], %swap3A_337 {strides = array<i32>} : memref<125x64xf32, #tpu.memory_space<vmem>>, vector<1x16xf32>,
        %get3A_338 = arith.index_cast %add3A_305 : i32 to index
        %get3A_339 = arith.constant 48 : index
        %get3A_340 = tpu.vector_load %arg11[%get3A_338, %get3A_339] {strides = array<i32>} : memref<125x64xf32, #tpu.memory_space<vmem>>, vector<1x16xf32>,
        %get3A_341 = vector.shape_cast %get3A_340 : vector<1x16xf32> to vector<16xf32>
        %mul3A_342 = arith.mulf %get3A_341, %get3A_308 : vector<16xf32>
        %swap3A_343 = arith.index_cast %add3A_305 : i32 to index
        %swap3A_344 = arith.constant 48 : index
        %swap3A_345 = tpu.vector_load %arg11[%swap3A_343, %swap3A_344] {strides = array<i32>} : memref<125x64xf32, #tpu.memory_space<vmem>>, vector<1x16xf32>,
        %swap3A_346 = vector.shape_cast %swap3A_345 : vector<1x16xf32> to vector<16xf32>
        %swap3A_347 = vector.shape_cast %mul3A_342 : vector<16xf32> to vector<1x16xf32>
        tpu.vector_store %arg11[%swap3A_343, %swap3A_344], %swap3A_347 {strides = array<i32>} : memref<125x64xf32, #tpu.memory_space<vmem>>, vector<1x16xf32>,
      }
      %scan3A_127 = arith.constant 125 : i32
      %add3A_128 = arith.constant 0 : i32
      %add3A_129 = arith.addi %mul3A_100, %add3A_128 : i32
      %dma_start3A_130 = arith.constant 0 : i32
      %dma_start3A_131 = tpu.memref_slice %arg9[%add3A_129, %dma_start3A_130] : memref<160x125xi32, #tpu.memory_space<vmem>> -> memref<1x125xi32, #tpu.memory_space<vmem>>
      %dma_start3A_132 = tpu.memref_squeeze %dma_start3A_131 : memref<1x125xi32, #tpu.memory_space<vmem>> -> memref<125xi32, #tpu.memory_space<vmem>>
      %dma_start3A_133 = arith.constant 0 : i32
      %dma_start3A_134 = arith.constant 0 : i32
      %dma_start3A_135 = tpu.memref_slice %arg10[%dma_start3A_133, %dma_start3A_134] : memref<10240x64xf32, #tpu.memory_space<vmem_shared>> -> memref<10240x64xf32, #tpu.memory_space<vmem_shared>>
      tpu.enqueue_indirect_dma source(%arg11 : memref<125x64xf32, #tpu.memory_space<vmem>>) target(%dma_start3A_135 : memref<10240x64xf32, #tpu.memory_space<vmem_shared>>) offsets(%dma_start3A_132 : memref<125xi32, #tpu.memory_space<vmem>>) semaphore(%arg23 : memref<!tpu.dma_semaphore, #tpu.memory_space<semaphore_mem>>) {add = true}
      %add3A_136 = arith.constant 1 : i32
      %add3A_137 = arith.addi %mul3A_100, %add3A_136 : i32
      %dma_wait3A_138 = arith.constant 0 : i32
      %dma_wait3A_139 = tpu.memref_slice %arg8[%add3A_137, %dma_wait3A_138] : memref<160x125xi32, #tpu.memory_space<vmem>> -> memref<1x125xi32, #tpu.memory_space<vmem>>
      %dma_wait3A_140 = tpu.memref_squeeze %dma_wait3A_139 : memref<1x125xi32, #tpu.memory_space<vmem>> -> memref<125xi32, #tpu.memory_space<vmem>>
      %dma_wait3A_141 = arith.constant 0 : i32
      %dma_wait3A_142 = arith.constant 0 : i32
      %dma_wait3A_143 = tpu.memref_slice %arg2[%arg0, %dma_wait3A_141, %dma_wait3A_142] : memref<2x10000x64xf32, #tpu.memory_space<hbm>> -> memref<1x10000x64xf32, #tpu.memory_space<hbm>>
      %dma_wait3A_144 = tpu.memref_squeeze %dma_wait3A_143 : memref<1x10000x64xf32, #tpu.memory_space<hbm>> -> memref<10000x64xf32, #tpu.memory_space<hbm>>
      %dma_wait3A_145 = arith.constant 0 : i32
      %dma_wait3A_146 = arith.constant 0 : i32
      %dma_wait3A_147 = tpu.memref_slice %dma_wait3A_144[%dma_wait3A_145, %dma_wait3A_146] : memref<10000x64xf32, #tpu.memory_space<hbm>> -> memref<10000x64xf32, #tpu.memory_space<hbm>>
      tpu.wait_indirect_dma semaphore(%arg20 : memref<!tpu.dma_semaphore, #tpu.memory_space<semaphore_mem>>) src(%dma_wait3A_147 : memref<10000x64xf32, #tpu.memory_space<hbm>>) dst(%arg12 : memref<125x64xf32, #tpu.memory_space<vmem>>)
      %add3A_148 = arith.addi %mul3A_0, %mul3A_100 : i32
      %add3A_149 = arith.constant 1 : i32
      %add3A_150 = arith.addi %add3A_148, %add3A_149 : i32
      %dma_wait3A_151 = arith.constant 0 : i32
      %dma_wait3A_152 = arith.constant 0 : i32
      %dma_wait3A_153 = tpu.memref_slice %arg5[%add3A_150, %dma_wait3A_151, %dma_wait3A_152] : memref<2560x125x16xf32, #tpu.memory_space<hbm>> -> memref<1x125x16xf32, #tpu.memory_space<hbm>>
      %dma_wait3A_154 = tpu.memref_squeeze %dma_wait3A_153 : memref<1x125x16xf32, #tpu.memory_space<hbm>> -> memref<125x16xf32, #tpu.memory_space<hbm>>
      %dma_wait3A_155 = arith.constant 0 : i32
      %dma_wait3A_156 = arith.constant 0 : i32
      %dma_wait3A_157 = tpu.memref_slice %arg5[%add3A_150, %dma_wait3A_155, %dma_wait3A_156] : memref<2560x125x16xf32, #tpu.memory_space<hbm>> -> memref<1x125x16xf32, #tpu.memory_space<hbm>>
      %dma_wait3A_158 = tpu.memref_squeeze %dma_wait3A_157 : memref<1x125x16xf32, #tpu.memory_space<hbm>> -> memref<125x16xf32, #tpu.memory_space<hbm>>
      tpu.wait_dma2 semaphore(%arg28 : memref<!tpu.dma_semaphore, #tpu.memory_space<semaphore_mem>>) src(%dma_wait3A_158 : memref<125x16xf32, #tpu.memory_space<hbm>>) dst(%arg16 : memref<125x16xf32, #tpu.memory_space<vmem>>)
      %scan3A_159 = arith.constant 0 : i32
      %scan3A_160 = arith.constant 125 : i32
      %scan3A_161 = arith.addi %scan3A_159, %scan3A_160 : i32
      %scan3A_162 = arith.constant 1 : i32
      scf.for %scan3A_301 = %scan3A_159 to %scan3A_161 step %scan3A_162  : i32 {
        %mul3A_302 = arith.constant 1 : i32
        %mul3A_303 = arith.muli %scan3A_301, %mul3A_302 : i32
        %add3A_304 = arith.constant 0 : i32
        %add3A_305 = arith.addi %add3A_304, %mul3A_303 : i32
        %get3A = arith.index_cast %add3A_305 : i32 to index
        %get3A_306 = arith.constant 0 : index
        %get3A_307 = tpu.vector_load %arg16[%get3A, %get3A_306] {strides = array<i32>} : memref<125x16xf32, #tpu.memory_space<vmem>>, vector<1x16xf32>,
        %get3A_308 = vector.shape_cast %get3A_307 : vector<1x16xf32> to vector<16xf32>
        %get3A_309 = arith.index_cast %add3A_305 : i32 to index
        %get3A_310 = arith.constant 0 : index
        %get3A_311 = tpu.vector_load %arg12[%get3A_309, %get3A_310] {strides = array<i32>} : memref<125x64xf32, #tpu.memory_space<vmem>>, vector<1x16xf32>,
        %get3A_312 = vector.shape_cast %get3A_311 : vector<1x16xf32> to vector<16xf32>
        %mul3A_313 = arith.mulf %get3A_312, %get3A_308 : vector<16xf32>
        %swap3A = arith.index_cast %add3A_305 : i32 to index
        %swap3A_314 = arith.constant 0 : index
        %swap3A_315 = tpu.vector_load %arg12[%swap3A, %swap3A_314] {strides = array<i32>} : memref<125x64xf32, #tpu.memory_space<vmem>>, vector<1x16xf32>,
        %swap3A_316 = vector.shape_cast %swap3A_315 : vector<1x16xf32> to vector<16xf32>
        %swap3A_317 = vector.shape_cast %mul3A_313 : vector<16xf32> to vector<1x16xf32>
        tpu.vector_store %arg12[%swap3A, %swap3A_314], %swap3A_317 {strides = array<i32>} : memref<125x64xf32, #tpu.memory_space<vmem>>, vector<1x16xf32>,
        %get3A_318 = arith.index_cast %add3A_305 : i32 to index
        %get3A_319 = arith.constant 16 : index
        %get3A_320 = tpu.vector_load %arg12[%get3A_318, %get3A_319] {strides = array<i32>} : memref<125x64xf32, #tpu.memory_space<vmem>>, vector<1x16xf32>,
        %get3A_321 = vector.shape_cast %get3A_320 : vector<1x16xf32> to vector<16xf32>
        %mul3A_322 = arith.mulf %get3A_321, %get3A_308 : vector<16xf32>
        %swap3A_323 = arith.index_cast %add3A_305 : i32 to index
        %swap3A_324 = arith.constant 16 : index
        %swap3A_325 = tpu.vector_load %arg12[%swap3A_323, %swap3A_324] {strides = array<i32>} : memref<125x64xf32, #tpu.memory_space<vmem>>, vector<1x16xf32>,
        %swap3A_326 = vector.shape_cast %swap3A_325 : vector<1x16xf32> to vector<16xf32>
        %swap3A_327 = vector.shape_cast %mul3A_322 : vector<16xf32> to vector<1x16xf32>
        tpu.vector_store %arg12[%swap3A_323, %swap3A_324], %swap3A_327 {strides = array<i32>} : memref<125x64xf32, #tpu.memory_space<vmem>>, vector<1x16xf32>,
        %get3A_328 = arith.index_cast %add3A_305 : i32 to index
        %get3A_329 = arith.constant 32 : index
        %get3A_330 = tpu.vector_load %arg12[%get3A_328, %get3A_329] {strides = array<i32>} : memref<125x64xf32, #tpu.memory_space<vmem>>, vector<1x16xf32>,
        %get3A_331 = vector.shape_cast %get3A_330 : vector<1x16xf32> to vector<16xf32>
        %mul3A_332 = arith.mulf %get3A_331, %get3A_308 : vector<16xf32>
        %swap3A_333 = arith.index_cast %add3A_305 : i32 to index
        %swap3A_334 = arith.constant 32 : index
        %swap3A_335 = tpu.vector_load %arg12[%swap3A_333, %swap3A_334] {strides = array<i32>} : memref<125x64xf32, #tpu.memory_space<vmem>>, vector<1x16xf32>,
        %swap3A_336 = vector.shape_cast %swap3A_335 : vector<1x16xf32> to vector<16xf32>
        %swap3A_337 = vector.shape_cast %mul3A_332 : vector<16xf32> to vector<1x16xf32>
        tpu.vector_store %arg12[%swap3A_333, %swap3A_334], %swap3A_337 {strides = array<i32>} : memref<125x64xf32, #tpu.memory_space<vmem>>, vector<1x16xf32>,
        %get3A_338 = arith.index_cast %add3A_305 : i32 to index
        %get3A_339 = arith.constant 48 : index
        %get3A_340 = tpu.vector_load %arg12[%get3A_338, %get3A_339] {strides = array<i32>} : memref<125x64xf32, #tpu.memory_space<vmem>>, vector<1x16xf32>,
        %get3A_341 = vector.shape_cast %get3A_340 : vector<1x16xf32> to vector<16xf32>
        %mul3A_342 = arith.mulf %get3A_341, %get3A_308 : vector<16xf32>
        %swap3A_343 = arith.index_cast %add3A_305 : i32 to index
        %swap3A_344 = arith.constant 48 : index
        %swap3A_345 = tpu.vector_load %arg12[%swap3A_343, %swap3A_344] {strides = array<i32>} : memref<125x64xf32, #tpu.memory_space<vmem>>, vector<1x16xf32>,
        %swap3A_346 = vector.shape_cast %swap3A_345 : vector<1x16xf32> to vector<16xf32>
        %swap3A_347 = vector.shape_cast %mul3A_342 : vector<16xf32> to vector<1x16xf32>
        tpu.vector_store %arg12[%swap3A_343, %swap3A_344], %swap3A_347 {strides = array<i32>} : memref<125x64xf32, #tpu.memory_space<vmem>>, vector<1x16xf32>,
      }
      %scan3A_163 = arith.constant 125 : i32
      %add3A_164 = arith.constant 1 : i32
      %add3A_165 = arith.addi %mul3A_100, %add3A_164 : i32
      %dma_start3A_166 = arith.constant 0 : i32
      %dma_start3A_167 = tpu.memref_slice %arg9[%add3A_165, %dma_start3A_166] : memref<160x125xi32, #tpu.memory_space<vmem>> -> memref<1x125xi32, #tpu.memory_space<vmem>>
      %dma_start3A_168 = tpu.memref_squeeze %dma_start3A_167 : memref<1x125xi32, #tpu.memory_space<vmem>> -> memref<125xi32, #tpu.memory_space<vmem>>
      %dma_start3A_169 = arith.constant 0 : i32
      %dma_start3A_170 = arith.constant 0 : i32
      %dma_start3A_171 = tpu.memref_slice %arg10[%dma_start3A_169, %dma_start3A_170] : memref<10240x64xf32, #tpu.memory_space<vmem_shared>> -> memref<10240x64xf32, #tpu.memory_space<vmem_shared>>
      tpu.enqueue_indirect_dma source(%arg12 : memref<125x64xf32, #tpu.memory_space<vmem>>) target(%dma_start3A_171 : memref<10240x64xf32, #tpu.memory_space<vmem_shared>>) offsets(%dma_start3A_168 : memref<125xi32, #tpu.memory_space<vmem>>) semaphore(%arg24 : memref<!tpu.dma_semaphore, #tpu.memory_space<semaphore_mem>>) {add = true}
      %add3A_172 = arith.constant 2 : i32
      %add3A_173 = arith.addi %mul3A_100, %add3A_172 : i32
      %dma_wait3A_174 = arith.constant 0 : i32
      %dma_wait3A_175 = tpu.memref_slice %arg8[%add3A_173, %dma_wait3A_174] : memref<160x125xi32, #tpu.memory_space<vmem>> -> memref<1x125xi32, #tpu.memory_space<vmem>>
      %dma_wait3A_176 = tpu.memref_squeeze %dma_wait3A_175 : memref<1x125xi32, #tpu.memory_space<vmem>> -> memref<125xi32, #tpu.memory_space<vmem>>
      %dma_wait3A_177 = arith.constant 0 : i32
      %dma_wait3A_178 = arith.constant 0 : i32
      %dma_wait3A_179 = tpu.memref_slice %arg2[%arg0, %dma_wait3A_177, %dma_wait3A_178] : memref<2x10000x64xf32, #tpu.memory_space<hbm>> -> memref<1x10000x64xf32, #tpu.memory_space<hbm>>
      %dma_wait3A_180 = tpu.memref_squeeze %dma_wait3A_179 : memref<1x10000x64xf32, #tpu.memory_space<hbm>> -> memref<10000x64xf32, #tpu.memory_space<hbm>>
      %dma_wait3A_181 = arith.constant 0 : i32
      %dma_wait3A_182 = arith.constant 0 : i32
      %dma_wait3A_183 = tpu.memref_slice %dma_wait3A_180[%dma_wait3A_181, %dma_wait3A_182] : memref<10000x64xf32, #tpu.memory_space<hbm>> -> memref<10000x64xf32, #tpu.memory_space<hbm>>
      tpu.wait_indirect_dma semaphore(%arg21 : memref<!tpu.dma_semaphore, #tpu.memory_space<semaphore_mem>>) src(%dma_wait3A_183 : memref<10000x64xf32, #tpu.memory_space<hbm>>) dst(%arg13 : memref<125x64xf32, #tpu.memory_space<vmem>>)
      %add3A_184 = arith.addi %mul3A_0, %mul3A_100 : i32
      %add3A_185 = arith.constant 2 : i32
      %add3A_186 = arith.addi %add3A_184, %add3A_185 : i32
      %dma_wait3A_187 = arith.constant 0 : i32
      %dma_wait3A_188 = arith.constant 0 : i32
      %dma_wait3A_189 = tpu.memref_slice %arg5[%add3A_186, %dma_wait3A_187, %dma_wait3A_188] : memref<2560x125x16xf32, #tpu.memory_space<hbm>> -> memref<1x125x16xf32, #tpu.memory_space<hbm>>
      %dma_wait3A_190 = tpu.memref_squeeze %dma_wait3A_189 : memref<1x125x16xf32, #tpu.memory_space<hbm>> -> memref<125x16xf32, #tpu.memory_space<hbm>>
      %dma_wait3A_191 = arith.constant 0 : i32
      %dma_wait3A_192 = arith.constant 0 : i32
      %dma_wait3A_193 = tpu.memref_slice %arg5[%add3A_186, %dma_wait3A_191, %dma_wait3A_192] : memref<2560x125x16xf32, #tpu.memory_space<hbm>> -> memref<1x125x16xf32, #tpu.memory_space<hbm>>
      %dma_wait3A_194 = tpu.memref_squeeze %dma_wait3A_193 : memref<1x125x16xf32, #tpu.memory_space<hbm>> -> memref<125x16xf32, #tpu.memory_space<hbm>>
      tpu.wait_dma2 semaphore(%arg29 : memref<!tpu.dma_semaphore, #tpu.memory_space<semaphore_mem>>) src(%dma_wait3A_194 : memref<125x16xf32, #tpu.memory_space<hbm>>) dst(%arg17 : memref<125x16xf32, #tpu.memory_space<vmem>>)
      %scan3A_195 = arith.constant 0 : i32
      %scan3A_196 = arith.constant 125 : i32
      %scan3A_197 = arith.addi %scan3A_195, %scan3A_196 : i32
      %scan3A_198 = arith.constant 1 : i32
      scf.for %scan3A_301 = %scan3A_195 to %scan3A_197 step %scan3A_198  : i32 {
        %mul3A_302 = arith.constant 1 : i32
        %mul3A_303 = arith.muli %scan3A_301, %mul3A_302 : i32
        %add3A_304 = arith.constant 0 : i32
        %add3A_305 = arith.addi %add3A_304, %mul3A_303 : i32
        %get3A = arith.index_cast %add3A_305 : i32 to index
        %get3A_306 = arith.constant 0 : index
        %get3A_307 = tpu.vector_load %arg17[%get3A, %get3A_306] {strides = array<i32>} : memref<125x16xf32, #tpu.memory_space<vmem>>, vector<1x16xf32>,
        %get3A_308 = vector.shape_cast %get3A_307 : vector<1x16xf32> to vector<16xf32>
        %get3A_309 = arith.index_cast %add3A_305 : i32 to index
        %get3A_310 = arith.constant 0 : index
        %get3A_311 = tpu.vector_load %arg13[%get3A_309, %get3A_310] {strides = array<i32>} : memref<125x64xf32, #tpu.memory_space<vmem>>, vector<1x16xf32>,
        %get3A_312 = vector.shape_cast %get3A_311 : vector<1x16xf32> to vector<16xf32>
        %mul3A_313 = arith.mulf %get3A_312, %get3A_308 : vector<16xf32>
        %swap3A = arith.index_cast %add3A_305 : i32 to index
        %swap3A_314 = arith.constant 0 : index
        %swap3A_315 = tpu.vector_load %arg13[%swap3A, %swap3A_314] {strides = array<i32>} : memref<125x64xf32, #tpu.memory_space<vmem>>, vector<1x16xf32>,
        %swap3A_316 = vector.shape_cast %swap3A_315 : vector<1x16xf32> to vector<16xf32>
        %swap3A_317 = vector.shape_cast %mul3A_313 : vector<16xf32> to vector<1x16xf32>
        tpu.vector_store %arg13[%swap3A, %swap3A_314], %swap3A_317 {strides = array<i32>} : memref<125x64xf32, #tpu.memory_space<vmem>>, vector<1x16xf32>,
        %get3A_318 = arith.index_cast %add3A_305 : i32 to index
        %get3A_319 = arith.constant 16 : index
        %get3A_320 = tpu.vector_load %arg13[%get3A_318, %get3A_319] {strides = array<i32>} : memref<125x64xf32, #tpu.memory_space<vmem>>, vector<1x16xf32>,
        %get3A_321 = vector.shape_cast %get3A_320 : vector<1x16xf32> to vector<16xf32>
        %mul3A_322 = arith.mulf %get3A_321, %get3A_308 : vector<16xf32>
        %swap3A_323 = arith.index_cast %add3A_305 : i32 to index
        %swap3A_324 = arith.constant 16 : index
        %swap3A_325 = tpu.vector_load %arg13[%swap3A_323, %swap3A_324] {strides = array<i32>} : memref<125x64xf32, #tpu.memory_space<vmem>>, vector<1x16xf32>,
        %swap3A_326 = vector.shape_cast %swap3A_325 : vector<1x16xf32> to vector<16xf32>
        %swap3A_327 = vector.shape_cast %mul3A_322 : vector<16xf32> to vector<1x16xf32>
        tpu.vector_store %arg13[%swap3A_323, %swap3A_324], %swap3A_327 {strides = array<i32>} : memref<125x64xf32, #tpu.memory_space<vmem>>, vector<1x16xf32>,
        %get3A_328 = arith.index_cast %add3A_305 : i32 to index
        %get3A_329 = arith.constant 32 : index
        %get3A_330 = tpu.vector_load %arg13[%get3A_328, %get3A_329] {strides = array<i32>} : memref<125x64xf32, #tpu.memory_space<vmem>>, vector<1x16xf32>,
        %get3A_331 = vector.shape_cast %get3A_330 : vector<1x16xf32> to vector<16xf32>
        %mul3A_332 = arith.mulf %get3A_331, %get3A_308 : vector<16xf32>
        %swap3A_333 = arith.index_cast %add3A_305 : i32 to index
        %swap3A_334 = arith.constant 32 : index
        %swap3A_335 = tpu.vector_load %arg13[%swap3A_333, %swap3A_334] {strides = array<i32>} : memref<125x64xf32, #tpu.memory_space<vmem>>, vector<1x16xf32>,
        %swap3A_336 = vector.shape_cast %swap3A_335 : vector<1x16xf32> to vector<16xf32>
        %swap3A_337 = vector.shape_cast %mul3A_332 : vector<16xf32> to vector<1x16xf32>
        tpu.vector_store %arg13[%swap3A_333, %swap3A_334], %swap3A_337 {strides = array<i32>} : memref<125x64xf32, #tpu.memory_space<vmem>>, vector<1x16xf32>,
        %get3A_338 = arith.index_cast %add3A_305 : i32 to index
        %get3A_339 = arith.constant 48 : index
        %get3A_340 = tpu.vector_load %arg13[%get3A_338, %get3A_339] {strides = array<i32>} : memref<125x64xf32, #tpu.memory_space<vmem>>, vector<1x16xf32>,
        %get3A_341 = vector.shape_cast %get3A_340 : vector<1x16xf32> to vector<16xf32>
        %mul3A_342 = arith.mulf %get3A_341, %get3A_308 : vector<16xf32>
        %swap3A_343 = arith.index_cast %add3A_305 : i32 to index
        %swap3A_344 = arith.constant 48 : index
        %swap3A_345 = tpu.vector_load %arg13[%swap3A_343, %swap3A_344] {strides = array<i32>} : memref<125x64xf32, #tpu.memory_space<vmem>>, vector<1x16xf32>,
        %swap3A_346 = vector.shape_cast %swap3A_345 : vector<1x16xf32> to vector<16xf32>
        %swap3A_347 = vector.shape_cast %mul3A_342 : vector<16xf32> to vector<1x16xf32>
        tpu.vector_store %arg13[%swap3A_343, %swap3A_344], %swap3A_347 {strides = array<i32>} : memref<125x64xf32, #tpu.memory_space<vmem>>, vector<1x16xf32>,
      }
      %scan3A_199 = arith.constant 125 : i32
      %add3A_200 = arith.constant 2 : i32
      %add3A_201 = arith.addi %mul3A_100, %add3A_200 : i32
      %dma_start3A_202 = arith.constant 0 : i32
      %dma_start3A_203 = tpu.memref_slice %arg9[%add3A_201, %dma_start3A_202] : memref<160x125xi32, #tpu.memory_space<vmem>> -> memref<1x125xi32, #tpu.memory_space<vmem>>
      %dma_start3A_204 = tpu.memref_squeeze %dma_start3A_203 : memref<1x125xi32, #tpu.memory_space<vmem>> -> memref<125xi32, #tpu.memory_space<vmem>>
      %dma_start3A_205 = arith.constant 0 : i32
      %dma_start3A_206 = arith.constant 0 : i32
      %dma_start3A_207 = tpu.memref_slice %arg10[%dma_start3A_205, %dma_start3A_206] : memref<10240x64xf32, #tpu.memory_space<vmem_shared>> -> memref<10240x64xf32, #tpu.memory_space<vmem_shared>>
      tpu.enqueue_indirect_dma source(%arg13 : memref<125x64xf32, #tpu.memory_space<vmem>>) target(%dma_start3A_207 : memref<10240x64xf32, #tpu.memory_space<vmem_shared>>) offsets(%dma_start3A_204 : memref<125xi32, #tpu.memory_space<vmem>>) semaphore(%arg25 : memref<!tpu.dma_semaphore, #tpu.memory_space<semaphore_mem>>) {add = true}
      %add3A_208 = arith.constant 3 : i32
      %add3A_209 = arith.addi %mul3A_100, %add3A_208 : i32
      %dma_wait3A_210 = arith.constant 0 : i32
      %dma_wait3A_211 = tpu.memref_slice %arg8[%add3A_209, %dma_wait3A_210] : memref<160x125xi32, #tpu.memory_space<vmem>> -> memref<1x125xi32, #tpu.memory_space<vmem>>
      %dma_wait3A_212 = tpu.memref_squeeze %dma_wait3A_211 : memref<1x125xi32, #tpu.memory_space<vmem>> -> memref<125xi32, #tpu.memory_space<vmem>>
      %dma_wait3A_213 = arith.constant 0 : i32
      %dma_wait3A_214 = arith.constant 0 : i32
      %dma_wait3A_215 = tpu.memref_slice %arg2[%arg0, %dma_wait3A_213, %dma_wait3A_214] : memref<2x10000x64xf32, #tpu.memory_space<hbm>> -> memref<1x10000x64xf32, #tpu.memory_space<hbm>>
      %dma_wait3A_216 = tpu.memref_squeeze %dma_wait3A_215 : memref<1x10000x64xf32, #tpu.memory_space<hbm>> -> memref<10000x64xf32, #tpu.memory_space<hbm>>
      %dma_wait3A_217 = arith.constant 0 : i32
      %dma_wait3A_218 = arith.constant 0 : i32
      %dma_wait3A_219 = tpu.memref_slice %dma_wait3A_216[%dma_wait3A_217, %dma_wait3A_218] : memref<10000x64xf32, #tpu.memory_space<hbm>> -> memref<10000x64xf32, #tpu.memory_space<hbm>>
      tpu.wait_indirect_dma semaphore(%arg22 : memref<!tpu.dma_semaphore, #tpu.memory_space<semaphore_mem>>) src(%dma_wait3A_219 : memref<10000x64xf32, #tpu.memory_space<hbm>>) dst(%arg14 : memref<125x64xf32, #tpu.memory_space<vmem>>)
      %add3A_220 = arith.addi %mul3A_0, %mul3A_100 : i32
      %add3A_221 = arith.constant 3 : i32
      %add3A_222 = arith.addi %add3A_220, %add3A_221 : i32
      %dma_wait3A_223 = arith.constant 0 : i32
      %dma_wait3A_224 = arith.constant 0 : i32
      %dma_wait3A_225 = tpu.memref_slice %arg5[%add3A_222, %dma_wait3A_223, %dma_wait3A_224] : memref<2560x125x16xf32, #tpu.memory_space<hbm>> -> memref<1x125x16xf32, #tpu.memory_space<hbm>>
      %dma_wait3A_226 = tpu.memref_squeeze %dma_wait3A_225 : memref<1x125x16xf32, #tpu.memory_space<hbm>> -> memref<125x16xf32, #tpu.memory_space<hbm>>
      %dma_wait3A_227 = arith.constant 0 : i32
      %dma_wait3A_228 = arith.constant 0 : i32
      %dma_wait3A_229 = tpu.memref_slice %arg5[%add3A_222, %dma_wait3A_227, %dma_wait3A_228] : memref<2560x125x16xf32, #tpu.memory_space<hbm>> -> memref<1x125x16xf32, #tpu.memory_space<hbm>>
      %dma_wait3A_230 = tpu.memref_squeeze %dma_wait3A_229 : memref<1x125x16xf32, #tpu.memory_space<hbm>> -> memref<125x16xf32, #tpu.memory_space<hbm>>
      tpu.wait_dma2 semaphore(%arg30 : memref<!tpu.dma_semaphore, #tpu.memory_space<semaphore_mem>>) src(%dma_wait3A_230 : memref<125x16xf32, #tpu.memory_space<hbm>>) dst(%arg18 : memref<125x16xf32, #tpu.memory_space<vmem>>)
      %scan3A_231 = arith.constant 0 : i32
      %scan3A_232 = arith.constant 125 : i32
      %scan3A_233 = arith.addi %scan3A_231, %scan3A_232 : i32
      %scan3A_234 = arith.constant 1 : i32
      scf.for %scan3A_301 = %scan3A_231 to %scan3A_233 step %scan3A_234  : i32 {
        %mul3A_302 = arith.constant 1 : i32
        %mul3A_303 = arith.muli %scan3A_301, %mul3A_302 : i32
        %add3A_304 = arith.constant 0 : i32
        %add3A_305 = arith.addi %add3A_304, %mul3A_303 : i32
        %get3A = arith.index_cast %add3A_305 : i32 to index
        %get3A_306 = arith.constant 0 : index
        %get3A_307 = tpu.vector_load %arg18[%get3A, %get3A_306] {strides = array<i32>} : memref<125x16xf32, #tpu.memory_space<vmem>>, vector<1x16xf32>,
        %get3A_308 = vector.shape_cast %get3A_307 : vector<1x16xf32> to vector<16xf32>
        %get3A_309 = arith.index_cast %add3A_305 : i32 to index
        %get3A_310 = arith.constant 0 : index
        %get3A_311 = tpu.vector_load %arg14[%get3A_309, %get3A_310] {strides = array<i32>} : memref<125x64xf32, #tpu.memory_space<vmem>>, vector<1x16xf32>,
        %get3A_312 = vector.shape_cast %get3A_311 : vector<1x16xf32> to vector<16xf32>
        %mul3A_313 = arith.mulf %get3A_312, %get3A_308 : vector<16xf32>
        %swap3A = arith.index_cast %add3A_305 : i32 to index
        %swap3A_314 = arith.constant 0 : index
        %swap3A_315 = tpu.vector_load %arg14[%swap3A, %swap3A_314] {strides = array<i32>} : memref<125x64xf32, #tpu.memory_space<vmem>>, vector<1x16xf32>,
        %swap3A_316 = vector.shape_cast %swap3A_315 : vector<1x16xf32> to vector<16xf32>
        %swap3A_317 = vector.shape_cast %mul3A_313 : vector<16xf32> to vector<1x16xf32>
        tpu.vector_store %arg14[%swap3A, %swap3A_314], %swap3A_317 {strides = array<i32>} : memref<125x64xf32, #tpu.memory_space<vmem>>, vector<1x16xf32>,
        %get3A_318 = arith.index_cast %add3A_305 : i32 to index
        %get3A_319 = arith.constant 16 : index
        %get3A_320 = tpu.vector_load %arg14[%get3A_318, %get3A_319] {strides = array<i32>} : memref<125x64xf32, #tpu.memory_space<vmem>>, vector<1x16xf32>,
        %get3A_321 = vector.shape_cast %get3A_320 : vector<1x16xf32> to vector<16xf32>
        %mul3A_322 = arith.mulf %get3A_321, %get3A_308 : vector<16xf32>
        %swap3A_323 = arith.index_cast %add3A_305 : i32 to index
        %swap3A_324 = arith.constant 16 : index
        %swap3A_325 = tpu.vector_load %arg14[%swap3A_323, %swap3A_324] {strides = array<i32>} : memref<125x64xf32, #tpu.memory_space<vmem>>, vector<1x16xf32>,
        %swap3A_326 = vector.shape_cast %swap3A_325 : vector<1x16xf32> to vector<16xf32>
        %swap3A_327 = vector.shape_cast %mul3A_322 : vector<16xf32> to vector<1x16xf32>
        tpu.vector_store %arg14[%swap3A_323, %swap3A_324], %swap3A_327 {strides = array<i32>} : memref<125x64xf32, #tpu.memory_space<vmem>>, vector<1x16xf32>,
        %get3A_328 = arith.index_cast %add3A_305 : i32 to index
        %get3A_329 = arith.constant 32 : index
        %get3A_330 = tpu.vector_load %arg14[%get3A_328, %get3A_329] {strides = array<i32>} : memref<125x64xf32, #tpu.memory_space<vmem>>, vector<1x16xf32>,
        %get3A_331 = vector.shape_cast %get3A_330 : vector<1x16xf32> to vector<16xf32>
        %mul3A_332 = arith.mulf %get3A_331, %get3A_308 : vector<16xf32>
        %swap3A_333 = arith.index_cast %add3A_305 : i32 to index
        %swap3A_334 = arith.constant 32 : index
        %swap3A_335 = tpu.vector_load %arg14[%swap3A_333, %swap3A_334] {strides = array<i32>} : memref<125x64xf32, #tpu.memory_space<vmem>>, vector<1x16xf32>,
        %swap3A_336 = vector.shape_cast %swap3A_335 : vector<1x16xf32> to vector<16xf32>
        %swap3A_337 = vector.shape_cast %mul3A_332 : vector<16xf32> to vector<1x16xf32>
        tpu.vector_store %arg14[%swap3A_333, %swap3A_334], %swap3A_337 {strides = array<i32>} : memref<125x64xf32, #tpu.memory_space<vmem>>, vector<1x16xf32>,
        %get3A_338 = arith.index_cast %add3A_305 : i32 to index
        %get3A_339 = arith.constant 48 : index
        %get3A_340 = tpu.vector_load %arg14[%get3A_338, %get3A_339] {strides = array<i32>} : memref<125x64xf32, #tpu.memory_space<vmem>>, vector<1x16xf32>,
        %get3A_341 = vector.shape_cast %get3A_340 : vector<1x16xf32> to vector<16xf32>
        %mul3A_342 = arith.mulf %get3A_341, %get3A_308 : vector<16xf32>
        %swap3A_343 = arith.index_cast %add3A_305 : i32 to index
        %swap3A_344 = arith.constant 48 : index
        %swap3A_345 = tpu.vector_load %arg14[%swap3A_343, %swap3A_344] {strides = array<i32>} : memref<125x64xf32, #tpu.memory_space<vmem>>, vector<1x16xf32>,
        %swap3A_346 = vector.shape_cast %swap3A_345 : vector<1x16xf32> to vector<16xf32>
        %swap3A_347 = vector.shape_cast %mul3A_342 : vector<16xf32> to vector<1x16xf32>
        tpu.vector_store %arg14[%swap3A_343, %swap3A_344], %swap3A_347 {strides = array<i32>} : memref<125x64xf32, #tpu.memory_space<vmem>>, vector<1x16xf32>,
      }
      %scan3A_235 = arith.constant 125 : i32
      %add3A_236 = arith.constant 3 : i32
      %add3A_237 = arith.addi %mul3A_100, %add3A_236 : i32
      %dma_start3A_238 = arith.constant 0 : i32
      %dma_start3A_239 = tpu.memref_slice %arg9[%add3A_237, %dma_start3A_238] : memref<160x125xi32, #tpu.memory_space<vmem>> -> memref<1x125xi32, #tpu.memory_space<vmem>>
      %dma_start3A_240 = tpu.memref_squeeze %dma_start3A_239 : memref<1x125xi32, #tpu.memory_space<vmem>> -> memref<125xi32, #tpu.memory_space<vmem>>
      %dma_start3A_241 = arith.constant 0 : i32
      %dma_start3A_242 = arith.constant 0 : i32
      %dma_start3A_243 = tpu.memref_slice %arg10[%dma_start3A_241, %dma_start3A_242] : memref<10240x64xf32, #tpu.memory_space<vmem_shared>> -> memref<10240x64xf32, #tpu.memory_space<vmem_shared>>
      tpu.enqueue_indirect_dma source(%arg14 : memref<125x64xf32, #tpu.memory_space<vmem>>) target(%dma_start3A_243 : memref<10240x64xf32, #tpu.memory_space<vmem_shared>>) offsets(%dma_start3A_240 : memref<125xi32, #tpu.memory_space<vmem>>) semaphore(%arg26 : memref<!tpu.dma_semaphore, #tpu.memory_space<semaphore_mem>>) {add = true}
      %dma_wait3A_244 = arith.constant 0 : i32
      %dma_wait3A_245 = tpu.memref_slice %arg9[%add3A_129, %dma_wait3A_244] : memref<160x125xi32, #tpu.memory_space<vmem>> -> memref<1x125xi32, #tpu.memory_space<vmem>>
      %dma_wait3A_246 = tpu.memref_squeeze %dma_wait3A_245 : memref<1x125xi32, #tpu.memory_space<vmem>> -> memref<125xi32, #tpu.memory_space<vmem>>
      %dma_wait3A_247 = arith.constant 0 : i32
      %dma_wait3A_248 = arith.constant 0 : i32
      %dma_wait3A_249 = tpu.memref_slice %arg10[%dma_wait3A_247, %dma_wait3A_248] : memref<10240x64xf32, #tpu.memory_space<vmem_shared>> -> memref<10240x64xf32, #tpu.memory_space<vmem_shared>>
      tpu.wait_indirect_dma semaphore(%arg23 : memref<!tpu.dma_semaphore, #tpu.memory_space<semaphore_mem>>) src(%arg11 : memref<125x64xf32, #tpu.memory_space<vmem>>) dst(%dma_wait3A_249 : memref<10240x64xf32, #tpu.memory_space<vmem_shared>>)
      %add3A_250 = arith.constant 0 : i32
      %add3A_251 = arith.addi %mul3A_100, %add3A_250 : i32
      %add3A_252 = arith.constant 4 : i32
      %add3A_253 = arith.addi %add3A_251, %add3A_252 : i32
      %lt3A = arith.constant 160 : i32
      %lt3A_254 = arith.cmpi slt, %add3A_253, %lt3A : i32
      %convert_element_type3A = arith.extui %lt3A_254 : i1 to i32
      %cond3A = arith.constant 0 : i32
      %cond3A_255 = arith.cmpi ne, %convert_element_type3A, %cond3A : i32
      scf.if %cond3A_255 {
        %add3A_301 = arith.constant 0 : i32
        %add3A_302 = arith.addi %mul3A_100, %add3A_301 : i32
        %add3A_303 = arith.constant 4 : i32
        %add3A_304 = arith.addi %add3A_302, %add3A_303 : i32
        %dma_start3A_305 = arith.constant 0 : i32
        %dma_start3A_306 = tpu.memref_slice %arg8[%add3A_304, %dma_start3A_305] : memref<160x125xi32, #tpu.memory_space<vmem>> -> memref<1x125xi32, #tpu.memory_space<vmem>>
        %dma_start3A_307 = tpu.memref_squeeze %dma_start3A_306 : memref<1x125xi32, #tpu.memory_space<vmem>> -> memref<125xi32, #tpu.memory_space<vmem>>
        %dma_start3A_308 = arith.constant 0 : i32
        %dma_start3A_309 = arith.constant 0 : i32
        %dma_start3A_310 = tpu.memref_slice %arg2[%arg0, %dma_start3A_308, %dma_start3A_309] : memref<2x10000x64xf32, #tpu.memory_space<hbm>> -> memref<1x10000x64xf32, #tpu.memory_space<hbm>>
        %dma_start3A_311 = tpu.memref_squeeze %dma_start3A_310 : memref<1x10000x64xf32, #tpu.memory_space<hbm>> -> memref<10000x64xf32, #tpu.memory_space<hbm>>
        %dma_start3A_312 = arith.constant 0 : i32
        %dma_start3A_313 = arith.constant 0 : i32
        %dma_start3A_314 = tpu.memref_slice %dma_start3A_311[%dma_start3A_312, %dma_start3A_313] : memref<10000x64xf32, #tpu.memory_space<hbm>> -> memref<10000x64xf32, #tpu.memory_space<hbm>>
        tpu.enqueue_indirect_dma source(%dma_start3A_314 : memref<10000x64xf32, #tpu.memory_space<hbm>>) target(%arg11 : memref<125x64xf32, #tpu.memory_space<vmem>>) offsets(%dma_start3A_307 : memref<125xi32, #tpu.memory_space<vmem>>) semaphore(%arg19 : memref<!tpu.dma_semaphore, #tpu.memory_space<semaphore_mem>>)
        %add3A_315 = arith.addi %mul3A_0, %mul3A_100 : i32
        %add3A_316 = arith.constant 0 : i32
        %add3A_317 = arith.addi %add3A_315, %add3A_316 : i32
        %add3A_318 = arith.constant 4 : i32
        %add3A_319 = arith.addi %add3A_317, %add3A_318 : i32
        %dma_start3A_320 = arith.constant 0 : i32
        %dma_start3A_321 = arith.constant 0 : i32
        %dma_start3A_322 = tpu.memref_slice %arg5[%add3A_319, %dma_start3A_320, %dma_start3A_321] : memref<2560x125x16xf32, #tpu.memory_space<hbm>> -> memref<1x125x16xf32, #tpu.memory_space<hbm>>
        %dma_start3A_323 = tpu.memref_squeeze %dma_start3A_322 : memref<1x125x16xf32, #tpu.memory_space<hbm>> -> memref<125x16xf32, #tpu.memory_space<hbm>>
        %dma_start3A_324 = arith.constant 0 : i32
        %dma_start3A_325 = arith.constant 0 : i32
        %dma_start3A_326 = tpu.memref_slice %arg5[%add3A_319, %dma_start3A_324, %dma_start3A_325] : memref<2560x125x16xf32, #tpu.memory_space<hbm>> -> memref<1x125x16xf32, #tpu.memory_space<hbm>>
        %dma_start3A_327 = tpu.memref_squeeze %dma_start3A_326 : memref<1x125x16xf32, #tpu.memory_space<hbm>> -> memref<125x16xf32, #tpu.memory_space<hbm>>
        tpu.enqueue_dma source(%dma_start3A_327 : memref<125x16xf32, #tpu.memory_space<hbm>>) target(%arg15 : memref<125x16xf32, #tpu.memory_space<vmem>>) target_semaphore(%arg27 : memref<!tpu.dma_semaphore, #tpu.memory_space<semaphore_mem>>)
      } else {
      }
      %dma_wait3A_256 = arith.constant 0 : i32
      %dma_wait3A_257 = tpu.memref_slice %arg9[%add3A_165, %dma_wait3A_256] : memref<160x125xi32, #tpu.memory_space<vmem>> -> memref<1x125xi32, #tpu.memory_space<vmem>>
      %dma_wait3A_258 = tpu.memref_squeeze %dma_wait3A_257 : memref<1x125xi32, #tpu.memory_space<vmem>> -> memref<125xi32, #tpu.memory_space<vmem>>
      %dma_wait3A_259 = arith.constant 0 : i32
      %dma_wait3A_260 = arith.constant 0 : i32
      %dma_wait3A_261 = tpu.memref_slice %arg10[%dma_wait3A_259, %dma_wait3A_260] : memref<10240x64xf32, #tpu.memory_space<vmem_shared>> -> memref<10240x64xf32, #tpu.memory_space<vmem_shared>>
      tpu.wait_indirect_dma semaphore(%arg24 : memref<!tpu.dma_semaphore, #tpu.memory_space<semaphore_mem>>) src(%arg12 : memref<125x64xf32, #tpu.memory_space<vmem>>) dst(%dma_wait3A_261 : memref<10240x64xf32, #tpu.memory_space<vmem_shared>>)
      %add3A_262 = arith.constant 1 : i32
      %add3A_263 = arith.addi %mul3A_100, %add3A_262 : i32
      %add3A_264 = arith.constant 4 : i32
      %add3A_265 = arith.addi %add3A_263, %add3A_264 : i32
      %lt3A_266 = arith.constant 160 : i32
      %lt3A_267 = arith.cmpi slt, %add3A_265, %lt3A_266 : i32
      %convert_element_type3A_268 = arith.extui %lt3A_267 : i1 to i32
      %cond3A_269 = arith.constant 0 : i32
      %cond3A_270 = arith.cmpi ne, %convert_element_type3A_268, %cond3A_269 : i32
      scf.if %cond3A_270 {
        %add3A_301 = arith.constant 1 : i32
        %add3A_302 = arith.addi %mul3A_100, %add3A_301 : i32
        %add3A_303 = arith.constant 4 : i32
        %add3A_304 = arith.addi %add3A_302, %add3A_303 : i32
        %dma_start3A_305 = arith.constant 0 : i32
        %dma_start3A_306 = tpu.memref_slice %arg8[%add3A_304, %dma_start3A_305] : memref<160x125xi32, #tpu.memory_space<vmem>> -> memref<1x125xi32, #tpu.memory_space<vmem>>
        %dma_start3A_307 = tpu.memref_squeeze %dma_start3A_306 : memref<1x125xi32, #tpu.memory_space<vmem>> -> memref<125xi32, #tpu.memory_space<vmem>>
        %dma_start3A_308 = arith.constant 0 : i32
        %dma_start3A_309 = arith.constant 0 : i32
        %dma_start3A_310 = tpu.memref_slice %arg2[%arg0, %dma_start3A_308, %dma_start3A_309] : memref<2x10000x64xf32, #tpu.memory_space<hbm>> -> memref<1x10000x64xf32, #tpu.memory_space<hbm>>
        %dma_start3A_311 = tpu.memref_squeeze %dma_start3A_310 : memref<1x10000x64xf32, #tpu.memory_space<hbm>> -> memref<10000x64xf32, #tpu.memory_space<hbm>>
        %dma_start3A_312 = arith.constant 0 : i32
        %dma_start3A_313 = arith.constant 0 : i32
        %dma_start3A_314 = tpu.memref_slice %dma_start3A_311[%dma_start3A_312, %dma_start3A_313] : memref<10000x64xf32, #tpu.memory_space<hbm>> -> memref<10000x64xf32, #tpu.memory_space<hbm>>
        tpu.enqueue_indirect_dma source(%dma_start3A_314 : memref<10000x64xf32, #tpu.memory_space<hbm>>) target(%arg12 : memref<125x64xf32, #tpu.memory_space<vmem>>) offsets(%dma_start3A_307 : memref<125xi32, #tpu.memory_space<vmem>>) semaphore(%arg20 : memref<!tpu.dma_semaphore, #tpu.memory_space<semaphore_mem>>)
        %add3A_315 = arith.addi %mul3A_0, %mul3A_100 : i32
        %add3A_316 = arith.constant 1 : i32
        %add3A_317 = arith.addi %add3A_315, %add3A_316 : i32
        %add3A_318 = arith.constant 4 : i32
        %add3A_319 = arith.addi %add3A_317, %add3A_318 : i32
        %dma_start3A_320 = arith.constant 0 : i32
        %dma_start3A_321 = arith.constant 0 : i32
        %dma_start3A_322 = tpu.memref_slice %arg5[%add3A_319, %dma_start3A_320, %dma_start3A_321] : memref<2560x125x16xf32, #tpu.memory_space<hbm>> -> memref<1x125x16xf32, #tpu.memory_space<hbm>>
        %dma_start3A_323 = tpu.memref_squeeze %dma_start3A_322 : memref<1x125x16xf32, #tpu.memory_space<hbm>> -> memref<125x16xf32, #tpu.memory_space<hbm>>
        %dma_start3A_324 = arith.constant 0 : i32
        %dma_start3A_325 = arith.constant 0 : i32
        %dma_start3A_326 = tpu.memref_slice %arg5[%add3A_319, %dma_start3A_324, %dma_start3A_325] : memref<2560x125x16xf32, #tpu.memory_space<hbm>> -> memref<1x125x16xf32, #tpu.memory_space<hbm>>
        %dma_start3A_327 = tpu.memref_squeeze %dma_start3A_326 : memref<1x125x16xf32, #tpu.memory_space<hbm>> -> memref<125x16xf32, #tpu.memory_space<hbm>>
        tpu.enqueue_dma source(%dma_start3A_327 : memref<125x16xf32, #tpu.memory_space<hbm>>) target(%arg16 : memref<125x16xf32, #tpu.memory_space<vmem>>) target_semaphore(%arg28 : memref<!tpu.dma_semaphore, #tpu.memory_space<semaphore_mem>>)
      } else {
      }
      %dma_wait3A_271 = arith.constant 0 : i32
      %dma_wait3A_272 = tpu.memref_slice %arg9[%add3A_201, %dma_wait3A_271] : memref<160x125xi32, #tpu.memory_space<vmem>> -> memref<1x125xi32, #tpu.memory_space<vmem>>
      %dma_wait3A_273 = tpu.memref_squeeze %dma_wait3A_272 : memref<1x125xi32, #tpu.memory_space<vmem>> -> memref<125xi32, #tpu.memory_space<vmem>>
      %dma_wait3A_274 = arith.constant 0 : i32
      %dma_wait3A_275 = arith.constant 0 : i32
      %dma_wait3A_276 = tpu.memref_slice %arg10[%dma_wait3A_274, %dma_wait3A_275] : memref<10240x64xf32, #tpu.memory_space<vmem_shared>> -> memref<10240x64xf32, #tpu.memory_space<vmem_shared>>
      tpu.wait_indirect_dma semaphore(%arg25 : memref<!tpu.dma_semaphore, #tpu.memory_space<semaphore_mem>>) src(%arg13 : memref<125x64xf32, #tpu.memory_space<vmem>>) dst(%dma_wait3A_276 : memref<10240x64xf32, #tpu.memory_space<vmem_shared>>)
      %add3A_277 = arith.constant 2 : i32
      %add3A_278 = arith.addi %mul3A_100, %add3A_277 : i32
      %add3A_279 = arith.constant 4 : i32
      %add3A_280 = arith.addi %add3A_278, %add3A_279 : i32
      %lt3A_281 = arith.constant 160 : i32
      %lt3A_282 = arith.cmpi slt, %add3A_280, %lt3A_281 : i32
      %convert_element_type3A_283 = arith.extui %lt3A_282 : i1 to i32
      %cond3A_284 = arith.constant 0 : i32
      %cond3A_285 = arith.cmpi ne, %convert_element_type3A_283, %cond3A_284 : i32
      scf.if %cond3A_285 {
        %add3A_301 = arith.constant 2 : i32
        %add3A_302 = arith.addi %mul3A_100, %add3A_301 : i32
        %add3A_303 = arith.constant 4 : i32
        %add3A_304 = arith.addi %add3A_302, %add3A_303 : i32
        %dma_start3A_305 = arith.constant 0 : i32
        %dma_start3A_306 = tpu.memref_slice %arg8[%add3A_304, %dma_start3A_305] : memref<160x125xi32, #tpu.memory_space<vmem>> -> memref<1x125xi32, #tpu.memory_space<vmem>>
        %dma_start3A_307 = tpu.memref_squeeze %dma_start3A_306 : memref<1x125xi32, #tpu.memory_space<vmem>> -> memref<125xi32, #tpu.memory_space<vmem>>
        %dma_start3A_308 = arith.constant 0 : i32
        %dma_start3A_309 = arith.constant 0 : i32
        %dma_start3A_310 = tpu.memref_slice %arg2[%arg0, %dma_start3A_308, %dma_start3A_309] : memref<2x10000x64xf32, #tpu.memory_space<hbm>> -> memref<1x10000x64xf32, #tpu.memory_space<hbm>>
        %dma_start3A_311 = tpu.memref_squeeze %dma_start3A_310 : memref<1x10000x64xf32, #tpu.memory_space<hbm>> -> memref<10000x64xf32, #tpu.memory_space<hbm>>
        %dma_start3A_312 = arith.constant 0 : i32
        %dma_start3A_313 = arith.constant 0 : i32
        %dma_start3A_314 = tpu.memref_slice %dma_start3A_311[%dma_start3A_312, %dma_start3A_313] : memref<10000x64xf32, #tpu.memory_space<hbm>> -> memref<10000x64xf32, #tpu.memory_space<hbm>>
        tpu.enqueue_indirect_dma source(%dma_start3A_314 : memref<10000x64xf32, #tpu.memory_space<hbm>>) target(%arg13 : memref<125x64xf32, #tpu.memory_space<vmem>>) offsets(%dma_start3A_307 : memref<125xi32, #tpu.memory_space<vmem>>) semaphore(%arg21 : memref<!tpu.dma_semaphore, #tpu.memory_space<semaphore_mem>>)
        %add3A_315 = arith.addi %mul3A_0, %mul3A_100 : i32
        %add3A_316 = arith.constant 2 : i32
        %add3A_317 = arith.addi %add3A_315, %add3A_316 : i32
        %add3A_318 = arith.constant 4 : i32
        %add3A_319 = arith.addi %add3A_317, %add3A_318 : i32
        %dma_start3A_320 = arith.constant 0 : i32
        %dma_start3A_321 = arith.constant 0 : i32
        %dma_start3A_322 = tpu.memref_slice %arg5[%add3A_319, %dma_start3A_320, %dma_start3A_321] : memref<2560x125x16xf32, #tpu.memory_space<hbm>> -> memref<1x125x16xf32, #tpu.memory_space<hbm>>
        %dma_start3A_323 = tpu.memref_squeeze %dma_start3A_322 : memref<1x125x16xf32, #tpu.memory_space<hbm>> -> memref<125x16xf32, #tpu.memory_space<hbm>>
        %dma_start3A_324 = arith.constant 0 : i32
        %dma_start3A_325 = arith.constant 0 : i32
        %dma_start3A_326 = tpu.memref_slice %arg5[%add3A_319, %dma_start3A_324, %dma_start3A_325] : memref<2560x125x16xf32, #tpu.memory_space<hbm>> -> memref<1x125x16xf32, #tpu.memory_space<hbm>>
        %dma_start3A_327 = tpu.memref_squeeze %dma_start3A_326 : memref<1x125x16xf32, #tpu.memory_space<hbm>> -> memref<125x16xf32, #tpu.memory_space<hbm>>
        tpu.enqueue_dma source(%dma_start3A_327 : memref<125x16xf32, #tpu.memory_space<hbm>>) target(%arg17 : memref<125x16xf32, #tpu.memory_space<vmem>>) target_semaphore(%arg29 : memref<!tpu.dma_semaphore, #tpu.memory_space<semaphore_mem>>)
      } else {
      }
      %dma_wait3A_286 = arith.constant 0 : i32
      %dma_wait3A_287 = tpu.memref_slice %arg9[%add3A_237, %dma_wait3A_286] : memref<160x125xi32, #tpu.memory_space<vmem>> -> memref<1x125xi32, #tpu.memory_space<vmem>>
      %dma_wait3A_288 = tpu.memref_squeeze %dma_wait3A_287 : memref<1x125xi32, #tpu.memory_space<vmem>> -> memref<125xi32, #tpu.memory_space<vmem>>
      %dma_wait3A_289 = arith.constant 0 : i32
      %dma_wait3A_290 = arith.constant 0 : i32
      %dma_wait3A_291 = tpu.memref_slice %arg10[%dma_wait3A_289, %dma_wait3A_290] : memref<10240x64xf32, #tpu.memory_space<vmem_shared>> -> memref<10240x64xf32, #tpu.memory_space<vmem_shared>>
      tpu.wait_indirect_dma semaphore(%arg26 : memref<!tpu.dma_semaphore, #tpu.memory_space<semaphore_mem>>) src(%arg14 : memref<125x64xf32, #tpu.memory_space<vmem>>) dst(%dma_wait3A_291 : memref<10240x64xf32, #tpu.memory_space<vmem_shared>>)
      %add3A_292 = arith.constant 3 : i32
      %add3A_293 = arith.addi %mul3A_100, %add3A_292 : i32
      %add3A_294 = arith.constant 4 : i32
      %add3A_295 = arith.addi %add3A_293, %add3A_294 : i32
      %lt3A_296 = arith.constant 160 : i32
      %lt3A_297 = arith.cmpi slt, %add3A_295, %lt3A_296 : i32
      %convert_element_type3A_298 = arith.extui %lt3A_297 : i1 to i32
      %cond3A_299 = arith.constant 0 : i32
      %cond3A_300 = arith.cmpi ne, %convert_element_type3A_298, %cond3A_299 : i32
      scf.if %cond3A_300 {
        %add3A_301 = arith.constant 3 : i32
        %add3A_302 = arith.addi %mul3A_100, %add3A_301 : i32
        %add3A_303 = arith.constant 4 : i32
        %add3A_304 = arith.addi %add3A_302, %add3A_303 : i32
        %dma_start3A_305 = arith.constant 0 : i32
        %dma_start3A_306 = tpu.memref_slice %arg8[%add3A_304, %dma_start3A_305] : memref<160x125xi32, #tpu.memory_space<vmem>> -> memref<1x125xi32, #tpu.memory_space<vmem>>
        %dma_start3A_307 = tpu.memref_squeeze %dma_start3A_306 : memref<1x125xi32, #tpu.memory_space<vmem>> -> memref<125xi32, #tpu.memory_space<vmem>>
        %dma_start3A_308 = arith.constant 0 : i32
        %dma_start3A_309 = arith.constant 0 : i32
        %dma_start3A_310 = tpu.memref_slice %arg2[%arg0, %dma_start3A_308, %dma_start3A_309] : memref<2x10000x64xf32, #tpu.memory_space<hbm>> -> memref<1x10000x64xf32, #tpu.memory_space<hbm>>
        %dma_start3A_311 = tpu.memref_squeeze %dma_start3A_310 : memref<1x10000x64xf32, #tpu.memory_space<hbm>> -> memref<10000x64xf32, #tpu.memory_space<hbm>>
        %dma_start3A_312 = arith.constant 0 : i32
        %dma_start3A_313 = arith.constant 0 : i32
        %dma_start3A_314 = tpu.memref_slice %dma_start3A_311[%dma_start3A_312, %dma_start3A_313] : memref<10000x64xf32, #tpu.memory_space<hbm>> -> memref<10000x64xf32, #tpu.memory_space<hbm>>
        tpu.enqueue_indirect_dma source(%dma_start3A_314 : memref<10000x64xf32, #tpu.memory_space<hbm>>) target(%arg14 : memref<125x64xf32, #tpu.memory_space<vmem>>) offsets(%dma_start3A_307 : memref<125xi32, #tpu.memory_space<vmem>>) semaphore(%arg22 : memref<!tpu.dma_semaphore, #tpu.memory_space<semaphore_mem>>)
        %add3A_315 = arith.addi %mul3A_0, %mul3A_100 : i32
        %add3A_316 = arith.constant 3 : i32
        %add3A_317 = arith.addi %add3A_315, %add3A_316 : i32
        %add3A_318 = arith.constant 4 : i32
        %add3A_319 = arith.addi %add3A_317, %add3A_318 : i32
        %dma_start3A_320 = arith.constant 0 : i32
        %dma_start3A_321 = arith.constant 0 : i32
        %dma_start3A_322 = tpu.memref_slice %arg5[%add3A_319, %dma_start3A_320, %dma_start3A_321] : memref<2560x125x16xf32, #tpu.memory_space<hbm>> -> memref<1x125x16xf32, #tpu.memory_space<hbm>>
        %dma_start3A_323 = tpu.memref_squeeze %dma_start3A_322 : memref<1x125x16xf32, #tpu.memory_space<hbm>> -> memref<125x16xf32, #tpu.memory_space<hbm>>
        %dma_start3A_324 = arith.constant 0 : i32
        %dma_start3A_325 = arith.constant 0 : i32
        %dma_start3A_326 = tpu.memref_slice %arg5[%add3A_319, %dma_start3A_324, %dma_start3A_325] : memref<2560x125x16xf32, #tpu.memory_space<hbm>> -> memref<1x125x16xf32, #tpu.memory_space<hbm>>
        %dma_start3A_327 = tpu.memref_squeeze %dma_start3A_326 : memref<1x125x16xf32, #tpu.memory_space<hbm>> -> memref<125x16xf32, #tpu.memory_space<hbm>>
        tpu.enqueue_dma source(%dma_start3A_327 : memref<125x16xf32, #tpu.memory_space<hbm>>) target(%arg18 : memref<125x16xf32, #tpu.memory_space<vmem>>) target_semaphore(%arg30 : memref<!tpu.dma_semaphore, #tpu.memory_space<semaphore_mem>>)
      } else {
      }
    }
    %scan3A_88 = arith.constant 40 : i32
    %barrier3A_89 = arith.constant 0 : index
    tpu.barrier barrier_id(%barrier3A_89)
    %mul3A_90 = arith.constant 640 : i32
    %mul3A_91 = arith.muli %arg1, %mul3A_90 : i32
    %mul3A_92 = arith.constant 640 : i32
    %mul3A_93 = arith.muli %arg1, %mul3A_92 : i32
    "tpu.region"() ({
      %run_scoped3A = tpu.sem_alloc : memref<!tpu.dma_semaphore, #tpu.memory_space<semaphore_mem>>
      %dma_start3A_94 = arith.constant 0 : i32
      %dma_start3A_95 = tpu.memref_slice %arg7[%arg0, %mul3A_93, %dma_start3A_94] : memref<2x10240x64xf32, #tpu.memory_space<hbm>> -> memref<1x640x64xf32, #tpu.memory_space<hbm>>
      %dma_start3A_96 = tpu.memref_squeeze %dma_start3A_95 : memref<1x640x64xf32, #tpu.memory_space<hbm>> -> memref<640x64xf32, #tpu.memory_space<hbm>>
      %dma_start3A_97 = arith.constant 0 : i32
      %dma_start3A_98 = tpu.memref_slice %arg10[%mul3A_91, %dma_start3A_97] : memref<10240x64xf32, #tpu.memory_space<vmem_shared>> -> memref<640x64xf32, #tpu.memory_space<vmem_shared>>
      tpu.enqueue_dma source(%dma_start3A_98 : memref<640x64xf32, #tpu.memory_space<vmem_shared>>) target(%dma_start3A_96 : memref<640x64xf32, #tpu.memory_space<hbm>>) target_semaphore(%run_scoped3A : memref<!tpu.dma_semaphore, #tpu.memory_space<semaphore_mem>>)
      %dma_wait3A = arith.constant 0 : i32
      %dma_wait3A_99 = tpu.memref_slice %arg7[%arg0, %mul3A_93, %dma_wait3A] : memref<2x10240x64xf32, #tpu.memory_space<hbm>> -> memref<1x640x64xf32, #tpu.memory_space<hbm>>
      %dma_wait3A_100 = tpu.memref_squeeze %dma_wait3A_99 : memref<1x640x64xf32, #tpu.memory_space<hbm>> -> memref<640x64xf32, #tpu.memory_space<hbm>>
      %dma_wait3A_101 = arith.constant 0 : i32
      %dma_wait3A_102 = tpu.memref_slice %arg10[%mul3A_91, %dma_wait3A_101] : memref<10240x64xf32, #tpu.memory_space<vmem_shared>> -> memref<640x64xf32, #tpu.memory_space<vmem_shared>>
      tpu.wait_dma2 semaphore(%run_scoped3A : memref<!tpu.dma_semaphore, #tpu.memory_space<semaphore_mem>>) src(%dma_wait3A_102 : memref<640x64xf32, #tpu.memory_space<vmem_shared>>) dst(%dma_wait3A_100 : memref<640x64xf32, #tpu.memory_space<hbm>>)
      tpu.yield
    }) : () -> ()
    return
  }
}

#map = affine_map<(d0, d1) -> (0, 0, 0)>
#map1 = affine_map<(d0, d1) -> (0, 0)>
module attributes {stable_mosaic.version = 14 : i64} {
  func.func @k(%arg0: i32, %arg1: i32, %arg2: memref<2x10000x64xf32, #tpu.memory_space<hbm>>, %arg3: memref<2560x125xi32, #tpu.memory_space<hbm>>, %arg4: memref<2560x125xi32, #tpu.memory_space<hbm>>, %arg5: memref<2560x125x16xf32, #tpu.memory_space<hbm>>, %arg6: memref<640x64xf32, #tpu.memory_space<hbm>>, %arg7: memref<2x10240x64xf32, #tpu.memory_space<hbm>>, %arg8: memref<160x125xi32, #tpu.memory_space<vmem>>, %arg9: memref<160x125xi32, #tpu.memory_space<vmem>>, %arg10: memref<10240x64xf32, #tpu.memory_space<vmem_shared>>, %arg11: memref<125x64xf32, #tpu.memory_space<vmem>>, %arg12: memref<125x64xf32, #tpu.memory_space<vmem>>, %arg13: memref<125x64xf32, #tpu.memory_space<vmem>>, %arg14: memref<125x64xf32, #tpu.memory_space<vmem>>, %arg15: memref<125x16xf32, #tpu.memory_space<vmem>>, %arg16: memref<125x16xf32, #tpu.memory_space<vmem>>, %arg17: memref<125x16xf32, #tpu.memory_space<vmem>>, %arg18: memref<125x16xf32, #tpu.memory_space<vmem>>, %arg19: memref<!tpu.dma_semaphore, #tpu.memory_space<semaphore_mem>>, %arg20: memref<!tpu.dma_semaphore, #tpu.memory_space<semaphore_mem>>, %arg21: memref<!tpu.dma_semaphore, #tpu.memory_space<semaphore_mem>>, %arg22: memref<!tpu.dma_semaphore, #tpu.memory_space<semaphore_mem>>, %arg23: memref<!tpu.dma_semaphore, #tpu.memory_space<semaphore_mem>>, %arg24: memref<!tpu.dma_semaphore, #tpu.memory_space<semaphore_mem>>, %arg25: memref<!tpu.dma_semaphore, #tpu.memory_space<semaphore_mem>>, %arg26: memref<!tpu.dma_semaphore, #tpu.memory_space<semaphore_mem>>, %arg27: memref<!tpu.dma_semaphore, #tpu.memory_space<semaphore_mem>>, %arg28: memref<!tpu.dma_semaphore, #tpu.memory_space<semaphore_mem>>, %arg29: memref<!tpu.dma_semaphore, #tpu.memory_space<semaphore_mem>>, %arg30: memref<!tpu.dma_semaphore, #tpu.memory_space<semaphore_mem>>) attributes {dimension_semantics = [#tpu.dimension_semantics<core_parallel>, #tpu.dimension_semantics<subcore_parallel>], iteration_bounds = array<i64: 2, 16>, scalar_prefetch = 0 : i64, scratch_operands = 23 : i64, tpu.core_type = #tpu.core_type<sc_vector_subcore>, window_params = [{transform_indices = #map}, {transform_indices = #map1}, {transform_indices = #map1}, {transform_indices = #map}, {transform_indices = #map1}, {transform_indices = #map}]} {
    %mul3A = arith.constant 160 : i32
    %mul3A_0 = arith.muli %arg1, %mul3A : i32
    "tpu.region"() ({
      %run_scoped3A = tpu.sem_alloc : memref<!tpu.dma_semaphore, #tpu.memory_space<semaphore_mem>>
      %dma_start3A_94 = arith.constant 0 : i32
      %dma_start3A_95 = tpu.memref_slice %arg3[%mul3A_0, %dma_start3A_94] : memref<2560x125xi32, #tpu.memory_space<hbm>> -> memref<160x125xi32, #tpu.memory_space<hbm>>
      %dma_start3A_96 = arith.constant 0 : i32
      %dma_start3A_97 = tpu.memref_slice %arg3[%mul3A_0, %dma_start3A_96] : memref<2560x125xi32, #tpu.memory_space<hbm>> -> memref<160x125xi32, #tpu.memory_space<hbm>>
      tpu.enqueue_dma source(%dma_start3A_97 : memref<160x125xi32, #tpu.memory_space<hbm>>) target(%arg8 : memref<160x125xi32, #tpu.memory_space<vmem>>) target_semaphore(%run_scoped3A : memref<!tpu.dma_semaphore, #tpu.memory_space<semaphore_mem>>)
      %dma_wait3A = arith.constant 0 : i32
      %dma_wait3A_98 = tpu.memref_slice %arg3[%mul3A_0, %dma_wait3A] : memref<2560x125xi32, #tpu.memory_space<hbm>> -> memref<160x125xi32, #tpu.memory_space<hbm>>
      %dma_wait3A_99 = arith.constant 0 : i32
      %dma_wait3A_100 = tpu.memref_slice %arg3[%mul3A_0, %dma_wait3A_99] : memref<2560x125xi32, #tpu.memory_space<hbm>> -> memref<160x125xi32, #tpu.memory_space<hbm>>
      tpu.wait_dma2 semaphore(%run_scoped3A : memref<!tpu.dma_semaphore, #tpu.memory_space<semaphore_mem>>) src(%dma_wait3A_100 : memref<160x125xi32, #tpu.memory_space<hbm>>) dst(%arg8 : memref<160x125xi32, #tpu.memory_space<vmem>>)
      tpu.yield
    }) : () -> ()
    "tpu.region"() ({
      %run_scoped3A = tpu.sem_alloc : memref<!tpu.dma_semaphore, #tpu.memory_space<semaphore_mem>>
      %dma_start3A_94 = arith.constant 0 : i32
      %dma_start3A_95 = tpu.memref_slice %arg4[%mul3A_0, %dma_start3A_94] : memref<2560x125xi32, #tpu.memory_space<hbm>> -> memref<160x125xi32, #tpu.memory_space<hbm>>
      %dma_start3A_96 = arith.constant 0 : i32
      %dma_start3A_97 = tpu.memref_slice %arg4[%mul3A_0, %dma_start3A_96] : memref<2560x125xi32, #tpu.memory_space<hbm>> -> memref<160x125xi32, #tpu.memory_space<hbm>>
      tpu.enqueue_dma source(%dma_start3A_97 : memref<160x125xi32, #tpu.memory_space<hbm>>) target(%arg9 : memref<160x125xi32, #tpu.memory_space<vmem>>) target_semaphore(%run_scoped3A : memref<!tpu.dma_semaphore, #tpu.memory_space<semaphore_mem>>)
      %dma_wait3A = arith.constant 0 : i32
      %dma_wait3A_98 = tpu.memref_slice %arg4[%mul3A_0, %dma_wait3A] : memref<2560x125xi32, #tpu.memory_space<hbm>> -> memref<160x125xi32, #tpu.memory_space<hbm>>
      %dma_wait3A_99 = arith.constant 0 : i32
      %dma_wait3A_100 = tpu.memref_slice %arg4[%mul3A_0, %dma_wait3A_99] : memref<2560x125xi32, #tpu.memory_space<hbm>> -> memref<160x125xi32, #tpu.memory_space<hbm>>
      tpu.wait_dma2 semaphore(%run_scoped3A : memref<!tpu.dma_semaphore, #tpu.memory_space<semaphore_mem>>) src(%dma_wait3A_100 : memref<160x125xi32, #tpu.memory_space<hbm>>) dst(%arg9 : memref<160x125xi32, #tpu.memory_space<vmem>>)
      tpu.yield
    }) : () -> ()
    %mul3A_1 = arith.constant 640 : i32
    %mul3A_2 = arith.muli %arg1, %mul3A_1 : i32
    "tpu.region"() ({
      %run_scoped3A = tpu.sem_alloc : memref<!tpu.dma_semaphore, #tpu.memory_space<semaphore_mem>>
      %dma_start3A_94 = arith.constant 0 : i32
      %dma_start3A_95 = tpu.memref_slice %arg10[%mul3A_2, %dma_start3A_94] : memref<10240x64xf32, #tpu.memory_space<vmem_shared>> -> memref<640x64xf32, #tpu.memory_space<vmem_shared>>
      tpu.enqueue_dma source(%arg6 : memref<640x64xf32, #tpu.memory_space<hbm>>) target(%dma_start3A_95 : memref<640x64xf32, #tpu.memory_space<vmem_shared>>) target_semaphore(%run_scoped3A : memref<!tpu.dma_semaphore, #tpu.memory_space<semaphore_mem>>)
      %dma_wait3A = arith.constant 0 : i32
      %dma_wait3A_96 = tpu.memref_slice %arg10[%mul3A_2, %dma_wait3A] : memref<10240x64xf32, #tpu.memory_space<vmem_shared>> -> memref<640x64xf32, #tpu.memory_space<vmem_shared>>
      tpu.wait_dma2 semaphore(%run_scoped3A : memref<!tpu.dma_semaphore, #tpu.memory_space<semaphore_mem>>) src(%arg6 : memref<640x64xf32, #tpu.memory_space<hbm>>) dst(%dma_wait3A_96 : memref<640x64xf32, #tpu.memory_space<vmem_shared>>)
      tpu.yield
    }) : () -> ()
    %barrier3A = arith.constant 0 : index
    tpu.barrier barrier_id(%barrier3A)
    %dma_start3A = arith.constant 0 : i32
    %dma_start3A_3 = arith.constant 0 : i32
    %dma_start3A_4 = tpu.memref_slice %arg8[%dma_start3A, %dma_start3A_3] : memref<160x125xi32, #tpu.memory_space<vmem>> -> memref<1x125xi32, #tpu.memory_space<vmem>>
    %dma_start3A_5 = tpu.memref_squeeze %dma_start3A_4 : memref<1x125xi32, #tpu.memory_space<vmem>> -> memref<125xi32, #tpu.memory_space<vmem>>
    %dma_start3A_6 = arith.constant 0 : i32
    %dma_start3A_7 = arith.constant 0 : i32
    %dma_start3A_8 = tpu.memref_slice %arg2[%arg0, %dma_start3A_6, %dma_start3A_7] : memref<2x10000x64xf32, #tpu.memory_space<hbm>> -> memref<1x10000x64xf32, #tpu.memory_space<hbm>>
    %dma_start3A_9 = tpu.memref_squeeze %dma_start3A_8 : memref<1x10000x64xf32, #tpu.memory_space<hbm>> -> memref<10000x64xf32, #tpu.memory_space<hbm>>
    %dma_start3A_10 = arith.constant 0 : i32
    %dma_start3A_11 = arith.constant 0 : i32
    %dma_start3A_12 = tpu.memref_slice %dma_start3A_9[%dma_start3A_10, %dma_start3A_11] : memref<10000x64xf32, #tpu.memory_space<hbm>> -> memref<10000x64xf32, #tpu.memory_space<hbm>>
    tpu.enqueue_indirect_dma source(%dma_start3A_12 : memref<10000x64xf32, #tpu.memory_space<hbm>>) target(%arg11 : memref<125x64xf32, #tpu.memory_space<vmem>>) offsets(%dma_start3A_5 : memref<125xi32, #tpu.memory_space<vmem>>) semaphore(%arg19 : memref<!tpu.dma_semaphore, #tpu.memory_space<semaphore_mem>>)
    %add3A = arith.constant 0 : i32
    %add3A_13 = arith.addi %mul3A_0, %add3A : i32
    %dma_start3A_14 = arith.constant 0 : i32
    %dma_start3A_15 = arith.constant 0 : i32
    %dma_start3A_16 = tpu.memref_slice %arg5[%add3A_13, %dma_start3A_14, %dma_start3A_15] : memref<2560x125x16xf32, #tpu.memory_space<hbm>> -> memref<1x125x16xf32, #tpu.memory_space<hbm>>
    %dma_start3A_17 = tpu.memref_squeeze %dma_start3A_16 : memref<1x125x16xf32, #tpu.memory_space<hbm>> -> memref<125x16xf32, #tpu.memory_space<hbm>>
    %dma_start3A_18 = arith.constant 0 : i32
    %dma_start3A_19 = arith.constant 0 : i32
    %dma_start3A_20 = tpu.memref_slice %arg5[%add3A_13, %dma_start3A_18, %dma_start3A_19] : memref<2560x125x16xf32, #tpu.memory_space<hbm>> -> memref<1x125x16xf32, #tpu.memory_space<hbm>>
    %dma_start3A_21 = tpu.memref_squeeze %dma_start3A_20 : memref<1x125x16xf32, #tpu.memory_space<hbm>> -> memref<125x16xf32, #tpu.memory_space<hbm>>
    tpu.enqueue_dma source(%dma_start3A_21 : memref<125x16xf32, #tpu.memory_space<hbm>>) target(%arg15 : memref<125x16xf32, #tpu.memory_space<vmem>>) target_semaphore(%arg27 : memref<!tpu.dma_semaphore, #tpu.memory_space<semaphore_mem>>)
    %dma_start3A_22 = arith.constant 1 : i32
    %dma_start3A_23 = arith.constant 0 : i32
    %dma_start3A_24 = tpu.memref_slice %arg8[%dma_start3A_22, %dma_start3A_23] : memref<160x125xi32, #tpu.memory_space<vmem>> -> memref<1x125xi32, #tpu.memory_space<vmem>>
    %dma_start3A_25 = tpu.memref_squeeze %dma_start3A_24 : memref<1x125xi32, #tpu.memory_space<vmem>> -> memref<125xi32, #tpu.memory_space<vmem>>
    %dma_start3A_26 = arith.constant 0 : i32
    %dma_start3A_27 = arith.constant 0 : i32
    %dma_start3A_28 = tpu.memref_slice %arg2[%arg0, %dma_start3A_26, %dma_start3A_27] : memref<2x10000x64xf32, #tpu.memory_space<hbm>> -> memref<1x10000x64xf32, #tpu.memory_space<hbm>>
    %dma_start3A_29 = tpu.memref_squeeze %dma_start3A_28 : memref<1x10000x64xf32, #tpu.memory_space<hbm>> -> memref<10000x64xf32, #tpu.memory_space<hbm>>
    %dma_start3A_30 = arith.constant 0 : i32
    %dma_start3A_31 = arith.constant 0 : i32
    %dma_start3A_32 = tpu.memref_slice %dma_start3A_29[%dma_start3A_30, %dma_start3A_31] : memref<10000x64xf32, #tpu.memory_space<hbm>> -> memref<10000x64xf32, #tpu.memory_space<hbm>>
    tpu.enqueue_indirect_dma source(%dma_start3A_32 : memref<10000x64xf32, #tpu.memory_space<hbm>>) target(%arg12 : memref<125x64xf32, #tpu.memory_space<vmem>>) offsets(%dma_start3A_25 : memref<125xi32, #tpu.memory_space<vmem>>) semaphore(%arg20 : memref<!tpu.dma_semaphore, #tpu.memory_space<semaphore_mem>>)
    %add3A_33 = arith.constant 1 : i32
    %add3A_34 = arith.addi %mul3A_0, %add3A_33 : i32
    %dma_start3A_35 = arith.constant 0 : i32
    %dma_start3A_36 = arith.constant 0 : i32
    %dma_start3A_37 = tpu.memref_slice %arg5[%add3A_34, %dma_start3A_35, %dma_start3A_36] : memref<2560x125x16xf32, #tpu.memory_space<hbm>> -> memref<1x125x16xf32, #tpu.memory_space<hbm>>
    %dma_start3A_38 = tpu.memref_squeeze %dma_start3A_37 : memref<1x125x16xf32, #tpu.memory_space<hbm>> -> memref<125x16xf32, #tpu.memory_space<hbm>>
    %dma_start3A_39 = arith.constant 0 : i32
    %dma_start3A_40 = arith.constant 0 : i32
    %dma_start3A_41 = tpu.memref_slice %arg5[%add3A_34, %dma_start3A_39, %dma_start3A_40] : memref<2560x125x16xf32, #tpu.memory_space<hbm>> -> memref<1x125x16xf32, #tpu.memory_space<hbm>>
    %dma_start3A_42 = tpu.memref_squeeze %dma_start3A_41 : memref<1x125x16xf32, #tpu.memory_space<hbm>> -> memref<125x16xf32, #tpu.memory_space<hbm>>
    tpu.enqueue_dma source(%dma_start3A_42 : memref<125x16xf32, #tpu.memory_space<hbm>>) target(%arg16 : memref<125x16xf32, #tpu.memory_space<vmem>>) target_semaphore(%arg28 : memref<!tpu.dma_semaphore, #tpu.memory_space<semaphore_mem>>)
    %dma_start3A_43 = arith.constant 2 : i32
    %dma_start3A_44 = arith.constant 0 : i32
    %dma_start3A_45 = tpu.memref_slice %arg8[%dma_start3A_43, %dma_start3A_44] : memref<160x125xi32, #tpu.memory_space<vmem>> -> memref<1x125xi32, #tpu.memory_space<vmem>>
    %dma_start3A_46 = tpu.memref_squeeze %dma_start3A_45 : memref<1x125xi32, #tpu.memory_space<vmem>> -> memref<125xi32, #tpu.memory_space<vmem>>
    %dma_start3A_47 = arith.constant 0 : i32
    %dma_start3A_48 = arith.constant 0 : i32
    %dma_start3A_49 = tpu.memref_slice %arg2[%arg0, %dma_start3A_47, %dma_start3A_48] : memref<2x10000x64xf32, #tpu.memory_space<hbm>> -> memref<1x10000x64xf32, #tpu.memory_space<hbm>>
    %dma_start3A_50 = tpu.memref_squeeze %dma_start3A_49 : memref<1x10000x64xf32, #tpu.memory_space<hbm>> -> memref<10000x64xf32, #tpu.memory_space<hbm>>
    %dma_start3A_51 = arith.constant 0 : i32
    %dma_start3A_52 = arith.constant 0 : i32
    %dma_start3A_53 = tpu.memref_slice %dma_start3A_50[%dma_start3A_51, %dma_start3A_52] : memref<10000x64xf32, #tpu.memory_space<hbm>> -> memref<10000x64xf32, #tpu.memory_space<hbm>>
    tpu.enqueue_indirect_dma source(%dma_start3A_53 : memref<10000x64xf32, #tpu.memory_space<hbm>>) target(%arg13 : memref<125x64xf32, #tpu.memory_space<vmem>>) offsets(%dma_start3A_46 : memref<125xi32, #tpu.memory_space<vmem>>) semaphore(%arg21 : memref<!tpu.dma_semaphore, #tpu.memory_space<semaphore_mem>>)
    %add3A_54 = arith.constant 2 : i32
    %add3A_55 = arith.addi %mul3A_0, %add3A_54 : i32
    %dma_start3A_56 = arith.constant 0 : i32
    %dma_start3A_57 = arith.constant 0 : i32
    %dma_start3A_58 = tpu.memref_slice %arg5[%add3A_55, %dma_start3A_56, %dma_start3A_57] : memref<2560x125x16xf32, #tpu.memory_space<hbm>> -> memref<1x125x16xf32, #tpu.memory_space<hbm>>
    %dma_start3A_59 = tpu.memref_squeeze %dma_start3A_58 : memref<1x125x16xf32, #tpu.memory_space<hbm>> -> memref<125x16xf32, #tpu.memory_space<hbm>>
    %dma_start3A_60 = arith.constant 0 : i32
    %dma_start3A_61 = arith.constant 0 : i32
    %dma_start3A_62 = tpu.memref_slice %arg5[%add3A_55, %dma_start3A_60, %dma_start3A_61] : memref<2560x125x16xf32, #tpu.memory_space<hbm>> -> memref<1x125x16xf32, #tpu.memory_space<hbm>>
    %dma_start3A_63 = tpu.memref_squeeze %dma_start3A_62 : memref<1x125x16xf32, #tpu.memory_space<hbm>> -> memref<125x16xf32, #tpu.memory_space<hbm>>
    tpu.enqueue_dma source(%dma_start3A_63 : memref<125x16xf32, #tpu.memory_space<hbm>>) target(%arg17 : memref<125x16xf32, #tpu.memory_space<vmem>>) target_semaphore(%arg29 : memref<!tpu.dma_semaphore, #tpu.memory_space<semaphore_mem>>)
    %dma_start3A_64 = arith.constant 3 : i32
    %dma_start3A_65 = arith.constant 0 : i32
    %dma_start3A_66 = tpu.memref_slice %arg8[%dma_start3A_64, %dma_start3A_65] : memref<160x125xi32, #tpu.memory_space<vmem>> -> memref<1x125xi32, #tpu.memory_space<vmem>>
    %dma_start3A_67 = tpu.memref_squeeze %dma_start3A_66 : memref<1x125xi32, #tpu.memory_space<vmem>> -> memref<125xi32, #tpu.memory_space<vmem>>
    %dma_start3A_68 = arith.constant 0 : i32
    %dma_start3A_69 = arith.constant 0 : i32
    %dma_start3A_70 = tpu.memref_slice %arg2[%arg0, %dma_start3A_68, %dma_start3A_69] : memref<2x10000x64xf32, #tpu.memory_space<hbm>> -> memref<1x10000x64xf32, #tpu.memory_space<hbm>>
    %dma_start3A_71 = tpu.memref_squeeze %dma_start3A_70 : memref<1x10000x64xf32, #tpu.memory_space<hbm>> -> memref<10000x64xf32, #tpu.memory_space<hbm>>
    %dma_start3A_72 = arith.constant 0 : i32
    %dma_start3A_73 = arith.constant 0 : i32
    %dma_start3A_74 = tpu.memref_slice %dma_start3A_71[%dma_start3A_72, %dma_start3A_73] : memref<10000x64xf32, #tpu.memory_space<hbm>> -> memref<10000x64xf32, #tpu.memory_space<hbm>>
    tpu.enqueue_indirect_dma source(%dma_start3A_74 : memref<10000x64xf32, #tpu.memory_space<hbm>>) target(%arg14 : memref<125x64xf32, #tpu.memory_space<vmem>>) offsets(%dma_start3A_67 : memref<125xi32, #tpu.memory_space<vmem>>) semaphore(%arg22 : memref<!tpu.dma_semaphore, #tpu.memory_space<semaphore_mem>>)
    %add3A_75 = arith.constant 3 : i32
    %add3A_76 = arith.addi %mul3A_0, %add3A_75 : i32
    %dma_start3A_77 = arith.constant 0 : i32
    %dma_start3A_78 = arith.constant 0 : i32
    %dma_start3A_79 = tpu.memref_slice %arg5[%add3A_76, %dma_start3A_77, %dma_start3A_78] : memref<2560x125x16xf32, #tpu.memory_space<hbm>> -> memref<1x125x16xf32, #tpu.memory_space<hbm>>
    %dma_start3A_80 = tpu.memref_squeeze %dma_start3A_79 : memref<1x125x16xf32, #tpu.memory_space<hbm>> -> memref<125x16xf32, #tpu.memory_space<hbm>>
    %dma_start3A_81 = arith.constant 0 : i32
    %dma_start3A_82 = arith.constant 0 : i32
    %dma_start3A_83 = tpu.memref_slice %arg5[%add3A_76, %dma_start3A_81, %dma_start3A_82] : memref<2560x125x16xf32, #tpu.memory_space<hbm>> -> memref<1x125x16xf32, #tpu.memory_space<hbm>>
    %dma_start3A_84 = tpu.memref_squeeze %dma_start3A_83 : memref<1x125x16xf32, #tpu.memory_space<hbm>> -> memref<125x16xf32, #tpu.memory_space<hbm>>
    tpu.enqueue_dma source(%dma_start3A_84 : memref<125x16xf32, #tpu.memory_space<hbm>>) target(%arg18 : memref<125x16xf32, #tpu.memory_space<vmem>>) target_semaphore(%arg30 : memref<!tpu.dma_semaphore, #tpu.memory_space<semaphore_mem>>)
    %scan3A = arith.constant 0 : i32
    %scan3A_85 = arith.constant 40 : i32
    %scan3A_86 = arith.addi %scan3A, %scan3A_85 : i32
    %scan3A_87 = arith.constant 1 : i32
    scf.for %scan3A_94 = %scan3A to %scan3A_86 step %scan3A_87  : i32 {
      %mul3A_95 = arith.constant 1 : i32
      %mul3A_96 = arith.muli %scan3A_94, %mul3A_95 : i32
      %add3A_97 = arith.constant 0 : i32
      %add3A_98 = arith.addi %add3A_97, %mul3A_96 : i32
      %mul3A_99 = arith.constant 4 : i32
      %mul3A_100 = arith.muli %add3A_98, %mul3A_99 : i32
      %add3A_101 = arith.constant 0 : i32
      %add3A_102 = arith.addi %mul3A_100, %add3A_101 : i32
      %dma_wait3A = arith.constant 0 : i32
      %dma_wait3A_103 = tpu.memref_slice %arg8[%add3A_102, %dma_wait3A] : memref<160x125xi32, #tpu.memory_space<vmem>> -> memref<1x125xi32, #tpu.memory_space<vmem>>
      %dma_wait3A_104 = tpu.memref_squeeze %dma_wait3A_103 : memref<1x125xi32, #tpu.memory_space<vmem>> -> memref<125xi32, #tpu.memory_space<vmem>>
      %dma_wait3A_105 = arith.constant 0 : i32
      %dma_wait3A_106 = arith.constant 0 : i32
      %dma_wait3A_107 = tpu.memref_slice %arg2[%arg0, %dma_wait3A_105, %dma_wait3A_106] : memref<2x10000x64xf32, #tpu.memory_space<hbm>> -> memref<1x10000x64xf32, #tpu.memory_space<hbm>>
      %dma_wait3A_108 = tpu.memref_squeeze %dma_wait3A_107 : memref<1x10000x64xf32, #tpu.memory_space<hbm>> -> memref<10000x64xf32, #tpu.memory_space<hbm>>
      %dma_wait3A_109 = arith.constant 0 : i32
      %dma_wait3A_110 = arith.constant 0 : i32
      %dma_wait3A_111 = tpu.memref_slice %dma_wait3A_108[%dma_wait3A_109, %dma_wait3A_110] : memref<10000x64xf32, #tpu.memory_space<hbm>> -> memref<10000x64xf32, #tpu.memory_space<hbm>>
      tpu.wait_indirect_dma semaphore(%arg19 : memref<!tpu.dma_semaphore, #tpu.memory_space<semaphore_mem>>) src(%dma_wait3A_111 : memref<10000x64xf32, #tpu.memory_space<hbm>>) dst(%arg11 : memref<125x64xf32, #tpu.memory_space<vmem>>)
      %add3A_112 = arith.addi %mul3A_0, %mul3A_100 : i32
      %add3A_113 = arith.constant 0 : i32
      %add3A_114 = arith.addi %add3A_112, %add3A_113 : i32
      %dma_wait3A_115 = arith.constant 0 : i32
      %dma_wait3A_116 = arith.constant 0 : i32
      %dma_wait3A_117 = tpu.memref_slice %arg5[%add3A_114, %dma_wait3A_115, %dma_wait3A_116] : memref<2560x125x16xf32, #tpu.memory_space<hbm>> -> memref<1x125x16xf32, #tpu.memory_space<hbm>>
      %dma_wait3A_118 = tpu.memref_squeeze %dma_wait3A_117 : memref<1x125x16xf32, #tpu.memory_space<hbm>> -> memref<125x16xf32, #tpu.memory_space<hbm>>
      %dma_wait3A_119 = arith.constant 0 : i32
      %dma_wait3A_120 = arith.constant 0 : i32
      %dma_wait3A_121 = tpu.memref_slice %arg5[%add3A_114, %dma_wait3A_119, %dma_wait3A_120] : memref<2560x125x16xf32, #tpu.memory_space<hbm>> -> memref<1x125x16xf32, #tpu.memory_space<hbm>>
      %dma_wait3A_122 = tpu.memref_squeeze %dma_wait3A_121 : memref<1x125x16xf32, #tpu.memory_space<hbm>> -> memref<125x16xf32, #tpu.memory_space<hbm>>
      tpu.wait_dma2 semaphore(%arg27 : memref<!tpu.dma_semaphore, #tpu.memory_space<semaphore_mem>>) src(%dma_wait3A_122 : memref<125x16xf32, #tpu.memory_space<hbm>>) dst(%arg15 : memref<125x16xf32, #tpu.memory_space<vmem>>)
      %scan3A_123 = arith.constant 0 : i32
      %scan3A_124 = arith.constant 125 : i32
      %scan3A_125 = arith.addi %scan3A_123, %scan3A_124 : i32
      %scan3A_126 = arith.constant 1 : i32
      scf.for %scan3A_301 = %scan3A_123 to %scan3A_125 step %scan3A_126  : i32 {
        %mul3A_302 = arith.constant 1 : i32
        %mul3A_303 = arith.muli %scan3A_301, %mul3A_302 : i32
        %add3A_304 = arith.constant 0 : i32
        %add3A_305 = arith.addi %add3A_304, %mul3A_303 : i32
        %get3A = arith.index_cast %add3A_305 : i32 to index
        %get3A_306 = arith.constant 0 : index
        %get3A_307 = tpu.vector_load %arg15[%get3A, %get3A_306] {strides = array<i32>} : memref<125x16xf32, #tpu.memory_space<vmem>>, vector<1x16xf32>,
        %get3A_308 = vector.shape_cast %get3A_307 : vector<1x16xf32> to vector<16xf32>
        %get3A_309 = arith.index_cast %add3A_305 : i32 to index
        %get3A_310 = arith.constant 0 : index
        %get3A_311 = tpu.vector_load %arg11[%get3A_309, %get3A_310] {strides = array<i32>} : memref<125x64xf32, #tpu.memory_space<vmem>>, vector<1x16xf32>,
        %get3A_312 = vector.shape_cast %get3A_311 : vector<1x16xf32> to vector<16xf32>
        %mul3A_313 = arith.mulf %get3A_312, %get3A_308 : vector<16xf32>
        %swap3A = arith.index_cast %add3A_305 : i32 to index
        %swap3A_314 = arith.constant 0 : index
        %swap3A_315 = tpu.vector_load %arg11[%swap3A, %swap3A_314] {strides = array<i32>} : memref<125x64xf32, #tpu.memory_space<vmem>>, vector<1x16xf32>,
        %swap3A_316 = vector.shape_cast %swap3A_315 : vector<1x16xf32> to vector<16xf32>
        %swap3A_317 = vector.shape_cast %mul3A_313 : vector<16xf32> to vector<1x16xf32>
        tpu.vector_store %arg11[%swap3A, %swap3A_314], %swap3A_317 {strides = array<i32>} : memref<125x64xf32, #tpu.memory_space<vmem>>, vector<1x16xf32>,
        %get3A_318 = arith.index_cast %add3A_305 : i32 to index
        %get3A_319 = arith.constant 16 : index
        %get3A_320 = tpu.vector_load %arg11[%get3A_318, %get3A_319] {strides = array<i32>} : memref<125x64xf32, #tpu.memory_space<vmem>>, vector<1x16xf32>,
        %get3A_321 = vector.shape_cast %get3A_320 : vector<1x16xf32> to vector<16xf32>
        %mul3A_322 = arith.mulf %get3A_321, %get3A_308 : vector<16xf32>
        %swap3A_323 = arith.index_cast %add3A_305 : i32 to index
        %swap3A_324 = arith.constant 16 : index
        %swap3A_325 = tpu.vector_load %arg11[%swap3A_323, %swap3A_324] {strides = array<i32>} : memref<125x64xf32, #tpu.memory_space<vmem>>, vector<1x16xf32>,
        %swap3A_326 = vector.shape_cast %swap3A_325 : vector<1x16xf32> to vector<16xf32>
        %swap3A_327 = vector.shape_cast %mul3A_322 : vector<16xf32> to vector<1x16xf32>
        tpu.vector_store %arg11[%swap3A_323, %swap3A_324], %swap3A_327 {strides = array<i32>} : memref<125x64xf32, #tpu.memory_space<vmem>>, vector<1x16xf32>,
        %get3A_328 = arith.index_cast %add3A_305 : i32 to index
        %get3A_329 = arith.constant 32 : index
        %get3A_330 = tpu.vector_load %arg11[%get3A_328, %get3A_329] {strides = array<i32>} : memref<125x64xf32, #tpu.memory_space<vmem>>, vector<1x16xf32>,
        %get3A_331 = vector.shape_cast %get3A_330 : vector<1x16xf32> to vector<16xf32>
        %mul3A_332 = arith.mulf %get3A_331, %get3A_308 : vector<16xf32>
        %swap3A_333 = arith.index_cast %add3A_305 : i32 to index
        %swap3A_334 = arith.constant 32 : index
        %swap3A_335 = tpu.vector_load %arg11[%swap3A_333, %swap3A_334] {strides = array<i32>} : memref<125x64xf32, #tpu.memory_space<vmem>>, vector<1x16xf32>,
        %swap3A_336 = vector.shape_cast %swap3A_335 : vector<1x16xf32> to vector<16xf32>
        %swap3A_337 = vector.shape_cast %mul3A_332 : vector<16xf32> to vector<1x16xf32>
        tpu.vector_store %arg11[%swap3A_333, %swap3A_334], %swap3A_337 {strides = array<i32>} : memref<125x64xf32, #tpu.memory_space<vmem>>, vector<1x16xf32>,
        %get3A_338 = arith.index_cast %add3A_305 : i32 to index
        %get3A_339 = arith.constant 48 : index
        %get3A_340 = tpu.vector_load %arg11[%get3A_338, %get3A_339] {strides = array<i32>} : memref<125x64xf32, #tpu.memory_space<vmem>>, vector<1x16xf32>,
        %get3A_341 = vector.shape_cast %get3A_340 : vector<1x16xf32> to vector<16xf32>
        %mul3A_342 = arith.mulf %get3A_341, %get3A_308 : vector<16xf32>
        %swap3A_343 = arith.index_cast %add3A_305 : i32 to index
        %swap3A_344 = arith.constant 48 : index
        %swap3A_345 = tpu.vector_load %arg11[%swap3A_343, %swap3A_344] {strides = array<i32>} : memref<125x64xf32, #tpu.memory_space<vmem>>, vector<1x16xf32>,
        %swap3A_346 = vector.shape_cast %swap3A_345 : vector<1x16xf32> to vector<16xf32>
        %swap3A_347 = vector.shape_cast %mul3A_342 : vector<16xf32> to vector<1x16xf32>
        tpu.vector_store %arg11[%swap3A_343, %swap3A_344], %swap3A_347 {strides = array<i32>} : memref<125x64xf32, #tpu.memory_space<vmem>>, vector<1x16xf32>,
      }
      %scan3A_127 = arith.constant 125 : i32
      %add3A_128 = arith.constant 0 : i32
      %add3A_129 = arith.addi %mul3A_100, %add3A_128 : i32
      %dma_start3A_130 = arith.constant 0 : i32
      %dma_start3A_131 = tpu.memref_slice %arg9[%add3A_129, %dma_start3A_130] : memref<160x125xi32, #tpu.memory_space<vmem>> -> memref<1x125xi32, #tpu.memory_space<vmem>>
      %dma_start3A_132 = tpu.memref_squeeze %dma_start3A_131 : memref<1x125xi32, #tpu.memory_space<vmem>> -> memref<125xi32, #tpu.memory_space<vmem>>
      %dma_start3A_133 = arith.constant 0 : i32
      %dma_start3A_134 = arith.constant 0 : i32
      %dma_start3A_135 = tpu.memref_slice %arg10[%dma_start3A_133, %dma_start3A_134] : memref<10240x64xf32, #tpu.memory_space<vmem_shared>> -> memref<10240x64xf32, #tpu.memory_space<vmem_shared>>
      tpu.enqueue_indirect_dma source(%arg11 : memref<125x64xf32, #tpu.memory_space<vmem>>) target(%dma_start3A_135 : memref<10240x64xf32, #tpu.memory_space<vmem_shared>>) offsets(%dma_start3A_132 : memref<125xi32, #tpu.memory_space<vmem>>) semaphore(%arg23 : memref<!tpu.dma_semaphore, #tpu.memory_space<semaphore_mem>>) {add = true}
      %add3A_136 = arith.constant 1 : i32
      %add3A_137 = arith.addi %mul3A_100, %add3A_136 : i32
      %dma_wait3A_138 = arith.constant 0 : i32
      %dma_wait3A_139 = tpu.memref_slice %arg8[%add3A_137, %dma_wait3A_138] : memref<160x125xi32, #tpu.memory_space<vmem>> -> memref<1x125xi32, #tpu.memory_space<vmem>>
      %dma_wait3A_140 = tpu.memref_squeeze %dma_wait3A_139 : memref<1x125xi32, #tpu.memory_space<vmem>> -> memref<125xi32, #tpu.memory_space<vmem>>
      %dma_wait3A_141 = arith.constant 0 : i32
      %dma_wait3A_142 = arith.constant 0 : i32
      %dma_wait3A_143 = tpu.memref_slice %arg2[%arg0, %dma_wait3A_141, %dma_wait3A_142] : memref<2x10000x64xf32, #tpu.memory_space<hbm>> -> memref<1x10000x64xf32, #tpu.memory_space<hbm>>
      %dma_wait3A_144 = tpu.memref_squeeze %dma_wait3A_143 : memref<1x10000x64xf32, #tpu.memory_space<hbm>> -> memref<10000x64xf32, #tpu.memory_space<hbm>>
      %dma_wait3A_145 = arith.constant 0 : i32
      %dma_wait3A_146 = arith.constant 0 : i32
      %dma_wait3A_147 = tpu.memref_slice %dma_wait3A_144[%dma_wait3A_145, %dma_wait3A_146] : memref<10000x64xf32, #tpu.memory_space<hbm>> -> memref<10000x64xf32, #tpu.memory_space<hbm>>
      tpu.wait_indirect_dma semaphore(%arg20 : memref<!tpu.dma_semaphore, #tpu.memory_space<semaphore_mem>>) src(%dma_wait3A_147 : memref<10000x64xf32, #tpu.memory_space<hbm>>) dst(%arg12 : memref<125x64xf32, #tpu.memory_space<vmem>>)
      %add3A_148 = arith.addi %mul3A_0, %mul3A_100 : i32
      %add3A_149 = arith.constant 1 : i32
      %add3A_150 = arith.addi %add3A_148, %add3A_149 : i32
      %dma_wait3A_151 = arith.constant 0 : i32
      %dma_wait3A_152 = arith.constant 0 : i32
      %dma_wait3A_153 = tpu.memref_slice %arg5[%add3A_150, %dma_wait3A_151, %dma_wait3A_152] : memref<2560x125x16xf32, #tpu.memory_space<hbm>> -> memref<1x125x16xf32, #tpu.memory_space<hbm>>
      %dma_wait3A_154 = tpu.memref_squeeze %dma_wait3A_153 : memref<1x125x16xf32, #tpu.memory_space<hbm>> -> memref<125x16xf32, #tpu.memory_space<hbm>>
      %dma_wait3A_155 = arith.constant 0 : i32
      %dma_wait3A_156 = arith.constant 0 : i32
      %dma_wait3A_157 = tpu.memref_slice %arg5[%add3A_150, %dma_wait3A_155, %dma_wait3A_156] : memref<2560x125x16xf32, #tpu.memory_space<hbm>> -> memref<1x125x16xf32, #tpu.memory_space<hbm>>
      %dma_wait3A_158 = tpu.memref_squeeze %dma_wait3A_157 : memref<1x125x16xf32, #tpu.memory_space<hbm>> -> memref<125x16xf32, #tpu.memory_space<hbm>>
      tpu.wait_dma2 semaphore(%arg28 : memref<!tpu.dma_semaphore, #tpu.memory_space<semaphore_mem>>) src(%dma_wait3A_158 : memref<125x16xf32, #tpu.memory_space<hbm>>) dst(%arg16 : memref<125x16xf32, #tpu.memory_space<vmem>>)
      %scan3A_159 = arith.constant 0 : i32
      %scan3A_160 = arith.constant 125 : i32
      %scan3A_161 = arith.addi %scan3A_159, %scan3A_160 : i32
      %scan3A_162 = arith.constant 1 : i32
      scf.for %scan3A_301 = %scan3A_159 to %scan3A_161 step %scan3A_162  : i32 {
        %mul3A_302 = arith.constant 1 : i32
        %mul3A_303 = arith.muli %scan3A_301, %mul3A_302 : i32
        %add3A_304 = arith.constant 0 : i32
        %add3A_305 = arith.addi %add3A_304, %mul3A_303 : i32
        %get3A = arith.index_cast %add3A_305 : i32 to index
        %get3A_306 = arith.constant 0 : index
        %get3A_307 = tpu.vector_load %arg16[%get3A, %get3A_306] {strides = array<i32>} : memref<125x16xf32, #tpu.memory_space<vmem>>, vector<1x16xf32>,
        %get3A_308 = vector.shape_cast %get3A_307 : vector<1x16xf32> to vector<16xf32>
        %get3A_309 = arith.index_cast %add3A_305 : i32 to index
        %get3A_310 = arith.constant 0 : index
        %get3A_311 = tpu.vector_load %arg12[%get3A_309, %get3A_310] {strides = array<i32>} : memref<125x64xf32, #tpu.memory_space<vmem>>, vector<1x16xf32>,
        %get3A_312 = vector.shape_cast %get3A_311 : vector<1x16xf32> to vector<16xf32>
        %mul3A_313 = arith.mulf %get3A_312, %get3A_308 : vector<16xf32>
        %swap3A = arith.index_cast %add3A_305 : i32 to index
        %swap3A_314 = arith.constant 0 : index
        %swap3A_315 = tpu.vector_load %arg12[%swap3A, %swap3A_314] {strides = array<i32>} : memref<125x64xf32, #tpu.memory_space<vmem>>, vector<1x16xf32>,
        %swap3A_316 = vector.shape_cast %swap3A_315 : vector<1x16xf32> to vector<16xf32>
        %swap3A_317 = vector.shape_cast %mul3A_313 : vector<16xf32> to vector<1x16xf32>
        tpu.vector_store %arg12[%swap3A, %swap3A_314], %swap3A_317 {strides = array<i32>} : memref<125x64xf32, #tpu.memory_space<vmem>>, vector<1x16xf32>,
        %get3A_318 = arith.index_cast %add3A_305 : i32 to index
        %get3A_319 = arith.constant 16 : index
        %get3A_320 = tpu.vector_load %arg12[%get3A_318, %get3A_319] {strides = array<i32>} : memref<125x64xf32, #tpu.memory_space<vmem>>, vector<1x16xf32>,
        %get3A_321 = vector.shape_cast %get3A_320 : vector<1x16xf32> to vector<16xf32>
        %mul3A_322 = arith.mulf %get3A_321, %get3A_308 : vector<16xf32>
        %swap3A_323 = arith.index_cast %add3A_305 : i32 to index
        %swap3A_324 = arith.constant 16 : index
        %swap3A_325 = tpu.vector_load %arg12[%swap3A_323, %swap3A_324] {strides = array<i32>} : memref<125x64xf32, #tpu.memory_space<vmem>>, vector<1x16xf32>,
        %swap3A_326 = vector.shape_cast %swap3A_325 : vector<1x16xf32> to vector<16xf32>
        %swap3A_327 = vector.shape_cast %mul3A_322 : vector<16xf32> to vector<1x16xf32>
        tpu.vector_store %arg12[%swap3A_323, %swap3A_324], %swap3A_327 {strides = array<i32>} : memref<125x64xf32, #tpu.memory_space<vmem>>, vector<1x16xf32>,
        %get3A_328 = arith.index_cast %add3A_305 : i32 to index
        %get3A_329 = arith.constant 32 : index
        %get3A_330 = tpu.vector_load %arg12[%get3A_328, %get3A_329] {strides = array<i32>} : memref<125x64xf32, #tpu.memory_space<vmem>>, vector<1x16xf32>,
        %get3A_331 = vector.shape_cast %get3A_330 : vector<1x16xf32> to vector<16xf32>
        %mul3A_332 = arith.mulf %get3A_331, %get3A_308 : vector<16xf32>
        %swap3A_333 = arith.index_cast %add3A_305 : i32 to index
        %swap3A_334 = arith.constant 32 : index
        %swap3A_335 = tpu.vector_load %arg12[%swap3A_333, %swap3A_334] {strides = array<i32>} : memref<125x64xf32, #tpu.memory_space<vmem>>, vector<1x16xf32>,
        %swap3A_336 = vector.shape_cast %swap3A_335 : vector<1x16xf32> to vector<16xf32>
        %swap3A_337 = vector.shape_cast %mul3A_332 : vector<16xf32> to vector<1x16xf32>
        tpu.vector_store %arg12[%swap3A_333, %swap3A_334], %swap3A_337 {strides = array<i32>} : memref<125x64xf32, #tpu.memory_space<vmem>>, vector<1x16xf32>,
        %get3A_338 = arith.index_cast %add3A_305 : i32 to index
        %get3A_339 = arith.constant 48 : index
        %get3A_340 = tpu.vector_load %arg12[%get3A_338, %get3A_339] {strides = array<i32>} : memref<125x64xf32, #tpu.memory_space<vmem>>, vector<1x16xf32>,
        %get3A_341 = vector.shape_cast %get3A_340 : vector<1x16xf32> to vector<16xf32>
        %mul3A_342 = arith.mulf %get3A_341, %get3A_308 : vector<16xf32>
        %swap3A_343 = arith.index_cast %add3A_305 : i32 to index
        %swap3A_344 = arith.constant 48 : index
        %swap3A_345 = tpu.vector_load %arg12[%swap3A_343, %swap3A_344] {strides = array<i32>} : memref<125x64xf32, #tpu.memory_space<vmem>>, vector<1x16xf32>,
        %swap3A_346 = vector.shape_cast %swap3A_345 : vector<1x16xf32> to vector<16xf32>
        %swap3A_347 = vector.shape_cast %mul3A_342 : vector<16xf32> to vector<1x16xf32>
        tpu.vector_store %arg12[%swap3A_343, %swap3A_344], %swap3A_347 {strides = array<i32>} : memref<125x64xf32, #tpu.memory_space<vmem>>, vector<1x16xf32>,
      }
      %scan3A_163 = arith.constant 125 : i32
      %add3A_164 = arith.constant 1 : i32
      %add3A_165 = arith.addi %mul3A_100, %add3A_164 : i32
      %dma_start3A_166 = arith.constant 0 : i32
      %dma_start3A_167 = tpu.memref_slice %arg9[%add3A_165, %dma_start3A_166] : memref<160x125xi32, #tpu.memory_space<vmem>> -> memref<1x125xi32, #tpu.memory_space<vmem>>
      %dma_start3A_168 = tpu.memref_squeeze %dma_start3A_167 : memref<1x125xi32, #tpu.memory_space<vmem>> -> memref<125xi32, #tpu.memory_space<vmem>>
      %dma_start3A_169 = arith.constant 0 : i32
      %dma_start3A_170 = arith.constant 0 : i32
      %dma_start3A_171 = tpu.memref_slice %arg10[%dma_start3A_169, %dma_start3A_170] : memref<10240x64xf32, #tpu.memory_space<vmem_shared>> -> memref<10240x64xf32, #tpu.memory_space<vmem_shared>>
      tpu.enqueue_indirect_dma source(%arg12 : memref<125x64xf32, #tpu.memory_space<vmem>>) target(%dma_start3A_171 : memref<10240x64xf32, #tpu.memory_space<vmem_shared>>) offsets(%dma_start3A_168 : memref<125xi32, #tpu.memory_space<vmem>>) semaphore(%arg24 : memref<!tpu.dma_semaphore, #tpu.memory_space<semaphore_mem>>) {add = true}
      %add3A_172 = arith.constant 2 : i32
      %add3A_173 = arith.addi %mul3A_100, %add3A_172 : i32
      %dma_wait3A_174 = arith.constant 0 : i32
      %dma_wait3A_175 = tpu.memref_slice %arg8[%add3A_173, %dma_wait3A_174] : memref<160x125xi32, #tpu.memory_space<vmem>> -> memref<1x125xi32, #tpu.memory_space<vmem>>
      %dma_wait3A_176 = tpu.memref_squeeze %dma_wait3A_175 : memref<1x125xi32, #tpu.memory_space<vmem>> -> memref<125xi32, #tpu.memory_space<vmem>>
      %dma_wait3A_177 = arith.constant 0 : i32
      %dma_wait3A_178 = arith.constant 0 : i32
      %dma_wait3A_179 = tpu.memref_slice %arg2[%arg0, %dma_wait3A_177, %dma_wait3A_178] : memref<2x10000x64xf32, #tpu.memory_space<hbm>> -> memref<1x10000x64xf32, #tpu.memory_space<hbm>>
      %dma_wait3A_180 = tpu.memref_squeeze %dma_wait3A_179 : memref<1x10000x64xf32, #tpu.memory_space<hbm>> -> memref<10000x64xf32, #tpu.memory_space<hbm>>
      %dma_wait3A_181 = arith.constant 0 : i32
      %dma_wait3A_182 = arith.constant 0 : i32
      %dma_wait3A_183 = tpu.memref_slice %dma_wait3A_180[%dma_wait3A_181, %dma_wait3A_182] : memref<10000x64xf32, #tpu.memory_space<hbm>> -> memref<10000x64xf32, #tpu.memory_space<hbm>>
      tpu.wait_indirect_dma semaphore(%arg21 : memref<!tpu.dma_semaphore, #tpu.memory_space<semaphore_mem>>) src(%dma_wait3A_183 : memref<10000x64xf32, #tpu.memory_space<hbm>>) dst(%arg13 : memref<125x64xf32, #tpu.memory_space<vmem>>)
      %add3A_184 = arith.addi %mul3A_0, %mul3A_100 : i32
      %add3A_185 = arith.constant 2 : i32
      %add3A_186 = arith.addi %add3A_184, %add3A_185 : i32
      %dma_wait3A_187 = arith.constant 0 : i32
      %dma_wait3A_188 = arith.constant 0 : i32
      %dma_wait3A_189 = tpu.memref_slice %arg5[%add3A_186, %dma_wait3A_187, %dma_wait3A_188] : memref<2560x125x16xf32, #tpu.memory_space<hbm>> -> memref<1x125x16xf32, #tpu.memory_space<hbm>>
      %dma_wait3A_190 = tpu.memref_squeeze %dma_wait3A_189 : memref<1x125x16xf32, #tpu.memory_space<hbm>> -> memref<125x16xf32, #tpu.memory_space<hbm>>
      %dma_wait3A_191 = arith.constant 0 : i32
      %dma_wait3A_192 = arith.constant 0 : i32
      %dma_wait3A_193 = tpu.memref_slice %arg5[%add3A_186, %dma_wait3A_191, %dma_wait3A_192] : memref<2560x125x16xf32, #tpu.memory_space<hbm>> -> memref<1x125x16xf32, #tpu.memory_space<hbm>>
      %dma_wait3A_194 = tpu.memref_squeeze %dma_wait3A_193 : memref<1x125x16xf32, #tpu.memory_space<hbm>> -> memref<125x16xf32, #tpu.memory_space<hbm>>
      tpu.wait_dma2 semaphore(%arg29 : memref<!tpu.dma_semaphore, #tpu.memory_space<semaphore_mem>>) src(%dma_wait3A_194 : memref<125x16xf32, #tpu.memory_space<hbm>>) dst(%arg17 : memref<125x16xf32, #tpu.memory_space<vmem>>)
      %scan3A_195 = arith.constant 0 : i32
      %scan3A_196 = arith.constant 125 : i32
      %scan3A_197 = arith.addi %scan3A_195, %scan3A_196 : i32
      %scan3A_198 = arith.constant 1 : i32
      scf.for %scan3A_301 = %scan3A_195 to %scan3A_197 step %scan3A_198  : i32 {
        %mul3A_302 = arith.constant 1 : i32
        %mul3A_303 = arith.muli %scan3A_301, %mul3A_302 : i32
        %add3A_304 = arith.constant 0 : i32
        %add3A_305 = arith.addi %add3A_304, %mul3A_303 : i32
        %get3A = arith.index_cast %add3A_305 : i32 to index
        %get3A_306 = arith.constant 0 : index
        %get3A_307 = tpu.vector_load %arg17[%get3A, %get3A_306] {strides = array<i32>} : memref<125x16xf32, #tpu.memory_space<vmem>>, vector<1x16xf32>,
        %get3A_308 = vector.shape_cast %get3A_307 : vector<1x16xf32> to vector<16xf32>
        %get3A_309 = arith.index_cast %add3A_305 : i32 to index
        %get3A_310 = arith.constant 0 : index
        %get3A_311 = tpu.vector_load %arg13[%get3A_309, %get3A_310] {strides = array<i32>} : memref<125x64xf32, #tpu.memory_space<vmem>>, vector<1x16xf32>,
        %get3A_312 = vector.shape_cast %get3A_311 : vector<1x16xf32> to vector<16xf32>
        %mul3A_313 = arith.mulf %get3A_312, %get3A_308 : vector<16xf32>
        %swap3A = arith.index_cast %add3A_305 : i32 to index
        %swap3A_314 = arith.constant 0 : index
        %swap3A_315 = tpu.vector_load %arg13[%swap3A, %swap3A_314] {strides = array<i32>} : memref<125x64xf32, #tpu.memory_space<vmem>>, vector<1x16xf32>,
        %swap3A_316 = vector.shape_cast %swap3A_315 : vector<1x16xf32> to vector<16xf32>
        %swap3A_317 = vector.shape_cast %mul3A_313 : vector<16xf32> to vector<1x16xf32>
        tpu.vector_store %arg13[%swap3A, %swap3A_314], %swap3A_317 {strides = array<i32>} : memref<125x64xf32, #tpu.memory_space<vmem>>, vector<1x16xf32>,
        %get3A_318 = arith.index_cast %add3A_305 : i32 to index
        %get3A_319 = arith.constant 16 : index
        %get3A_320 = tpu.vector_load %arg13[%get3A_318, %get3A_319] {strides = array<i32>} : memref<125x64xf32, #tpu.memory_space<vmem>>, vector<1x16xf32>,
        %get3A_321 = vector.shape_cast %get3A_320 : vector<1x16xf32> to vector<16xf32>
        %mul3A_322 = arith.mulf %get3A_321, %get3A_308 : vector<16xf32>
        %swap3A_323 = arith.index_cast %add3A_305 : i32 to index
        %swap3A_324 = arith.constant 16 : index
        %swap3A_325 = tpu.vector_load %arg13[%swap3A_323, %swap3A_324] {strides = array<i32>} : memref<125x64xf32, #tpu.memory_space<vmem>>, vector<1x16xf32>,
        %swap3A_326 = vector.shape_cast %swap3A_325 : vector<1x16xf32> to vector<16xf32>
        %swap3A_327 = vector.shape_cast %mul3A_322 : vector<16xf32> to vector<1x16xf32>
        tpu.vector_store %arg13[%swap3A_323, %swap3A_324], %swap3A_327 {strides = array<i32>} : memref<125x64xf32, #tpu.memory_space<vmem>>, vector<1x16xf32>,
        %get3A_328 = arith.index_cast %add3A_305 : i32 to index
        %get3A_329 = arith.constant 32 : index
        %get3A_330 = tpu.vector_load %arg13[%get3A_328, %get3A_329] {strides = array<i32>} : memref<125x64xf32, #tpu.memory_space<vmem>>, vector<1x16xf32>,
        %get3A_331 = vector.shape_cast %get3A_330 : vector<1x16xf32> to vector<16xf32>
        %mul3A_332 = arith.mulf %get3A_331, %get3A_308 : vector<16xf32>
        %swap3A_333 = arith.index_cast %add3A_305 : i32 to index
        %swap3A_334 = arith.constant 32 : index
        %swap3A_335 = tpu.vector_load %arg13[%swap3A_333, %swap3A_334] {strides = array<i32>} : memref<125x64xf32, #tpu.memory_space<vmem>>, vector<1x16xf32>,
        %swap3A_336 = vector.shape_cast %swap3A_335 : vector<1x16xf32> to vector<16xf32>
        %swap3A_337 = vector.shape_cast %mul3A_332 : vector<16xf32> to vector<1x16xf32>
        tpu.vector_store %arg13[%swap3A_333, %swap3A_334], %swap3A_337 {strides = array<i32>} : memref<125x64xf32, #tpu.memory_space<vmem>>, vector<1x16xf32>,
        %get3A_338 = arith.index_cast %add3A_305 : i32 to index
        %get3A_339 = arith.constant 48 : index
        %get3A_340 = tpu.vector_load %arg13[%get3A_338, %get3A_339] {strides = array<i32>} : memref<125x64xf32, #tpu.memory_space<vmem>>, vector<1x16xf32>,
        %get3A_341 = vector.shape_cast %get3A_340 : vector<1x16xf32> to vector<16xf32>
        %mul3A_342 = arith.mulf %get3A_341, %get3A_308 : vector<16xf32>
        %swap3A_343 = arith.index_cast %add3A_305 : i32 to index
        %swap3A_344 = arith.constant 48 : index
        %swap3A_345 = tpu.vector_load %arg13[%swap3A_343, %swap3A_344] {strides = array<i32>} : memref<125x64xf32, #tpu.memory_space<vmem>>, vector<1x16xf32>,
        %swap3A_346 = vector.shape_cast %swap3A_345 : vector<1x16xf32> to vector<16xf32>
        %swap3A_347 = vector.shape_cast %mul3A_342 : vector<16xf32> to vector<1x16xf32>
        tpu.vector_store %arg13[%swap3A_343, %swap3A_344], %swap3A_347 {strides = array<i32>} : memref<125x64xf32, #tpu.memory_space<vmem>>, vector<1x16xf32>,
      }
      %scan3A_199 = arith.constant 125 : i32
      %add3A_200 = arith.constant 2 : i32
      %add3A_201 = arith.addi %mul3A_100, %add3A_200 : i32
      %dma_start3A_202 = arith.constant 0 : i32
      %dma_start3A_203 = tpu.memref_slice %arg9[%add3A_201, %dma_start3A_202] : memref<160x125xi32, #tpu.memory_space<vmem>> -> memref<1x125xi32, #tpu.memory_space<vmem>>
      %dma_start3A_204 = tpu.memref_squeeze %dma_start3A_203 : memref<1x125xi32, #tpu.memory_space<vmem>> -> memref<125xi32, #tpu.memory_space<vmem>>
      %dma_start3A_205 = arith.constant 0 : i32
      %dma_start3A_206 = arith.constant 0 : i32
      %dma_start3A_207 = tpu.memref_slice %arg10[%dma_start3A_205, %dma_start3A_206] : memref<10240x64xf32, #tpu.memory_space<vmem_shared>> -> memref<10240x64xf32, #tpu.memory_space<vmem_shared>>
      tpu.enqueue_indirect_dma source(%arg13 : memref<125x64xf32, #tpu.memory_space<vmem>>) target(%dma_start3A_207 : memref<10240x64xf32, #tpu.memory_space<vmem_shared>>) offsets(%dma_start3A_204 : memref<125xi32, #tpu.memory_space<vmem>>) semaphore(%arg25 : memref<!tpu.dma_semaphore, #tpu.memory_space<semaphore_mem>>) {add = true}
      %add3A_208 = arith.constant 3 : i32
      %add3A_209 = arith.addi %mul3A_100, %add3A_208 : i32
      %dma_wait3A_210 = arith.constant 0 : i32
      %dma_wait3A_211 = tpu.memref_slice %arg8[%add3A_209, %dma_wait3A_210] : memref<160x125xi32, #tpu.memory_space<vmem>> -> memref<1x125xi32, #tpu.memory_space<vmem>>
      %dma_wait3A_212 = tpu.memref_squeeze %dma_wait3A_211 : memref<1x125xi32, #tpu.memory_space<vmem>> -> memref<125xi32, #tpu.memory_space<vmem>>
      %dma_wait3A_213 = arith.constant 0 : i32
      %dma_wait3A_214 = arith.constant 0 : i32
      %dma_wait3A_215 = tpu.memref_slice %arg2[%arg0, %dma_wait3A_213, %dma_wait3A_214] : memref<2x10000x64xf32, #tpu.memory_space<hbm>> -> memref<1x10000x64xf32, #tpu.memory_space<hbm>>
      %dma_wait3A_216 = tpu.memref_squeeze %dma_wait3A_215 : memref<1x10000x64xf32, #tpu.memory_space<hbm>> -> memref<10000x64xf32, #tpu.memory_space<hbm>>
      %dma_wait3A_217 = arith.constant 0 : i32
      %dma_wait3A_218 = arith.constant 0 : i32
      %dma_wait3A_219 = tpu.memref_slice %dma_wait3A_216[%dma_wait3A_217, %dma_wait3A_218] : memref<10000x64xf32, #tpu.memory_space<hbm>> -> memref<10000x64xf32, #tpu.memory_space<hbm>>
      tpu.wait_indirect_dma semaphore(%arg22 : memref<!tpu.dma_semaphore, #tpu.memory_space<semaphore_mem>>) src(%dma_wait3A_219 : memref<10000x64xf32, #tpu.memory_space<hbm>>) dst(%arg14 : memref<125x64xf32, #tpu.memory_space<vmem>>)
      %add3A_220 = arith.addi %mul3A_0, %mul3A_100 : i32
      %add3A_221 = arith.constant 3 : i32
      %add3A_222 = arith.addi %add3A_220, %add3A_221 : i32
      %dma_wait3A_223 = arith.constant 0 : i32
      %dma_wait3A_224 = arith.constant 0 : i32
      %dma_wait3A_225 = tpu.memref_slice %arg5[%add3A_222, %dma_wait3A_223, %dma_wait3A_224] : memref<2560x125x16xf32, #tpu.memory_space<hbm>> -> memref<1x125x16xf32, #tpu.memory_space<hbm>>
      %dma_wait3A_226 = tpu.memref_squeeze %dma_wait3A_225 : memref<1x125x16xf32, #tpu.memory_space<hbm>> -> memref<125x16xf32, #tpu.memory_space<hbm>>
      %dma_wait3A_227 = arith.constant 0 : i32
      %dma_wait3A_228 = arith.constant 0 : i32
      %dma_wait3A_229 = tpu.memref_slice %arg5[%add3A_222, %dma_wait3A_227, %dma_wait3A_228] : memref<2560x125x16xf32, #tpu.memory_space<hbm>> -> memref<1x125x16xf32, #tpu.memory_space<hbm>>
      %dma_wait3A_230 = tpu.memref_squeeze %dma_wait3A_229 : memref<1x125x16xf32, #tpu.memory_space<hbm>> -> memref<125x16xf32, #tpu.memory_space<hbm>>
      tpu.wait_dma2 semaphore(%arg30 : memref<!tpu.dma_semaphore, #tpu.memory_space<semaphore_mem>>) src(%dma_wait3A_230 : memref<125x16xf32, #tpu.memory_space<hbm>>) dst(%arg18 : memref<125x16xf32, #tpu.memory_space<vmem>>)
      %scan3A_231 = arith.constant 0 : i32
      %scan3A_232 = arith.constant 125 : i32
      %scan3A_233 = arith.addi %scan3A_231, %scan3A_232 : i32
      %scan3A_234 = arith.constant 1 : i32
      scf.for %scan3A_301 = %scan3A_231 to %scan3A_233 step %scan3A_234  : i32 {
        %mul3A_302 = arith.constant 1 : i32
        %mul3A_303 = arith.muli %scan3A_301, %mul3A_302 : i32
        %add3A_304 = arith.constant 0 : i32
        %add3A_305 = arith.addi %add3A_304, %mul3A_303 : i32
        %get3A = arith.index_cast %add3A_305 : i32 to index
        %get3A_306 = arith.constant 0 : index
        %get3A_307 = tpu.vector_load %arg18[%get3A, %get3A_306] {strides = array<i32>} : memref<125x16xf32, #tpu.memory_space<vmem>>, vector<1x16xf32>,
        %get3A_308 = vector.shape_cast %get3A_307 : vector<1x16xf32> to vector<16xf32>
        %get3A_309 = arith.index_cast %add3A_305 : i32 to index
        %get3A_310 = arith.constant 0 : index
        %get3A_311 = tpu.vector_load %arg14[%get3A_309, %get3A_310] {strides = array<i32>} : memref<125x64xf32, #tpu.memory_space<vmem>>, vector<1x16xf32>,
        %get3A_312 = vector.shape_cast %get3A_311 : vector<1x16xf32> to vector<16xf32>
        %mul3A_313 = arith.mulf %get3A_312, %get3A_308 : vector<16xf32>
        %swap3A = arith.index_cast %add3A_305 : i32 to index
        %swap3A_314 = arith.constant 0 : index
        %swap3A_315 = tpu.vector_load %arg14[%swap3A, %swap3A_314] {strides = array<i32>} : memref<125x64xf32, #tpu.memory_space<vmem>>, vector<1x16xf32>,
        %swap3A_316 = vector.shape_cast %swap3A_315 : vector<1x16xf32> to vector<16xf32>
        %swap3A_317 = vector.shape_cast %mul3A_313 : vector<16xf32> to vector<1x16xf32>
        tpu.vector_store %arg14[%swap3A, %swap3A_314], %swap3A_317 {strides = array<i32>} : memref<125x64xf32, #tpu.memory_space<vmem>>, vector<1x16xf32>,
        %get3A_318 = arith.index_cast %add3A_305 : i32 to index
        %get3A_319 = arith.constant 16 : index
        %get3A_320 = tpu.vector_load %arg14[%get3A_318, %get3A_319] {strides = array<i32>} : memref<125x64xf32, #tpu.memory_space<vmem>>, vector<1x16xf32>,
        %get3A_321 = vector.shape_cast %get3A_320 : vector<1x16xf32> to vector<16xf32>
        %mul3A_322 = arith.mulf %get3A_321, %get3A_308 : vector<16xf32>
        %swap3A_323 = arith.index_cast %add3A_305 : i32 to index
        %swap3A_324 = arith.constant 16 : index
        %swap3A_325 = tpu.vector_load %arg14[%swap3A_323, %swap3A_324] {strides = array<i32>} : memref<125x64xf32, #tpu.memory_space<vmem>>, vector<1x16xf32>,
        %swap3A_326 = vector.shape_cast %swap3A_325 : vector<1x16xf32> to vector<16xf32>
        %swap3A_327 = vector.shape_cast %mul3A_322 : vector<16xf32> to vector<1x16xf32>
        tpu.vector_store %arg14[%swap3A_323, %swap3A_324], %swap3A_327 {strides = array<i32>} : memref<125x64xf32, #tpu.memory_space<vmem>>, vector<1x16xf32>,
        %get3A_328 = arith.index_cast %add3A_305 : i32 to index
        %get3A_329 = arith.constant 32 : index
        %get3A_330 = tpu.vector_load %arg14[%get3A_328, %get3A_329] {strides = array<i32>} : memref<125x64xf32, #tpu.memory_space<vmem>>, vector<1x16xf32>,
        %get3A_331 = vector.shape_cast %get3A_330 : vector<1x16xf32> to vector<16xf32>
        %mul3A_332 = arith.mulf %get3A_331, %get3A_308 : vector<16xf32>
        %swap3A_333 = arith.index_cast %add3A_305 : i32 to index
        %swap3A_334 = arith.constant 32 : index
        %swap3A_335 = tpu.vector_load %arg14[%swap3A_333, %swap3A_334] {strides = array<i32>} : memref<125x64xf32, #tpu.memory_space<vmem>>, vector<1x16xf32>,
        %swap3A_336 = vector.shape_cast %swap3A_335 : vector<1x16xf32> to vector<16xf32>
        %swap3A_337 = vector.shape_cast %mul3A_332 : vector<16xf32> to vector<1x16xf32>
        tpu.vector_store %arg14[%swap3A_333, %swap3A_334], %swap3A_337 {strides = array<i32>} : memref<125x64xf32, #tpu.memory_space<vmem>>, vector<1x16xf32>,
        %get3A_338 = arith.index_cast %add3A_305 : i32 to index
        %get3A_339 = arith.constant 48 : index
        %get3A_340 = tpu.vector_load %arg14[%get3A_338, %get3A_339] {strides = array<i32>} : memref<125x64xf32, #tpu.memory_space<vmem>>, vector<1x16xf32>,
        %get3A_341 = vector.shape_cast %get3A_340 : vector<1x16xf32> to vector<16xf32>
        %mul3A_342 = arith.mulf %get3A_341, %get3A_308 : vector<16xf32>
        %swap3A_343 = arith.index_cast %add3A_305 : i32 to index
        %swap3A_344 = arith.constant 48 : index
        %swap3A_345 = tpu.vector_load %arg14[%swap3A_343, %swap3A_344] {strides = array<i32>} : memref<125x64xf32, #tpu.memory_space<vmem>>, vector<1x16xf32>,
        %swap3A_346 = vector.shape_cast %swap3A_345 : vector<1x16xf32> to vector<16xf32>
        %swap3A_347 = vector.shape_cast %mul3A_342 : vector<16xf32> to vector<1x16xf32>
        tpu.vector_store %arg14[%swap3A_343, %swap3A_344], %swap3A_347 {strides = array<i32>} : memref<125x64xf32, #tpu.memory_space<vmem>>, vector<1x16xf32>,
      }
      %scan3A_235 = arith.constant 125 : i32
      %add3A_236 = arith.constant 3 : i32
      %add3A_237 = arith.addi %mul3A_100, %add3A_236 : i32
      %dma_start3A_238 = arith.constant 0 : i32
      %dma_start3A_239 = tpu.memref_slice %arg9[%add3A_237, %dma_start3A_238] : memref<160x125xi32, #tpu.memory_space<vmem>> -> memref<1x125xi32, #tpu.memory_space<vmem>>
      %dma_start3A_240 = tpu.memref_squeeze %dma_start3A_239 : memref<1x125xi32, #tpu.memory_space<vmem>> -> memref<125xi32, #tpu.memory_space<vmem>>
      %dma_start3A_241 = arith.constant 0 : i32
      %dma_start3A_242 = arith.constant 0 : i32
      %dma_start3A_243 = tpu.memref_slice %arg10[%dma_start3A_241, %dma_start3A_242] : memref<10240x64xf32, #tpu.memory_space<vmem_shared>> -> memref<10240x64xf32, #tpu.memory_space<vmem_shared>>
      tpu.enqueue_indirect_dma source(%arg14 : memref<125x64xf32, #tpu.memory_space<vmem>>) target(%dma_start3A_243 : memref<10240x64xf32, #tpu.memory_space<vmem_shared>>) offsets(%dma_start3A_240 : memref<125xi32, #tpu.memory_space<vmem>>) semaphore(%arg26 : memref<!tpu.dma_semaphore, #tpu.memory_space<semaphore_mem>>) {add = true}
      %dma_wait3A_244 = arith.constant 0 : i32
      %dma_wait3A_245 = tpu.memref_slice %arg9[%add3A_129, %dma_wait3A_244] : memref<160x125xi32, #tpu.memory_space<vmem>> -> memref<1x125xi32, #tpu.memory_space<vmem>>
      %dma_wait3A_246 = tpu.memref_squeeze %dma_wait3A_245 : memref<1x125xi32, #tpu.memory_space<vmem>> -> memref<125xi32, #tpu.memory_space<vmem>>
      %dma_wait3A_247 = arith.constant 0 : i32
      %dma_wait3A_248 = arith.constant 0 : i32
      %dma_wait3A_249 = tpu.memref_slice %arg10[%dma_wait3A_247, %dma_wait3A_248] : memref<10240x64xf32, #tpu.memory_space<vmem_shared>> -> memref<10240x64xf32, #tpu.memory_space<vmem_shared>>
      tpu.wait_indirect_dma semaphore(%arg23 : memref<!tpu.dma_semaphore, #tpu.memory_space<semaphore_mem>>) src(%arg11 : memref<125x64xf32, #tpu.memory_space<vmem>>) dst(%dma_wait3A_249 : memref<10240x64xf32, #tpu.memory_space<vmem_shared>>)
      %add3A_250 = arith.constant 0 : i32
      %add3A_251 = arith.addi %mul3A_100, %add3A_250 : i32
      %add3A_252 = arith.constant 4 : i32
      %add3A_253 = arith.addi %add3A_251, %add3A_252 : i32
      %lt3A = arith.constant 160 : i32
      %lt3A_254 = arith.cmpi slt, %add3A_253, %lt3A : i32
      %convert_element_type3A = arith.extui %lt3A_254 : i1 to i32
      %cond3A = arith.constant 0 : i32
      %cond3A_255 = arith.cmpi ne, %convert_element_type3A, %cond3A : i32
      scf.if %cond3A_255 {
        %add3A_301 = arith.constant 0 : i32
        %add3A_302 = arith.addi %mul3A_100, %add3A_301 : i32
        %add3A_303 = arith.constant 4 : i32
        %add3A_304 = arith.addi %add3A_302, %add3A_303 : i32
        %dma_start3A_305 = arith.constant 0 : i32
        %dma_start3A_306 = tpu.memref_slice %arg8[%add3A_304, %dma_start3A_305] : memref<160x125xi32, #tpu.memory_space<vmem>> -> memref<1x125xi32, #tpu.memory_space<vmem>>
        %dma_start3A_307 = tpu.memref_squeeze %dma_start3A_306 : memref<1x125xi32, #tpu.memory_space<vmem>> -> memref<125xi32, #tpu.memory_space<vmem>>
        %dma_start3A_308 = arith.constant 0 : i32
        %dma_start3A_309 = arith.constant 0 : i32
        %dma_start3A_310 = tpu.memref_slice %arg2[%arg0, %dma_start3A_308, %dma_start3A_309] : memref<2x10000x64xf32, #tpu.memory_space<hbm>> -> memref<1x10000x64xf32, #tpu.memory_space<hbm>>
        %dma_start3A_311 = tpu.memref_squeeze %dma_start3A_310 : memref<1x10000x64xf32, #tpu.memory_space<hbm>> -> memref<10000x64xf32, #tpu.memory_space<hbm>>
        %dma_start3A_312 = arith.constant 0 : i32
        %dma_start3A_313 = arith.constant 0 : i32
        %dma_start3A_314 = tpu.memref_slice %dma_start3A_311[%dma_start3A_312, %dma_start3A_313] : memref<10000x64xf32, #tpu.memory_space<hbm>> -> memref<10000x64xf32, #tpu.memory_space<hbm>>
        tpu.enqueue_indirect_dma source(%dma_start3A_314 : memref<10000x64xf32, #tpu.memory_space<hbm>>) target(%arg11 : memref<125x64xf32, #tpu.memory_space<vmem>>) offsets(%dma_start3A_307 : memref<125xi32, #tpu.memory_space<vmem>>) semaphore(%arg19 : memref<!tpu.dma_semaphore, #tpu.memory_space<semaphore_mem>>)
        %add3A_315 = arith.addi %mul3A_0, %mul3A_100 : i32
        %add3A_316 = arith.constant 0 : i32
        %add3A_317 = arith.addi %add3A_315, %add3A_316 : i32
        %add3A_318 = arith.constant 4 : i32
        %add3A_319 = arith.addi %add3A_317, %add3A_318 : i32
        %dma_start3A_320 = arith.constant 0 : i32
        %dma_start3A_321 = arith.constant 0 : i32
        %dma_start3A_322 = tpu.memref_slice %arg5[%add3A_319, %dma_start3A_320, %dma_start3A_321] : memref<2560x125x16xf32, #tpu.memory_space<hbm>> -> memref<1x125x16xf32, #tpu.memory_space<hbm>>
        %dma_start3A_323 = tpu.memref_squeeze %dma_start3A_322 : memref<1x125x16xf32, #tpu.memory_space<hbm>> -> memref<125x16xf32, #tpu.memory_space<hbm>>
        %dma_start3A_324 = arith.constant 0 : i32
        %dma_start3A_325 = arith.constant 0 : i32
        %dma_start3A_326 = tpu.memref_slice %arg5[%add3A_319, %dma_start3A_324, %dma_start3A_325] : memref<2560x125x16xf32, #tpu.memory_space<hbm>> -> memref<1x125x16xf32, #tpu.memory_space<hbm>>
        %dma_start3A_327 = tpu.memref_squeeze %dma_start3A_326 : memref<1x125x16xf32, #tpu.memory_space<hbm>> -> memref<125x16xf32, #tpu.memory_space<hbm>>
        tpu.enqueue_dma source(%dma_start3A_327 : memref<125x16xf32, #tpu.memory_space<hbm>>) target(%arg15 : memref<125x16xf32, #tpu.memory_space<vmem>>) target_semaphore(%arg27 : memref<!tpu.dma_semaphore, #tpu.memory_space<semaphore_mem>>)
      } else {
      }
      %dma_wait3A_256 = arith.constant 0 : i32
      %dma_wait3A_257 = tpu.memref_slice %arg9[%add3A_165, %dma_wait3A_256] : memref<160x125xi32, #tpu.memory_space<vmem>> -> memref<1x125xi32, #tpu.memory_space<vmem>>
      %dma_wait3A_258 = tpu.memref_squeeze %dma_wait3A_257 : memref<1x125xi32, #tpu.memory_space<vmem>> -> memref<125xi32, #tpu.memory_space<vmem>>
      %dma_wait3A_259 = arith.constant 0 : i32
      %dma_wait3A_260 = arith.constant 0 : i32
      %dma_wait3A_261 = tpu.memref_slice %arg10[%dma_wait3A_259, %dma_wait3A_260] : memref<10240x64xf32, #tpu.memory_space<vmem_shared>> -> memref<10240x64xf32, #tpu.memory_space<vmem_shared>>
      tpu.wait_indirect_dma semaphore(%arg24 : memref<!tpu.dma_semaphore, #tpu.memory_space<semaphore_mem>>) src(%arg12 : memref<125x64xf32, #tpu.memory_space<vmem>>) dst(%dma_wait3A_261 : memref<10240x64xf32, #tpu.memory_space<vmem_shared>>)
      %add3A_262 = arith.constant 1 : i32
      %add3A_263 = arith.addi %mul3A_100, %add3A_262 : i32
      %add3A_264 = arith.constant 4 : i32
      %add3A_265 = arith.addi %add3A_263, %add3A_264 : i32
      %lt3A_266 = arith.constant 160 : i32
      %lt3A_267 = arith.cmpi slt, %add3A_265, %lt3A_266 : i32
      %convert_element_type3A_268 = arith.extui %lt3A_267 : i1 to i32
      %cond3A_269 = arith.constant 0 : i32
      %cond3A_270 = arith.cmpi ne, %convert_element_type3A_268, %cond3A_269 : i32
      scf.if %cond3A_270 {
        %add3A_301 = arith.constant 1 : i32
        %add3A_302 = arith.addi %mul3A_100, %add3A_301 : i32
        %add3A_303 = arith.constant 4 : i32
        %add3A_304 = arith.addi %add3A_302, %add3A_303 : i32
        %dma_start3A_305 = arith.constant 0 : i32
        %dma_start3A_306 = tpu.memref_slice %arg8[%add3A_304, %dma_start3A_305] : memref<160x125xi32, #tpu.memory_space<vmem>> -> memref<1x125xi32, #tpu.memory_space<vmem>>
        %dma_start3A_307 = tpu.memref_squeeze %dma_start3A_306 : memref<1x125xi32, #tpu.memory_space<vmem>> -> memref<125xi32, #tpu.memory_space<vmem>>
        %dma_start3A_308 = arith.constant 0 : i32
        %dma_start3A_309 = arith.constant 0 : i32
        %dma_start3A_310 = tpu.memref_slice %arg2[%arg0, %dma_start3A_308, %dma_start3A_309] : memref<2x10000x64xf32, #tpu.memory_space<hbm>> -> memref<1x10000x64xf32, #tpu.memory_space<hbm>>
        %dma_start3A_311 = tpu.memref_squeeze %dma_start3A_310 : memref<1x10000x64xf32, #tpu.memory_space<hbm>> -> memref<10000x64xf32, #tpu.memory_space<hbm>>
        %dma_start3A_312 = arith.constant 0 : i32
        %dma_start3A_313 = arith.constant 0 : i32
        %dma_start3A_314 = tpu.memref_slice %dma_start3A_311[%dma_start3A_312, %dma_start3A_313] : memref<10000x64xf32, #tpu.memory_space<hbm>> -> memref<10000x64xf32, #tpu.memory_space<hbm>>
        tpu.enqueue_indirect_dma source(%dma_start3A_314 : memref<10000x64xf32, #tpu.memory_space<hbm>>) target(%arg12 : memref<125x64xf32, #tpu.memory_space<vmem>>) offsets(%dma_start3A_307 : memref<125xi32, #tpu.memory_space<vmem>>) semaphore(%arg20 : memref<!tpu.dma_semaphore, #tpu.memory_space<semaphore_mem>>)
        %add3A_315 = arith.addi %mul3A_0, %mul3A_100 : i32
        %add3A_316 = arith.constant 1 : i32
        %add3A_317 = arith.addi %add3A_315, %add3A_316 : i32
        %add3A_318 = arith.constant 4 : i32
        %add3A_319 = arith.addi %add3A_317, %add3A_318 : i32
        %dma_start3A_320 = arith.constant 0 : i32
        %dma_start3A_321 = arith.constant 0 : i32
        %dma_start3A_322 = tpu.memref_slice %arg5[%add3A_319, %dma_start3A_320, %dma_start3A_321] : memref<2560x125x16xf32, #tpu.memory_space<hbm>> -> memref<1x125x16xf32, #tpu.memory_space<hbm>>
        %dma_start3A_323 = tpu.memref_squeeze %dma_start3A_322 : memref<1x125x16xf32, #tpu.memory_space<hbm>> -> memref<125x16xf32, #tpu.memory_space<hbm>>
        %dma_start3A_324 = arith.constant 0 : i32
        %dma_start3A_325 = arith.constant 0 : i32
        %dma_start3A_326 = tpu.memref_slice %arg5[%add3A_319, %dma_start3A_324, %dma_start3A_325] : memref<2560x125x16xf32, #tpu.memory_space<hbm>> -> memref<1x125x16xf32, #tpu.memory_space<hbm>>
        %dma_start3A_327 = tpu.memref_squeeze %dma_start3A_326 : memref<1x125x16xf32, #tpu.memory_space<hbm>> -> memref<125x16xf32, #tpu.memory_space<hbm>>
        tpu.enqueue_dma source(%dma_start3A_327 : memref<125x16xf32, #tpu.memory_space<hbm>>) target(%arg16 : memref<125x16xf32, #tpu.memory_space<vmem>>) target_semaphore(%arg28 : memref<!tpu.dma_semaphore, #tpu.memory_space<semaphore_mem>>)
      } else {
      }
      %dma_wait3A_271 = arith.constant 0 : i32
      %dma_wait3A_272 = tpu.memref_slice %arg9[%add3A_201, %dma_wait3A_271] : memref<160x125xi32, #tpu.memory_space<vmem>> -> memref<1x125xi32, #tpu.memory_space<vmem>>
      %dma_wait3A_273 = tpu.memref_squeeze %dma_wait3A_272 : memref<1x125xi32, #tpu.memory_space<vmem>> -> memref<125xi32, #tpu.memory_space<vmem>>
      %dma_wait3A_274 = arith.constant 0 : i32
      %dma_wait3A_275 = arith.constant 0 : i32
      %dma_wait3A_276 = tpu.memref_slice %arg10[%dma_wait3A_274, %dma_wait3A_275] : memref<10240x64xf32, #tpu.memory_space<vmem_shared>> -> memref<10240x64xf32, #tpu.memory_space<vmem_shared>>
      tpu.wait_indirect_dma semaphore(%arg25 : memref<!tpu.dma_semaphore, #tpu.memory_space<semaphore_mem>>) src(%arg13 : memref<125x64xf32, #tpu.memory_space<vmem>>) dst(%dma_wait3A_276 : memref<10240x64xf32, #tpu.memory_space<vmem_shared>>)
      %add3A_277 = arith.constant 2 : i32
      %add3A_278 = arith.addi %mul3A_100, %add3A_277 : i32
      %add3A_279 = arith.constant 4 : i32
      %add3A_280 = arith.addi %add3A_278, %add3A_279 : i32
      %lt3A_281 = arith.constant 160 : i32
      %lt3A_282 = arith.cmpi slt, %add3A_280, %lt3A_281 : i32
      %convert_element_type3A_283 = arith.extui %lt3A_282 : i1 to i32
      %cond3A_284 = arith.constant 0 : i32
      %cond3A_285 = arith.cmpi ne, %convert_element_type3A_283, %cond3A_284 : i32
      scf.if %cond3A_285 {
        %add3A_301 = arith.constant 2 : i32
        %add3A_302 = arith.addi %mul3A_100, %add3A_301 : i32
        %add3A_303 = arith.constant 4 : i32
        %add3A_304 = arith.addi %add3A_302, %add3A_303 : i32
        %dma_start3A_305 = arith.constant 0 : i32
        %dma_start3A_306 = tpu.memref_slice %arg8[%add3A_304, %dma_start3A_305] : memref<160x125xi32, #tpu.memory_space<vmem>> -> memref<1x125xi32, #tpu.memory_space<vmem>>
        %dma_start3A_307 = tpu.memref_squeeze %dma_start3A_306 : memref<1x125xi32, #tpu.memory_space<vmem>> -> memref<125xi32, #tpu.memory_space<vmem>>
        %dma_start3A_308 = arith.constant 0 : i32
        %dma_start3A_309 = arith.constant 0 : i32
        %dma_start3A_310 = tpu.memref_slice %arg2[%arg0, %dma_start3A_308, %dma_start3A_309] : memref<2x10000x64xf32, #tpu.memory_space<hbm>> -> memref<1x10000x64xf32, #tpu.memory_space<hbm>>
        %dma_start3A_311 = tpu.memref_squeeze %dma_start3A_310 : memref<1x10000x64xf32, #tpu.memory_space<hbm>> -> memref<10000x64xf32, #tpu.memory_space<hbm>>
        %dma_start3A_312 = arith.constant 0 : i32
        %dma_start3A_313 = arith.constant 0 : i32
        %dma_start3A_314 = tpu.memref_slice %dma_start3A_311[%dma_start3A_312, %dma_start3A_313] : memref<10000x64xf32, #tpu.memory_space<hbm>> -> memref<10000x64xf32, #tpu.memory_space<hbm>>
        tpu.enqueue_indirect_dma source(%dma_start3A_314 : memref<10000x64xf32, #tpu.memory_space<hbm>>) target(%arg13 : memref<125x64xf32, #tpu.memory_space<vmem>>) offsets(%dma_start3A_307 : memref<125xi32, #tpu.memory_space<vmem>>) semaphore(%arg21 : memref<!tpu.dma_semaphore, #tpu.memory_space<semaphore_mem>>)
        %add3A_315 = arith.addi %mul3A_0, %mul3A_100 : i32
        %add3A_316 = arith.constant 2 : i32
        %add3A_317 = arith.addi %add3A_315, %add3A_316 : i32
        %add3A_318 = arith.constant 4 : i32
        %add3A_319 = arith.addi %add3A_317, %add3A_318 : i32
        %dma_start3A_320 = arith.constant 0 : i32
        %dma_start3A_321 = arith.constant 0 : i32
        %dma_start3A_322 = tpu.memref_slice %arg5[%add3A_319, %dma_start3A_320, %dma_start3A_321] : memref<2560x125x16xf32, #tpu.memory_space<hbm>> -> memref<1x125x16xf32, #tpu.memory_space<hbm>>
        %dma_start3A_323 = tpu.memref_squeeze %dma_start3A_322 : memref<1x125x16xf32, #tpu.memory_space<hbm>> -> memref<125x16xf32, #tpu.memory_space<hbm>>
        %dma_start3A_324 = arith.constant 0 : i32
        %dma_start3A_325 = arith.constant 0 : i32
        %dma_start3A_326 = tpu.memref_slice %arg5[%add3A_319, %dma_start3A_324, %dma_start3A_325] : memref<2560x125x16xf32, #tpu.memory_space<hbm>> -> memref<1x125x16xf32, #tpu.memory_space<hbm>>
        %dma_start3A_327 = tpu.memref_squeeze %dma_start3A_326 : memref<1x125x16xf32, #tpu.memory_space<hbm>> -> memref<125x16xf32, #tpu.memory_space<hbm>>
        tpu.enqueue_dma source(%dma_start3A_327 : memref<125x16xf32, #tpu.memory_space<hbm>>) target(%arg17 : memref<125x16xf32, #tpu.memory_space<vmem>>) target_semaphore(%arg29 : memref<!tpu.dma_semaphore, #tpu.memory_space<semaphore_mem>>)
      } else {
      }
      %dma_wait3A_286 = arith.constant 0 : i32
      %dma_wait3A_287 = tpu.memref_slice %arg9[%add3A_237, %dma_wait3A_286] : memref<160x125xi32, #tpu.memory_space<vmem>> -> memref<1x125xi32, #tpu.memory_space<vmem>>
      %dma_wait3A_288 = tpu.memref_squeeze %dma_wait3A_287 : memref<1x125xi32, #tpu.memory_space<vmem>> -> memref<125xi32, #tpu.memory_space<vmem>>
      %dma_wait3A_289 = arith.constant 0 : i32
      %dma_wait3A_290 = arith.constant 0 : i32
      %dma_wait3A_291 = tpu.memref_slice %arg10[%dma_wait3A_289, %dma_wait3A_290] : memref<10240x64xf32, #tpu.memory_space<vmem_shared>> -> memref<10240x64xf32, #tpu.memory_space<vmem_shared>>
      tpu.wait_indirect_dma semaphore(%arg26 : memref<!tpu.dma_semaphore, #tpu.memory_space<semaphore_mem>>) src(%arg14 : memref<125x64xf32, #tpu.memory_space<vmem>>) dst(%dma_wait3A_291 : memref<10240x64xf32, #tpu.memory_space<vmem_shared>>)
      %add3A_292 = arith.constant 3 : i32
      %add3A_293 = arith.addi %mul3A_100, %add3A_292 : i32
      %add3A_294 = arith.constant 4 : i32
      %add3A_295 = arith.addi %add3A_293, %add3A_294 : i32
      %lt3A_296 = arith.constant 160 : i32
      %lt3A_297 = arith.cmpi slt, %add3A_295, %lt3A_296 : i32
      %convert_element_type3A_298 = arith.extui %lt3A_297 : i1 to i32
      %cond3A_299 = arith.constant 0 : i32
      %cond3A_300 = arith.cmpi ne, %convert_element_type3A_298, %cond3A_299 : i32
      scf.if %cond3A_300 {
        %add3A_301 = arith.constant 3 : i32
        %add3A_302 = arith.addi %mul3A_100, %add3A_301 : i32
        %add3A_303 = arith.constant 4 : i32
        %add3A_304 = arith.addi %add3A_302, %add3A_303 : i32
        %dma_start3A_305 = arith.constant 0 : i32
        %dma_start3A_306 = tpu.memref_slice %arg8[%add3A_304, %dma_start3A_305] : memref<160x125xi32, #tpu.memory_space<vmem>> -> memref<1x125xi32, #tpu.memory_space<vmem>>
        %dma_start3A_307 = tpu.memref_squeeze %dma_start3A_306 : memref<1x125xi32, #tpu.memory_space<vmem>> -> memref<125xi32, #tpu.memory_space<vmem>>
        %dma_start3A_308 = arith.constant 0 : i32
        %dma_start3A_309 = arith.constant 0 : i32
        %dma_start3A_310 = tpu.memref_slice %arg2[%arg0, %dma_start3A_308, %dma_start3A_309] : memref<2x10000x64xf32, #tpu.memory_space<hbm>> -> memref<1x10000x64xf32, #tpu.memory_space<hbm>>
        %dma_start3A_311 = tpu.memref_squeeze %dma_start3A_310 : memref<1x10000x64xf32, #tpu.memory_space<hbm>> -> memref<10000x64xf32, #tpu.memory_space<hbm>>
        %dma_start3A_312 = arith.constant 0 : i32
        %dma_start3A_313 = arith.constant 0 : i32
        %dma_start3A_314 = tpu.memref_slice %dma_start3A_311[%dma_start3A_312, %dma_start3A_313] : memref<10000x64xf32, #tpu.memory_space<hbm>> -> memref<10000x64xf32, #tpu.memory_space<hbm>>
        tpu.enqueue_indirect_dma source(%dma_start3A_314 : memref<10000x64xf32, #tpu.memory_space<hbm>>) target(%arg14 : memref<125x64xf32, #tpu.memory_space<vmem>>) offsets(%dma_start3A_307 : memref<125xi32, #tpu.memory_space<vmem>>) semaphore(%arg22 : memref<!tpu.dma_semaphore, #tpu.memory_space<semaphore_mem>>)
        %add3A_315 = arith.addi %mul3A_0, %mul3A_100 : i32
        %add3A_316 = arith.constant 3 : i32
        %add3A_317 = arith.addi %add3A_315, %add3A_316 : i32
        %add3A_318 = arith.constant 4 : i32
        %add3A_319 = arith.addi %add3A_317, %add3A_318 : i32
        %dma_start3A_320 = arith.constant 0 : i32
        %dma_start3A_321 = arith.constant 0 : i32
        %dma_start3A_322 = tpu.memref_slice %arg5[%add3A_319, %dma_start3A_320, %dma_start3A_321] : memref<2560x125x16xf32, #tpu.memory_space<hbm>> -> memref<1x125x16xf32, #tpu.memory_space<hbm>>
        %dma_start3A_323 = tpu.memref_squeeze %dma_start3A_322 : memref<1x125x16xf32, #tpu.memory_space<hbm>> -> memref<125x16xf32, #tpu.memory_space<hbm>>
        %dma_start3A_324 = arith.constant 0 : i32
        %dma_start3A_325 = arith.constant 0 : i32
        %dma_start3A_326 = tpu.memref_slice %arg5[%add3A_319, %dma_start3A_324, %dma_start3A_325] : memref<2560x125x16xf32, #tpu.memory_space<hbm>> -> memref<1x125x16xf32, #tpu.memory_space<hbm>>
        %dma_start3A_327 = tpu.memref_squeeze %dma_start3A_326 : memref<1x125x16xf32, #tpu.memory_space<hbm>> -> memref<125x16xf32, #tpu.memory_space<hbm>>
        tpu.enqueue_dma source(%dma_start3A_327 : memref<125x16xf32, #tpu.memory_space<hbm>>) target(%arg18 : memref<125x16xf32, #tpu.memory_space<vmem>>) target_semaphore(%arg30 : memref<!tpu.dma_semaphore, #tpu.memory_space<semaphore_mem>>)
      } else {
      }
    }
    %scan3A_88 = arith.constant 40 : i32
    %barrier3A_89 = arith.constant 0 : index
    tpu.barrier barrier_id(%barrier3A_89)
    %mul3A_90 = arith.constant 640 : i32
    %mul3A_91 = arith.muli %arg1, %mul3A_90 : i32
    %mul3A_92 = arith.constant 640 : i32
    %mul3A_93 = arith.muli %arg1, %mul3A_92 : i32
    "tpu.region"() ({
      %run_scoped3A = tpu.sem_alloc : memref<!tpu.dma_semaphore, #tpu.memory_space<semaphore_mem>>
      %dma_start3A_94 = arith.constant 0 : i32
      %dma_start3A_95 = tpu.memref_slice %arg7[%arg0, %mul3A_93, %dma_start3A_94] : memref<2x10240x64xf32, #tpu.memory_space<hbm>> -> memref<1x640x64xf32, #tpu.memory_space<hbm>>
      %dma_start3A_96 = tpu.memref_squeeze %dma_start3A_95 : memref<1x640x64xf32, #tpu.memory_space<hbm>> -> memref<640x64xf32, #tpu.memory_space<hbm>>
      %dma_start3A_97 = arith.constant 0 : i32
      %dma_start3A_98 = tpu.memref_slice %arg10[%mul3A_91, %dma_start3A_97] : memref<10240x64xf32, #tpu.memory_space<vmem_shared>> -> memref<640x64xf32, #tpu.memory_space<vmem_shared>>
      tpu.enqueue_dma source(%dma_start3A_98 : memref<640x64xf32, #tpu.memory_space<vmem_shared>>) target(%dma_start3A_96 : memref<640x64xf32, #tpu.memory_space<hbm>>) target_semaphore(%run_scoped3A : memref<!tpu.dma_semaphore, #tpu.memory_space<semaphore_mem>>)
      %dma_wait3A = arith.constant 0 : i32
      %dma_wait3A_99 = tpu.memref_slice %arg7[%arg0, %mul3A_93, %dma_wait3A] : memref<2x10240x64xf32, #tpu.memory_space<hbm>> -> memref<1x640x64xf32, #tpu.memory_space<hbm>>
      %dma_wait3A_100 = tpu.memref_squeeze %dma_wait3A_99 : memref<1x640x64xf32, #tpu.memory_space<hbm>> -> memref<640x64xf32, #tpu.memory_space<hbm>>
      %dma_wait3A_101 = arith.constant 0 : i32
      %dma_wait3A_102 = tpu.memref_slice %arg10[%mul3A_91, %dma_wait3A_101] : memref<10240x64xf32, #tpu.memory_space<vmem_shared>> -> memref<640x64xf32, #tpu.memory_space<vmem_shared>>
      tpu.wait_dma2 semaphore(%run_scoped3A : memref<!tpu.dma_semaphore, #tpu.memory_space<semaphore_mem>>) src(%dma_wait3A_102 : memref<640x64xf32, #tpu.memory_space<vmem_shared>>) dst(%dma_wait3A_100 : memref<640x64xf32, #tpu.memory_space<hbm>>)
      tpu.yield
    }) : () -> ()
    return
  }
}

module attributes {stable_mosaic.version = 14 : i64} {
  func.func @body(%arg0: i32, %arg1: memref<2x1280x16xf32, #tpu.memory_space<vmem>>, %arg2: memref<1280x1xf32, #tpu.memory_space<vmem>>) attributes {dimension_semantics = [#tpu.dimension_semantics<arbitrary>], iteration_bounds = array<i64: 8>, scalar_prefetch = 0 : i64, scratch_operands = 0 : i64, tpu.core_type = #tpu.core_type<tc>, window_params = [{transform_indices = @transform_0, window_bounds = array<i64: 2, 1280, 16>}, {transform_indices = @transform_1, window_bounds = array<i64: 1280, 1>}]} {
    %get3A = arith.constant 0 : index
    %get3A_0 = arith.constant 0 : index
    %get3A_1 = arith.constant 0 : index
    %get3A_2 = vector.load %arg1[%get3A, %get3A_0, %get3A_1] : memref<2x1280x16xf32, #tpu.memory_space<vmem>>, vector<1x1280x1xf32>
    %get3A_3 = vector.shape_cast %get3A_2 : vector<1x1280x1xf32> to vector<1280x1xf32>
    %get3A_4 = arith.constant 1 : index
    %get3A_5 = arith.constant 0 : index
    %get3A_6 = arith.constant 0 : index
    %get3A_7 = vector.load %arg1[%get3A_4, %get3A_5, %get3A_6] : memref<2x1280x16xf32, #tpu.memory_space<vmem>>, vector<1x1280x1xf32>
    %get3A_8 = vector.shape_cast %get3A_7 : vector<1x1280x1xf32> to vector<1280x1xf32>
    %add3A = arith.addf %get3A_3, %get3A_8 : vector<1280x1xf32>
    %add3A_9 = arith.constant 1.000000e+00 : f32
    %add3A_10 = vector.broadcast %add3A_9 : f32 to vector<1280x1xf32>
    %add3A_11 = arith.addf %add3A, %add3A_10 : vector<1280x1xf32>
    %rsqrt3A = math.rsqrt %add3A_11 : vector<1280x1xf32>
    %swap3A = arith.constant 0 : index
    %swap3A_12 = arith.constant 0 : index
    %swap3A_13 = vector.load %arg2[%swap3A, %swap3A_12] : memref<1280x1xf32, #tpu.memory_space<vmem>>, vector<1280x1xf32>
    tpu.vector_store %arg2[%swap3A, %swap3A_12], %rsqrt3A {strides = array<i32>} : memref<1280x1xf32, #tpu.memory_space<vmem>>, vector<1280x1xf32>,
    return
  }
  func.func @transform_0(%arg0: i32) -> (i32, i32, i32) {
    %c0_i32 = arith.constant 0 : i32
    %c0_i32_0 = arith.constant 0 : i32
    %c0_i32_1 = arith.constant 0 : i32
    return %c0_i32, %arg0, %c0_i32_0 : i32, i32, i32
  }
  func.func @transform_1(%arg0: i32) -> (i32, i32) {
    %c0_i32 = arith.constant 0 : i32
    %c0_i32_0 = arith.constant 0 : i32
    return %arg0, %c0_i32 : i32, i32
  }
}

module attributes {stable_mosaic.version = 14 : i64} {
  func.func @body(%arg0: i32, %arg1: memref<1000x128xf32, #tpu.memory_space<vmem>>, %arg2: memref<128x128xf32, #tpu.memory_space<vmem>>, %arg3: memref<2x1000x64xf32, #tpu.memory_space<vmem>>) attributes {dimension_semantics = [#tpu.dimension_semantics<arbitrary>], iteration_bounds = array<i64: 10>, scalar_prefetch = 0 : i64, scratch_operands = 0 : i64, tpu.core_type = #tpu.core_type<tc>, window_params = [{transform_indices = @transform_0, window_bounds = array<i64: 1000, 128>}, {pipeline_mode = #tpu.pipeline_mode<synchronous>, transform_indices = @transform_1, window_bounds = array<i64: 128, 128>}, {transform_indices = @transform_2, window_bounds = array<i64: 2, 1000, 64>}]} {
    %get3A = arith.constant 0 : index
    %get3A_0 = arith.constant 0 : index
    %get3A_1 = vector.load %arg1[%get3A, %get3A_0] : memref<1000x128xf32, #tpu.memory_space<vmem>>, vector<1000x128xf32>
    %get3A_2 = arith.constant 0 : index
    %get3A_3 = arith.constant 0 : index
    %get3A_4 = vector.load %arg2[%get3A_2, %get3A_3] : memref<128x128xf32, #tpu.memory_space<vmem>>, vector<128x128xf32>
    %dot_general3A = arith.constant dense<0.000000e+00> : vector<1000x128xf32>
    %dot_general3A_5 = tpu.matmul %get3A_1, %get3A_4, %dot_general3A {dimension_numbers = #tpu.dot_dimension_numbers<[1], [0], [0], [1], [0, 0, 1, 1], [], []>, transpose_lhs_hint = false} : vector<1000x128xf32>, vector<128x128xf32>, vector<1000x128xf32> -> vector<1000x128xf32>
    %slice3A = vector.extract_strided_slice %dot_general3A_5 {offsets = [0, 0], sizes = [1000, 64], strides = [1, 1]} : vector<1000x128xf32> to vector<1000x64xf32>
    %swap3A = arith.constant 0 : index
    %swap3A_6 = arith.constant 0 : index
    %swap3A_7 = arith.constant 0 : index
    %swap3A_8 = vector.load %arg3[%swap3A, %swap3A_6, %swap3A_7] : memref<2x1000x64xf32, #tpu.memory_space<vmem>>, vector<1x1000x64xf32>
    %swap3A_9 = vector.shape_cast %swap3A_8 : vector<1x1000x64xf32> to vector<1000x64xf32>
    %swap3A_10 = vector.shape_cast %slice3A : vector<1000x64xf32> to vector<1x1000x64xf32>
    tpu.vector_store %arg3[%swap3A, %swap3A_6, %swap3A_7], %swap3A_10 {strides = array<i32>} : memref<2x1000x64xf32, #tpu.memory_space<vmem>>, vector<1x1000x64xf32>,
    %slice3A_11 = vector.extract_strided_slice %dot_general3A_5 {offsets = [0, 64], sizes = [1000, 64], strides = [1, 1]} : vector<1000x128xf32> to vector<1000x64xf32>
    %swap3A_12 = arith.constant 1 : index
    %swap3A_13 = arith.constant 0 : index
    %swap3A_14 = arith.constant 0 : index
    %swap3A_15 = vector.load %arg3[%swap3A_12, %swap3A_13, %swap3A_14] : memref<2x1000x64xf32, #tpu.memory_space<vmem>>, vector<1x1000x64xf32>
    %swap3A_16 = vector.shape_cast %swap3A_15 : vector<1x1000x64xf32> to vector<1000x64xf32>
    %swap3A_17 = vector.shape_cast %slice3A_11 : vector<1000x64xf32> to vector<1x1000x64xf32>
    tpu.vector_store %arg3[%swap3A_12, %swap3A_13, %swap3A_14], %swap3A_17 {strides = array<i32>} : memref<2x1000x64xf32, #tpu.memory_space<vmem>>, vector<1x1000x64xf32>,
    return
  }
  func.func @transform_0(%arg0: i32) -> (i32, i32) {
    %c0_i32 = arith.constant 0 : i32
    %c0_i32_0 = arith.constant 0 : i32
    return %arg0, %c0_i32 : i32, i32
  }
  func.func @transform_1(%arg0: i32) -> (i32, i32) {
    %c0_i32 = arith.constant 0 : i32
    %c0_i32_0 = arith.constant 0 : i32
    %c0_i32_1 = arith.constant 0 : i32
    return %c0_i32, %c0_i32_0 : i32, i32
  }
  func.func @transform_2(%arg0: i32) -> (i32, i32, i32) {
    %c0_i32 = arith.constant 0 : i32
    %c0_i32_0 = arith.constant 0 : i32
    %c0_i32_1 = arith.constant 0 : i32
    return %c0_i32, %arg0, %c0_i32_0 : i32, i32, i32
  }
}

module attributes {stable_mosaic.version = 14 : i64} {
  func.func @body(%arg0: i32, %arg1: memref<10000x1xf32, #tpu.memory_space<vmem>>, %arg2: memref<10000x16xf32, #tpu.memory_space<vmem>>) attributes {dimension_semantics = [#tpu.dimension_semantics<arbitrary>], iteration_bounds = array<i64: 32>, scalar_prefetch = 0 : i64, scratch_operands = 0 : i64, tpu.core_type = #tpu.core_type<tc>, window_params = [{transform_indices = @transform_0, window_bounds = array<i64: 10000, 1>}, {transform_indices = @transform_1, window_bounds = array<i64: 10000, 16>}]} {
    %get3A = arith.constant 0 : index
    %get3A_0 = arith.constant 0 : index
    %get3A_1 = vector.load %arg1[%get3A, %get3A_0] : memref<10000x1xf32, #tpu.memory_space<vmem>>, vector<10000x1xf32>
    %broadcast_in_dim3A = vector.shape_cast %get3A_1 : vector<10000x1xf32> to vector<10000x1xf32>
    %broadcast_in_dim3A_2 = vector.broadcast %broadcast_in_dim3A : vector<10000x1xf32> to vector<10000x16xf32>
    %swap3A = arith.constant 0 : index
    %swap3A_3 = arith.constant 0 : index
    %swap3A_4 = vector.load %arg2[%swap3A, %swap3A_3] : memref<10000x16xf32, #tpu.memory_space<vmem>>, vector<10000x16xf32>
    tpu.vector_store %arg2[%swap3A, %swap3A_3], %broadcast_in_dim3A_2 {strides = array<i32>} : memref<10000x16xf32, #tpu.memory_space<vmem>>, vector<10000x16xf32>,
    return
  }
  func.func @transform_0(%arg0: i32) -> (i32, i32) {
    %c0_i32 = arith.constant 0 : i32
    %c0_i32_0 = arith.constant 0 : i32
    return %arg0, %c0_i32 : i32, i32
  }
  func.func @transform_1(%arg0: i32) -> (i32, i32) {
    %c0_i32 = arith.constant 0 : i32
    %c0_i32_0 = arith.constant 0 : i32
    return %arg0, %c0_i32 : i32, i32
  }
}

module attributes {stable_mosaic.version = 14 : i64} {
  func.func @body(%arg0: i32, %arg1: memref<2x1000x64xf32, #tpu.memory_space<vmem>>, %arg2: memref<2x1000x64xf32, #tpu.memory_space<vmem>>, %arg3: memref<2x1000x16xf32, #tpu.memory_space<vmem>>, %arg4: memref<1x128xf32, #tpu.memory_space<vmem>>, %arg5: memref<128x128xf32, #tpu.memory_space<vmem>>, %arg6: memref<2x1000x64xf32, #tpu.memory_space<vmem>>) attributes {dimension_semantics = [#tpu.dimension_semantics<arbitrary>], iteration_bounds = array<i64: 10>, scalar_prefetch = 0 : i64, scratch_operands = 0 : i64, tpu.core_type = #tpu.core_type<tc>, window_params = [{transform_indices = @transform_0, window_bounds = array<i64: 2, 1000, 64>}, {transform_indices = @transform_1, window_bounds = array<i64: 2, 1000, 64>}, {transform_indices = @transform_2, window_bounds = array<i64: 2, 1000, 16>}, {pipeline_mode = #tpu.pipeline_mode<synchronous>, transform_indices = @transform_3, window_bounds = array<i64: 1, 128>}, {pipeline_mode = #tpu.pipeline_mode<synchronous>, transform_indices = @transform_4, window_bounds = array<i64: 128, 128>}, {transform_indices = @transform_5, window_bounds = array<i64: 2, 1000, 64>}]} {
    %get3A = arith.constant 0 : index
    %get3A_0 = arith.constant 0 : index
    %get3A_1 = arith.constant 0 : index
    %get3A_2 = vector.load %arg3[%get3A, %get3A_0, %get3A_1] : memref<2x1000x16xf32, #tpu.memory_space<vmem>>, vector<1x1000x1xf32>
    %get3A_3 = vector.shape_cast %get3A_2 : vector<1x1000x1xf32> to vector<1000x1xf32>
    %get3A_4 = arith.constant 1 : index
    %get3A_5 = arith.constant 0 : index
    %get3A_6 = arith.constant 0 : index
    %get3A_7 = vector.load %arg3[%get3A_4, %get3A_5, %get3A_6] : memref<2x1000x16xf32, #tpu.memory_space<vmem>>, vector<1x1000x1xf32>
    %get3A_8 = vector.shape_cast %get3A_7 : vector<1x1000x1xf32> to vector<1000x1xf32>
    %add3A = arith.addf %get3A_3, %get3A_8 : vector<1000x1xf32>
    %add3A_9 = arith.constant 1.000000e+00 : f32
    %add3A_10 = vector.broadcast %add3A_9 : f32 to vector<1000x1xf32>
    %add3A_11 = arith.addf %add3A, %add3A_10 : vector<1000x1xf32>
    %rsqrt3A = math.rsqrt %add3A_11 : vector<1000x1xf32>
    %mul3A = arith.mulf %rsqrt3A, %rsqrt3A : vector<1000x1xf32>
    %get3A_12 = arith.constant 0 : index
    %get3A_13 = arith.constant 0 : index
    %get3A_14 = arith.constant 0 : index
    %get3A_15 = vector.load %arg1[%get3A_12, %get3A_13, %get3A_14] : memref<2x1000x64xf32, #tpu.memory_space<vmem>>, vector<1x1000x64xf32>
    %get3A_16 = vector.shape_cast %get3A_15 : vector<1x1000x64xf32> to vector<1000x64xf32>
    %get3A_17 = arith.constant 1 : index
    %get3A_18 = arith.constant 0 : index
    %get3A_19 = arith.constant 0 : index
    %get3A_20 = vector.load %arg1[%get3A_17, %get3A_18, %get3A_19] : memref<2x1000x64xf32, #tpu.memory_space<vmem>>, vector<1x1000x64xf32>
    %get3A_21 = vector.shape_cast %get3A_20 : vector<1x1000x64xf32> to vector<1000x64xf32>
    %concatenate3A = tpu.concatenate %get3A_16, %get3A_21 in 1 : vector<1000x64xf32>, vector<1000x64xf32> -> vector<1000x128xf32>
    %get3A_22 = arith.constant 0 : index
    %get3A_23 = arith.constant 0 : index
    %get3A_24 = arith.constant 0 : index
    %get3A_25 = vector.load %arg2[%get3A_22, %get3A_23, %get3A_24] : memref<2x1000x64xf32, #tpu.memory_space<vmem>>, vector<1x1000x64xf32>
    %get3A_26 = vector.shape_cast %get3A_25 : vector<1x1000x64xf32> to vector<1000x64xf32>
    %get3A_27 = arith.constant 1 : index
    %get3A_28 = arith.constant 0 : index
    %get3A_29 = arith.constant 0 : index
    %get3A_30 = vector.load %arg2[%get3A_27, %get3A_28, %get3A_29] : memref<2x1000x64xf32, #tpu.memory_space<vmem>>, vector<1x1000x64xf32>
    %get3A_31 = vector.shape_cast %get3A_30 : vector<1x1000x64xf32> to vector<1000x64xf32>
    %concatenate3A_32 = tpu.concatenate %get3A_26, %get3A_31 in 1 : vector<1000x64xf32>, vector<1000x64xf32> -> vector<1000x128xf32>
    %mul3A_33 = vector.broadcast %mul3A : vector<1000x1xf32> to vector<1000x128xf32>
    %mul3A_34 = arith.mulf %mul3A_33, %concatenate3A_32 : vector<1000x128xf32>
    %add3A_35 = arith.addf %concatenate3A, %mul3A_34 : vector<1000x128xf32>
    %get3A_36 = arith.constant 0 : index
    %get3A_37 = arith.constant 0 : index
    %get3A_38 = vector.load %arg4[%get3A_36, %get3A_37] : memref<1x128xf32, #tpu.memory_space<vmem>>, vector<1x128xf32>
    %add3A_39 = vector.broadcast %get3A_38 : vector<1x128xf32> to vector<1000x128xf32>
    %add3A_40 = arith.addf %add3A_35, %add3A_39 : vector<1000x128xf32>
    %max3A = arith.constant 0.000000e+00 : f32
    %max3A_41 = vector.broadcast %max3A : f32 to vector<1000x128xf32>
    %max3A_42 = arith.maximumf %add3A_40, %max3A_41 : vector<1000x128xf32>
    %get3A_43 = arith.constant 0 : index
    %get3A_44 = arith.constant 0 : index
    %get3A_45 = vector.load %arg5[%get3A_43, %get3A_44] : memref<128x128xf32, #tpu.memory_space<vmem>>, vector<128x128xf32>
    %dot_general3A = arith.constant dense<0.000000e+00> : vector<1000x128xf32>
    %dot_general3A_46 = tpu.matmul %max3A_42, %get3A_45, %dot_general3A {dimension_numbers = #tpu.dot_dimension_numbers<[1], [0], [0], [1], [0, 0, 1, 1], [], []>, transpose_lhs_hint = false} : vector<1000x128xf32>, vector<128x128xf32>, vector<1000x128xf32> -> vector<1000x128xf32>
    %slice3A = vector.extract_strided_slice %dot_general3A_46 {offsets = [0, 0], sizes = [1000, 64], strides = [1, 1]} : vector<1000x128xf32> to vector<1000x64xf32>
    %swap3A = arith.constant 0 : index
    %swap3A_47 = arith.constant 0 : index
    %swap3A_48 = arith.constant 0 : index
    %swap3A_49 = vector.load %arg6[%swap3A, %swap3A_47, %swap3A_48] : memref<2x1000x64xf32, #tpu.memory_space<vmem>>, vector<1x1000x64xf32>
    %swap3A_50 = vector.shape_cast %swap3A_49 : vector<1x1000x64xf32> to vector<1000x64xf32>
    %swap3A_51 = vector.shape_cast %slice3A : vector<1000x64xf32> to vector<1x1000x64xf32>
    tpu.vector_store %arg6[%swap3A, %swap3A_47, %swap3A_48], %swap3A_51 {strides = array<i32>} : memref<2x1000x64xf32, #tpu.memory_space<vmem>>, vector<1x1000x64xf32>,
    %slice3A_52 = vector.extract_strided_slice %dot_general3A_46 {offsets = [0, 64], sizes = [1000, 64], strides = [1, 1]} : vector<1000x128xf32> to vector<1000x64xf32>
    %swap3A_53 = arith.constant 1 : index
    %swap3A_54 = arith.constant 0 : index
    %swap3A_55 = arith.constant 0 : index
    %swap3A_56 = vector.load %arg6[%swap3A_53, %swap3A_54, %swap3A_55] : memref<2x1000x64xf32, #tpu.memory_space<vmem>>, vector<1x1000x64xf32>
    %swap3A_57 = vector.shape_cast %swap3A_56 : vector<1x1000x64xf32> to vector<1000x64xf32>
    %swap3A_58 = vector.shape_cast %slice3A_52 : vector<1000x64xf32> to vector<1x1000x64xf32>
    tpu.vector_store %arg6[%swap3A_53, %swap3A_54, %swap3A_55], %swap3A_58 {strides = array<i32>} : memref<2x1000x64xf32, #tpu.memory_space<vmem>>, vector<1x1000x64xf32>,
    return
  }
  func.func @transform_0(%arg0: i32) -> (i32, i32, i32) {
    %c0_i32 = arith.constant 0 : i32
    %c0_i32_0 = arith.constant 0 : i32
    %c0_i32_1 = arith.constant 0 : i32
    return %c0_i32, %arg0, %c0_i32_0 : i32, i32, i32
  }
  func.func @transform_1(%arg0: i32) -> (i32, i32, i32) {
    %c0_i32 = arith.constant 0 : i32
    %c0_i32_0 = arith.constant 0 : i32
    %c0_i32_1 = arith.constant 0 : i32
    return %c0_i32, %arg0, %c0_i32_0 : i32, i32, i32
  }
  func.func @transform_2(%arg0: i32) -> (i32, i32, i32) {
    %c0_i32 = arith.constant 0 : i32
    %c0_i32_0 = arith.constant 0 : i32
    %c0_i32_1 = arith.constant 0 : i32
    return %c0_i32, %arg0, %c0_i32_0 : i32, i32, i32
  }
  func.func @transform_3(%arg0: i32) -> (i32, i32) {
    %c0_i32 = arith.constant 0 : i32
    %c0_i32_0 = arith.constant 0 : i32
    %c0_i32_1 = arith.constant 0 : i32
    return %c0_i32, %c0_i32_0 : i32, i32
  }
  func.func @transform_4(%arg0: i32) -> (i32, i32) {
    %c0_i32 = arith.constant 0 : i32
    %c0_i32_0 = arith.constant 0 : i32
    %c0_i32_1 = arith.constant 0 : i32
    return %c0_i32, %c0_i32_0 : i32, i32
  }
  func.func @transform_5(%arg0: i32) -> (i32, i32, i32) {
    %c0_i32 = arith.constant 0 : i32
    %c0_i32_0 = arith.constant 0 : i32
    %c0_i32_1 = arith.constant 0 : i32
    return %c0_i32, %arg0, %c0_i32_0 : i32, i32, i32
  }
}

module attributes {stable_mosaic.version = 14 : i64} {
  func.func @body(%arg0: i32, %arg1: memref<2x1000x64xf32, #tpu.memory_space<vmem>>, %arg2: memref<2x1000x64xf32, #tpu.memory_space<vmem>>, %arg3: memref<2x1000x16xf32, #tpu.memory_space<vmem>>, %arg4: memref<1x128xf32, #tpu.memory_space<vmem>>, %arg5: memref<1000x1xi32, #tpu.memory_space<vmem>>, %arg6: memref<128x128xf32, #tpu.memory_space<vmem>>, %arg7: memref<1x128xf32, #tpu.memory_space<vmem>>, %arg8: memref<128x1xf32, #tpu.memory_space<vmem>>, %arg9: memref<1x1xf32, #tpu.memory_space<vmem>>, %arg10: memref<64x1xf32, #tpu.memory_space<vmem>>, %arg11: memref<64x128xf32, #tpu.memory_space<vmem>>) attributes {dimension_semantics = [#tpu.dimension_semantics<arbitrary>], iteration_bounds = array<i64: 10>, scalar_prefetch = 0 : i64, scratch_operands = 1 : i64, tpu.core_type = #tpu.core_type<tc>, window_params = [{transform_indices = @transform_0, window_bounds = array<i64: 2, 1000, 64>}, {transform_indices = @transform_1, window_bounds = array<i64: 2, 1000, 64>}, {transform_indices = @transform_2, window_bounds = array<i64: 2, 1000, 16>}, {pipeline_mode = #tpu.pipeline_mode<synchronous>, transform_indices = @transform_3, window_bounds = array<i64: 1, 128>}, {transform_indices = @transform_4, window_bounds = array<i64: 1000, 1>}, {pipeline_mode = #tpu.pipeline_mode<synchronous>, transform_indices = @transform_5, window_bounds = array<i64: 128, 128>}, {pipeline_mode = #tpu.pipeline_mode<synchronous>, transform_indices = @transform_6, window_bounds = array<i64: 1, 128>}, {pipeline_mode = #tpu.pipeline_mode<synchronous>, transform_indices = @transform_7, window_bounds = array<i64: 128, 1>}, {pipeline_mode = #tpu.pipeline_mode<synchronous>, transform_indices = @transform_8, window_bounds = array<i64: 1, 1>}, {pipeline_mode = #tpu.pipeline_mode<synchronous>, transform_indices = @transform_9, window_bounds = array<i64: 64, 1>}]} {
    %eq3A = arith.constant 0 : i32
    %eq3A_0 = arith.cmpi eq, %arg0, %eq3A : i32
    %convert_element_type3A = arith.extui %eq3A_0 : i1 to i32
    %cond3A = arith.constant 0 : i32
    %cond3A_1 = arith.cmpi ne, %convert_element_type3A, %cond3A : i32
    scf.if %cond3A_1 {
      %broadcast_in_dim3A = arith.constant 0xFF800000 : f32
      %broadcast_in_dim3A_77 = vector.broadcast %broadcast_in_dim3A : f32 to vector<64x128xf32>
      %swap3A_78 = arith.constant 0 : index
      %swap3A_79 = arith.constant 0 : index
      %swap3A_80 = vector.load %arg11[%swap3A_78, %swap3A_79] : memref<64x128xf32, #tpu.memory_space<vmem>>, vector<64x128xf32>
      tpu.vector_store %arg11[%swap3A_78, %swap3A_79], %broadcast_in_dim3A_77 {strides = array<i32>} : memref<64x128xf32, #tpu.memory_space<vmem>>, vector<64x128xf32>,
    } else {
    }
    %get3A = arith.constant 0 : index
    %get3A_2 = arith.constant 0 : index
    %get3A_3 = arith.constant 0 : index
    %get3A_4 = vector.load %arg3[%get3A, %get3A_2, %get3A_3] : memref<2x1000x16xf32, #tpu.memory_space<vmem>>, vector<1x1000x1xf32>
    %get3A_5 = vector.shape_cast %get3A_4 : vector<1x1000x1xf32> to vector<1000x1xf32>
    %get3A_6 = arith.constant 1 : index
    %get3A_7 = arith.constant 0 : index
    %get3A_8 = arith.constant 0 : index
    %get3A_9 = vector.load %arg3[%get3A_6, %get3A_7, %get3A_8] : memref<2x1000x16xf32, #tpu.memory_space<vmem>>, vector<1x1000x1xf32>
    %get3A_10 = vector.shape_cast %get3A_9 : vector<1x1000x1xf32> to vector<1000x1xf32>
    %add3A = arith.addf %get3A_5, %get3A_10 : vector<1000x1xf32>
    %add3A_11 = arith.constant 1.000000e+00 : f32
    %add3A_12 = vector.broadcast %add3A_11 : f32 to vector<1000x1xf32>
    %add3A_13 = arith.addf %add3A, %add3A_12 : vector<1000x1xf32>
    %rsqrt3A = math.rsqrt %add3A_13 : vector<1000x1xf32>
    %mul3A = arith.mulf %rsqrt3A, %rsqrt3A : vector<1000x1xf32>
    %get3A_14 = arith.constant 0 : index
    %get3A_15 = arith.constant 0 : index
    %get3A_16 = arith.constant 0 : index
    %get3A_17 = vector.load %arg1[%get3A_14, %get3A_15, %get3A_16] : memref<2x1000x64xf32, #tpu.memory_space<vmem>>, vector<1x1000x64xf32>
    %get3A_18 = vector.shape_cast %get3A_17 : vector<1x1000x64xf32> to vector<1000x64xf32>
    %get3A_19 = arith.constant 1 : index
    %get3A_20 = arith.constant 0 : index
    %get3A_21 = arith.constant 0 : index
    %get3A_22 = vector.load %arg1[%get3A_19, %get3A_20, %get3A_21] : memref<2x1000x64xf32, #tpu.memory_space<vmem>>, vector<1x1000x64xf32>
    %get3A_23 = vector.shape_cast %get3A_22 : vector<1x1000x64xf32> to vector<1000x64xf32>
    %concatenate3A = tpu.concatenate %get3A_18, %get3A_23 in 1 : vector<1000x64xf32>, vector<1000x64xf32> -> vector<1000x128xf32>
    %get3A_24 = arith.constant 0 : index
    %get3A_25 = arith.constant 0 : index
    %get3A_26 = arith.constant 0 : index
    %get3A_27 = vector.load %arg2[%get3A_24, %get3A_25, %get3A_26] : memref<2x1000x64xf32, #tpu.memory_space<vmem>>, vector<1x1000x64xf32>
    %get3A_28 = vector.shape_cast %get3A_27 : vector<1x1000x64xf32> to vector<1000x64xf32>
    %get3A_29 = arith.constant 1 : index
    %get3A_30 = arith.constant 0 : index
    %get3A_31 = arith.constant 0 : index
    %get3A_32 = vector.load %arg2[%get3A_29, %get3A_30, %get3A_31] : memref<2x1000x64xf32, #tpu.memory_space<vmem>>, vector<1x1000x64xf32>
    %get3A_33 = vector.shape_cast %get3A_32 : vector<1x1000x64xf32> to vector<1000x64xf32>
    %concatenate3A_34 = tpu.concatenate %get3A_28, %get3A_33 in 1 : vector<1000x64xf32>, vector<1000x64xf32> -> vector<1000x128xf32>
    %mul3A_35 = vector.broadcast %mul3A : vector<1000x1xf32> to vector<1000x128xf32>
    %mul3A_36 = arith.mulf %mul3A_35, %concatenate3A_34 : vector<1000x128xf32>
    %add3A_37 = arith.addf %concatenate3A, %mul3A_36 : vector<1000x128xf32>
    %get3A_38 = arith.constant 0 : index
    %get3A_39 = arith.constant 0 : index
    %get3A_40 = vector.load %arg4[%get3A_38, %get3A_39] : memref<1x128xf32, #tpu.memory_space<vmem>>, vector<1x128xf32>
    %add3A_41 = vector.broadcast %get3A_40 : vector<1x128xf32> to vector<1000x128xf32>
    %add3A_42 = arith.addf %add3A_37, %add3A_41 : vector<1000x128xf32>
    %max3A = arith.constant 0.000000e+00 : f32
    %max3A_43 = vector.broadcast %max3A : f32 to vector<1000x128xf32>
    %max3A_44 = arith.maximumf %add3A_42, %max3A_43 : vector<1000x128xf32>
    %get3A_45 = arith.constant 0 : index
    %get3A_46 = arith.constant 0 : index
    %get3A_47 = vector.load %arg5[%get3A_45, %get3A_46] : memref<1000x1xi32, #tpu.memory_space<vmem>>, vector<1000x1xi32>
    %get3A_48 = arith.constant 0 : index
    %get3A_49 = arith.constant 0 : index
    %get3A_50 = vector.load %arg5[%get3A_48, %get3A_49] : memref<1000x1xi32, #tpu.memory_space<vmem>>, vector<1x1xi32>
    %get3A_51 = vector.extract %get3A_50[0, 0] : i32 from vector<1x1xi32>
    %get3A_52 = arith.constant 999 : index
    %get3A_53 = arith.constant 0 : index
    %get3A_54 = vector.load %arg5[%get3A_52, %get3A_53] : memref<1000x1xi32, #tpu.memory_space<vmem>>, vector<1x1xi32>
    %get3A_55 = vector.extract %get3A_54[0, 0] : i32 from vector<1x1xi32>
    %iota3A = tpu.iota {dimensions = array<i32: 0>} : vector<64x1xi32>
    %add3A_56 = arith.constant 1 : i32
    %add3A_57 = arith.addi %get3A_55, %add3A_56 : i32
    %get3A_58 = arith.constant 0 : index
    %get3A_59 = arith.constant 0 : index
    %get3A_60 = vector.load %arg11[%get3A_58, %get3A_59] : memref<64x128xf32, #tpu.memory_space<vmem>>, vector<64x128xf32>
    %while3A = arith.subi %add3A_57, %get3A_51 : i32
    %while3A_61 = arith.addi %get3A_51, %while3A : i32
    %while3A_62 = arith.constant 1 : i32
    %while3A_63 = arith.divsi %while3A, %while3A_62 : i32
    %while3A_64 = arith.muli %while3A_63, %while3A_62 : i32
    %while3A_65 = arith.addi %get3A_51, %while3A_64 : i32
    %while3A_66 = arith.constant 1 : i32
    %while3A_67 = scf.for %while3A_77 = %get3A_51 to %while3A_65 step %while3A_66 iter_args(%while3A_78 = %get3A_60) -> (vector<64x128xf32>)  : i32 {
      %eq3A_79 = vector.broadcast %while3A_77 : i32 to vector<1000x1xi32>
      %eq3A_80 = arith.cmpi eq, %get3A_47, %eq3A_79 : vector<1000x1xi32>
      %jit3A = arith.constant 0xFF800000 : f32
      %broadcast_in_dim3A = vector.shape_cast %eq3A_80 : vector<1000x1xi1> to vector<1000x1xi1>
      %broadcast_in_dim3A_81 = vector.broadcast %broadcast_in_dim3A : vector<1000x1xi1> to vector<1000x128xi1>
      %broadcast_in_dim3A_82 = vector.broadcast %jit3A : f32 to vector<1000x128xf32>
      %select_n3A = arith.select %broadcast_in_dim3A_81, %max3A_44, %broadcast_in_dim3A_82 : vector<1000x128xi1>, vector<1000x128xf32>
      %reduce_max3A = arith.constant dense<0xFF800000> : vector<128xf32>
      %reduce_max3A_83 = vector.multi_reduction <maximumf>, %select_n3A, %reduce_max3A [0] : vector<1000x128xf32> to vector<128xf32>
      %broadcast_in_dim3A_84 = vector.shape_cast %reduce_max3A_83 : vector<128xf32> to vector<1x128xf32>
      %eq3A_85 = vector.broadcast %while3A_77 : i32 to vector<64x1xi32>
      %eq3A_86 = arith.cmpi eq, %iota3A, %eq3A_85 : vector<64x1xi32>
      %jit3A_87 = arith.constant 0xFF800000 : f32
      %broadcast_in_dim3A_88 = vector.shape_cast %eq3A_86 : vector<64x1xi1> to vector<64x1xi1>
      %broadcast_in_dim3A_89 = vector.broadcast %broadcast_in_dim3A_88 : vector<64x1xi1> to vector<64x128xi1>
      %broadcast_in_dim3A_90 = vector.shape_cast %broadcast_in_dim3A_84 : vector<1x128xf32> to vector<1x128xf32>
      %broadcast_in_dim3A_91 = vector.broadcast %broadcast_in_dim3A_90 : vector<1x128xf32> to vector<64x128xf32>
      %broadcast_in_dim3A_92 = vector.broadcast %jit3A_87 : f32 to vector<64x128xf32>
      %select_n3A_93 = arith.select %broadcast_in_dim3A_89, %broadcast_in_dim3A_91, %broadcast_in_dim3A_92 : vector<64x128xi1>, vector<64x128xf32>
      %max3A_94 = arith.maximumf %while3A_78, %select_n3A_93 : vector<64x128xf32>
      scf.yield %max3A_94 : vector<64x128xf32>
    }
    %while3A_68 = arith.constant 1 : i32
    %while3A_69 = scf.for %while3A_77 = %while3A_65 to %while3A_61 step %while3A_68 iter_args(%while3A_78 = %while3A_67) -> (vector<64x128xf32>)  : i32 {
      %eq3A_79 = vector.broadcast %while3A_77 : i32 to vector<1000x1xi32>
      %eq3A_80 = arith.cmpi eq, %get3A_47, %eq3A_79 : vector<1000x1xi32>
      %jit3A = arith.constant 0xFF800000 : f32
      %broadcast_in_dim3A = vector.shape_cast %eq3A_80 : vector<1000x1xi1> to vector<1000x1xi1>
      %broadcast_in_dim3A_81 = vector.broadcast %broadcast_in_dim3A : vector<1000x1xi1> to vector<1000x128xi1>
      %broadcast_in_dim3A_82 = vector.broadcast %jit3A : f32 to vector<1000x128xf32>
      %select_n3A = arith.select %broadcast_in_dim3A_81, %max3A_44, %broadcast_in_dim3A_82 : vector<1000x128xi1>, vector<1000x128xf32>
      %reduce_max3A = arith.constant dense<0xFF800000> : vector<128xf32>
      %reduce_max3A_83 = vector.multi_reduction <maximumf>, %select_n3A, %reduce_max3A [0] : vector<1000x128xf32> to vector<128xf32>
      %broadcast_in_dim3A_84 = vector.shape_cast %reduce_max3A_83 : vector<128xf32> to vector<1x128xf32>
      %eq3A_85 = vector.broadcast %while3A_77 : i32 to vector<64x1xi32>
      %eq3A_86 = arith.cmpi eq, %iota3A, %eq3A_85 : vector<64x1xi32>
      %jit3A_87 = arith.constant 0xFF800000 : f32
      %broadcast_in_dim3A_88 = vector.shape_cast %eq3A_86 : vector<64x1xi1> to vector<64x1xi1>
      %broadcast_in_dim3A_89 = vector.broadcast %broadcast_in_dim3A_88 : vector<64x1xi1> to vector<64x128xi1>
      %broadcast_in_dim3A_90 = vector.shape_cast %broadcast_in_dim3A_84 : vector<1x128xf32> to vector<1x128xf32>
      %broadcast_in_dim3A_91 = vector.broadcast %broadcast_in_dim3A_90 : vector<1x128xf32> to vector<64x128xf32>
      %broadcast_in_dim3A_92 = vector.broadcast %jit3A_87 : f32 to vector<64x128xf32>
      %select_n3A_93 = arith.select %broadcast_in_dim3A_89, %broadcast_in_dim3A_91, %broadcast_in_dim3A_92 : vector<64x128xi1>, vector<64x128xf32>
      %max3A_94 = arith.maximumf %while3A_78, %select_n3A_93 : vector<64x128xf32>
      scf.yield %max3A_94 : vector<64x128xf32>
    }
    %swap3A = arith.constant 0 : index
    %swap3A_70 = arith.constant 0 : index
    %swap3A_71 = vector.load %arg11[%swap3A, %swap3A_70] : memref<64x128xf32, #tpu.memory_space<vmem>>, vector<64x128xf32>
    tpu.vector_store %arg11[%swap3A, %swap3A_70], %while3A_69 {strides = array<i32>} : memref<64x128xf32, #tpu.memory_space<vmem>>, vector<64x128xf32>,
    %eq3A_72 = arith.constant 9 : i32
    %eq3A_73 = arith.cmpi eq, %arg0, %eq3A_72 : i32
    %convert_element_type3A_74 = arith.extui %eq3A_73 : i1 to i32
    %cond3A_75 = arith.constant 0 : i32
    %cond3A_76 = arith.cmpi ne, %convert_element_type3A_74, %cond3A_75 : i32
    scf.if %cond3A_76 {
      %get3A_77 = arith.constant 0 : index
      %get3A_78 = arith.constant 0 : index
      %get3A_79 = vector.load %arg11[%get3A_77, %get3A_78] : memref<64x128xf32, #tpu.memory_space<vmem>>, vector<64x128xf32>
      %get3A_80 = arith.constant 0 : index
      %get3A_81 = arith.constant 0 : index
      %get3A_82 = vector.load %arg6[%get3A_80, %get3A_81] : memref<128x128xf32, #tpu.memory_space<vmem>>, vector<128x128xf32>
      %dot_general3A = arith.constant dense<0.000000e+00> : vector<64x128xf32>
      %dot_general3A_83 = tpu.matmul %get3A_79, %get3A_82, %dot_general3A {dimension_numbers = #tpu.dot_dimension_numbers<[1], [0], [0], [1], [0, 0, 1, 1], [], []>, transpose_lhs_hint = false} : vector<64x128xf32>, vector<128x128xf32>, vector<64x128xf32> -> vector<64x128xf32>
      %get3A_84 = arith.constant 0 : index
      %get3A_85 = arith.constant 0 : index
      %get3A_86 = vector.load %arg7[%get3A_84, %get3A_85] : memref<1x128xf32, #tpu.memory_space<vmem>>, vector<1x128xf32>
      %add3A_87 = vector.broadcast %get3A_86 : vector<1x128xf32> to vector<64x128xf32>
      %add3A_88 = arith.addf %dot_general3A_83, %add3A_87 : vector<64x128xf32>
      %get3A_89 = arith.constant 0 : index
      %get3A_90 = arith.constant 0 : index
      %get3A_91 = vector.load %arg8[%get3A_89, %get3A_90] : memref<128x1xf32, #tpu.memory_space<vmem>>, vector<128x1xf32>
      %dot_general3A_92 = arith.constant dense<0.000000e+00> : vector<64x1xf32>
      %dot_general3A_93 = tpu.matmul %add3A_88, %get3A_91, %dot_general3A_92 {dimension_numbers = #tpu.dot_dimension_numbers<[1], [0], [0], [1], [0, 0, 1, 1], [], []>, transpose_lhs_hint = false} : vector<64x128xf32>, vector<128x1xf32>, vector<64x1xf32> -> vector<64x1xf32>
      %get3A_94 = arith.constant 0 : index
      %get3A_95 = arith.constant 0 : index
      %get3A_96 = vector.load %arg9[%get3A_94, %get3A_95] : memref<1x1xf32, #tpu.memory_space<vmem>>, vector<1x1xf32>
      %add3A_97 = vector.broadcast %get3A_96 : vector<1x1xf32> to vector<64x1xf32>
      %add3A_98 = arith.addf %dot_general3A_93, %add3A_97 : vector<64x1xf32>
      %swap3A_99 = arith.constant 0 : index
      %swap3A_100 = arith.constant 0 : index
      %swap3A_101 = vector.load %arg10[%swap3A_99, %swap3A_100] : memref<64x1xf32, #tpu.memory_space<vmem>>, vector<64x1xf32>
      tpu.vector_store %arg10[%swap3A_99, %swap3A_100], %add3A_98 {strides = array<i32>} : memref<64x1xf32, #tpu.memory_space<vmem>>, vector<64x1xf32>,
    } else {
    }
    return
  }
  func.func @transform_0(%arg0: i32) -> (i32, i32, i32) {
    %c0_i32 = arith.constant 0 : i32
    %c0_i32_0 = arith.constant 0 : i32
    %c0_i32_1 = arith.constant 0 : i32
    return %c0_i32, %arg0, %c0_i32_0 : i32, i32, i32
  }
  func.func @transform_1(%arg0: i32) -> (i32, i32, i32) {
    %c0_i32 = arith.constant 0 : i32
    %c0_i32_0 = arith.constant 0 : i32
    %c0_i32_1 = arith.constant 0 : i32
    return %c0_i32, %arg0, %c0_i32_0 : i32, i32, i32
  }
  func.func @transform_2(%arg0: i32) -> (i32, i32, i32) {
    %c0_i32 = arith.constant 0 : i32
    %c0_i32_0 = arith.constant 0 : i32
    %c0_i32_1 = arith.constant 0 : i32
    return %c0_i32, %arg0, %c0_i32_0 : i32, i32, i32
  }
  func.func @transform_3(%arg0: i32) -> (i32, i32) {
    %c0_i32 = arith.constant 0 : i32
    %c0_i32_0 = arith.constant 0 : i32
    %c0_i32_1 = arith.constant 0 : i32
    return %c0_i32, %c0_i32_0 : i32, i32
  }
  func.func @transform_4(%arg0: i32) -> (i32, i32) {
    %c0_i32 = arith.constant 0 : i32
    %c0_i32_0 = arith.constant 0 : i32
    return %arg0, %c0_i32 : i32, i32
  }
  func.func @transform_5(%arg0: i32) -> (i32, i32) {
    %c0_i32 = arith.constant 0 : i32
    %c0_i32_0 = arith.constant 0 : i32
    %c0_i32_1 = arith.constant 0 : i32
    return %c0_i32, %c0_i32_0 : i32, i32
  }
  func.func @transform_6(%arg0: i32) -> (i32, i32) {
    %c0_i32 = arith.constant 0 : i32
    %c0_i32_0 = arith.constant 0 : i32
    %c0_i32_1 = arith.constant 0 : i32
    return %c0_i32, %c0_i32_0 : i32, i32
  }
  func.func @transform_7(%arg0: i32) -> (i32, i32) {
    %c0_i32 = arith.constant 0 : i32
    %c0_i32_0 = arith.constant 0 : i32
    %c0_i32_1 = arith.constant 0 : i32
    return %c0_i32, %c0_i32_0 : i32, i32
  }
  func.func @transform_8(%arg0: i32) -> (i32, i32) {
    %c0_i32 = arith.constant 0 : i32
    %c0_i32_0 = arith.constant 0 : i32
    %c0_i32_1 = arith.constant 0 : i32
    return %c0_i32, %c0_i32_0 : i32, i32
  }
  func.func @transform_9(%arg0: i32) -> (i32, i32) {
    %c0_i32 = arith.constant 0 : i32
    %c0_i32_0 = arith.constant 0 : i32
    %c0_i32_1 = arith.constant 0 : i32
    return %c0_i32, %c0_i32_0 : i32, i32
  }
}

</mosaic_0001>

<sc_bundles>
// kernel: kernel.13.cloned.1.call-start
scs
__scs_entry_jumppad:
0x0: {  	(pc) =	sbr.rel $0x88, $3  }
0x1: {  	(tag) =	ssettag $0x0;
	lr =	simm.s32 $0x1  }
0x2: {  	[smem:$0x3F94] =	sst lr;
	_ =	strace $0xD0000000  }
0x3: {  	_ = 	snop  }
0x4: {  	_ = 	snop  }
0x5: {  	_ = 	snop  }
0x6: {  	_ = 	snop  }
0x7: {  	_ = 	snop  }
__scs_overlays_trampoline_lowered:
0x8: {  	[smem:$0x3FA3] =	sst s0  }
0x9: {  	[smem:$0x3FA4] =	sst s1  }
0xa: {  	[smem:$0x3FA5] =	sst s2  }
0xb: {  	[smem:$0x3FA6] =	sst s3  }
0xc: {  	[smem:$0x3FA7] =	sst s4  }
0xd: {  	[smem:$0x3FA8] =	sst s5  }
0xe: {  	[smem:$0x3FA9] =	sst s6  }
0xf: {  	[smem:$0x3FAA] =	sst s7  }
0x10: {  	[smem:$0x3FAB] =	sst s8  }
0x11: {  	[smem:$0x3FAC] =	sst s9;
	s0 =	simm.s32 @!p0 $0x0  }
0x12: {  	s1 =	sld [smem:$0x3F92];
	s0 =	simm.s32 @p0 $0x1  }
0x13: {  	[smem:$0x3FAD] =	sst s0;
	s0 =	simm.s32 @!p1 $0x0  }
0x14: {  	s2 =	sld [smem:$0x3F91];
	s0 =	simm.s32 @p1 $0x1  }
0x15: {  	[smem:$0x3FAE] =	sst s0;
	s0 =	simm.s32 @!p2 $0x0  }
0x16: {  	s3 =	sld [smem:$0x3FDB];
	s0 =	simm.s32 @p2 $0x1  }
0x17: {  	s4 =	simm.s32 $0x1BF5;
	[smem:$0x3FB0] =	sst s0  }
0x18: {  	s0 =	sld [smem:$0x3F93];
	_ =	swait.ge [sflag:s4], $0x0  }
0x19: {  	s7 =	sld [smem:$0x3F94]  }
0x1a: {  	s8 =	sadd.s32 $0xFFFFE003, lr  }
0x1b: {  	s9 =	sadd.s32 $0xFFFFFEF7, lr;
	s5 =	simm.s32 $0xFFFFFFFF;
	p2 =	slt.u32 s8, $0xFFFFF086  }
0x1c: {  	p1 =	slt.u32 s9, $0xF7A;
	s5 =	simm.s32 @!p2 $0x0  }
0x1d: {  	s5 =	simm.s32 @p1 $0x1;
	p0 =	seq.s32 s7, s2  }
0x1e: {  	s7 =	smul.u32 @!p0 $0xF7A, s2;
	p2 =	seq.s32 @!p0 s5, $0x0  }
0x1f: {  	s9 =	smul.u32 $0xF7A, s1;
	s8 =	simm.s32 @!p0 $0x1BF5;
	p2 =	por !p2, p0  }
0x20: {  	[sflag:s8] =	ssyncset.s32 @!p0 $0xFFFFF086;
	s6 =	sadd.s32 @!p0 s3, s7;
	s7 =	simm.s32 @!p0 $0x108  }
0x21: {  	s3 =	sadd.s32 s3, s9;
	s6 =	sadd.s32 @!p0 $0x88, s6;
	s7 =	simm.s32 @p2 $0x1082  }
0x22: {  	[simem:s7], [sflag:s8] =	dma.local @!p0 [hbm:s6], $0xF7A  }
0x23: {  	s9 =	sor.u32 $0xD0000000, s2;
	s6 =	simm.s32 $0x108;
	_ =	swait.ge @!p0 [sflag:s8], $0x0  }
0x24: {  	s3 =	sadd.s32 $0x88, s3;
	s6 =	simm.s32 @!p1 $0x1082;
	[sflag:s4] =	ssyncset.s32 $0xFFFFF086  }
0x25: {  	[simem:s6], [sflag:s4] =	dma.local [hbm:s3], $0xF7A  }
0x26: {  	[smem:$0x3F94] =	sst s1;
	(tag) =	ssettag s2;
	_ =	strace s9  }
0x27: {  	s1 =	sld [smem:$0x3FA4]  }
0x28: {  	s2 =	sld [smem:$0x3FA5]  }
0x29: {  	s4 =	sld [smem:$0x3FA7]  }
0x2a: {  	p0 =	seq.s32 s5, $0x0;
	s5 =	sld [smem:$0x3FA8]  }
0x2b: {  	s6 =	sld [smem:$0x3FA9]  }
0x2c: {  	s7 =	sld [smem:$0x3FAA]  }
0x2d: {  	s3 =	simm.s32 $0x108;
	s8 =	sld [smem:$0x3FAB]  }
0x2e: {  	s3 =	simm.s32 @!p0 $0x1082;
	s9 =	sld [smem:$0x3FAC]  }
0x2f: {  	lr =	sadd.s32 s0, s3;
	s0 =	sld [smem:$0x3FA3]  }
0x30: {  	s3 =	sld [smem:$0x3FA6]  }
0x31: {  	[smem:$0x3FAF] =	sst s10  }
0x32: {  	s10 =	sld [smem:$0x3FAD];
	_ =	sdelay $0x3  }
0x33: {  	p0 =	seq.s32 s10, $0x1;
	s10 =	sld [smem:$0x3FAF];
	_ =	sdelay $0x3  }
0x34: {  	[smem:$0x3FAF] =	sst s10  }
0x35: {  	s10 =	sld [smem:$0x3FAE];
	_ =	sdelay $0x3  }
0x36: {  	p1 =	seq.s32 s10, $0x1;
	s10 =	sld [smem:$0x3FAF];
	_ =	sdelay $0x3  }
0x37: {  	[smem:$0x3FAF] =	sst s10  }
0x38: {  	s10 =	sld [smem:$0x3FB0]  }
0x39: {  	_ = 	snop;
	(pc) =	sbr.ind lr, $3  }
0x3a: {  	_ = 	snop  }
0x3b: {  	_ = 	snop  }
0x3c: {  	p2 =	seq.s32 s10, $0x1;
	s10 =	sld [smem:$0x3FAF]  }
0x3d: {  	_ =	shalt  }
0x3e: {  	_ =	shalt  }
0x3f: {  	_ =	shalt  }
0x40: {  	_ =	shalt  }
0x41: {  	_ =	shalt  }
0x42: {  	_ =	shalt  }
0x43: {  	_ =	shalt  }
0x44: {  	_ =	shalt  }
0x45: {  	_ =	shalt  }
0x46: {  	_ =	shalt  }
0x47: {  	_ =	shalt  }
0x48: {  	_ =	shalt  }
0x49: {  	_ =	shalt  }
0x4a: {  	_ =	shalt  }
0x4b: {  	_ =	shalt  }
0x4c: {  	_ =	shalt  }
0x4d: {  	_ =	shalt  }
0x4e: {  	_ =	shalt  }
0x4f: {  	_ =	shalt  }
0x50: {  	_ =	shalt  }
0x51: {  	_ =	shalt  }
0x52: {  	_ =	shalt  }
0x53: {  	_ =	shalt  }
0x54: {  	_ =	shalt  }
0x55: {  	_ =	shalt  }
0x56: {  	_ =	shalt  }
0x57: {  	_ =	shalt  }
0x58: {  	_ =	shalt  }
0x59: {  	_ =	shalt  }
0x5a: {  	_ =	shalt  }
0x5b: {  	_ =	shalt  }
0x5c: {  	_ =	shalt  }
0x5d: {  	_ =	shalt  }
0x5e: {  	_ =	shalt  }
0x5f: {  	_ =	shalt  }
0x60: {  	_ =	shalt  }
0x61: {  	_ =	shalt  }
0x62: {  	_ =	shalt  }
0x63: {  	_ =	shalt  }
0x64: {  	_ =	shalt  }
0x65: {  	_ =	shalt  }
0x66: {  	_ =	shalt  }
0x67: {  	_ =	shalt  }
0x68: {  	_ =	shalt  }
0x69: {  	_ =	shalt  }
0x6a: {  	_ =	shalt  }
0x6b: {  	_ =	shalt  }
0x6c: {  	_ =	shalt  }
0x6d: {  	_ =	shalt  }
0x6e: {  	_ =	shalt  }
0x6f: {  	_ =	shalt  }
0x70: {  	_ =	shalt  }
0x71: {  	_ =	shalt  }
0x72: {  	_ =	shalt  }
0x73: {  	_ =	shalt  }
0x74: {  	_ =	shalt  }
0x75: {  	_ =	shalt  }
0x76: {  	_ =	shalt  }
0x77: {  	_ =	shalt  }
0x78: {  	_ =	shalt  }
0x79: {  	_ =	shalt  }
0x7a: {  	_ =	shalt  }
0x7b: {  	_ =	shalt  }
0x7c: {  	_ =	shalt  }
0x7d: {  	_ =	shalt  }
0x7e: {  	_ =	shalt  }
0x7f: {  	_ =	shalt  }
0x80: {  	_ =	shalt  }
0x81: {  	_ =	shalt  }
0x82: {  	_ =	shalt  }
0x83: {  	_ =	shalt  }
0x84: {  	_ =	shalt  }
0x85: {  	_ =	shalt  }
0x86: {  	_ =	shalt  }
0x87: {  	_ =	shalt  }
.Lfunc_end0:
.L_simem_size_0:
called_computation_lowered:
.L_overlay_start_0:
0x88: {  	s2 =	sld [smem:$0x3FD9]  }
0x89: {  	s3 =	sld [smem:$0x3FFE];
	_ =	sdelay $0x1  }
0x8a: {  	s1 =	srdreg.scid  }
0x8b: {  	s0 =	sand.u32 $0x1, s1  }
0x8c: {  	s16 =	sshll.u32 s0, $0xA;
	s2 =	sadd.s32 s3, s2  }
0x8d: {  	s2 =	sadd.s32 s2, s16  }
0x8e: {  	[smem:$0x3FBB] =	sst s2  }
0x8f: {  	_ = 	snop  }
0x90: {  	(tm) =	ssettm $0x1  }
0x91: {  	s17 =	sld [smem:$0x3FFB];
	_ =	sdelay $0x3  }
0x92: {  	_ =	strace s17  }
0x93: {  	s2 =	sld [smem:$0x3FFC];
	_ =	sdelay $0x3  }
0x94: {  	_ =	strace s2  }
0x95: {  	s2 =	sld [smem:$0x3FFD];
	_ =	sdelay $0x3  }
0x96: {  	_ =	strace s2  }
0x97: {  	_ =	strace $0x8FFFFFFF  }
0x98: {  	s18 =	sld [smem:$0x3FDB];
	_ =	sdelay $0x1  }
0x99: {  	s19 =	simm.s32 $_scs_section_size  }
0x9a: {  	s4 =	simm.s32 $_size__tile_overlayer_lowered;
	s5 =	simm.s32 $_tile_overlayer_lowered  }
0x9b: {  	s22 =	simm.s32 $0x1BFF;
	s21 =	sshll.u32 s5, $0x1;
	s2 =	sadd.s32 s19, s18  }
0x9c: {  	s6 =	simm.s32 $0x0;
	s20 =	sshll.u32 s4, $0x1;
	s4 =	sadd.s32 s21, s2  }
0x9d: {  	[timem:s6], [sflag:s22] =	dma.local [hbm:s4], s20  }
0x9e: {  	_ =	swait.ge [sflag:s22], s20  }
0x9f: {  	s3 =	ssub.s32 $0x0, s20;
	[sflag:s22] =	ssyncset.done $0x0  }
0xa0: {  	[sflag:s22] =	ssyncadd.s32 s3;
	_ =	sdelay $0x1  }
0xa1: {  	s23 =	simm.s32 $0x1B8B  }
0xa2: {  	_ =	swait.ge [sflag:s23], $0x1  }
0xa3: {  	[sflag:s23] =	ssyncset.done $0x0  }
0xa4: {  	s25 =	simm.s32 $0x1B8E;
	s24 =	sld [smem:$0x3FFE];
	[sflag:s23] =	ssyncadd.s32 $0xFFFFFFFF  }
0xa5: {  	s26 =	simm.s32 $execute0_lowered;
	[smem:$0x3FD2] =	sst s25  }
0xa6: {  	s4 =	sshll.u32 s26, $0x1;
	_ =	strace $0x80000046;
	[dreg:$0x1] =	wrdreg $0xFFFFFFFF  }
0xa7: {  	s28 =	simm.s32 $_size_execute0_lowered;
	s2 =	sadd.s32 s2, s4;
	[dreg:$0x0] =	wrdreg $0x0  }
0xa8: {  	s4 =	sshll.u32 s28, $0x1;
	[dreg:$0x2] =	wrdreg s2  }
0xa9: {  	[dreg:$0x3] =	wrdreg s4  }
0xaa: {  	[dreg:$0x4] =	wrdreg $0xC0  }
0xab: {  	_ =	task [dreg:s6], $0x5FFFF  }
0xac: {  	[dreg:$0x1] =	wrdreg $0xFFFFFFFF  }
0xad: {  	[dreg:$0x0] =	wrdreg $0x60  }
0xae: {  	[dreg:$0x2] =	wrdreg s24  }
0xaf: {  	[dreg:$0x3] =	wrdreg $0x2FD00  }
0xb0: {  	[dreg:$0x4] =	wrdreg $0x9  }
0xb1: {  	_ =	task.clear_ibuf [dreg:s6], $0x5FFFF;
	_ =	strace $0x90000046  }
0xb2: {  	s29 =	simm.s32 $0x9;
	_ =	strace $0x80000048  }
0xb3: {  	_ =	swait.ge [sflag:s29], $0x1  }
0xb4: {  	[sflag:s29] =	ssyncadd.s32 $0xFFFFFFFF  }
0xb5: {  	_ =	strace $0x90000048  }
0xb6: {  	_ =	sfence  }
0xb7: {  	s30 =	sld [smem:$0x0];
	_ =	sdelay $0x2  }
0xb8: {  	s31 =	sshll.u32 s1, $0xD;
	s1 =	sshrl.u32 s1, $0x2  }
0xb9: {  	s3 =	sand.u32 $0x4000, s31;
	s1 =	sadd.s32 s1, s30  }
0xba: {  	s0 =	sor.u32 s3, s0;
	s1 =	sshll.u32 s1, $0x11  }
0xbb: {  	s0 =	sor.u32 s1, s0  }
0xbc: {  	s0 =	sadd.s32 $0x8F2B, s0  }
0xbd: {  	[sflag:s0] =	ssyncadd.remote.s32 $0x1  }
0xbe: {  	_ =	sfence.sel $0xFFFF  }
0xbf: {  	[dreg:$0x0] =	wrdreg $0xFFFFFFFF;
	(pc) =	sbr.abs _section_cstart, $3  }
0xc0: {  	[dreg:$0x1] =	wrdreg $0xFFFFFFFF  }
0xc1: {  	_ =	task.clear_ibuf [dreg:s6], $0x2FFFF;
	_ =	strace $0x9FFFFFFF  }
0xc2: {  	(tm) =	ssettm $0x7FFFFFFF  }
0xc3: {  	_ =	shalt  }
tec
execute0_lowered:
.L_overlay_start_1:
0x0: {  	(tag) =	ssettag $0x1  }
0x1: {  	s6 =	rddreg [dreg:$0x0]  }
0x2: {  	s0 =	srdreg.scid;
	s2 =	rddreg [dreg:$0x1];
	s3 =	simm.s32 $0x0  }
0x3: {  	s13 =	simm.s32 $0x7D;
	s5 =	sand.u32 $0x1, s0;
	s0 =	stileid.u32  }
0x4: {  	s14 =	simm.s32 $0x0;
	[smem:$0x7FF] =	sst s3;
	s7 =	smul.u32 $0x2800, s0  }
0x5: {  	s1 =	sshll.u32 s5, $0x4;
	s8 =	smul.u32 $0x28000, s5;
	s10 =	ssub.s32 $0x2, s5  }
0x6: {  	s5 =	sadd.s32 $0x21600, s6;
	s11 =	sshll.u32 s0, $0x6;
	s1 =	sor.u32 s0, s1  }
0x7: {  	s31 =	sshrl.u32 s10, $0x1;
	s11 =	sor.u32 $0x1C01, s11;
	s4 =	smul.u32 $0x500, s1  }
0x8: {  	s1 =	rddreg [dreg:$0x2];
	_ =	strace $0x80000047;
	s8 =	sadd.s32 s7, s8  }
0x9: {  	s10 =	ssub.s32 s10, s31;
	s12 =	sadd.s32 s7, s2;
	s8 =	sshrl.u32 s8, $0x3  }
0xa: {  	s12 =	sshrl.u32 s12, $0x3;
	s9 =	sadd.s32 s4, s6;
	s8 =	sadd.s32 s8, s6  }
0xb: {  	s4 =	sadd.s32 $0x21C00, s6;
	s6 =	sadd.s32 $0x17600, s9;
	s7 =	sadd.s32 $0x21E00, s8  }
0xc: {  	s8 =	smax.u32 s10, $0x1;
	s9 =	simm.s32 $0x1;
	s10 =	simm.s32 $0x2800  }
.LBB2_1:
0xd: {  	[tilespmem:s3], [sflag:$0x1] =	stream.linear.gather [hbm4b:s6+s3], $0x2800, $0x38;
	[tilespmem:$0x57D0] =	vst v63  }
0xe: {  	_ =	swait.ge [sflag:s9], $0x2800  }
0xf: {  	[sflag:s9] =	ssyncset.done $0x0  }
0x10: {  	[sflag:s9] =	ssyncadd.s32 $0xFFFFD800  }
0x11: {  	[tilespmem:s10], [sflag:$0x1] =	stream.linear.gather [hbm4b:s4+s3], $0x7D0, $0x38;
	[tilespmem:$0x57D0] =	vst v63  }
0x12: {  	_ =	swait.ge [sflag:s9], $0x7D0  }
0x13: {  	[sflag:s9] =	ssyncset.done $0x0  }
0x14: {  	[sflag:s9] =	ssyncadd.s32 $0xFFFFF830  }
0x15: {  	[spmem:s12], [sflag:s11] =	dma.local [hbm:s5], $0x500  }
0x16: {  	_ =	swait.ge [sflag:s9], $0x500  }
0x17: {  	[sflag:s9] =	ssyncset.done $0x0  }
0x18: {  	[sflag:s9] =	ssyncadd.s32 $0xFFFFFB00  }
0x19: {  	s15 =	simm.s32 $0x0;
	[bflag:$0x0] =	sbarrier.arrive $0xFFFF  }
0x1a: {  	[spmem:s2] =	stream.indirect.scatter.add.f32 [tilespmem:s10], [sflag:$0x1], $0x10, s15, s13, $0xb8;
	[tilespmem:$0x57D0] =	vst v63  }
0x1b: {  	_ =	swait.ge [sflag:s9], $0x7D0  }
0x1c: {  	s15 =	simm.s32 $0x200;
	[sflag:s9] =	ssyncset.done $0x0  }
.LBB2_2:
0x1d: {  	s16 =	sshra.s32 s15, $0x2;
	[sflag:s9] =	ssyncadd.s32 $0xFFFFF830;
	p0 =	sne.s32 s15, $0x9E00  }
0x1e: {  	[spmem:s2] =	stream.indirect.scatter.add.f32 [tilespmem:s10], [sflag:$0x1], $0x10, s16, s13, $0xb8;
	[tilespmem:$0x57D0] =	vst v63  }
.Ltmp0:
0x1f: {  	_ = 	snop;
	(pc) =	sbr.rel @p0 .LBB2_2-.Ltmp0, $4  }
0x20: {  	_ = 	snop  }
0x21: {  	s15 =	sadd.s32 $0x200, s15  }
0x22: {  	_ =	swait.ge [sflag:s9], $0x7D0  }
0x23: {  	[sflag:s9] =	ssyncset.done $0x0  }
0x24: {  	s14 =	sadd.s32 $0x1, s14  }
0x25: {  	[sflag:s9] =	ssyncadd.s32 $0xFFFFF830;
	p0 =	sne.s32 s14, s8  }
.Ltmp1:
0x26: {  	[bflag:$0x0] =	sbarrier.arrive $0xFFFF;
	(pc) =	sbr.rel @p0 .LBB2_1-.Ltmp1, $4  }
0x27: {  	[hbm:s7], [sflag:s11] =	dma.local [spmem:s12], $0x500  }
0x28: {  	_ =	swait.ge [sflag:s9], $0x500  }
0x29: {  	[sflag:s9] =	ssyncset.done $0x0  }
0x2a: {  	[sflag:s9] =	ssyncadd.s32 $0xFFFFFB00  }
0x2b: {  	_ =	sfence.sel $0x180000  }
0x2c: {  	[bflag:$0x0] =	sbarrier.arrive $0xFFFF  }
0x2d: {  	p0 =	sne.s32 s0, $0x0;
	_ =	strace $0x90000047  }
0x2e: {  	s0 =	sadd.s32 @!p0 $0x100000, s1;
	[bflag:$0x2] =	sbarrier.arrive $0xFFFF  }
0x2f: {  	[sflag:s0] =	ssyncadd.tile.s32 @!p0 $0x1;
	_ =	shalt  }
.Lfunc_end2:
_tile_overlayer_lowered:
.L_overlay_start_2:
0x30: {  	(tag) =	ssettag $0x2  }
0x31: {  	s0 =	rddreg [dreg:$0x0];
	s2 =	stileid.u32  }
0x32: {  	s1 =	rddreg [dreg:$0x1];
	p0 =	sne.s32 s2, $0x0  }
0x33: {  	s3 =	rddreg [dreg:$0x2];
	[bflag:$0x3] =	sbarrier.arrive $0xFFFF;
	s2 =	simm.s32 @!p0 $0x1C01  }
0x34: {  	[timem:s3], [sflag:s2] =	dma.local @!p0 [hbm:s0], s1  }
0x35: {  	s0 =	simm.s32 @!p0 $0x1  }
0x36: {  	_ =	swait.ge @!p0 [sflag:s0], s1  }
0x37: {  	s1 =	ssub.s32 @!p0 $0x0, s1;
	[sflag:s0] =	ssyncset.done @!p0 $0x0  }
0x38: {  	[sflag:s0] =	ssyncadd.s32 @!p0 s1  }
0x39: {  	[bflag:$0x3] =	sbarrier.arrive $0xFFFF  }
0x3a: {  	_ =	shalt  }

// kernel: kernel.16.cloned.1.call-start
scs
__scs_entry_jumppad:
0x0: {  	(pc) =	sbr.rel $0x88, $3  }
0x1: {  	(tag) =	ssettag $0x0;
	lr =	simm.s32 $0x1  }
0x2: {  	[smem:$0x3F94] =	sst lr;
	_ =	strace $0xD0000000  }
0x3: {  	_ = 	snop  }
0x4: {  	_ = 	snop  }
0x5: {  	_ = 	snop  }
0x6: {  	_ = 	snop  }
0x7: {  	_ = 	snop  }
__scs_overlays_trampoline_lowered:
0x8: {  	[smem:$0x3FA3] =	sst s0  }
0x9: {  	[smem:$0x3FA4] =	sst s1  }
0xa: {  	[smem:$0x3FA5] =	sst s2  }
0xb: {  	[smem:$0x3FA6] =	sst s3  }
0xc: {  	[smem:$0x3FA7] =	sst s4  }
0xd: {  	[smem:$0x3FA8] =	sst s5  }
0xe: {  	[smem:$0x3FA9] =	sst s6  }
0xf: {  	[smem:$0x3FAA] =	sst s7  }
0x10: {  	[smem:$0x3FAB] =	sst s8  }
0x11: {  	[smem:$0x3FAC] =	sst s9;
	s0 =	simm.s32 @!p0 $0x0  }
0x12: {  	s1 =	sld [smem:$0x3F92];
	s0 =	simm.s32 @p0 $0x1  }
0x13: {  	[smem:$0x3FAD] =	sst s0;
	s0 =	simm.s32 @!p1 $0x0  }
0x14: {  	s2 =	sld [smem:$0x3F91];
	s0 =	simm.s32 @p1 $0x1  }
0x15: {  	[smem:$0x3FAE] =	sst s0;
	s0 =	simm.s32 @!p2 $0x0  }
0x16: {  	s3 =	sld [smem:$0x3FDB];
	s0 =	simm.s32 @p2 $0x1  }
0x17: {  	s4 =	simm.s32 $0x1BF5;
	[smem:$0x3FB0] =	sst s0  }
0x18: {  	s0 =	sld [smem:$0x3F93];
	_ =	swait.ge [sflag:s4], $0x0  }
0x19: {  	s7 =	sld [smem:$0x3F94]  }
0x1a: {  	s8 =	sadd.s32 $0xFFFFE003, lr  }
0x1b: {  	s9 =	sadd.s32 $0xFFFFFEF7, lr;
	s5 =	simm.s32 $0xFFFFFFFF;
	p2 =	slt.u32 s8, $0xFFFFF086  }
0x1c: {  	p1 =	slt.u32 s9, $0xF7A;
	s5 =	simm.s32 @!p2 $0x0  }
0x1d: {  	s5 =	simm.s32 @p1 $0x1;
	p0 =	seq.s32 s7, s2  }
0x1e: {  	s7 =	smul.u32 @!p0 $0xF7A, s2;
	p2 =	seq.s32 @!p0 s5, $0x0  }
0x1f: {  	s9 =	smul.u32 $0xF7A, s1;
	s8 =	simm.s32 @!p0 $0x1BF5;
	p2 =	por !p2, p0  }
0x20: {  	[sflag:s8] =	ssyncset.s32 @!p0 $0xFFFFF086;
	s6 =	sadd.s32 @!p0 s3, s7;
	s7 =	simm.s32 @!p0 $0x108  }
0x21: {  	s3 =	sadd.s32 s3, s9;
	s6 =	sadd.s32 @!p0 $0x88, s6;
	s7 =	simm.s32 @p2 $0x1082  }
0x22: {  	[simem:s7], [sflag:s8] =	dma.local @!p0 [hbm:s6], $0xF7A  }
0x23: {  	s9 =	sor.u32 $0xD0000000, s2;
	s6 =	simm.s32 $0x108;
	_ =	swait.ge @!p0 [sflag:s8], $0x0  }
0x24: {  	s3 =	sadd.s32 $0x88, s3;
	s6 =	simm.s32 @!p1 $0x1082;
	[sflag:s4] =	ssyncset.s32 $0xFFFFF086  }
0x25: {  	[simem:s6], [sflag:s4] =	dma.local [hbm:s3], $0xF7A  }
0x26: {  	[smem:$0x3F94] =	sst s1;
	(tag) =	ssettag s2;
	_ =	strace s9  }
0x27: {  	s1 =	sld [smem:$0x3FA4]  }
0x28: {  	s2 =	sld [smem:$0x3FA5]  }
0x29: {  	s4 =	sld [smem:$0x3FA7]  }
0x2a: {  	p0 =	seq.s32 s5, $0x0;
	s5 =	sld [smem:$0x3FA8]  }
0x2b: {  	s6 =	sld [smem:$0x3FA9]  }
0x2c: {  	s7 =	sld [smem:$0x3FAA]  }
0x2d: {  	s3 =	simm.s32 $0x108;
	s8 =	sld [smem:$0x3FAB]  }
0x2e: {  	s3 =	simm.s32 @!p0 $0x1082;
	s9 =	sld [smem:$0x3FAC]  }
0x2f: {  	lr =	sadd.s32 s0, s3;
	s0 =	sld [smem:$0x3FA3]  }
0x30: {  	s3 =	sld [smem:$0x3FA6]  }
0x31: {  	[smem:$0x3FAF] =	sst s10  }
0x32: {  	s10 =	sld [smem:$0x3FAD];
	_ =	sdelay $0x3  }
0x33: {  	p0 =	seq.s32 s10, $0x1;
	s10 =	sld [smem:$0x3FAF];
	_ =	sdelay $0x3  }
0x34: {  	[smem:$0x3FAF] =	sst s10  }
0x35: {  	s10 =	sld [smem:$0x3FAE];
	_ =	sdelay $0x3  }
0x36: {  	p1 =	seq.s32 s10, $0x1;
	s10 =	sld [smem:$0x3FAF];
	_ =	sdelay $0x3  }
0x37: {  	[smem:$0x3FAF] =	sst s10  }
0x38: {  	s10 =	sld [smem:$0x3FB0]  }
0x39: {  	_ = 	snop;
	(pc) =	sbr.ind lr, $3  }
0x3a: {  	_ = 	snop  }
0x3b: {  	_ = 	snop  }
0x3c: {  	p2 =	seq.s32 s10, $0x1;
	s10 =	sld [smem:$0x3FAF]  }
0x3d: {  	_ =	shalt  }
0x3e: {  	_ =	shalt  }
0x3f: {  	_ =	shalt  }
0x40: {  	_ =	shalt  }
0x41: {  	_ =	shalt  }
0x42: {  	_ =	shalt  }
0x43: {  	_ =	shalt  }
0x44: {  	_ =	shalt  }
0x45: {  	_ =	shalt  }
0x46: {  	_ =	shalt  }
0x47: {  	_ =	shalt  }
0x48: {  	_ =	shalt  }
0x49: {  	_ =	shalt  }
0x4a: {  	_ =	shalt  }
0x4b: {  	_ =	shalt  }
0x4c: {  	_ =	shalt  }
0x4d: {  	_ =	shalt  }
0x4e: {  	_ =	shalt  }
0x4f: {  	_ =	shalt  }
0x50: {  	_ =	shalt  }
0x51: {  	_ =	shalt  }
0x52: {  	_ =	shalt  }
0x53: {  	_ =	shalt  }
0x54: {  	_ =	shalt  }
0x55: {  	_ =	shalt  }
0x56: {  	_ =	shalt  }
0x57: {  	_ =	shalt  }
0x58: {  	_ =	shalt  }
0x59: {  	_ =	shalt  }
0x5a: {  	_ =	shalt  }
0x5b: {  	_ =	shalt  }
0x5c: {  	_ =	shalt  }
0x5d: {  	_ =	shalt  }
0x5e: {  	_ =	shalt  }
0x5f: {  	_ =	shalt  }
0x60: {  	_ =	shalt  }
0x61: {  	_ =	shalt  }
0x62: {  	_ =	shalt  }
0x63: {  	_ =	shalt  }
0x64: {  	_ =	shalt  }
0x65: {  	_ =	shalt  }
0x66: {  	_ =	shalt  }
0x67: {  	_ =	shalt  }
0x68: {  	_ =	shalt  }
0x69: {  	_ =	shalt  }
0x6a: {  	_ =	shalt  }
0x6b: {  	_ =	shalt  }
0x6c: {  	_ =	shalt  }
0x6d: {  	_ =	shalt  }
0x6e: {  	_ =	shalt  }
0x6f: {  	_ =	shalt  }
0x70: {  	_ =	shalt  }
0x71: {  	_ =	shalt  }
0x72: {  	_ =	shalt  }
0x73: {  	_ =	shalt  }
0x74: {  	_ =	shalt  }
0x75: {  	_ =	shalt  }
0x76: {  	_ =	shalt  }
0x77: {  	_ =	shalt  }
0x78: {  	_ =	shalt  }
0x79: {  	_ =	shalt  }
0x7a: {  	_ =	shalt  }
0x7b: {  	_ =	shalt  }
0x7c: {  	_ =	shalt  }
0x7d: {  	_ =	shalt  }
0x7e: {  	_ =	shalt  }
0x7f: {  	_ =	shalt  }
0x80: {  	_ =	shalt  }
0x81: {  	_ =	shalt  }
0x82: {  	_ =	shalt  }
0x83: {  	_ =	shalt  }
0x84: {  	_ =	shalt  }
0x85: {  	_ =	shalt  }
0x86: {  	_ =	shalt  }
0x87: {  	_ =	shalt  }
.Lfunc_end0:
.L_simem_size_0:
called_computation.1_lowered:
.L_overlay_start_0:
0x88: {  	s2 =	sld [smem:$0x3FD9]  }
0x89: {  	s3 =	sld [smem:$0x3FFE];
	_ =	sdelay $0x1  }
0x8a: {  	s1 =	srdreg.scid  }
0x8b: {  	s0 =	sand.u32 $0x1, s1  }
0x8c: {  	s16 =	sshll.u32 s0, $0xA;
	s2 =	sadd.s32 s3, s2  }
0x8d: {  	s2 =	sadd.s32 s2, s16  }
0x8e: {  	[smem:$0x3FBB] =	sst s2  }
0x8f: {  	_ = 	snop  }
0x90: {  	(tm) =	ssettm $0x1  }
0x91: {  	s17 =	sld [smem:$0x3FFB];
	_ =	sdelay $0x3  }
0x92: {  	_ =	strace s17  }
0x93: {  	s2 =	sld [smem:$0x3FFC];
	_ =	sdelay $0x3  }
0x94: {  	_ =	strace s2  }
0x95: {  	s2 =	sld [smem:$0x3FFD];
	_ =	sdelay $0x3  }
0x96: {  	_ =	strace s2  }
0x97: {  	_ =	strace $0x8FFFFFFF  }
0x98: {  	s18 =	sld [smem:$0x3FDB];
	_ =	sdelay $0x1  }
0x99: {  	s19 =	simm.s32 $_scs_section_size  }
0x9a: {  	s4 =	simm.s32 $_size__tile_overlayer_lowered;
	s5 =	simm.s32 $_tile_overlayer_lowered  }
0x9b: {  	s22 =	simm.s32 $0x1BFF;
	s21 =	sshll.u32 s5, $0x1;
	s2 =	sadd.s32 s19, s18  }
0x9c: {  	s6 =	simm.s32 $0x0;
	s20 =	sshll.u32 s4, $0x1;
	s4 =	sadd.s32 s21, s2  }
0x9d: {  	[timem:s6], [sflag:s22] =	dma.local [hbm:s4], s20  }
0x9e: {  	_ =	swait.ge [sflag:s22], s20  }
0x9f: {  	s3 =	ssub.s32 $0x0, s20;
	[sflag:s22] =	ssyncset.done $0x0  }
0xa0: {  	[sflag:s22] =	ssyncadd.s32 s3;
	_ =	sdelay $0x1  }
0xa1: {  	s23 =	simm.s32 $0x1B8B  }
0xa2: {  	_ =	swait.ge [sflag:s23], $0x1  }
0xa3: {  	[sflag:s23] =	ssyncset.done $0x0  }
0xa4: {  	s25 =	simm.s32 $0x1B8E;
	s24 =	sld [smem:$0x3FFE];
	[sflag:s23] =	ssyncadd.s32 $0xFFFFFFFF  }
0xa5: {  	s26 =	simm.s32 $execute0_lowered;
	[smem:$0x3FD2] =	sst s25  }
0xa6: {  	s4 =	sshll.u32 s26, $0x1;
	_ =	strace $0x80000049;
	[dreg:$0x1] =	wrdreg $0xFFFFFFFF  }
0xa7: {  	s28 =	simm.s32 $_size_execute0_lowered;
	s2 =	sadd.s32 s2, s4;
	[dreg:$0x0] =	wrdreg $0x0  }
0xa8: {  	s4 =	sshll.u32 s28, $0x1;
	[dreg:$0x2] =	wrdreg s2  }
0xa9: {  	[dreg:$0x3] =	wrdreg s4  }
0xaa: {  	[dreg:$0x4] =	wrdreg $0xC0  }
0xab: {  	_ =	task [dreg:s6], $0x5FFFF  }
0xac: {  	[dreg:$0x1] =	wrdreg $0xFFFFFFFF  }
0xad: {  	[dreg:$0x0] =	wrdreg $0x60  }
0xae: {  	[dreg:$0x2] =	wrdreg s24  }
0xaf: {  	[dreg:$0x3] =	wrdreg $0x9  }
0xb0: {  	_ =	task.clear_ibuf [dreg:s6], $0x4FFFF;
	_ =	strace $0x90000049  }
0xb1: {  	s29 =	simm.s32 $0x9;
	_ =	strace $0x8000004B  }
0xb2: {  	_ =	swait.ge [sflag:s29], $0x1  }
0xb3: {  	[sflag:s29] =	ssyncadd.s32 $0xFFFFFFFF  }
0xb4: {  	_ =	strace $0x9000004B  }
0xb5: {  	_ =	sfence  }
0xb6: {  	s30 =	sld [smem:$0x0];
	_ =	sdelay $0x2  }
0xb7: {  	s31 =	sshll.u32 s1, $0xD;
	s1 =	sshrl.u32 s1, $0x2  }
0xb8: {  	s3 =	sand.u32 $0x4000, s31;
	s1 =	sadd.s32 s1, s30  }
0xb9: {  	s0 =	sor.u32 s3, s0;
	s1 =	sshll.u32 s1, $0x11  }
0xba: {  	s0 =	sor.u32 s1, s0  }
0xbb: {  	s0 =	sadd.s32 $0x8F2B, s0  }
0xbc: {  	[sflag:s0] =	ssyncadd.remote.s32 $0x1  }
0xbd: {  	_ =	sfence.sel $0xFFFF  }
0xbe: {  	[dreg:$0x0] =	wrdreg $0xFFFFFFFF;
	(pc) =	sbr.abs _section_cstart, $3  }
0xbf: {  	[dreg:$0x1] =	wrdreg $0xFFFFFFFF  }
0xc0: {  	_ =	task.clear_ibuf [dreg:s6], $0x2FFFF;
	_ =	strace $0x9FFFFFFF  }
0xc1: {  	(tm) =	ssettm $0x7FFFFFFF  }
tec
execute0_lowered:
.L_overlay_start_1:
0x0: {  	(tag) =	ssettag $0x1  }
0x1: {  	s0 =	srdreg.scid  }
0x2: {  	s4 =	rddreg [dreg:$0x0];
	s1 =	stileid.u32;
	s3 =	sand.u32 $0x1, s0  }
0x3: {  	s2 =	simm.s32 $0x0;
	s9 =	simm.s32 $0x2800;
	s5 =	sshll.u32 s3, $0x4  }
0x4: {  	s10 =	simm.s32 $0x4F10;
	s11 =	simm.s32 $0x7620;
	s5 =	sor.u32 s1, s5  }
0x5: {  	s0 =	rddreg [dreg:$0x1];
	s6 =	ssub.s32 $0x2, s3;
	s5 =	smul.u32 $0x4E2, s5  }
0x6: {  	s12 =	simm.s32 $0x0;
	[smem:$0x7FF] =	sst s2;
	s7 =	sshrl.u32 s6, $0x1  }
0x7: {  	_ =	strace $0x8000004A;
	s7 =	ssub.s32 s6, s7;
	s8 =	sadd.s32 s5, s4  }
0x8: {  	s3 =	sadd.s32 $0x71600, s4;
	s7 =	smax.u32 s7, $0x1;
	s4 =	sadd.s32 $0x3A00, s8  }
0x9: {  	s5 =	sadd.s32 $0xD800, s8;
	s6 =	sadd.s32 $0x71C00, s8;
	s8 =	simm.s32 $0x1  }
.LBB2_1:
0xa: {  	[tilespmem:s2], [sflag:$0x1] =	stream.linear.gather [hbm4b:s3+s2], $0x2800, $0x38;
	[tilespmem:$0x9D30] =	vst v63  }
0xb: {  	_ =	swait.ge [sflag:s8], $0x2800  }
0xc: {  	[sflag:s8] =	ssyncset.done $0x0  }
0xd: {  	[sflag:s8] =	ssyncadd.s32 $0xFFFFD800  }
0xe: {  	[tilespmem:s9], [sflag:$0x1] =	stream.linear.gather [hbm4b:s4+s2], $0x2710, $0x38;
	[tilespmem:$0x9D30] =	vst v63  }
0xf: {  	_ =	swait.ge [sflag:s8], $0x2710  }
0x10: {  	[sflag:s8] =	ssyncset.done $0x0  }
0x11: {  	[sflag:s8] =	ssyncadd.s32 $0xFFFFD8F0  }
0x12: {  	[tilespmem:s10], [sflag:$0x1] =	stream.linear.gather [hbm4b:s5+s2], $0x2710, $0x38;
	[tilespmem:$0x9D30] =	vst v63  }
0x13: {  	_ =	swait.ge [sflag:s8], $0x2710  }
0x14: {  	[sflag:s8] =	ssyncset.done $0x0  }
0x15: {  	s13 =	simm.s32 $0x0;
	[sflag:s8] =	ssyncadd.s32 $0xFFFFD8F0  }
0x16: {  	v0 =	vld [tilespmem:s13+$0x4F10]  }
0x17: {  	v1 =	vld [tilespmem:s13+$0x2800];
	_ =	sdelay $0x6  }
0x18: {  	v0 =	vld.idx.msk [tilespmem:v0+s2+$0x0], $0xffff  }
0x19: {  	s14 =	simm.s32 $0x10;
	v2 =	vld.idx.msk [tilespmem:v1+s2+$0x0], $0xffff  }
0x1a: {  	s15 =	simm.s32 $0x80;
	v1 =	vld [tilespmem:s14+$0x4F10]  }
.LBB2_2:
0x1b: {  	p0 =	sne.s32 s15, $0x9C00;
	v3 =	vld [tilespmem:s14+$0x2800];
	_ =	sdelay $0x3  }
0x1c: {  	v0 =	vmul.f32 v0, v2  }
.Ltmp0:
0x1d: {  	(pc) =	sbr.rel @p0 .LBB2_2-.Ltmp0, $4  }
0x1e: {  	[tilespmem:s13+$0x7620] =	vst v0;
	s13 =	smov.u32 s14  }
0x1f: {  	v0 =	vld.idx.msk [tilespmem:v1+s2+$0x0], $0xffff  }
0x20: {  	s14 =	sshra.s32 s15, $0x2;
	v2 =	vld.idx.msk [tilespmem:v3+s2+$0x0], $0xffff  }
0x21: {  	s15 =	sadd.s32 $0x40, s15;
	v1 =	vld [tilespmem:s14+$0x4F10]  }
0x22: {  	_ = 	snop  }
0x23: {  	v3 =	vld [tilespmem:s14+$0x2800];
	_ =	sdelay $0x3  }
0x24: {  	v0 =	vmul.f32 v0, v2;
	_ =	sdelay $0x1  }
0x25: {  	[tilespmem:s13+$0x7620] =	vst v0  }
0x26: {  	v0 =	vld.idx.msk [tilespmem:v1+s2+$0x0], $0xffff  }
0x27: {  	v63 =	vld.idx.msk [tilespmem:v3+s2+$0x0], $0xffff;
	_ =	sdelay $0x4  }
0x28: {  	s12 =	sadd.s32 $0x1, s12;
	v0 =	vmul.f32 v0, v63  }
0x29: {  	p0 =	sne.s32 s12, s7  }
.Ltmp1:
0x2a: {  	[tilespmem:s14+$0x7620] =	vst v0;
	(pc) =	sbr.rel @p0 .LBB2_1-.Ltmp1, $4  }
0x2b: {  	[hbm4b:s6+s2] =	stream.linear.scatter [tilespmem:s11], [sflag:$0x1], $0x2710, $0x38;
	[tilespmem:$0x9D30] =	vst v63  }
0x2c: {  	_ =	swait.ge [sflag:s8], $0x2710  }
0x2d: {  	[sflag:s8] =	ssyncset.done $0x0  }
0x2e: {  	[sflag:s8] =	ssyncadd.s32 $0xFFFFD8F0  }
0x2f: {  	_ =	sfence.sel $0x180000  }
0x30: {  	[bflag:$0x0] =	sbarrier.arrive $0xFFFF  }
0x31: {  	p0 =	sne.s32 s1, $0x0;
	_ =	strace $0x9000004A  }
0x32: {  	s0 =	sadd.s32 @!p0 $0x100000, s0;
	[bflag:$0x2] =	sbarrier.arrive $0xFFFF  }
0x33: {  	[sflag:s0] =	ssyncadd.tile.s32 @!p0 $0x1;
	_ =	shalt  }
.Lfunc_end2:
_tile_overlayer_lowered:
.L_overlay_start_2:
0x34: {  	(tag) =	ssettag $0x2  }
0x35: {  	s0 =	rddreg [dreg:$0x0];
	s2 =	stileid.u32  }
0x36: {  	s1 =	rddreg [dreg:$0x1];
	p0 =	sne.s32 s2, $0x0  }
0x37: {  	s3 =	rddreg [dreg:$0x2];
	[bflag:$0x3] =	sbarrier.arrive $0xFFFF;
	s2 =	simm.s32 @!p0 $0x1C01  }
0x38: {  	[timem:s3], [sflag:s2] =	dma.local @!p0 [hbm:s0], s1  }
0x39: {  	s0 =	simm.s32 @!p0 $0x1  }
0x3a: {  	_ =	swait.ge @!p0 [sflag:s0], s1  }
0x3b: {  	s1 =	ssub.s32 @!p0 $0x0, s1;
	[sflag:s0] =	ssyncset.done @!p0 $0x0  }
0x3c: {  	[sflag:s0] =	ssyncadd.s32 @!p0 s1  }
0x3d: {  	[bflag:$0x3] =	sbarrier.arrive $0xFFFF  }
0x3e: {  	_ =	shalt  }

// kernel: kernel.19.cloned.1.call-start
scs
__scs_entry_jumppad:
0x0: {  	(pc) =	sbr.rel $0x88, $3  }
0x1: {  	(tag) =	ssettag $0x0;
	lr =	simm.s32 $0x1  }
0x2: {  	[smem:$0x3F94] =	sst lr;
	_ =	strace $0xD0000000  }
0x3: {  	_ = 	snop  }
0x4: {  	_ = 	snop  }
0x5: {  	_ = 	snop  }
0x6: {  	_ = 	snop  }
0x7: {  	_ = 	snop  }
__scs_overlays_trampoline_lowered:
0x8: {  	[smem:$0x3FA3] =	sst s0  }
0x9: {  	[smem:$0x3FA4] =	sst s1  }
0xa: {  	[smem:$0x3FA5] =	sst s2  }
0xb: {  	[smem:$0x3FA6] =	sst s3  }
0xc: {  	[smem:$0x3FA7] =	sst s4  }
0xd: {  	[smem:$0x3FA8] =	sst s5  }
0xe: {  	[smem:$0x3FA9] =	sst s6  }
0xf: {  	[smem:$0x3FAA] =	sst s7  }
0x10: {  	[smem:$0x3FAB] =	sst s8  }
0x11: {  	[smem:$0x3FAC] =	sst s9;
	s0 =	simm.s32 @!p0 $0x0  }
0x12: {  	s1 =	sld [smem:$0x3F92];
	s0 =	simm.s32 @p0 $0x1  }
0x13: {  	[smem:$0x3FAD] =	sst s0;
	s0 =	simm.s32 @!p1 $0x0  }
0x14: {  	s2 =	sld [smem:$0x3F91];
	s0 =	simm.s32 @p1 $0x1  }
0x15: {  	[smem:$0x3FAE] =	sst s0;
	s0 =	simm.s32 @!p2 $0x0  }
0x16: {  	s3 =	sld [smem:$0x3FDB];
	s0 =	simm.s32 @p2 $0x1  }
0x17: {  	s4 =	simm.s32 $0x1BF5;
	[smem:$0x3FB0] =	sst s0  }
0x18: {  	s0 =	sld [smem:$0x3F93];
	_ =	swait.ge [sflag:s4], $0x0  }
0x19: {  	s7 =	sld [smem:$0x3F94]  }
0x1a: {  	s8 =	sadd.s32 $0xFFFFE003, lr  }
0x1b: {  	s9 =	sadd.s32 $0xFFFFFEF7, lr;
	s5 =	simm.s32 $0xFFFFFFFF;
	p2 =	slt.u32 s8, $0xFFFFF086  }
0x1c: {  	p1 =	slt.u32 s9, $0xF7A;
	s5 =	simm.s32 @!p2 $0x0  }
0x1d: {  	s5 =	simm.s32 @p1 $0x1;
	p0 =	seq.s32 s7, s2  }
0x1e: {  	s7 =	smul.u32 @!p0 $0xF7A, s2;
	p2 =	seq.s32 @!p0 s5, $0x0  }
0x1f: {  	s9 =	smul.u32 $0xF7A, s1;
	s8 =	simm.s32 @!p0 $0x1BF5;
	p2 =	por !p2, p0  }
0x20: {  	[sflag:s8] =	ssyncset.s32 @!p0 $0xFFFFF086;
	s6 =	sadd.s32 @!p0 s3, s7;
	s7 =	simm.s32 @!p0 $0x108  }
0x21: {  	s3 =	sadd.s32 s3, s9;
	s6 =	sadd.s32 @!p0 $0x88, s6;
	s7 =	simm.s32 @p2 $0x1082  }
0x22: {  	[simem:s7], [sflag:s8] =	dma.local @!p0 [hbm:s6], $0xF7A  }
0x23: {  	s9 =	sor.u32 $0xD0000000, s2;
	s6 =	simm.s32 $0x108;
	_ =	swait.ge @!p0 [sflag:s8], $0x0  }
0x24: {  	s3 =	sadd.s32 $0x88, s3;
	s6 =	simm.s32 @!p1 $0x1082;
	[sflag:s4] =	ssyncset.s32 $0xFFFFF086  }
0x25: {  	[simem:s6], [sflag:s4] =	dma.local [hbm:s3], $0xF7A  }
0x26: {  	[smem:$0x3F94] =	sst s1;
	(tag) =	ssettag s2;
	_ =	strace s9  }
0x27: {  	s1 =	sld [smem:$0x3FA4]  }
0x28: {  	s2 =	sld [smem:$0x3FA5]  }
0x29: {  	s4 =	sld [smem:$0x3FA7]  }
0x2a: {  	p0 =	seq.s32 s5, $0x0;
	s5 =	sld [smem:$0x3FA8]  }
0x2b: {  	s6 =	sld [smem:$0x3FA9]  }
0x2c: {  	s7 =	sld [smem:$0x3FAA]  }
0x2d: {  	s3 =	simm.s32 $0x108;
	s8 =	sld [smem:$0x3FAB]  }
0x2e: {  	s3 =	simm.s32 @!p0 $0x1082;
	s9 =	sld [smem:$0x3FAC]  }
0x2f: {  	lr =	sadd.s32 s0, s3;
	s0 =	sld [smem:$0x3FA3]  }
0x30: {  	s3 =	sld [smem:$0x3FA6]  }
0x31: {  	[smem:$0x3FAF] =	sst s10  }
0x32: {  	s10 =	sld [smem:$0x3FAD];
	_ =	sdelay $0x3  }
0x33: {  	p0 =	seq.s32 s10, $0x1;
	s10 =	sld [smem:$0x3FAF];
	_ =	sdelay $0x3  }
0x34: {  	[smem:$0x3FAF] =	sst s10  }
0x35: {  	s10 =	sld [smem:$0x3FAE];
	_ =	sdelay $0x3  }
0x36: {  	p1 =	seq.s32 s10, $0x1;
	s10 =	sld [smem:$0x3FAF];
	_ =	sdelay $0x3  }
0x37: {  	[smem:$0x3FAF] =	sst s10  }
0x38: {  	s10 =	sld [smem:$0x3FB0]  }
0x39: {  	_ = 	snop;
	(pc) =	sbr.ind lr, $3  }
0x3a: {  	_ = 	snop  }
0x3b: {  	_ = 	snop  }
0x3c: {  	p2 =	seq.s32 s10, $0x1;
	s10 =	sld [smem:$0x3FAF]  }
0x3d: {  	_ =	shalt  }
0x3e: {  	_ =	shalt  }
0x3f: {  	_ =	shalt  }
0x40: {  	_ =	shalt  }
0x41: {  	_ =	shalt  }
0x42: {  	_ =	shalt  }
0x43: {  	_ =	shalt  }
0x44: {  	_ =	shalt  }
0x45: {  	_ =	shalt  }
0x46: {  	_ =	shalt  }
0x47: {  	_ =	shalt  }
0x48: {  	_ =	shalt  }
0x49: {  	_ =	shalt  }
0x4a: {  	_ =	shalt  }
0x4b: {  	_ =	shalt  }
0x4c: {  	_ =	shalt  }
0x4d: {  	_ =	shalt  }
0x4e: {  	_ =	shalt  }
0x4f: {  	_ =	shalt  }
0x50: {  	_ =	shalt  }
0x51: {  	_ =	shalt  }
0x52: {  	_ =	shalt  }
0x53: {  	_ =	shalt  }
0x54: {  	_ =	shalt  }
0x55: {  	_ =	shalt  }
0x56: {  	_ =	shalt  }
0x57: {  	_ =	shalt  }
0x58: {  	_ =	shalt  }
0x59: {  	_ =	shalt  }
0x5a: {  	_ =	shalt  }
0x5b: {  	_ =	shalt  }
0x5c: {  	_ =	shalt  }
0x5d: {  	_ =	shalt  }
0x5e: {  	_ =	shalt  }
0x5f: {  	_ =	shalt  }
0x60: {  	_ =	shalt  }
0x61: {  	_ =	shalt  }
0x62: {  	_ =	shalt  }
0x63: {  	_ =	shalt  }
0x64: {  	_ =	shalt  }
0x65: {  	_ =	shalt  }
0x66: {  	_ =	shalt  }
0x67: {  	_ =	shalt  }
0x68: {  	_ =	shalt  }
0x69: {  	_ =	shalt  }
0x6a: {  	_ =	shalt  }
0x6b: {  	_ =	shalt  }
0x6c: {  	_ =	shalt  }
0x6d: {  	_ =	shalt  }
0x6e: {  	_ =	shalt  }
0x6f: {  	_ =	shalt  }
0x70: {  	_ =	shalt  }
0x71: {  	_ =	shalt  }
0x72: {  	_ =	shalt  }
0x73: {  	_ =	shalt  }
0x74: {  	_ =	shalt  }
0x75: {  	_ =	shalt  }
0x76: {  	_ =	shalt  }
0x77: {  	_ =	shalt  }
0x78: {  	_ =	shalt  }
0x79: {  	_ =	shalt  }
0x7a: {  	_ =	shalt  }
0x7b: {  	_ =	shalt  }
0x7c: {  	_ =	shalt  }
0x7d: {  	_ =	shalt  }
0x7e: {  	_ =	shalt  }
0x7f: {  	_ =	shalt  }
0x80: {  	_ =	shalt  }
0x81: {  	_ =	shalt  }
0x82: {  	_ =	shalt  }
0x83: {  	_ =	shalt  }
0x84: {  	_ =	shalt  }
0x85: {  	_ =	shalt  }
0x86: {  	_ =	shalt  }
0x87: {  	_ =	shalt  }
.Lfunc_end0:
.L_simem_size_0:
called_computation.2_lowered:
.L_overlay_start_0:
0x88: {  	s2 =	sld [smem:$0x3FD9]  }
0x89: {  	s3 =	sld [smem:$0x3FFE];
	_ =	sdelay $0x1  }
0x8a: {  	s1 =	srdreg.scid  }
0x8b: {  	s0 =	sand.u32 $0x1, s1  }
0x8c: {  	s16 =	sshll.u32 s0, $0xA;
	s2 =	sadd.s32 s3, s2  }
0x8d: {  	s2 =	sadd.s32 s2, s16  }
0x8e: {  	[smem:$0x3FBB] =	sst s2  }
0x8f: {  	_ = 	snop  }
0x90: {  	(tm) =	ssettm $0x1  }
0x91: {  	s17 =	sld [smem:$0x3FFB];
	_ =	sdelay $0x3  }
0x92: {  	_ =	strace s17  }
0x93: {  	s2 =	sld [smem:$0x3FFC];
	_ =	sdelay $0x3  }
0x94: {  	_ =	strace s2  }
0x95: {  	s2 =	sld [smem:$0x3FFD];
	_ =	sdelay $0x3  }
0x96: {  	_ =	strace s2  }
0x97: {  	_ =	strace $0x8FFFFFFF  }
0x98: {  	s18 =	sld [smem:$0x3FDB];
	_ =	sdelay $0x1  }
0x99: {  	s19 =	simm.s32 $_scs_section_size  }
0x9a: {  	s4 =	simm.s32 $_size__tile_overlayer_lowered;
	s5 =	simm.s32 $_tile_overlayer_lowered  }
0x9b: {  	s22 =	simm.s32 $0x1BFF;
	s21 =	sshll.u32 s5, $0x1;
	s2 =	sadd.s32 s19, s18  }
0x9c: {  	s6 =	simm.s32 $0x0;
	s20 =	sshll.u32 s4, $0x1;
	s4 =	sadd.s32 s21, s2  }
0x9d: {  	[timem:s6], [sflag:s22] =	dma.local [hbm:s4], s20  }
0x9e: {  	_ =	swait.ge [sflag:s22], s20  }
0x9f: {  	s3 =	ssub.s32 $0x0, s20;
	[sflag:s22] =	ssyncset.done $0x0  }
0xa0: {  	[sflag:s22] =	ssyncadd.s32 s3;
	_ =	sdelay $0x1  }
0xa1: {  	s23 =	simm.s32 $0x1B8B  }
0xa2: {  	_ =	swait.ge [sflag:s23], $0x1  }
0xa3: {  	[sflag:s23] =	ssyncset.done $0x0  }
0xa4: {  	s25 =	simm.s32 $0x1B8E;
	s24 =	sld [smem:$0x3FFE];
	[sflag:s23] =	ssyncadd.s32 $0xFFFFFFFF  }
0xa5: {  	s26 =	simm.s32 $execute0_lowered;
	[smem:$0x3FD2] =	sst s25  }
0xa6: {  	s4 =	sshll.u32 s26, $0x1;
	_ =	strace $0x8000004C;
	[dreg:$0x1] =	wrdreg $0xFFFFFFFF  }
0xa7: {  	s28 =	simm.s32 $_size_execute0_lowered;
	s2 =	sadd.s32 s2, s4;
	[dreg:$0x0] =	wrdreg $0x0  }
0xa8: {  	s4 =	sshll.u32 s28, $0x1;
	[dreg:$0x2] =	wrdreg s2  }
0xa9: {  	[dreg:$0x3] =	wrdreg s4  }
0xaa: {  	[dreg:$0x4] =	wrdreg $0xC0  }
0xab: {  	_ =	task [dreg:s6], $0x5FFFF  }
0xac: {  	[dreg:$0x1] =	wrdreg $0xFFFFFFFF  }
0xad: {  	[dreg:$0x0] =	wrdreg $0x60  }
0xae: {  	[dreg:$0x2] =	wrdreg s24  }
0xaf: {  	[dreg:$0x3] =	wrdreg $0xA0000  }
0xb0: {  	[dreg:$0x4] =	wrdreg $0x9  }
0xb1: {  	_ =	task.clear_ibuf [dreg:s6], $0x5FFFF;
	_ =	strace $0x9000004C  }
0xb2: {  	s29 =	simm.s32 $0x9;
	_ =	strace $0x8000004E  }
0xb3: {  	_ =	swait.ge [sflag:s29], $0x1  }
0xb4: {  	[sflag:s29] =	ssyncadd.s32 $0xFFFFFFFF  }
0xb5: {  	_ =	strace $0x9000004E  }
0xb6: {  	_ =	sfence  }
0xb7: {  	s30 =	sld [smem:$0x0];
	_ =	sdelay $0x2  }
0xb8: {  	s31 =	sshll.u32 s1, $0xD;
	s1 =	sshrl.u32 s1, $0x2  }
0xb9: {  	s3 =	sand.u32 $0x4000, s31;
	s1 =	sadd.s32 s1, s30  }
0xba: {  	s0 =	sor.u32 s3, s0;
	s1 =	sshll.u32 s1, $0x11  }
0xbb: {  	s0 =	sor.u32 s1, s0  }
0xbc: {  	s0 =	sadd.s32 $0x8F2B, s0  }
0xbd: {  	[sflag:s0] =	ssyncadd.remote.s32 $0x1  }
0xbe: {  	_ =	sfence.sel $0xFFFF  }
0xbf: {  	[dreg:$0x0] =	wrdreg $0xFFFFFFFF;
	(pc) =	sbr.abs _section_cstart, $3  }
0xc0: {  	[dreg:$0x1] =	wrdreg $0xFFFFFFFF  }
0xc1: {  	_ =	task.clear_ibuf [dreg:s6], $0x2FFFF;
	_ =	strace $0x9FFFFFFF  }
0xc2: {  	(tm) =	ssettm $0x7FFFFFFF  }
0xc3: {  	_ =	shalt  }
tec
execute0_lowered:
.L_overlay_start_1:
0x0: {  	(tag) =	ssettag $0x1  }
0x1: {  	s0 =	srdreg.scid;
	s1 =	rddreg [dreg:$0x0]  }
0x2: {  	s11 =	stileid.u32;
	s2 =	rddreg [dreg:$0x1];
	s3 =	simm.s32 $0x0  }
0x3: {  	s15 =	simm.s32 $0xD;
	s28 =	simm.s32 $0x17E80;
	s29 =	simm.s32 $0x1CCA0  }
0x4: {  	s31 =	simm.s32 $0x19DC0;
	s17 =	simm.s32 $0x9;
	s5 =	smul.u32 $0xA00, s11  }
0x5: {  	s30 =	simm.s32 $0x3;
	s12 =	simm.s32 $0x7;
	s7 =	smul.u32 $0xA000, s11  }
0x6: {  	s13 =	simm.s32 $0x8;
	s16 =	simm.s32 $0x0;
	s19 =	smul.u32 $0x4E200, s11  }
0x7: {  	s0 =	sand.u32 $0x1, s0;
	[smem:$0x7FF] =	sst s3;
	s20 =	smul.u32 $0x9C40, s11  }
0x8: {  	s9 =	sadd.s32 $0x71600, s1;
	s26 =	sshll.u32 s11, $0x6;
	s4 =	smul.u32 $0x13880, s0  }
0x9: {  	s6 =	smul.u32 $0xA0000, s0;
	_ =	strace $0x8000004D;
	s0 =	ssub.s32 $0x2, s0  }
0xa: {  	[dreg:$0x3] =	wrdreg s9;
	s5 =	sadd.s32 s5, s1;
	s18 =	sshrl.u32 s0, $0x1  }
0xb: {  	s21 =	sshrl.u32 s19, $0x3;
	s8 =	sadd.s32 s4, s1;
	s4 =	sadd.s32 $0xFAE00, s1  }
0xc: {  	s6 =	sadd.s32 s7, s6;
	s0 =	ssub.s32 s0, s18;
	s10 =	sadd.s32 $0x7BA00, s5  }
0xd: {  	s5 =	sadd.s32 $0x17600, s5;
	s7 =	sadd.s32 s7, s2;
	s18 =	sor.u32 $0x1C0D, s26  }
0xe: {  	s26 =	simm.s32 $0xA;
	s6 =	sshrl.u32 s6, $0x3;
	[dreg:$0x4] =	wrdreg s10  }
0xf: {  	[dreg:$0x5] =	wrdreg s5;
	s9 =	sadd.s32 $0xD3C00, s8;
	s22 =	sadd.s32 s4, s21  }
0x10: {  	s5 =	sadd.s32 s4, s20;
	s0 =	smax.u32 s0, $0x1;
	s19 =	sshrl.u32 s7, $0x3  }
0x11: {  	s20 =	simm.s32 $0x7D;
	s21 =	simm.s32 $0x14000;
	[dreg:$0xc] =	wrdreg s18  }
0x12: {  	s7 =	simm.s32 $0x4;
	s8 =	simm.s32 $0xC;
	[dreg:$0x6] =	wrdreg s5  }
0x13: {  	s10 =	simm.s32 $0x5;
	s1 =	sadd.s32 s6, s1;
	[dreg:$0xb] =	wrdreg s0  }
0x14: {  	s6 =	smul.u32 $0xA0, s11;
	s23 =	sadd.s32 $0xFA, s22;
	[dreg:$0xd] =	wrdreg s19  }
.Ltmp0:
0x15: {  	s24 =	sadd.s32 $0x1F4, s22;
	[dreg:$0x7] =	wrdreg s23;
	(pc) =	sbr.rel .LBB2_1-.Ltmp0, $4  }
0x16: {  	s25 =	sadd.s32 $0x2EE, s22;
	s0 =	simm.s32 $0x1;
	[dreg:$0x8] =	wrdreg s24  }
0x17: {  	s5 =	simm.s32 $0xB;
	s11 =	simm.s32 $0x6;
	[dreg:$0x9] =	wrdreg s25  }
0x18: {  	s1 =	sadd.s32 $0x197200, s1;
	s24 =	simm.s32 $0x15F40;
	s25 =	simm.s32 $0x1C4D0  }
0x19: {  	s23 =	simm.s32 $0x2;
	[dreg:$0xa] =	wrdreg s1;
	s1 =	simm.s32 $0x1D470  }
.LBB2_12:
0x1a: {  	_ =	swait.ge [sflag:s11], $0x1F40  }
0x1b: {  	[sflag:s11] =	ssyncset.done $0x0  }
0x1c: {  	[sflag:s11] =	ssyncadd.s32 $0xFFFFE0C0  }
0x1d: {  	_ =	swait.ge [sflag:s12], $0x1F40  }
0x1e: {  	[sflag:s12] =	ssyncset.done $0x0  }
0x1f: {  	[sflag:s12] =	ssyncadd.s32 $0xFFFFE0C0  }
0x20: {  	_ =	swait.ge [sflag:s13], $0x1F40  }
0x21: {  	[sflag:s13] =	ssyncset.done $0x0  }
0x22: {  	[sflag:s13] =	ssyncadd.s32 $0xFFFFE0C0  }
0x23: {  	[bflag:$0x0] =	sbarrier.arrive $0xFFFF  }
0x24: {  	s14 =	rddreg [dreg:$0xa]  }
0x25: {  	s18 =	rddreg [dreg:$0xc]  }
0x26: {  	s15 =	simm.s32 $0xD;
	s19 =	rddreg [dreg:$0xd]  }
0x27: {  	[hbm:s14], [sflag:s18] =	dma.local [spmem:s19], $0x1400  }
0x28: {  	_ =	swait.ge [sflag:s15], $0x1400  }
0x29: {  	s16 =	rddreg [dreg:$0xe]  }
0x2a: {  	s22 =	rddreg [dreg:$0xb];
	s16 =	sadd.s32 $0x1, s16  }
0x2b: {  	p0 =	sne.s32 s16, s22  }
.Ltmp1:
0x2c: {  	_ = 	snop;
	(pc) =	sbr.rel @!p0 .LBB2_13-.Ltmp1, $3  }
0x2d: {  	_ =	sdelay $0x1  }
0x2e: {  	[sflag:s15] =	ssyncset.done $0x0  }
0x2f: {  	[sflag:s15] =	ssyncadd.s32 $0xFFFFEC00  }
.LBB2_1:
0x30: {  	[dreg:$0xe] =	wrdreg s16  }
0x31: {  	s14 =	rddreg [dreg:$0x4]  }
0x32: {  	[tilespmem:s3], [sflag:$0xD] =	stream.linear.gather [hbm4b:s14+s3], $0x5000, $0x38;
	[tilespmem:$0x1DC40] =	vst v63  }
0x33: {  	_ =	swait.ge [sflag:s15], $0x5000  }
0x34: {  	[sflag:s15] =	ssyncset.done $0x0  }
0x35: {  	s22 =	simm.s32 $0x5000;
	s16 =	rddreg [dreg:$0x5];
	[sflag:s15] =	ssyncadd.s32 $0xFFFFB000  }
0x36: {  	[tilespmem:s22], [sflag:$0xD] =	stream.linear.gather [hbm4b:s16+s3], $0x5000, $0x38;
	[tilespmem:$0x1DC40] =	vst v63  }
0x37: {  	_ =	swait.ge [sflag:s15], $0x5000  }
0x38: {  	[sflag:s15] =	ssyncset.done $0x0  }
0x39: {  	s16 =	rddreg [dreg:$0x3];
	[sflag:s15] =	ssyncadd.s32 $0xFFFFB000  }
0x3a: {  	[spmem:s19], [sflag:s18] =	dma.local [hbm:s16], $0x1400  }
0x3b: {  	_ =	swait.ge [sflag:s15], $0x1400  }
0x3c: {  	[sflag:s15] =	ssyncset.done $0x0  }
0x3d: {  	[sflag:s15] =	ssyncadd.s32 $0xFFFFEC00  }
0x3e: {  	[bflag:$0x0] =	sbarrier.arrive $0xFFFF  }
0x3f: {  	[tilespmem:s21], [sflag:$0x1] =	stream.indirect.gather [hbm4b:s9+s20], $0x40, s3, s20, $0xb8;
	[tilespmem:$0x1DC40] =	vst v63  }
0x40: {  	s19 =	simm.s32 $0x1BD00;
	s18 =	rddreg [dreg:$0x6]  }
0x41: {  	[tilespmem:s19], [sflag:$0x9] =	stream.linear.gather [hbm4b:s18+s3], $0x7D0, $0x38;
	[tilespmem:$0x1DC40] =	vst v63  }
0x42: {  	s22 =	simm.s32 $0x80  }
0x43: {  	[tilespmem:s24], [sflag:$0x2] =	stream.indirect.gather [hbm4b:s9+s20], $0x40, s22, s20, $0xb8;
	[tilespmem:$0x1DC40] =	vst v63  }
0x44: {  	s15 =	rddreg [dreg:$0x7]  }
0x45: {  	[tilespmem:s25], [sflag:$0xA] =	stream.linear.gather [hbm4b:s15+s3], $0x7D0, $0x38;
	[tilespmem:$0x1DC40] =	vst v63  }
0x46: {  	s16 =	simm.s32 $0x100  }
0x47: {  	[tilespmem:s28], [sflag:$0x3] =	stream.indirect.gather [hbm4b:s9+s20], $0x40, s16, s20, $0xb8;
	[tilespmem:$0x1DC40] =	vst v63  }
0x48: {  	s18 =	rddreg [dreg:$0x8]  }
0x49: {  	[tilespmem:s29], [sflag:$0xB] =	stream.linear.gather [hbm4b:s18+s3], $0x7D0, $0x38;
	[tilespmem:$0x1DC40] =	vst v63  }
0x4a: {  	s19 =	simm.s32 $0x180  }
0x4b: {  	[tilespmem:s31], [sflag:$0x4] =	stream.indirect.gather [hbm4b:s9+s20], $0x40, s19, s20, $0xb8;
	[tilespmem:$0x1DC40] =	vst v63  }
0x4c: {  	s22 =	rddreg [dreg:$0x9];
	s15 =	simm.s32 $0x0  }
0x4d: {  	[tilespmem:s1], [sflag:$0xC] =	stream.linear.gather [hbm4b:s22+s3], $0x7D0, $0x38;
	[tilespmem:$0x1DC40] =	vst v63  }
.LBB2_2:
0x4e: {  	_ =	swait.ge [sflag:s0], $0x1F40  }
0x4f: {  	[sflag:s0] =	ssyncset.done $0x0  }
0x50: {  	[sflag:s0] =	ssyncadd.s32 $0xFFFFE0C0  }
0x51: {  	_ =	swait.ge [sflag:s17], $0x7D0  }
0x52: {  	[sflag:s17] =	ssyncset.done $0x0  }
0x53: {  	s19 =	simm.s32 $0x14020;
	[sflag:s17] =	ssyncadd.s32 $0xFFFFF830  }
0x54: {  	v0 =	vld [tilespmem:s19+$0xFFFFFFF0]  }
0x55: {  	v2 =	vld [tilespmem:s19+$0x10]  }
0x56: {  	s14 =	simm.s32 $0x0;
	v1 =	vld [tilespmem:s19+$0xFFFFFFE0]  }
0x57: {  	v4 =	vld [tilespmem:s14+$0x1BD00]  }
0x58: {  	v5 =	vld [tilespmem:s19+$0x0];
	_ =	sdelay $0x3  }
0x59: {  	v1 =	vmul.f32 v1, v4;
	v3 =	vmul.f32 v2, v4  }
0x5a: {  	s18 =	simm.s32 $0x40;
	s16 =	simm.s32 $0x14020;
	v2 =	vmul.f32 v0, v4;
	v0 =	vmul.f32 v5, v4  }
.LBB2_3:
0x5b: {  	p0 =	sne.s32 s18, $0x1F00  }
0x5c: {  	[tilespmem:s19+$0x10] =	vst v3;
	s16 =	sadd.s32 $0x40, s16;
	s14 =	smov.u32 s18;
	s18 =	sadd.s32 $0x40, s18  }
0x5d: {  	v4 =	vld [tilespmem:s16+$0xFFFFFFF0];
	[tilespmem:s19+$0xFFFFFFE0] =	vst v1  }
0x5e: {  	v3 =	vld [tilespmem:s16+$0x10];
	[tilespmem:s19+$0xFFFFFFF0] =	vst v2  }
0x5f: {  	s14 =	sshra.s32 s14, $0x2;
	v1 =	vld [tilespmem:s16+$0xFFFFFFE0];
	[tilespmem:s19+$0x0] =	vst v0;
	s19 =	smov.u32 s16  }
0x60: {  	v0 =	vld [tilespmem:s14+$0x1BD00]  }
0x61: {  	v5 =	vld [tilespmem:s16+$0x0]  }
.Ltmp2:
0x62: {  	(pc) =	sbr.rel @p0 .LBB2_3-.Ltmp2, $3  }
0x63: {  	_ =	sdelay $0x1  }
0x64: {  	v1 =	vmul.f32 v1, v0;
	v3 =	vmul.f32 v3, v0  }
0x65: {  	v2 =	vmul.f32 v4, v0;
	v0 =	vmul.f32 v5, v0  }
0x66: {  	[tilespmem:s19+$0x10] =	vst v3  }
0x67: {  	[tilespmem:s19+$0xFFFFFFE0] =	vst v1;
	s14 =	sshll.u32 s15, $0xB  }
0x68: {  	[tilespmem:s19+$0xFFFFFFF0] =	vst v2;
	s18 =	sshrl.u32 s14, $0x2  }
0x69: {  	[tilespmem:s19+$0x0] =	vst v0;
	s14 =	sadd.s32 $0x5000, s18  }
0x6a: {  	[spmem:s2] =	stream.indirect.scatter.add.f32 [tilespmem:s21], [sflag:$0x5], $0x40, s14, s20, $0xb8;
	[tilespmem:$0x1DC40] =	vst v63  }
0x6b: {  	_ =	swait.ge [sflag:s23], $0x1F40  }
0x6c: {  	[sflag:s23] =	ssyncset.done $0x0  }
0x6d: {  	[sflag:s23] =	ssyncadd.s32 $0xFFFFE0C0  }
0x6e: {  	_ =	swait.ge [sflag:s26], $0x7D0  }
0x6f: {  	[sflag:s26] =	ssyncset.done $0x0  }
0x70: {  	s19 =	simm.s32 $0x15F60;
	[sflag:s26] =	ssyncadd.s32 $0xFFFFF830  }
0x71: {  	v0 =	vld [tilespmem:s19+$0xFFFFFFF0]  }
0x72: {  	v2 =	vld [tilespmem:s19+$0x10]  }
0x73: {  	s22 =	simm.s32 $0x0;
	v1 =	vld [tilespmem:s19+$0xFFFFFFE0]  }
0x74: {  	v4 =	vld [tilespmem:s22+$0x1C4D0]  }
0x75: {  	v5 =	vld [tilespmem:s19+$0x0];
	_ =	sdelay $0x3  }
0x76: {  	v1 =	vmul.f32 v1, v4;
	v3 =	vmul.f32 v2, v4  }
0x77: {  	s16 =	simm.s32 $0x40;
	s14 =	simm.s32 $0x15F60;
	v2 =	vmul.f32 v0, v4;
	v0 =	vmul.f32 v5, v4  }
.LBB2_5:
0x78: {  	p0 =	sne.s32 s16, $0x1F00  }
0x79: {  	[tilespmem:s19+$0x10] =	vst v3;
	s14 =	sadd.s32 $0x40, s14;
	s22 =	smov.u32 s16;
	s16 =	sadd.s32 $0x40, s16  }
0x7a: {  	v4 =	vld [tilespmem:s14+$0xFFFFFFF0];
	[tilespmem:s19+$0xFFFFFFE0] =	vst v1  }
0x7b: {  	v3 =	vld [tilespmem:s14+$0x10];
	[tilespmem:s19+$0xFFFFFFF0] =	vst v2  }
0x7c: {  	s22 =	sshra.s32 s22, $0x2;
	v1 =	vld [tilespmem:s14+$0xFFFFFFE0];
	[tilespmem:s19+$0x0] =	vst v0;
	s19 =	smov.u32 s14  }
0x7d: {  	v0 =	vld [tilespmem:s22+$0x1C4D0]  }
0x7e: {  	v5 =	vld [tilespmem:s14+$0x0]  }
.Ltmp3:
0x7f: {  	(pc) =	sbr.rel @p0 .LBB2_5-.Ltmp3, $3  }
0x80: {  	_ =	sdelay $0x1  }
0x81: {  	v1 =	vmul.f32 v1, v0;
	v3 =	vmul.f32 v3, v0  }
0x82: {  	v2 =	vmul.f32 v4, v0;
	v0 =	vmul.f32 v5, v0  }
0x83: {  	[tilespmem:s19+$0x10] =	vst v3  }
0x84: {  	[tilespmem:s19+$0xFFFFFFE0] =	vst v1  }
0x85: {  	[tilespmem:s19+$0xFFFFFFF0] =	vst v2  }
0x86: {  	s14 =	sadd.s32 $0x5080, s18;
	[tilespmem:s19+$0x0] =	vst v0  }
0x87: {  	[spmem:s2] =	stream.indirect.scatter.add.f32 [tilespmem:s24], [sflag:$0x6], $0x40, s14, s20, $0xb8;
	[tilespmem:$0x1DC40] =	vst v63  }
0x88: {  	_ =	swait.ge [sflag:s30], $0x1F40  }
0x89: {  	[sflag:s30] =	ssyncset.done $0x0  }
0x8a: {  	[sflag:s30] =	ssyncadd.s32 $0xFFFFE0C0  }
0x8b: {  	_ =	swait.ge [sflag:s5], $0x7D0  }
0x8c: {  	[sflag:s5] =	ssyncset.done $0x0  }
0x8d: {  	s19 =	simm.s32 $0x17EA0;
	[sflag:s5] =	ssyncadd.s32 $0xFFFFF830  }
0x8e: {  	v0 =	vld [tilespmem:s19+$0xFFFFFFF0]  }
0x8f: {  	v2 =	vld [tilespmem:s19+$0x10]  }
0x90: {  	s22 =	simm.s32 $0x0;
	v1 =	vld [tilespmem:s19+$0xFFFFFFE0]  }
0x91: {  	v4 =	vld [tilespmem:s22+$0x1CCA0]  }
0x92: {  	v5 =	vld [tilespmem:s19+$0x0];
	_ =	sdelay $0x3  }
0x93: {  	v1 =	vmul.f32 v1, v4;
	v3 =	vmul.f32 v2, v4  }
0x94: {  	s16 =	simm.s32 $0x40;
	s14 =	simm.s32 $0x17EA0;
	v2 =	vmul.f32 v0, v4;
	v0 =	vmul.f32 v5, v4  }
.LBB2_7:
0x95: {  	p0 =	sne.s32 s16, $0x1F00  }
0x96: {  	[tilespmem:s19+$0x10] =	vst v3;
	s14 =	sadd.s32 $0x40, s14;
	s22 =	smov.u32 s16;
	s16 =	sadd.s32 $0x40, s16  }
0x97: {  	v4 =	vld [tilespmem:s14+$0xFFFFFFF0];
	[tilespmem:s19+$0xFFFFFFE0] =	vst v1  }
0x98: {  	v3 =	vld [tilespmem:s14+$0x10];
	[tilespmem:s19+$0xFFFFFFF0] =	vst v2  }
0x99: {  	s22 =	sshra.s32 s22, $0x2;
	v1 =	vld [tilespmem:s14+$0xFFFFFFE0];
	[tilespmem:s19+$0x0] =	vst v0;
	s19 =	smov.u32 s14  }
0x9a: {  	v0 =	vld [tilespmem:s22+$0x1CCA0]  }
0x9b: {  	v5 =	vld [tilespmem:s14+$0x0]  }
.Ltmp4:
0x9c: {  	(pc) =	sbr.rel @p0 .LBB2_7-.Ltmp4, $3  }
0x9d: {  	_ =	sdelay $0x1  }
0x9e: {  	v1 =	vmul.f32 v1, v0;
	v3 =	vmul.f32 v3, v0  }
0x9f: {  	v2 =	vmul.f32 v4, v0;
	v0 =	vmul.f32 v5, v0  }
0xa0: {  	[tilespmem:s19+$0x10] =	vst v3  }
0xa1: {  	[tilespmem:s19+$0xFFFFFFE0] =	vst v1  }
0xa2: {  	[tilespmem:s19+$0xFFFFFFF0] =	vst v2  }
0xa3: {  	s14 =	sadd.s32 $0x5100, s18;
	[tilespmem:s19+$0x0] =	vst v0  }
0xa4: {  	[spmem:s2] =	stream.indirect.scatter.add.f32 [tilespmem:s28], [sflag:$0x7], $0x40, s14, s20, $0xb8;
	[tilespmem:$0x1DC40] =	vst v63  }
0xa5: {  	_ =	swait.ge [sflag:s7], $0x1F40  }
0xa6: {  	[sflag:s7] =	ssyncset.done $0x0  }
0xa7: {  	[sflag:s7] =	ssyncadd.s32 $0xFFFFE0C0  }
0xa8: {  	_ =	swait.ge [sflag:s8], $0x7D0  }
0xa9: {  	[sflag:s8] =	ssyncset.done $0x0  }
0xaa: {  	s19 =	simm.s32 $0x19DE0;
	[sflag:s8] =	ssyncadd.s32 $0xFFFFF830  }
0xab: {  	v0 =	vld [tilespmem:s19+$0xFFFFFFF0]  }
0xac: {  	v2 =	vld [tilespmem:s19+$0x10]  }
0xad: {  	s22 =	simm.s32 $0x0;
	v1 =	vld [tilespmem:s19+$0xFFFFFFE0]  }
0xae: {  	v4 =	vld [tilespmem:s22+$0x1D470]  }
0xaf: {  	v5 =	vld [tilespmem:s19+$0x0];
	_ =	sdelay $0x3  }
0xb0: {  	v1 =	vmul.f32 v1, v4;
	v3 =	vmul.f32 v2, v4  }
0xb1: {  	s16 =	simm.s32 $0x40;
	s14 =	simm.s32 $0x19DE0;
	v2 =	vmul.f32 v0, v4;
	v0 =	vmul.f32 v5, v4  }
.LBB2_9:
0xb2: {  	p0 =	sne.s32 s16, $0x1F00  }
0xb3: {  	[tilespmem:s19+$0x10] =	vst v3;
	s14 =	sadd.s32 $0x40, s14;
	s22 =	smov.u32 s16;
	s16 =	sadd.s32 $0x40, s16  }
0xb4: {  	v4 =	vld [tilespmem:s14+$0xFFFFFFF0];
	[tilespmem:s19+$0xFFFFFFE0] =	vst v1  }
0xb5: {  	v3 =	vld [tilespmem:s14+$0x10];
	[tilespmem:s19+$0xFFFFFFF0] =	vst v2  }
0xb6: {  	s22 =	sshra.s32 s22, $0x2;
	v1 =	vld [tilespmem:s14+$0xFFFFFFE0];
	[tilespmem:s19+$0x0] =	vst v0;
	s19 =	smov.u32 s14  }
0xb7: {  	v0 =	vld [tilespmem:s22+$0x1D470]  }
0xb8: {  	v5 =	vld [tilespmem:s14+$0x0]  }
.Ltmp5:
0xb9: {  	(pc) =	sbr.rel @p0 .LBB2_9-.Ltmp5, $3  }
0xba: {  	_ =	sdelay $0x1  }
0xbb: {  	v1 =	vmul.f32 v1, v0;
	v3 =	vmul.f32 v3, v0  }
0xbc: {  	v2 =	vmul.f32 v4, v0;
	v0 =	vmul.f32 v5, v0  }
0xbd: {  	[tilespmem:s19+$0x10] =	vst v3  }
0xbe: {  	[tilespmem:s19+$0xFFFFFFE0] =	vst v1  }
0xbf: {  	p0 =	seq.s32 s15, $0x27;
	[tilespmem:s19+$0xFFFFFFF0] =	vst v2  }
.Ltmp6:
0xc0: {  	s14 =	sadd.s32 $0x5180, s18;
	[tilespmem:s19+$0x0] =	vst v0;
	(pc) =	sbr.rel @p0 .LBB2_12-.Ltmp6, $4  }
0xc1: {  	[spmem:s2] =	stream.indirect.scatter.add.f32 [tilespmem:s31], [sflag:$0x8], $0x40, s14, s20, $0xb8;
	[tilespmem:$0x1DC40] =	vst v63  }
0xc2: {  	_ =	swait.ge [sflag:s10], $0x1F40  }
0xc3: {  	[sflag:s10] =	ssyncset.done $0x0  }
0xc4: {  	[sflag:s10] =	ssyncadd.s32 $0xFFFFE0C0  }
0xc5: {  	s14 =	sshll.u32 s15, $0x2  }
0xc6: {  	s14 =	sadd.s32 s6, s14  }
0xc7: {  	s16 =	sadd.s32 $0x200, s18;
	s14 =	smul.u32 $0x7D0, s14  }
0xc8: {  	[tilespmem:s21], [sflag:$0x1] =	stream.indirect.gather [hbm4b:s9+s20], $0x40, s16, s20, $0xb8;
	[tilespmem:$0x1DC40] =	vst v63  }
0xc9: {  	s14 =	sshrl.u32 s14, $0x3  }
0xca: {  	s14 =	sadd.s32 s4, s14  }
0xcb: {  	s19 =	simm.s32 $0x1BD00;
	s22 =	sadd.s32 $0x3E8, s14  }
0xcc: {  	[tilespmem:s19], [sflag:$0x9] =	stream.linear.gather [hbm4b:s22+s3], $0x7D0, $0x38;
	[tilespmem:$0x1DC40] =	vst v63  }
0xcd: {  	_ =	swait.ge [sflag:s11], $0x1F40  }
0xce: {  	[sflag:s11] =	ssyncset.done $0x0  }
0xcf: {  	s22 =	sadd.s32 $0x280, s18;
	[sflag:s11] =	ssyncadd.s32 $0xFFFFE0C0  }
0xd0: {  	[tilespmem:s24], [sflag:$0x2] =	stream.indirect.gather [hbm4b:s9+s20], $0x40, s22, s20, $0xb8;
	[tilespmem:$0x1DC40] =	vst v63  }
0xd1: {  	s19 =	sadd.s32 $0x4E2, s14  }
0xd2: {  	[tilespmem:s25], [sflag:$0xA] =	stream.linear.gather [hbm4b:s19+s3], $0x7D0, $0x38;
	[tilespmem:$0x1DC40] =	vst v63  }
0xd3: {  	_ =	swait.ge [sflag:s12], $0x1F40  }
0xd4: {  	[sflag:s12] =	ssyncset.done $0x0  }
0xd5: {  	s22 =	sadd.s32 $0x300, s18;
	[sflag:s12] =	ssyncadd.s32 $0xFFFFE0C0  }
0xd6: {  	[tilespmem:s28], [sflag:$0x3] =	stream.indirect.gather [hbm4b:s9+s20], $0x40, s22, s20, $0xb8;
	[tilespmem:$0x1DC40] =	vst v63  }
0xd7: {  	s19 =	sadd.s32 $0x5DC, s14  }
0xd8: {  	[tilespmem:s29], [sflag:$0xB] =	stream.linear.gather [hbm4b:s19+s3], $0x7D0, $0x38;
	[tilespmem:$0x1DC40] =	vst v63  }
0xd9: {  	_ =	swait.ge [sflag:s13], $0x1F40  }
.Ltmp7:
0xda: {  	[sflag:s13] =	ssyncset.done $0x0;
	(pc) =	sbr.rel .LBB2_2-.Ltmp7, $4  }
0xdb: {  	s22 =	sadd.s32 $0x380, s18;
	[sflag:s13] =	ssyncadd.s32 $0xFFFFE0C0  }
0xdc: {  	[tilespmem:s31], [sflag:$0x4] =	stream.indirect.gather [hbm4b:s9+s20], $0x40, s22, s20, $0xb8;
	[tilespmem:$0x1DC40] =	vst v63  }
0xdd: {  	s15 =	sadd.s32 $0x1, s15;
	s14 =	sadd.s32 $0x6D6, s14  }
0xde: {  	[tilespmem:s1], [sflag:$0xC] =	stream.linear.gather [hbm4b:s14+s3], $0x7D0, $0x38;
	[tilespmem:$0x1DC40] =	vst v63  }
.LBB2_13:
0xdf: {  	_ =	sfence.sel $0x180000  }
0xe0: {  	[bflag:$0x0] =	sbarrier.arrive $0xFFFF  }
0xe1: {  	_ =	strace $0x9000004D  }
0xe2: {  	s0 =	stileid.u32;
	[bflag:$0x2] =	sbarrier.arrive $0xFFFF  }
0xe3: {  	p0 =	sne.s32 s0, $0x0;
	s0 =	rddreg [dreg:$0x2]  }
0xe4: {  	s0 =	sadd.s32 @!p0 $0x100000, s0  }
0xe5: {  	[sflag:s0] =	ssyncadd.tile.s32 @!p0 $0x1;
	_ =	shalt  }
.Lfunc_end2:
_tile_overlayer_lowered:
.L_overlay_start_2:
0xe6: {  	(tag) =	ssettag $0x2  }
0xe7: {  	s0 =	rddreg [dreg:$0x0];
	s2 =	stileid.u32  }
0xe8: {  	s1 =	rddreg [dreg:$0x1];
	p0 =	sne.s32 s2, $0x0  }
0xe9: {  	s3 =	rddreg [dreg:$0x2];
	[bflag:$0x3] =	sbarrier.arrive $0xFFFF;
	s2 =	simm.s32 @!p0 $0x1C0D  }
0xea: {  	[timem:s3], [sflag:s2] =	dma.local @!p0 [hbm:s0], s1  }
0xeb: {  	s0 =	simm.s32 @!p0 $0xD  }
0xec: {  	_ =	swait.ge @!p0 [sflag:s0], s1  }
0xed: {  	s1 =	ssub.s32 @!p0 $0x0, s1;
	[sflag:s0] =	ssyncset.done @!p0 $0x0  }
0xee: {  	[sflag:s0] =	ssyncadd.s32 @!p0 s1  }
0xef: {  	[bflag:$0x3] =	sbarrier.arrive $0xFFFF  }
0xf0: {  	_ =	shalt  }

// kernel: kernel.22.cloned.1.call-start
scs
__scs_entry_jumppad:
0x0: {  	(pc) =	sbr.rel $0x88, $3  }
0x1: {  	(tag) =	ssettag $0x0;
	lr =	simm.s32 $0x1  }
0x2: {  	[smem:$0x3F94] =	sst lr;
	_ =	strace $0xD0000000  }
0x3: {  	_ = 	snop  }
0x4: {  	_ = 	snop  }
0x5: {  	_ = 	snop  }
0x6: {  	_ = 	snop  }
0x7: {  	_ = 	snop  }
__scs_overlays_trampoline_lowered:
0x8: {  	[smem:$0x3FA3] =	sst s0  }
0x9: {  	[smem:$0x3FA4] =	sst s1  }
0xa: {  	[smem:$0x3FA5] =	sst s2  }
0xb: {  	[smem:$0x3FA6] =	sst s3  }
0xc: {  	[smem:$0x3FA7] =	sst s4  }
0xd: {  	[smem:$0x3FA8] =	sst s5  }
0xe: {  	[smem:$0x3FA9] =	sst s6  }
0xf: {  	[smem:$0x3FAA] =	sst s7  }
0x10: {  	[smem:$0x3FAB] =	sst s8  }
0x11: {  	[smem:$0x3FAC] =	sst s9;
	s0 =	simm.s32 @!p0 $0x0  }
0x12: {  	s1 =	sld [smem:$0x3F92];
	s0 =	simm.s32 @p0 $0x1  }
0x13: {  	[smem:$0x3FAD] =	sst s0;
	s0 =	simm.s32 @!p1 $0x0  }
0x14: {  	s2 =	sld [smem:$0x3F91];
	s0 =	simm.s32 @p1 $0x1  }
0x15: {  	[smem:$0x3FAE] =	sst s0;
	s0 =	simm.s32 @!p2 $0x0  }
0x16: {  	s3 =	sld [smem:$0x3FDB];
	s0 =	simm.s32 @p2 $0x1  }
0x17: {  	s4 =	simm.s32 $0x1BF5;
	[smem:$0x3FB0] =	sst s0  }
0x18: {  	s0 =	sld [smem:$0x3F93];
	_ =	swait.ge [sflag:s4], $0x0  }
0x19: {  	s7 =	sld [smem:$0x3F94]  }
0x1a: {  	s8 =	sadd.s32 $0xFFFFE003, lr  }
0x1b: {  	s9 =	sadd.s32 $0xFFFFFEF7, lr;
	s5 =	simm.s32 $0xFFFFFFFF;
	p2 =	slt.u32 s8, $0xFFFFF086  }
0x1c: {  	p1 =	slt.u32 s9, $0xF7A;
	s5 =	simm.s32 @!p2 $0x0  }
0x1d: {  	s5 =	simm.s32 @p1 $0x1;
	p0 =	seq.s32 s7, s2  }
0x1e: {  	s7 =	smul.u32 @!p0 $0xF7A, s2;
	p2 =	seq.s32 @!p0 s5, $0x0  }
0x1f: {  	s9 =	smul.u32 $0xF7A, s1;
	s8 =	simm.s32 @!p0 $0x1BF5;
	p2 =	por !p2, p0  }
0x20: {  	[sflag:s8] =	ssyncset.s32 @!p0 $0xFFFFF086;
	s6 =	sadd.s32 @!p0 s3, s7;
	s7 =	simm.s32 @!p0 $0x108  }
0x21: {  	s3 =	sadd.s32 s3, s9;
	s6 =	sadd.s32 @!p0 $0x88, s6;
	s7 =	simm.s32 @p2 $0x1082  }
0x22: {  	[simem:s7], [sflag:s8] =	dma.local @!p0 [hbm:s6], $0xF7A  }
0x23: {  	s9 =	sor.u32 $0xD0000000, s2;
	s6 =	simm.s32 $0x108;
	_ =	swait.ge @!p0 [sflag:s8], $0x0  }
0x24: {  	s3 =	sadd.s32 $0x88, s3;
	s6 =	simm.s32 @!p1 $0x1082;
	[sflag:s4] =	ssyncset.s32 $0xFFFFF086  }
0x25: {  	[simem:s6], [sflag:s4] =	dma.local [hbm:s3], $0xF7A  }
0x26: {  	[smem:$0x3F94] =	sst s1;
	(tag) =	ssettag s2;
	_ =	strace s9  }
0x27: {  	s1 =	sld [smem:$0x3FA4]  }
0x28: {  	s2 =	sld [smem:$0x3FA5]  }
0x29: {  	s4 =	sld [smem:$0x3FA7]  }
0x2a: {  	p0 =	seq.s32 s5, $0x0;
	s5 =	sld [smem:$0x3FA8]  }
0x2b: {  	s6 =	sld [smem:$0x3FA9]  }
0x2c: {  	s7 =	sld [smem:$0x3FAA]  }
0x2d: {  	s3 =	simm.s32 $0x108;
	s8 =	sld [smem:$0x3FAB]  }
0x2e: {  	s3 =	simm.s32 @!p0 $0x1082;
	s9 =	sld [smem:$0x3FAC]  }
0x2f: {  	lr =	sadd.s32 s0, s3;
	s0 =	sld [smem:$0x3FA3]  }
0x30: {  	s3 =	sld [smem:$0x3FA6]  }
0x31: {  	[smem:$0x3FAF] =	sst s10  }
0x32: {  	s10 =	sld [smem:$0x3FAD];
	_ =	sdelay $0x3  }
0x33: {  	p0 =	seq.s32 s10, $0x1;
	s10 =	sld [smem:$0x3FAF];
	_ =	sdelay $0x3  }
0x34: {  	[smem:$0x3FAF] =	sst s10  }
0x35: {  	s10 =	sld [smem:$0x3FAE];
	_ =	sdelay $0x3  }
0x36: {  	p1 =	seq.s32 s10, $0x1;
	s10 =	sld [smem:$0x3FAF];
	_ =	sdelay $0x3  }
0x37: {  	[smem:$0x3FAF] =	sst s10  }
0x38: {  	s10 =	sld [smem:$0x3FB0]  }
0x39: {  	_ = 	snop;
	(pc) =	sbr.ind lr, $3  }
0x3a: {  	_ = 	snop  }
0x3b: {  	_ = 	snop  }
0x3c: {  	p2 =	seq.s32 s10, $0x1;
	s10 =	sld [smem:$0x3FAF]  }
0x3d: {  	_ =	shalt  }
0x3e: {  	_ =	shalt  }
0x3f: {  	_ =	shalt  }
0x40: {  	_ =	shalt  }
0x41: {  	_ =	shalt  }
0x42: {  	_ =	shalt  }
0x43: {  	_ =	shalt  }
0x44: {  	_ =	shalt  }
0x45: {  	_ =	shalt  }
0x46: {  	_ =	shalt  }
0x47: {  	_ =	shalt  }
0x48: {  	_ =	shalt  }
0x49: {  	_ =	shalt  }
0x4a: {  	_ =	shalt  }
0x4b: {  	_ =	shalt  }
0x4c: {  	_ =	shalt  }
0x4d: {  	_ =	shalt  }
0x4e: {  	_ =	shalt  }
0x4f: {  	_ =	shalt  }
0x50: {  	_ =	shalt  }
0x51: {  	_ =	shalt  }
0x52: {  	_ =	shalt  }
0x53: {  	_ =	shalt  }
0x54: {  	_ =	shalt  }
0x55: {  	_ =	shalt  }
0x56: {  	_ =	shalt  }
0x57: {  	_ =	shalt  }
0x58: {  	_ =	shalt  }
0x59: {  	_ =	shalt  }
0x5a: {  	_ =	shalt  }
0x5b: {  	_ =	shalt  }
0x5c: {  	_ =	shalt  }
0x5d: {  	_ =	shalt  }
0x5e: {  	_ =	shalt  }
0x5f: {  	_ =	shalt  }
0x60: {  	_ =	shalt  }
0x61: {  	_ =	shalt  }
0x62: {  	_ =	shalt  }
0x63: {  	_ =	shalt  }
0x64: {  	_ =	shalt  }
0x65: {  	_ =	shalt  }
0x66: {  	_ =	shalt  }
0x67: {  	_ =	shalt  }
0x68: {  	_ =	shalt  }
0x69: {  	_ =	shalt  }
0x6a: {  	_ =	shalt  }
0x6b: {  	_ =	shalt  }
0x6c: {  	_ =	shalt  }
0x6d: {  	_ =	shalt  }
0x6e: {  	_ =	shalt  }
0x6f: {  	_ =	shalt  }
0x70: {  	_ =	shalt  }
0x71: {  	_ =	shalt  }
0x72: {  	_ =	shalt  }
0x73: {  	_ =	shalt  }
0x74: {  	_ =	shalt  }
0x75: {  	_ =	shalt  }
0x76: {  	_ =	shalt  }
0x77: {  	_ =	shalt  }
0x78: {  	_ =	shalt  }
0x79: {  	_ =	shalt  }
0x7a: {  	_ =	shalt  }
0x7b: {  	_ =	shalt  }
0x7c: {  	_ =	shalt  }
0x7d: {  	_ =	shalt  }
0x7e: {  	_ =	shalt  }
0x7f: {  	_ =	shalt  }
0x80: {  	_ =	shalt  }
0x81: {  	_ =	shalt  }
0x82: {  	_ =	shalt  }
0x83: {  	_ =	shalt  }
0x84: {  	_ =	shalt  }
0x85: {  	_ =	shalt  }
0x86: {  	_ =	shalt  }
0x87: {  	_ =	shalt  }
.Lfunc_end0:
.L_simem_size_0:
called_computation.3_lowered:
.L_overlay_start_0:
0x88: {  	s2 =	sld [smem:$0x3FD9]  }
0x89: {  	s3 =	sld [smem:$0x3FFE];
	_ =	sdelay $0x1  }
0x8a: {  	s1 =	srdreg.scid  }
0x8b: {  	s0 =	sand.u32 $0x1, s1  }
0x8c: {  	s16 =	sshll.u32 s0, $0xA;
	s2 =	sadd.s32 s3, s2  }
0x8d: {  	s2 =	sadd.s32 s2, s16  }
0x8e: {  	[smem:$0x3FBB] =	sst s2  }
0x8f: {  	_ = 	snop  }
0x90: {  	(tm) =	ssettm $0x1  }
0x91: {  	s17 =	sld [smem:$0x3FFB];
	_ =	sdelay $0x3  }
0x92: {  	_ =	strace s17  }
0x93: {  	s2 =	sld [smem:$0x3FFC];
	_ =	sdelay $0x3  }
0x94: {  	_ =	strace s2  }
0x95: {  	s2 =	sld [smem:$0x3FFD];
	_ =	sdelay $0x3  }
0x96: {  	_ =	strace s2  }
0x97: {  	_ =	strace $0x8FFFFFFF  }
0x98: {  	s18 =	sld [smem:$0x3FDB];
	_ =	sdelay $0x1  }
0x99: {  	s19 =	simm.s32 $_scs_section_size  }
0x9a: {  	s4 =	simm.s32 $_size__tile_overlayer_lowered;
	s5 =	simm.s32 $_tile_overlayer_lowered  }
0x9b: {  	s22 =	simm.s32 $0x1BFF;
	s21 =	sshll.u32 s5, $0x1;
	s2 =	sadd.s32 s19, s18  }
0x9c: {  	s6 =	simm.s32 $0x0;
	s20 =	sshll.u32 s4, $0x1;
	s4 =	sadd.s32 s21, s2  }
0x9d: {  	[timem:s6], [sflag:s22] =	dma.local [hbm:s4], s20  }
0x9e: {  	_ =	swait.ge [sflag:s22], s20  }
0x9f: {  	s3 =	ssub.s32 $0x0, s20;
	[sflag:s22] =	ssyncset.done $0x0  }
0xa0: {  	[sflag:s22] =	ssyncadd.s32 s3;
	_ =	sdelay $0x1  }
0xa1: {  	s23 =	simm.s32 $0x1B8B  }
0xa2: {  	_ =	swait.ge [sflag:s23], $0x1  }
0xa3: {  	[sflag:s23] =	ssyncset.done $0x0  }
0xa4: {  	s25 =	simm.s32 $0x1B8E;
	s24 =	sld [smem:$0x3FFE];
	[sflag:s23] =	ssyncadd.s32 $0xFFFFFFFF  }
0xa5: {  	s26 =	simm.s32 $execute0_lowered;
	[smem:$0x3FD2] =	sst s25  }
0xa6: {  	s4 =	sshll.u32 s26, $0x1;
	_ =	strace $0x8000004F;
	[dreg:$0x1] =	wrdreg $0xFFFFFFFF  }
0xa7: {  	s28 =	simm.s32 $_size_execute0_lowered;
	s2 =	sadd.s32 s2, s4;
	[dreg:$0x0] =	wrdreg $0x0  }
0xa8: {  	s4 =	sshll.u32 s28, $0x1;
	[dreg:$0x2] =	wrdreg s2  }
0xa9: {  	[dreg:$0x3] =	wrdreg s4  }
0xaa: {  	[dreg:$0x4] =	wrdreg $0xC0  }
0xab: {  	_ =	task [dreg:s6], $0x5FFFF  }
0xac: {  	[dreg:$0x1] =	wrdreg $0xFFFFFFFF  }
0xad: {  	[dreg:$0x0] =	wrdreg $0x60  }
0xae: {  	[dreg:$0x2] =	wrdreg s24  }
0xaf: {  	[dreg:$0x3] =	wrdreg $0xA0000  }
0xb0: {  	[dreg:$0x4] =	wrdreg $0x9  }
0xb1: {  	_ =	task.clear_ibuf [dreg:s6], $0x5FFFF;
	_ =	strace $0x9000004F  }
0xb2: {  	s29 =	simm.s32 $0x9;
	_ =	strace $0x80000051  }
0xb3: {  	_ =	swait.ge [sflag:s29], $0x1  }
0xb4: {  	[sflag:s29] =	ssyncadd.s32 $0xFFFFFFFF  }
0xb5: {  	_ =	strace $0x90000051  }
0xb6: {  	_ =	sfence  }
0xb7: {  	s30 =	sld [smem:$0x0];
	_ =	sdelay $0x2  }
0xb8: {  	s31 =	sshll.u32 s1, $0xD;
	s1 =	sshrl.u32 s1, $0x2  }
0xb9: {  	s3 =	sand.u32 $0x4000, s31;
	s1 =	sadd.s32 s1, s30  }
0xba: {  	s0 =	sor.u32 s3, s0;
	s1 =	sshll.u32 s1, $0x11  }
0xbb: {  	s0 =	sor.u32 s1, s0  }
0xbc: {  	s0 =	sadd.s32 $0x8F2B, s0  }
0xbd: {  	[sflag:s0] =	ssyncadd.remote.s32 $0x1  }
0xbe: {  	_ =	sfence.sel $0xFFFF  }
0xbf: {  	[dreg:$0x0] =	wrdreg $0xFFFFFFFF;
	(pc) =	sbr.abs _section_cstart, $3  }
0xc0: {  	[dreg:$0x1] =	wrdreg $0xFFFFFFFF  }
0xc1: {  	_ =	task.clear_ibuf [dreg:s6], $0x2FFFF;
	_ =	strace $0x9FFFFFFF  }
0xc2: {  	(tm) =	ssettm $0x7FFFFFFF  }
0xc3: {  	_ =	shalt  }
tec
execute0_lowered:
.L_overlay_start_1:
0x0: {  	(tag) =	ssettag $0x1  }
0x1: {  	s0 =	srdreg.scid;
	s1 =	rddreg [dreg:$0x0]  }
0x2: {  	s11 =	stileid.u32;
	s2 =	rddreg [dreg:$0x1];
	s3 =	simm.s32 $0x0  }
0x3: {  	s15 =	simm.s32 $0xD;
	s28 =	simm.s32 $0x17E80;
	s29 =	simm.s32 $0x1CCA0  }
0x4: {  	s31 =	simm.s32 $0x19DC0;
	s17 =	simm.s32 $0x9;
	s5 =	smul.u32 $0xA00, s11  }
0x5: {  	s30 =	simm.s32 $0x3;
	s12 =	simm.s32 $0x7;
	s7 =	smul.u32 $0xA000, s11  }
0x6: {  	s13 =	simm.s32 $0x8;
	s16 =	simm.s32 $0x0;
	s19 =	smul.u32 $0x4E200, s11  }
0x7: {  	s0 =	sand.u32 $0x1, s0;
	[smem:$0x7FF] =	sst s3;
	s20 =	smul.u32 $0x9C40, s11  }
0x8: {  	s9 =	sadd.s32 $0x71600, s1;
	s26 =	sshll.u32 s11, $0x6;
	s4 =	smul.u32 $0x13880, s0  }
0x9: {  	s6 =	smul.u32 $0xA0000, s0;
	_ =	strace $0x80000050;
	s0 =	ssub.s32 $0x2, s0  }
0xa: {  	[dreg:$0x3] =	wrdreg s9;
	s5 =	sadd.s32 s5, s1;
	s18 =	sshrl.u32 s0, $0x1  }
0xb: {  	s21 =	sshrl.u32 s19, $0x3;
	s8 =	sadd.s32 s4, s1;
	s4 =	sadd.s32 $0xFAE00, s1  }
0xc: {  	s6 =	sadd.s32 s7, s6;
	s0 =	ssub.s32 s0, s18;
	s10 =	sadd.s32 $0x7BA00, s5  }
0xd: {  	s5 =	sadd.s32 $0x17600, s5;
	s7 =	sadd.s32 s7, s2;
	s18 =	sor.u32 $0x1C0D, s26  }
0xe: {  	s26 =	simm.s32 $0xA;
	s6 =	sshrl.u32 s6, $0x3;
	[dreg:$0x4] =	wrdreg s10  }
0xf: {  	[dreg:$0x5] =	wrdreg s5;
	s9 =	sadd.s32 $0xD3C00, s8;
	s22 =	sadd.s32 s4, s21  }
0x10: {  	s5 =	sadd.s32 s4, s20;
	s0 =	smax.u32 s0, $0x1;
	s19 =	sshrl.u32 s7, $0x3  }
0x11: {  	s20 =	simm.s32 $0x7D;
	s21 =	simm.s32 $0x14000;
	[dreg:$0xc] =	wrdreg s18  }
0x12: {  	s7 =	simm.s32 $0x4;
	s8 =	simm.s32 $0xC;
	[dreg:$0x6] =	wrdreg s5  }
0x13: {  	s10 =	simm.s32 $0x5;
	s1 =	sadd.s32 s6, s1;
	[dreg:$0xb] =	wrdreg s0  }
0x14: {  	s6 =	smul.u32 $0xA0, s11;
	s23 =	sadd.s32 $0xFA, s22;
	[dreg:$0xd] =	wrdreg s19  }
.Ltmp0:
0x15: {  	s24 =	sadd.s32 $0x1F4, s22;
	[dreg:$0x7] =	wrdreg s23;
	(pc) =	sbr.rel .LBB2_1-.Ltmp0, $4  }
0x16: {  	s25 =	sadd.s32 $0x2EE, s22;
	s0 =	simm.s32 $0x1;
	[dreg:$0x8] =	wrdreg s24  }
0x17: {  	s5 =	simm.s32 $0xB;
	s11 =	simm.s32 $0x6;
	[dreg:$0x9] =	wrdreg s25  }
0x18: {  	s1 =	sadd.s32 $0x197200, s1;
	s24 =	simm.s32 $0x15F40;
	s25 =	simm.s32 $0x1C4D0  }
0x19: {  	s23 =	simm.s32 $0x2;
	[dreg:$0xa] =	wrdreg s1;
	s1 =	simm.s32 $0x1D470  }
.LBB2_12:
0x1a: {  	_ =	swait.ge [sflag:s11], $0x1F40  }
0x1b: {  	[sflag:s11] =	ssyncset.done $0x0  }
0x1c: {  	[sflag:s11] =	ssyncadd.s32 $0xFFFFE0C0  }
0x1d: {  	_ =	swait.ge [sflag:s12], $0x1F40  }
0x1e: {  	[sflag:s12] =	ssyncset.done $0x0  }
0x1f: {  	[sflag:s12] =	ssyncadd.s32 $0xFFFFE0C0  }
0x20: {  	_ =	swait.ge [sflag:s13], $0x1F40  }
0x21: {  	[sflag:s13] =	ssyncset.done $0x0  }
0x22: {  	[sflag:s13] =	ssyncadd.s32 $0xFFFFE0C0  }
0x23: {  	[bflag:$0x0] =	sbarrier.arrive $0xFFFF  }
0x24: {  	s14 =	rddreg [dreg:$0xa]  }
0x25: {  	s18 =	rddreg [dreg:$0xc]  }
0x26: {  	s15 =	simm.s32 $0xD;
	s19 =	rddreg [dreg:$0xd]  }
0x27: {  	[hbm:s14], [sflag:s18] =	dma.local [spmem:s19], $0x1400  }
0x28: {  	_ =	swait.ge [sflag:s15], $0x1400  }
0x29: {  	s16 =	rddreg [dreg:$0xe]  }
0x2a: {  	s22 =	rddreg [dreg:$0xb];
	s16 =	sadd.s32 $0x1, s16  }
0x2b: {  	p0 =	sne.s32 s16, s22  }
.Ltmp1:
0x2c: {  	_ = 	snop;
	(pc) =	sbr.rel @!p0 .LBB2_13-.Ltmp1, $3  }
0x2d: {  	_ =	sdelay $0x1  }
0x2e: {  	[sflag:s15] =	ssyncset.done $0x0  }
0x2f: {  	[sflag:s15] =	ssyncadd.s32 $0xFFFFEC00  }
.LBB2_1:
0x30: {  	[dreg:$0xe] =	wrdreg s16  }
0x31: {  	s14 =	rddreg [dreg:$0x4]  }
0x32: {  	[tilespmem:s3], [sflag:$0xD] =	stream.linear.gather [hbm4b:s14+s3], $0x5000, $0x38;
	[tilespmem:$0x1DC40] =	vst v63  }
0x33: {  	_ =	swait.ge [sflag:s15], $0x5000  }
0x34: {  	[sflag:s15] =	ssyncset.done $0x0  }
0x35: {  	s22 =	simm.s32 $0x5000;
	s16 =	rddreg [dreg:$0x5];
	[sflag:s15] =	ssyncadd.s32 $0xFFFFB000  }
0x36: {  	[tilespmem:s22], [sflag:$0xD] =	stream.linear.gather [hbm4b:s16+s3], $0x5000, $0x38;
	[tilespmem:$0x1DC40] =	vst v63  }
0x37: {  	_ =	swait.ge [sflag:s15], $0x5000  }
0x38: {  	[sflag:s15] =	ssyncset.done $0x0  }
0x39: {  	s16 =	rddreg [dreg:$0x3];
	[sflag:s15] =	ssyncadd.s32 $0xFFFFB000  }
0x3a: {  	[spmem:s19], [sflag:s18] =	dma.local [hbm:s16], $0x1400  }
0x3b: {  	_ =	swait.ge [sflag:s15], $0x1400  }
0x3c: {  	[sflag:s15] =	ssyncset.done $0x0  }
0x3d: {  	[sflag:s15] =	ssyncadd.s32 $0xFFFFEC00  }
0x3e: {  	[bflag:$0x0] =	sbarrier.arrive $0xFFFF  }
0x3f: {  	[tilespmem:s21], [sflag:$0x1] =	stream.indirect.gather [hbm4b:s9+s20], $0x40, s3, s20, $0xb8;
	[tilespmem:$0x1DC40] =	vst v63  }
0x40: {  	s19 =	simm.s32 $0x1BD00;
	s18 =	rddreg [dreg:$0x6]  }
0x41: {  	[tilespmem:s19], [sflag:$0x9] =	stream.linear.gather [hbm4b:s18+s3], $0x7D0, $0x38;
	[tilespmem:$0x1DC40] =	vst v63  }
0x42: {  	s22 =	simm.s32 $0x80  }
0x43: {  	[tilespmem:s24], [sflag:$0x2] =	stream.indirect.gather [hbm4b:s9+s20], $0x40, s22, s20, $0xb8;
	[tilespmem:$0x1DC40] =	vst v63  }
0x44: {  	s15 =	rddreg [dreg:$0x7]  }
0x45: {  	[tilespmem:s25], [sflag:$0xA] =	stream.linear.gather [hbm4b:s15+s3], $0x7D0, $0x38;
	[tilespmem:$0x1DC40] =	vst v63  }
0x46: {  	s16 =	simm.s32 $0x100  }
0x47: {  	[tilespmem:s28], [sflag:$0x3] =	stream.indirect.gather [hbm4b:s9+s20], $0x40, s16, s20, $0xb8;
	[tilespmem:$0x1DC40] =	vst v63  }
0x48: {  	s18 =	rddreg [dreg:$0x8]  }
0x49: {  	[tilespmem:s29], [sflag:$0xB] =	stream.linear.gather [hbm4b:s18+s3], $0x7D0, $0x38;
	[tilespmem:$0x1DC40] =	vst v63  }
0x4a: {  	s19 =	simm.s32 $0x180  }
0x4b: {  	[tilespmem:s31], [sflag:$0x4] =	stream.indirect.gather [hbm4b:s9+s20], $0x40, s19, s20, $0xb8;
	[tilespmem:$0x1DC40] =	vst v63  }
0x4c: {  	s22 =	rddreg [dreg:$0x9];
	s15 =	simm.s32 $0x0  }
0x4d: {  	[tilespmem:s1], [sflag:$0xC] =	stream.linear.gather [hbm4b:s22+s3], $0x7D0, $0x38;
	[tilespmem:$0x1DC40] =	vst v63  }
.LBB2_2:
0x4e: {  	_ =	swait.ge [sflag:s0], $0x1F40  }
0x4f: {  	[sflag:s0] =	ssyncset.done $0x0  }
0x50: {  	[sflag:s0] =	ssyncadd.s32 $0xFFFFE0C0  }
0x51: {  	_ =	swait.ge [sflag:s17], $0x7D0  }
0x52: {  	[sflag:s17] =	ssyncset.done $0x0  }
0x53: {  	s19 =	simm.s32 $0x14020;
	[sflag:s17] =	ssyncadd.s32 $0xFFFFF830  }
0x54: {  	v0 =	vld [tilespmem:s19+$0xFFFFFFF0]  }
0x55: {  	v2 =	vld [tilespmem:s19+$0x10]  }
0x56: {  	s14 =	simm.s32 $0x0;
	v1 =	vld [tilespmem:s19+$0xFFFFFFE0]  }
0x57: {  	v4 =	vld [tilespmem:s14+$0x1BD00]  }
0x58: {  	v5 =	vld [tilespmem:s19+$0x0];
	_ =	sdelay $0x3  }
0x59: {  	v1 =	vmul.f32 v1, v4;
	v3 =	vmul.f32 v2, v4  }
0x5a: {  	s18 =	simm.s32 $0x40;
	s16 =	simm.s32 $0x14020;
	v2 =	vmul.f32 v0, v4;
	v0 =	vmul.f32 v5, v4  }
.LBB2_3:
0x5b: {  	p0 =	sne.s32 s18, $0x1F00  }
0x5c: {  	[tilespmem:s19+$0x10] =	vst v3;
	s16 =	sadd.s32 $0x40, s16;
	s14 =	smov.u32 s18;
	s18 =	sadd.s32 $0x40, s18  }
0x5d: {  	v4 =	vld [tilespmem:s16+$0xFFFFFFF0];
	[tilespmem:s19+$0xFFFFFFE0] =	vst v1  }
0x5e: {  	v3 =	vld [tilespmem:s16+$0x10];
	[tilespmem:s19+$0xFFFFFFF0] =	vst v2  }
0x5f: {  	s14 =	sshra.s32 s14, $0x2;
	v1 =	vld [tilespmem:s16+$0xFFFFFFE0];
	[tilespmem:s19+$0x0] =	vst v0;
	s19 =	smov.u32 s16  }
0x60: {  	v0 =	vld [tilespmem:s14+$0x1BD00]  }
0x61: {  	v5 =	vld [tilespmem:s16+$0x0]  }
.Ltmp2:
0x62: {  	(pc) =	sbr.rel @p0 .LBB2_3-.Ltmp2, $3  }
0x63: {  	_ =	sdelay $0x1  }
0x64: {  	v1 =	vmul.f32 v1, v0;
	v3 =	vmul.f32 v3, v0  }
0x65: {  	v2 =	vmul.f32 v4, v0;
	v0 =	vmul.f32 v5, v0  }
0x66: {  	[tilespmem:s19+$0x10] =	vst v3  }
0x67: {  	[tilespmem:s19+$0xFFFFFFE0] =	vst v1;
	s14 =	sshll.u32 s15, $0xB  }
0x68: {  	[tilespmem:s19+$0xFFFFFFF0] =	vst v2;
	s18 =	sshrl.u32 s14, $0x2  }
0x69: {  	[tilespmem:s19+$0x0] =	vst v0;
	s14 =	sadd.s32 $0x5000, s18  }
0x6a: {  	[spmem:s2] =	stream.indirect.scatter.add.f32 [tilespmem:s21], [sflag:$0x5], $0x40, s14, s20, $0xb8;
	[tilespmem:$0x1DC40] =	vst v63  }
0x6b: {  	_ =	swait.ge [sflag:s23], $0x1F40  }
0x6c: {  	[sflag:s23] =	ssyncset.done $0x0  }
0x6d: {  	[sflag:s23] =	ssyncadd.s32 $0xFFFFE0C0  }
0x6e: {  	_ =	swait.ge [sflag:s26], $0x7D0  }
0x6f: {  	[sflag:s26] =	ssyncset.done $0x0  }
0x70: {  	s19 =	simm.s32 $0x15F60;
	[sflag:s26] =	ssyncadd.s32 $0xFFFFF830  }
0x71: {  	v0 =	vld [tilespmem:s19+$0xFFFFFFF0]  }
0x72: {  	v2 =	vld [tilespmem:s19+$0x10]  }
0x73: {  	s22 =	simm.s32 $0x0;
	v1 =	vld [tilespmem:s19+$0xFFFFFFE0]  }
0x74: {  	v4 =	vld [tilespmem:s22+$0x1C4D0]  }
0x75: {  	v5 =	vld [tilespmem:s19+$0x0];
	_ =	sdelay $0x3  }
0x76: {  	v1 =	vmul.f32 v1, v4;
	v3 =	vmul.f32 v2, v4  }
0x77: {  	s16 =	simm.s32 $0x40;
	s14 =	simm.s32 $0x15F60;
	v2 =	vmul.f32 v0, v4;
	v0 =	vmul.f32 v5, v4  }
.LBB2_5:
0x78: {  	p0 =	sne.s32 s16, $0x1F00  }
0x79: {  	[tilespmem:s19+$0x10] =	vst v3;
	s14 =	sadd.s32 $0x40, s14;
	s22 =	smov.u32 s16;
	s16 =	sadd.s32 $0x40, s16  }
0x7a: {  	v4 =	vld [tilespmem:s14+$0xFFFFFFF0];
	[tilespmem:s19+$0xFFFFFFE0] =	vst v1  }
0x7b: {  	v3 =	vld [tilespmem:s14+$0x10];
	[tilespmem:s19+$0xFFFFFFF0] =	vst v2  }
0x7c: {  	s22 =	sshra.s32 s22, $0x2;
	v1 =	vld [tilespmem:s14+$0xFFFFFFE0];
	[tilespmem:s19+$0x0] =	vst v0;
	s19 =	smov.u32 s14  }
0x7d: {  	v0 =	vld [tilespmem:s22+$0x1C4D0]  }
0x7e: {  	v5 =	vld [tilespmem:s14+$0x0]  }
.Ltmp3:
0x7f: {  	(pc) =	sbr.rel @p0 .LBB2_5-.Ltmp3, $3  }
0x80: {  	_ =	sdelay $0x1  }
0x81: {  	v1 =	vmul.f32 v1, v0;
	v3 =	vmul.f32 v3, v0  }
0x82: {  	v2 =	vmul.f32 v4, v0;
	v0 =	vmul.f32 v5, v0  }
0x83: {  	[tilespmem:s19+$0x10] =	vst v3  }
0x84: {  	[tilespmem:s19+$0xFFFFFFE0] =	vst v1  }
0x85: {  	[tilespmem:s19+$0xFFFFFFF0] =	vst v2  }
0x86: {  	s14 =	sadd.s32 $0x5080, s18;
	[tilespmem:s19+$0x0] =	vst v0  }
0x87: {  	[spmem:s2] =	stream.indirect.scatter.add.f32 [tilespmem:s24], [sflag:$0x6], $0x40, s14, s20, $0xb8;
	[tilespmem:$0x1DC40] =	vst v63  }
0x88: {  	_ =	swait.ge [sflag:s30], $0x1F40  }
0x89: {  	[sflag:s30] =	ssyncset.done $0x0  }
0x8a: {  	[sflag:s30] =	ssyncadd.s32 $0xFFFFE0C0  }
0x8b: {  	_ =	swait.ge [sflag:s5], $0x7D0  }
0x8c: {  	[sflag:s5] =	ssyncset.done $0x0  }
0x8d: {  	s19 =	simm.s32 $0x17EA0;
	[sflag:s5] =	ssyncadd.s32 $0xFFFFF830  }
0x8e: {  	v0 =	vld [tilespmem:s19+$0xFFFFFFF0]  }
0x8f: {  	v2 =	vld [tilespmem:s19+$0x10]  }
0x90: {  	s22 =	simm.s32 $0x0;
	v1 =	vld [tilespmem:s19+$0xFFFFFFE0]  }
0x91: {  	v4 =	vld [tilespmem:s22+$0x1CCA0]  }
0x92: {  	v5 =	vld [tilespmem:s19+$0x0];
	_ =	sdelay $0x3  }
0x93: {  	v1 =	vmul.f32 v1, v4;
	v3 =	vmul.f32 v2, v4  }
0x94: {  	s16 =	simm.s32 $0x40;
	s14 =	simm.s32 $0x17EA0;
	v2 =	vmul.f32 v0, v4;
	v0 =	vmul.f32 v5, v4  }
.LBB2_7:
0x95: {  	p0 =	sne.s32 s16, $0x1F00  }
0x96: {  	[tilespmem:s19+$0x10] =	vst v3;
	s14 =	sadd.s32 $0x40, s14;
	s22 =	smov.u32 s16;
	s16 =	sadd.s32 $0x40, s16  }
0x97: {  	v4 =	vld [tilespmem:s14+$0xFFFFFFF0];
	[tilespmem:s19+$0xFFFFFFE0] =	vst v1  }
0x98: {  	v3 =	vld [tilespmem:s14+$0x10];
	[tilespmem:s19+$0xFFFFFFF0] =	vst v2  }
0x99: {  	s22 =	sshra.s32 s22, $0x2;
	v1 =	vld [tilespmem:s14+$0xFFFFFFE0];
	[tilespmem:s19+$0x0] =	vst v0;
	s19 =	smov.u32 s14  }
0x9a: {  	v0 =	vld [tilespmem:s22+$0x1CCA0]  }
0x9b: {  	v5 =	vld [tilespmem:s14+$0x0]  }
.Ltmp4:
0x9c: {  	(pc) =	sbr.rel @p0 .LBB2_7-.Ltmp4, $3  }
0x9d: {  	_ =	sdelay $0x1  }
0x9e: {  	v1 =	vmul.f32 v1, v0;
	v3 =	vmul.f32 v3, v0  }
0x9f: {  	v2 =	vmul.f32 v4, v0;
	v0 =	vmul.f32 v5, v0  }
0xa0: {  	[tilespmem:s19+$0x10] =	vst v3  }
0xa1: {  	[tilespmem:s19+$0xFFFFFFE0] =	vst v1  }
0xa2: {  	[tilespmem:s19+$0xFFFFFFF0] =	vst v2  }
0xa3: {  	s14 =	sadd.s32 $0x5100, s18;
	[tilespmem:s19+$0x0] =	vst v0  }
0xa4: {  	[spmem:s2] =	stream.indirect.scatter.add.f32 [tilespmem:s28], [sflag:$0x7], $0x40, s14, s20, $0xb8;
	[tilespmem:$0x1DC40] =	vst v63  }
0xa5: {  	_ =	swait.ge [sflag:s7], $0x1F40  }
0xa6: {  	[sflag:s7] =	ssyncset.done $0x0  }
0xa7: {  	[sflag:s7] =	ssyncadd.s32 $0xFFFFE0C0  }
0xa8: {  	_ =	swait.ge [sflag:s8], $0x7D0  }
0xa9: {  	[sflag:s8] =	ssyncset.done $0x0  }
0xaa: {  	s19 =	simm.s32 $0x19DE0;
	[sflag:s8] =	ssyncadd.s32 $0xFFFFF830  }
0xab: {  	v0 =	vld [tilespmem:s19+$0xFFFFFFF0]  }
0xac: {  	v2 =	vld [tilespmem:s19+$0x10]  }
0xad: {  	s22 =	simm.s32 $0x0;
	v1 =	vld [tilespmem:s19+$0xFFFFFFE0]  }
0xae: {  	v4 =	vld [tilespmem:s22+$0x1D470]  }
0xaf: {  	v5 =	vld [tilespmem:s19+$0x0];
	_ =	sdelay $0x3  }
0xb0: {  	v1 =	vmul.f32 v1, v4;
	v3 =	vmul.f32 v2, v4  }
0xb1: {  	s16 =	simm.s32 $0x40;
	s14 =	simm.s32 $0x19DE0;
	v2 =	vmul.f32 v0, v4;
	v0 =	vmul.f32 v5, v4  }
.LBB2_9:
0xb2: {  	p0 =	sne.s32 s16, $0x1F00  }
0xb3: {  	[tilespmem:s19+$0x10] =	vst v3;
	s14 =	sadd.s32 $0x40, s14;
	s22 =	smov.u32 s16;
	s16 =	sadd.s32 $0x40, s16  }
0xb4: {  	v4 =	vld [tilespmem:s14+$0xFFFFFFF0];
	[tilespmem:s19+$0xFFFFFFE0] =	vst v1  }
0xb5: {  	v3 =	vld [tilespmem:s14+$0x10];
	[tilespmem:s19+$0xFFFFFFF0] =	vst v2  }
0xb6: {  	s22 =	sshra.s32 s22, $0x2;
	v1 =	vld [tilespmem:s14+$0xFFFFFFE0];
	[tilespmem:s19+$0x0] =	vst v0;
	s19 =	smov.u32 s14  }
0xb7: {  	v0 =	vld [tilespmem:s22+$0x1D470]  }
0xb8: {  	v5 =	vld [tilespmem:s14+$0x0]  }
.Ltmp5:
0xb9: {  	(pc) =	sbr.rel @p0 .LBB2_9-.Ltmp5, $3  }
0xba: {  	_ =	sdelay $0x1  }
0xbb: {  	v1 =	vmul.f32 v1, v0;
	v3 =	vmul.f32 v3, v0  }
0xbc: {  	v2 =	vmul.f32 v4, v0;
	v0 =	vmul.f32 v5, v0  }
0xbd: {  	[tilespmem:s19+$0x10] =	vst v3  }
0xbe: {  	[tilespmem:s19+$0xFFFFFFE0] =	vst v1  }
0xbf: {  	p0 =	seq.s32 s15, $0x27;
	[tilespmem:s19+$0xFFFFFFF0] =	vst v2  }
.Ltmp6:
0xc0: {  	s14 =	sadd.s32 $0x5180, s18;
	[tilespmem:s19+$0x0] =	vst v0;
	(pc) =	sbr.rel @p0 .LBB2_12-.Ltmp6, $4  }
0xc1: {  	[spmem:s2] =	stream.indirect.scatter.add.f32 [tilespmem:s31], [sflag:$0x8], $0x40, s14, s20, $0xb8;
	[tilespmem:$0x1DC40] =	vst v63  }
0xc2: {  	_ =	swait.ge [sflag:s10], $0x1F40  }
0xc3: {  	[sflag:s10] =	ssyncset.done $0x0  }
0xc4: {  	[sflag:s10] =	ssyncadd.s32 $0xFFFFE0C0  }
0xc5: {  	s14 =	sshll.u32 s15, $0x2  }
0xc6: {  	s14 =	sadd.s32 s6, s14  }
0xc7: {  	s16 =	sadd.s32 $0x200, s18;
	s14 =	smul.u32 $0x7D0, s14  }
0xc8: {  	[tilespmem:s21], [sflag:$0x1] =	stream.indirect.gather [hbm4b:s9+s20], $0x40, s16, s20, $0xb8;
	[tilespmem:$0x1DC40] =	vst v63  }
0xc9: {  	s14 =	sshrl.u32 s14, $0x3  }
0xca: {  	s14 =	sadd.s32 s4, s14  }
0xcb: {  	s19 =	simm.s32 $0x1BD00;
	s22 =	sadd.s32 $0x3E8, s14  }
0xcc: {  	[tilespmem:s19], [sflag:$0x9] =	stream.linear.gather [hbm4b:s22+s3], $0x7D0, $0x38;
	[tilespmem:$0x1DC40] =	vst v63  }
0xcd: {  	_ =	swait.ge [sflag:s11], $0x1F40  }
0xce: {  	[sflag:s11] =	ssyncset.done $0x0  }
0xcf: {  	s22 =	sadd.s32 $0x280, s18;
	[sflag:s11] =	ssyncadd.s32 $0xFFFFE0C0  }
0xd0: {  	[tilespmem:s24], [sflag:$0x2] =	stream.indirect.gather [hbm4b:s9+s20], $0x40, s22, s20, $0xb8;
	[tilespmem:$0x1DC40] =	vst v63  }
0xd1: {  	s19 =	sadd.s32 $0x4E2, s14  }
0xd2: {  	[tilespmem:s25], [sflag:$0xA] =	stream.linear.gather [hbm4b:s19+s3], $0x7D0, $0x38;
	[tilespmem:$0x1DC40] =	vst v63  }
0xd3: {  	_ =	swait.ge [sflag:s12], $0x1F40  }
0xd4: {  	[sflag:s12] =	ssyncset.done $0x0  }
0xd5: {  	s22 =	sadd.s32 $0x300, s18;
	[sflag:s12] =	ssyncadd.s32 $0xFFFFE0C0  }
0xd6: {  	[tilespmem:s28], [sflag:$0x3] =	stream.indirect.gather [hbm4b:s9+s20], $0x40, s22, s20, $0xb8;
	[tilespmem:$0x1DC40] =	vst v63  }
0xd7: {  	s19 =	sadd.s32 $0x5DC, s14  }
0xd8: {  	[tilespmem:s29], [sflag:$0xB] =	stream.linear.gather [hbm4b:s19+s3], $0x7D0, $0x38;
	[tilespmem:$0x1DC40] =	vst v63  }
0xd9: {  	_ =	swait.ge [sflag:s13], $0x1F40  }
.Ltmp7:
0xda: {  	[sflag:s13] =	ssyncset.done $0x0;
	(pc) =	sbr.rel .LBB2_2-.Ltmp7, $4  }
0xdb: {  	s22 =	sadd.s32 $0x380, s18;
	[sflag:s13] =	ssyncadd.s32 $0xFFFFE0C0  }
0xdc: {  	[tilespmem:s31], [sflag:$0x4] =	stream.indirect.gather [hbm4b:s9+s20], $0x40, s22, s20, $0xb8;
	[tilespmem:$0x1DC40] =	vst v63  }
0xdd: {  	s15 =	sadd.s32 $0x1, s15;
	s14 =	sadd.s32 $0x6D6, s14  }
0xde: {  	[tilespmem:s1], [sflag:$0xC] =	stream.linear.gather [hbm4b:s14+s3], $0x7D0, $0x38;
	[tilespmem:$0x1DC40] =	vst v63  }
.LBB2_13:
0xdf: {  	_ =	sfence.sel $0x180000  }
0xe0: {  	[bflag:$0x0] =	sbarrier.arrive $0xFFFF  }
0xe1: {  	_ =	strace $0x90000050  }
0xe2: {  	s0 =	stileid.u32;
	[bflag:$0x2] =	sbarrier.arrive $0xFFFF  }
0xe3: {  	p0 =	sne.s32 s0, $0x0;
	s0 =	rddreg [dreg:$0x2]  }
0xe4: {  	s0 =	sadd.s32 @!p0 $0x100000, s0  }
0xe5: {  	[sflag:s0] =	ssyncadd.tile.s32 @!p0 $0x1;
	_ =	shalt  }
.Lfunc_end2:
_tile_overlayer_lowered:
.L_overlay_start_2:
0xe6: {  	(tag) =	ssettag $0x2  }
0xe7: {  	s0 =	rddreg [dreg:$0x0];
	s2 =	stileid.u32  }
0xe8: {  	s1 =	rddreg [dreg:$0x1];
	p0 =	sne.s32 s2, $0x0  }
0xe9: {  	s3 =	rddreg [dreg:$0x2];
	[bflag:$0x3] =	sbarrier.arrive $0xFFFF;
	s2 =	simm.s32 @!p0 $0x1C0D  }
0xea: {  	[timem:s3], [sflag:s2] =	dma.local @!p0 [hbm:s0], s1  }
0xeb: {  	s0 =	simm.s32 @!p0 $0xD  }
0xec: {  	_ =	swait.ge @!p0 [sflag:s0], s1  }
0xed: {  	s1 =	ssub.s32 @!p0 $0x0, s1;
	[sflag:s0] =	ssyncset.done @!p0 $0x0  }
0xee: {  	[sflag:s0] =	ssyncadd.s32 @!p0 s1  }
0xef: {  	[bflag:$0x3] =	sbarrier.arrive $0xFFFF  }
0xf0: {  	_ =	shalt  }

// kernel: kernel.25.cloned.1.call-start
scs
__scs_entry_jumppad:
0x0: {  	(pc) =	sbr.rel $0x88, $3  }
0x1: {  	(tag) =	ssettag $0x0;
	lr =	simm.s32 $0x1  }
0x2: {  	[smem:$0x3F94] =	sst lr;
	_ =	strace $0xD0000000  }
0x3: {  	_ = 	snop  }
0x4: {  	_ = 	snop  }
0x5: {  	_ = 	snop  }
0x6: {  	_ = 	snop  }
0x7: {  	_ = 	snop  }
__scs_overlays_trampoline_lowered:
0x8: {  	[smem:$0x3FA3] =	sst s0  }
0x9: {  	[smem:$0x3FA4] =	sst s1  }
0xa: {  	[smem:$0x3FA5] =	sst s2  }
0xb: {  	[smem:$0x3FA6] =	sst s3  }
0xc: {  	[smem:$0x3FA7] =	sst s4  }
0xd: {  	[smem:$0x3FA8] =	sst s5  }
0xe: {  	[smem:$0x3FA9] =	sst s6  }
0xf: {  	[smem:$0x3FAA] =	sst s7  }
0x10: {  	[smem:$0x3FAB] =	sst s8  }
0x11: {  	[smem:$0x3FAC] =	sst s9;
	s0 =	simm.s32 @!p0 $0x0  }
0x12: {  	s1 =	sld [smem:$0x3F92];
	s0 =	simm.s32 @p0 $0x1  }
0x13: {  	[smem:$0x3FAD] =	sst s0;
	s0 =	simm.s32 @!p1 $0x0  }
0x14: {  	s2 =	sld [smem:$0x3F91];
	s0 =	simm.s32 @p1 $0x1  }
0x15: {  	[smem:$0x3FAE] =	sst s0;
	s0 =	simm.s32 @!p2 $0x0  }
0x16: {  	s3 =	sld [smem:$0x3FDB];
	s0 =	simm.s32 @p2 $0x1  }
0x17: {  	s4 =	simm.s32 $0x1BF5;
	[smem:$0x3FB0] =	sst s0  }
0x18: {  	s0 =	sld [smem:$0x3F93];
	_ =	swait.ge [sflag:s4], $0x0  }
0x19: {  	s7 =	sld [smem:$0x3F94]  }
0x1a: {  	s8 =	sadd.s32 $0xFFFFE003, lr  }
0x1b: {  	s9 =	sadd.s32 $0xFFFFFEF7, lr;
	s5 =	simm.s32 $0xFFFFFFFF;
	p2 =	slt.u32 s8, $0xFFFFF086  }
0x1c: {  	p1 =	slt.u32 s9, $0xF7A;
	s5 =	simm.s32 @!p2 $0x0  }
0x1d: {  	s5 =	simm.s32 @p1 $0x1;
	p0 =	seq.s32 s7, s2  }
0x1e: {  	s7 =	smul.u32 @!p0 $0xF7A, s2;
	p2 =	seq.s32 @!p0 s5, $0x0  }
0x1f: {  	s9 =	smul.u32 $0xF7A, s1;
	s8 =	simm.s32 @!p0 $0x1BF5;
	p2 =	por !p2, p0  }
0x20: {  	[sflag:s8] =	ssyncset.s32 @!p0 $0xFFFFF086;
	s6 =	sadd.s32 @!p0 s3, s7;
	s7 =	simm.s32 @!p0 $0x108  }
0x21: {  	s3 =	sadd.s32 s3, s9;
	s6 =	sadd.s32 @!p0 $0x88, s6;
	s7 =	simm.s32 @p2 $0x1082  }
0x22: {  	[simem:s7], [sflag:s8] =	dma.local @!p0 [hbm:s6], $0xF7A  }
0x23: {  	s9 =	sor.u32 $0xD0000000, s2;
	s6 =	simm.s32 $0x108;
	_ =	swait.ge @!p0 [sflag:s8], $0x0  }
0x24: {  	s3 =	sadd.s32 $0x88, s3;
	s6 =	simm.s32 @!p1 $0x1082;
	[sflag:s4] =	ssyncset.s32 $0xFFFFF086  }
0x25: {  	[simem:s6], [sflag:s4] =	dma.local [hbm:s3], $0xF7A  }
0x26: {  	[smem:$0x3F94] =	sst s1;
	(tag) =	ssettag s2;
	_ =	strace s9  }
0x27: {  	s1 =	sld [smem:$0x3FA4]  }
0x28: {  	s2 =	sld [smem:$0x3FA5]  }
0x29: {  	s4 =	sld [smem:$0x3FA7]  }
0x2a: {  	p0 =	seq.s32 s5, $0x0;
	s5 =	sld [smem:$0x3FA8]  }
0x2b: {  	s6 =	sld [smem:$0x3FA9]  }
0x2c: {  	s7 =	sld [smem:$0x3FAA]  }
0x2d: {  	s3 =	simm.s32 $0x108;
	s8 =	sld [smem:$0x3FAB]  }
0x2e: {  	s3 =	simm.s32 @!p0 $0x1082;
	s9 =	sld [smem:$0x3FAC]  }
0x2f: {  	lr =	sadd.s32 s0, s3;
	s0 =	sld [smem:$0x3FA3]  }
0x30: {  	s3 =	sld [smem:$0x3FA6]  }
0x31: {  	[smem:$0x3FAF] =	sst s10  }
0x32: {  	s10 =	sld [smem:$0x3FAD];
	_ =	sdelay $0x3  }
0x33: {  	p0 =	seq.s32 s10, $0x1;
	s10 =	sld [smem:$0x3FAF];
	_ =	sdelay $0x3  }
0x34: {  	[smem:$0x3FAF] =	sst s10  }
0x35: {  	s10 =	sld [smem:$0x3FAE];
	_ =	sdelay $0x3  }
0x36: {  	p1 =	seq.s32 s10, $0x1;
	s10 =	sld [smem:$0x3FAF];
	_ =	sdelay $0x3  }
0x37: {  	[smem:$0x3FAF] =	sst s10  }
0x38: {  	s10 =	sld [smem:$0x3FB0]  }
0x39: {  	_ = 	snop;
	(pc) =	sbr.ind lr, $3  }
0x3a: {  	_ = 	snop  }
0x3b: {  	_ = 	snop  }
0x3c: {  	p2 =	seq.s32 s10, $0x1;
	s10 =	sld [smem:$0x3FAF]  }
0x3d: {  	_ =	shalt  }
0x3e: {  	_ =	shalt  }
0x3f: {  	_ =	shalt  }
0x40: {  	_ =	shalt  }
0x41: {  	_ =	shalt  }
0x42: {  	_ =	shalt  }
0x43: {  	_ =	shalt  }
0x44: {  	_ =	shalt  }
0x45: {  	_ =	shalt  }
0x46: {  	_ =	shalt  }
0x47: {  	_ =	shalt  }
0x48: {  	_ =	shalt  }
0x49: {  	_ =	shalt  }
0x4a: {  	_ =	shalt  }
0x4b: {  	_ =	shalt  }
0x4c: {  	_ =	shalt  }
0x4d: {  	_ =	shalt  }
0x4e: {  	_ =	shalt  }
0x4f: {  	_ =	shalt  }
0x50: {  	_ =	shalt  }
0x51: {  	_ =	shalt  }
0x52: {  	_ =	shalt  }
0x53: {  	_ =	shalt  }
0x54: {  	_ =	shalt  }
0x55: {  	_ =	shalt  }
0x56: {  	_ =	shalt  }
0x57: {  	_ =	shalt  }
0x58: {  	_ =	shalt  }
0x59: {  	_ =	shalt  }
0x5a: {  	_ =	shalt  }
0x5b: {  	_ =	shalt  }
0x5c: {  	_ =	shalt  }
0x5d: {  	_ =	shalt  }
0x5e: {  	_ =	shalt  }
0x5f: {  	_ =	shalt  }
0x60: {  	_ =	shalt  }
0x61: {  	_ =	shalt  }
0x62: {  	_ =	shalt  }
0x63: {  	_ =	shalt  }
0x64: {  	_ =	shalt  }
0x65: {  	_ =	shalt  }
0x66: {  	_ =	shalt  }
0x67: {  	_ =	shalt  }
0x68: {  	_ =	shalt  }
0x69: {  	_ =	shalt  }
0x6a: {  	_ =	shalt  }
0x6b: {  	_ =	shalt  }
0x6c: {  	_ =	shalt  }
0x6d: {  	_ =	shalt  }
0x6e: {  	_ =	shalt  }
0x6f: {  	_ =	shalt  }
0x70: {  	_ =	shalt  }
0x71: {  	_ =	shalt  }
0x72: {  	_ =	shalt  }
0x73: {  	_ =	shalt  }
0x74: {  	_ =	shalt  }
0x75: {  	_ =	shalt  }
0x76: {  	_ =	shalt  }
0x77: {  	_ =	shalt  }
0x78: {  	_ =	shalt  }
0x79: {  	_ =	shalt  }
0x7a: {  	_ =	shalt  }
0x7b: {  	_ =	shalt  }
0x7c: {  	_ =	shalt  }
0x7d: {  	_ =	shalt  }
0x7e: {  	_ =	shalt  }
0x7f: {  	_ =	shalt  }
0x80: {  	_ =	shalt  }
0x81: {  	_ =	shalt  }
0x82: {  	_ =	shalt  }
0x83: {  	_ =	shalt  }
0x84: {  	_ =	shalt  }
0x85: {  	_ =	shalt  }
0x86: {  	_ =	shalt  }
0x87: {  	_ =	shalt  }
.Lfunc_end0:
.L_simem_size_0:
called_computation.4_lowered:
.L_overlay_start_0:
0x88: {  	s2 =	sld [smem:$0x3FD9]  }
0x89: {  	s3 =	sld [smem:$0x3FFE];
	_ =	sdelay $0x1  }
0x8a: {  	s1 =	srdreg.scid  }
0x8b: {  	s0 =	sand.u32 $0x1, s1  }
0x8c: {  	s16 =	sshll.u32 s0, $0xA;
	s2 =	sadd.s32 s3, s2  }
0x8d: {  	s2 =	sadd.s32 s2, s16  }
0x8e: {  	[smem:$0x3FBB] =	sst s2  }
0x8f: {  	_ = 	snop  }
0x90: {  	(tm) =	ssettm $0x1  }
0x91: {  	s17 =	sld [smem:$0x3FFB];
	_ =	sdelay $0x3  }
0x92: {  	_ =	strace s17  }
0x93: {  	s2 =	sld [smem:$0x3FFC];
	_ =	sdelay $0x3  }
0x94: {  	_ =	strace s2  }
0x95: {  	s2 =	sld [smem:$0x3FFD];
	_ =	sdelay $0x3  }
0x96: {  	_ =	strace s2  }
0x97: {  	_ =	strace $0x8FFFFFFF  }
0x98: {  	s18 =	sld [smem:$0x3FDB];
	_ =	sdelay $0x1  }
0x99: {  	s19 =	simm.s32 $_scs_section_size  }
0x9a: {  	s4 =	simm.s32 $_size__tile_overlayer_lowered;
	s5 =	simm.s32 $_tile_overlayer_lowered  }
0x9b: {  	s22 =	simm.s32 $0x1BFF;
	s21 =	sshll.u32 s5, $0x1;
	s2 =	sadd.s32 s19, s18  }
0x9c: {  	s6 =	simm.s32 $0x0;
	s20 =	sshll.u32 s4, $0x1;
	s4 =	sadd.s32 s21, s2  }
0x9d: {  	[timem:s6], [sflag:s22] =	dma.local [hbm:s4], s20  }
0x9e: {  	_ =	swait.ge [sflag:s22], s20  }
0x9f: {  	s3 =	ssub.s32 $0x0, s20;
	[sflag:s22] =	ssyncset.done $0x0  }
0xa0: {  	[sflag:s22] =	ssyncadd.s32 s3;
	_ =	sdelay $0x1  }
0xa1: {  	s23 =	simm.s32 $0x1B8B  }
0xa2: {  	_ =	swait.ge [sflag:s23], $0x1  }
0xa3: {  	[sflag:s23] =	ssyncset.done $0x0  }
0xa4: {  	s25 =	simm.s32 $0x1B8E;
	s24 =	sld [smem:$0x3FFE];
	[sflag:s23] =	ssyncadd.s32 $0xFFFFFFFF  }
0xa5: {  	s26 =	simm.s32 $execute0_lowered;
	[smem:$0x3FD2] =	sst s25  }
0xa6: {  	s4 =	sshll.u32 s26, $0x1;
	_ =	strace $0x80000052;
	[dreg:$0x1] =	wrdreg $0xFFFFFFFF  }
0xa7: {  	s28 =	simm.s32 $_size_execute0_lowered;
	s2 =	sadd.s32 s2, s4;
	[dreg:$0x0] =	wrdreg $0x0  }
0xa8: {  	s4 =	sshll.u32 s28, $0x1;
	[dreg:$0x2] =	wrdreg s2  }
0xa9: {  	[dreg:$0x3] =	wrdreg s4  }
0xaa: {  	[dreg:$0x4] =	wrdreg $0xC0  }
0xab: {  	_ =	task [dreg:s6], $0x5FFFF  }
0xac: {  	[dreg:$0x1] =	wrdreg $0xFFFFFFFF  }
0xad: {  	[dreg:$0x0] =	wrdreg $0x60  }
0xae: {  	[dreg:$0x2] =	wrdreg s24  }
0xaf: {  	[dreg:$0x3] =	wrdreg $0xA0000  }
0xb0: {  	[dreg:$0x4] =	wrdreg $0x9  }
0xb1: {  	_ =	task.clear_ibuf [dreg:s6], $0x5FFFF;
	_ =	strace $0x90000052  }
0xb2: {  	s29 =	simm.s32 $0x9;
	_ =	strace $0x80000054  }
0xb3: {  	_ =	swait.ge [sflag:s29], $0x1  }
0xb4: {  	[sflag:s29] =	ssyncadd.s32 $0xFFFFFFFF  }
0xb5: {  	_ =	strace $0x90000054  }
0xb6: {  	_ =	sfence  }
0xb7: {  	s30 =	sld [smem:$0x0];
	_ =	sdelay $0x2  }
0xb8: {  	s31 =	sshll.u32 s1, $0xD;
	s1 =	sshrl.u32 s1, $0x2  }
0xb9: {  	s3 =	sand.u32 $0x4000, s31;
	s1 =	sadd.s32 s1, s30  }
0xba: {  	s0 =	sor.u32 s3, s0;
	s1 =	sshll.u32 s1, $0x11  }
0xbb: {  	s0 =	sor.u32 s1, s0  }
0xbc: {  	s0 =	sadd.s32 $0x8F2B, s0  }
0xbd: {  	[sflag:s0] =	ssyncadd.remote.s32 $0x1  }
0xbe: {  	_ =	sfence.sel $0xFFFF  }
0xbf: {  	[dreg:$0x0] =	wrdreg $0xFFFFFFFF;
	(pc) =	sbr.abs _section_cstart, $3  }
0xc0: {  	[dreg:$0x1] =	wrdreg $0xFFFFFFFF  }
0xc1: {  	_ =	task.clear_ibuf [dreg:s6], $0x2FFFF;
	_ =	strace $0x9FFFFFFF  }
0xc2: {  	(tm) =	ssettm $0x7FFFFFFF  }
0xc3: {  	_ =	shalt  }
tec
execute0_lowered:
.L_overlay_start_1:
0x0: {  	(tag) =	ssettag $0x1  }
0x1: {  	s0 =	srdreg.scid;
	s1 =	rddreg [dreg:$0x0]  }
0x2: {  	s11 =	stileid.u32;
	s2 =	rddreg [dreg:$0x1];
	s3 =	simm.s32 $0x0  }
0x3: {  	s15 =	simm.s32 $0xD;
	s28 =	simm.s32 $0x17E80;
	s29 =	simm.s32 $0x1CCA0  }
0x4: {  	s31 =	simm.s32 $0x19DC0;
	s17 =	simm.s32 $0x9;
	s5 =	smul.u32 $0xA00, s11  }
0x5: {  	s30 =	simm.s32 $0x3;
	s12 =	simm.s32 $0x7;
	s7 =	smul.u32 $0xA000, s11  }
0x6: {  	s13 =	simm.s32 $0x8;
	s16 =	simm.s32 $0x0;
	s19 =	smul.u32 $0x4E200, s11  }
0x7: {  	s0 =	sand.u32 $0x1, s0;
	[smem:$0x7FF] =	sst s3;
	s20 =	smul.u32 $0x9C40, s11  }
0x8: {  	s9 =	sadd.s32 $0x71600, s1;
	s26 =	sshll.u32 s11, $0x6;
	s4 =	smul.u32 $0x13880, s0  }
0x9: {  	s6 =	smul.u32 $0xA0000, s0;
	_ =	strace $0x80000053;
	s0 =	ssub.s32 $0x2, s0  }
0xa: {  	[dreg:$0x3] =	wrdreg s9;
	s5 =	sadd.s32 s5, s1;
	s18 =	sshrl.u32 s0, $0x1  }
0xb: {  	s21 =	sshrl.u32 s19, $0x3;
	s8 =	sadd.s32 s4, s1;
	s4 =	sadd.s32 $0xFAE00, s1  }
0xc: {  	s6 =	sadd.s32 s7, s6;
	s0 =	ssub.s32 s0, s18;
	s10 =	sadd.s32 $0x7BA00, s5  }
0xd: {  	s5 =	sadd.s32 $0x17600, s5;
	s7 =	sadd.s32 s7, s2;
	s18 =	sor.u32 $0x1C0D, s26  }
0xe: {  	s26 =	simm.s32 $0xA;
	s6 =	sshrl.u32 s6, $0x3;
	[dreg:$0x4] =	wrdreg s10  }
0xf: {  	[dreg:$0x5] =	wrdreg s5;
	s9 =	sadd.s32 $0x85A00, s8;
	s22 =	sadd.s32 s4, s21  }
0x10: {  	s5 =	sadd.s32 s4, s20;
	s0 =	smax.u32 s0, $0x1;
	s19 =	sshrl.u32 s7, $0x3  }
0x11: {  	s20 =	simm.s32 $0x7D;
	s21 =	simm.s32 $0x14000;
	[dreg:$0xc] =	wrdreg s18  }
0x12: {  	s7 =	simm.s32 $0x4;
	s8 =	simm.s32 $0xC;
	[dreg:$0x6] =	wrdreg s5  }
0x13: {  	s10 =	simm.s32 $0x5;
	s1 =	sadd.s32 s6, s1;
	[dreg:$0xb] =	wrdreg s0  }
0x14: {  	s6 =	smul.u32 $0xA0, s11;
	s23 =	sadd.s32 $0xFA, s22;
	[dreg:$0xd] =	wrdreg s19  }
.Ltmp0:
0x15: {  	s24 =	sadd.s32 $0x1F4, s22;
	[dreg:$0x7] =	wrdreg s23;
	(pc) =	sbr.rel .LBB2_1-.Ltmp0, $4  }
0x16: {  	s25 =	sadd.s32 $0x2EE, s22;
	s0 =	simm.s32 $0x1;
	[dreg:$0x8] =	wrdreg s24  }
0x17: {  	s5 =	simm.s32 $0xB;
	s11 =	simm.s32 $0x6;
	[dreg:$0x9] =	wrdreg s25  }
0x18: {  	s1 =	sadd.s32 $0xACC00, s1;
	s24 =	simm.s32 $0x15F40;
	s25 =	simm.s32 $0x1C4D0  }
0x19: {  	s23 =	simm.s32 $0x2;
	[dreg:$0xa] =	wrdreg s1;
	s1 =	simm.s32 $0x1D470  }
.LBB2_12:
0x1a: {  	_ =	swait.ge [sflag:s11], $0x1F40  }
0x1b: {  	[sflag:s11] =	ssyncset.done $0x0  }
0x1c: {  	[sflag:s11] =	ssyncadd.s32 $0xFFFFE0C0  }
0x1d: {  	_ =	swait.ge [sflag:s12], $0x1F40  }
0x1e: {  	[sflag:s12] =	ssyncset.done $0x0  }
0x1f: {  	[sflag:s12] =	ssyncadd.s32 $0xFFFFE0C0  }
0x20: {  	_ =	swait.ge [sflag:s13], $0x1F40  }
0x21: {  	[sflag:s13] =	ssyncset.done $0x0  }
0x22: {  	[sflag:s13] =	ssyncadd.s32 $0xFFFFE0C0  }
0x23: {  	[bflag:$0x0] =	sbarrier.arrive $0xFFFF  }
0x24: {  	s14 =	rddreg [dreg:$0xa]  }
0x25: {  	s18 =	rddreg [dreg:$0xc]  }
0x26: {  	s15 =	simm.s32 $0xD;
	s19 =	rddreg [dreg:$0xd]  }
0x27: {  	[hbm:s14], [sflag:s18] =	dma.local [spmem:s19], $0x1400  }
0x28: {  	_ =	swait.ge [sflag:s15], $0x1400  }
0x29: {  	s16 =	rddreg [dreg:$0xe]  }
0x2a: {  	s22 =	rddreg [dreg:$0xb];
	s16 =	sadd.s32 $0x1, s16  }
0x2b: {  	p0 =	sne.s32 s16, s22  }
.Ltmp1:
0x2c: {  	_ = 	snop;
	(pc) =	sbr.rel @!p0 .LBB2_13-.Ltmp1, $3  }
0x2d: {  	_ =	sdelay $0x1  }
0x2e: {  	[sflag:s15] =	ssyncset.done $0x0  }
0x2f: {  	[sflag:s15] =	ssyncadd.s32 $0xFFFFEC00  }
.LBB2_1:
0x30: {  	[dreg:$0xe] =	wrdreg s16  }
0x31: {  	s14 =	rddreg [dreg:$0x4]  }
0x32: {  	[tilespmem:s3], [sflag:$0xD] =	stream.linear.gather [hbm4b:s14+s3], $0x5000, $0x38;
	[tilespmem:$0x1DC40] =	vst v63  }
0x33: {  	_ =	swait.ge [sflag:s15], $0x5000  }
0x34: {  	[sflag:s15] =	ssyncset.done $0x0  }
0x35: {  	s22 =	simm.s32 $0x5000;
	s16 =	rddreg [dreg:$0x5];
	[sflag:s15] =	ssyncadd.s32 $0xFFFFB000  }
0x36: {  	[tilespmem:s22], [sflag:$0xD] =	stream.linear.gather [hbm4b:s16+s3], $0x5000, $0x38;
	[tilespmem:$0x1DC40] =	vst v63  }
0x37: {  	_ =	swait.ge [sflag:s15], $0x5000  }
0x38: {  	[sflag:s15] =	ssyncset.done $0x0  }
0x39: {  	s16 =	rddreg [dreg:$0x3];
	[sflag:s15] =	ssyncadd.s32 $0xFFFFB000  }
0x3a: {  	[spmem:s19], [sflag:s18] =	dma.local [hbm:s16], $0x1400  }
0x3b: {  	_ =	swait.ge [sflag:s15], $0x1400  }
0x3c: {  	[sflag:s15] =	ssyncset.done $0x0  }
0x3d: {  	[sflag:s15] =	ssyncadd.s32 $0xFFFFEC00  }
0x3e: {  	[bflag:$0x0] =	sbarrier.arrive $0xFFFF  }
0x3f: {  	[tilespmem:s21], [sflag:$0x1] =	stream.indirect.gather [hbm4b:s9+s20], $0x40, s3, s20, $0xb8;
	[tilespmem:$0x1DC40] =	vst v63  }
0x40: {  	s19 =	simm.s32 $0x1BD00;
	s18 =	rddreg [dreg:$0x6]  }
0x41: {  	[tilespmem:s19], [sflag:$0x9] =	stream.linear.gather [hbm4b:s18+s3], $0x7D0, $0x38;
	[tilespmem:$0x1DC40] =	vst v63  }
0x42: {  	s22 =	simm.s32 $0x80  }
0x43: {  	[tilespmem:s24], [sflag:$0x2] =	stream.indirect.gather [hbm4b:s9+s20], $0x40, s22, s20, $0xb8;
	[tilespmem:$0x1DC40] =	vst v63  }
0x44: {  	s15 =	rddreg [dreg:$0x7]  }
0x45: {  	[tilespmem:s25], [sflag:$0xA] =	stream.linear.gather [hbm4b:s15+s3], $0x7D0, $0x38;
	[tilespmem:$0x1DC40] =	vst v63  }
0x46: {  	s16 =	simm.s32 $0x100  }
0x47: {  	[tilespmem:s28], [sflag:$0x3] =	stream.indirect.gather [hbm4b:s9+s20], $0x40, s16, s20, $0xb8;
	[tilespmem:$0x1DC40] =	vst v63  }
0x48: {  	s18 =	rddreg [dreg:$0x8]  }
0x49: {  	[tilespmem:s29], [sflag:$0xB] =	stream.linear.gather [hbm4b:s18+s3], $0x7D0, $0x38;
	[tilespmem:$0x1DC40] =	vst v63  }
0x4a: {  	s19 =	simm.s32 $0x180  }
0x4b: {  	[tilespmem:s31], [sflag:$0x4] =	stream.indirect.gather [hbm4b:s9+s20], $0x40, s19, s20, $0xb8;
	[tilespmem:$0x1DC40] =	vst v63  }
0x4c: {  	s22 =	rddreg [dreg:$0x9];
	s15 =	simm.s32 $0x0  }
0x4d: {  	[tilespmem:s1], [sflag:$0xC] =	stream.linear.gather [hbm4b:s22+s3], $0x7D0, $0x38;
	[tilespmem:$0x1DC40] =	vst v63  }
.LBB2_2:
0x4e: {  	_ =	swait.ge [sflag:s0], $0x1F40  }
0x4f: {  	[sflag:s0] =	ssyncset.done $0x0  }
0x50: {  	[sflag:s0] =	ssyncadd.s32 $0xFFFFE0C0  }
0x51: {  	_ =	swait.ge [sflag:s17], $0x7D0  }
0x52: {  	[sflag:s17] =	ssyncset.done $0x0  }
0x53: {  	s19 =	simm.s32 $0x14020;
	[sflag:s17] =	ssyncadd.s32 $0xFFFFF830  }
0x54: {  	v0 =	vld [tilespmem:s19+$0xFFFFFFF0]  }
0x55: {  	v2 =	vld [tilespmem:s19+$0x10]  }
0x56: {  	s14 =	simm.s32 $0x0;
	v1 =	vld [tilespmem:s19+$0xFFFFFFE0]  }
0x57: {  	v4 =	vld [tilespmem:s14+$0x1BD00]  }
0x58: {  	v5 =	vld [tilespmem:s19+$0x0];
	_ =	sdelay $0x3  }
0x59: {  	v1 =	vmul.f32 v1, v4;
	v3 =	vmul.f32 v2, v4  }
0x5a: {  	s18 =	simm.s32 $0x40;
	s16 =	simm.s32 $0x14020;
	v2 =	vmul.f32 v0, v4;
	v0 =	vmul.f32 v5, v4  }
.LBB2_3:
0x5b: {  	p0 =	sne.s32 s18, $0x1F00  }
0x5c: {  	[tilespmem:s19+$0x10] =	vst v3;
	s16 =	sadd.s32 $0x40, s16;
	s14 =	smov.u32 s18;
	s18 =	sadd.s32 $0x40, s18  }
0x5d: {  	v4 =	vld [tilespmem:s16+$0xFFFFFFF0];
	[tilespmem:s19+$0xFFFFFFE0] =	vst v1  }
0x5e: {  	v3 =	vld [tilespmem:s16+$0x10];
	[tilespmem:s19+$0xFFFFFFF0] =	vst v2  }
0x5f: {  	s14 =	sshra.s32 s14, $0x2;
	v1 =	vld [tilespmem:s16+$0xFFFFFFE0];
	[tilespmem:s19+$0x0] =	vst v0;
	s19 =	smov.u32 s16  }
0x60: {  	v0 =	vld [tilespmem:s14+$0x1BD00]  }
0x61: {  	v5 =	vld [tilespmem:s16+$0x0]  }
.Ltmp2:
0x62: {  	(pc) =	sbr.rel @p0 .LBB2_3-.Ltmp2, $3  }
0x63: {  	_ =	sdelay $0x1  }
0x64: {  	v1 =	vmul.f32 v1, v0;
	v3 =	vmul.f32 v3, v0  }
0x65: {  	v2 =	vmul.f32 v4, v0;
	v0 =	vmul.f32 v5, v0  }
0x66: {  	[tilespmem:s19+$0x10] =	vst v3  }
0x67: {  	[tilespmem:s19+$0xFFFFFFE0] =	vst v1;
	s14 =	sshll.u32 s15, $0xB  }
0x68: {  	[tilespmem:s19+$0xFFFFFFF0] =	vst v2;
	s18 =	sshrl.u32 s14, $0x2  }
0x69: {  	[tilespmem:s19+$0x0] =	vst v0;
	s14 =	sadd.s32 $0x5000, s18  }
0x6a: {  	[spmem:s2] =	stream.indirect.scatter.add.f32 [tilespmem:s21], [sflag:$0x5], $0x40, s14, s20, $0xb8;
	[tilespmem:$0x1DC40] =	vst v63  }
0x6b: {  	_ =	swait.ge [sflag:s23], $0x1F40  }
0x6c: {  	[sflag:s23] =	ssyncset.done $0x0  }
0x6d: {  	[sflag:s23] =	ssyncadd.s32 $0xFFFFE0C0  }
0x6e: {  	_ =	swait.ge [sflag:s26], $0x7D0  }
0x6f: {  	[sflag:s26] =	ssyncset.done $0x0  }
0x70: {  	s19 =	simm.s32 $0x15F60;
	[sflag:s26] =	ssyncadd.s32 $0xFFFFF830  }
0x71: {  	v0 =	vld [tilespmem:s19+$0xFFFFFFF0]  }
0x72: {  	v2 =	vld [tilespmem:s19+$0x10]  }
0x73: {  	s22 =	simm.s32 $0x0;
	v1 =	vld [tilespmem:s19+$0xFFFFFFE0]  }
0x74: {  	v4 =	vld [tilespmem:s22+$0x1C4D0]  }
0x75: {  	v5 =	vld [tilespmem:s19+$0x0];
	_ =	sdelay $0x3  }
0x76: {  	v1 =	vmul.f32 v1, v4;
	v3 =	vmul.f32 v2, v4  }
0x77: {  	s16 =	simm.s32 $0x40;
	s14 =	simm.s32 $0x15F60;
	v2 =	vmul.f32 v0, v4;
	v0 =	vmul.f32 v5, v4  }
.LBB2_5:
0x78: {  	p0 =	sne.s32 s16, $0x1F00  }
0x79: {  	[tilespmem:s19+$0x10] =	vst v3;
	s14 =	sadd.s32 $0x40, s14;
	s22 =	smov.u32 s16;
	s16 =	sadd.s32 $0x40, s16  }
0x7a: {  	v4 =	vld [tilespmem:s14+$0xFFFFFFF0];
	[tilespmem:s19+$0xFFFFFFE0] =	vst v1  }
0x7b: {  	v3 =	vld [tilespmem:s14+$0x10];
	[tilespmem:s19+$0xFFFFFFF0] =	vst v2  }
0x7c: {  	s22 =	sshra.s32 s22, $0x2;
	v1 =	vld [tilespmem:s14+$0xFFFFFFE0];
	[tilespmem:s19+$0x0] =	vst v0;
	s19 =	smov.u32 s14  }
0x7d: {  	v0 =	vld [tilespmem:s22+$0x1C4D0]  }
0x7e: {  	v5 =	vld [tilespmem:s14+$0x0]  }
.Ltmp3:
0x7f: {  	(pc) =	sbr.rel @p0 .LBB2_5-.Ltmp3, $3  }
0x80: {  	_ =	sdelay $0x1  }
0x81: {  	v1 =	vmul.f32 v1, v0;
	v3 =	vmul.f32 v3, v0  }
0x82: {  	v2 =	vmul.f32 v4, v0;
	v0 =	vmul.f32 v5, v0  }
0x83: {  	[tilespmem:s19+$0x10] =	vst v3  }
0x84: {  	[tilespmem:s19+$0xFFFFFFE0] =	vst v1  }
0x85: {  	[tilespmem:s19+$0xFFFFFFF0] =	vst v2  }
0x86: {  	s14 =	sadd.s32 $0x5080, s18;
	[tilespmem:s19+$0x0] =	vst v0  }
0x87: {  	[spmem:s2] =	stream.indirect.scatter.add.f32 [tilespmem:s24], [sflag:$0x6], $0x40, s14, s20, $0xb8;
	[tilespmem:$0x1DC40] =	vst v63  }
0x88: {  	_ =	swait.ge [sflag:s30], $0x1F40  }
0x89: {  	[sflag:s30] =	ssyncset.done $0x0  }
0x8a: {  	[sflag:s30] =	ssyncadd.s32 $0xFFFFE0C0  }
0x8b: {  	_ =	swait.ge [sflag:s5], $0x7D0  }
0x8c: {  	[sflag:s5] =	ssyncset.done $0x0  }
0x8d: {  	s19 =	simm.s32 $0x17EA0;
	[sflag:s5] =	ssyncadd.s32 $0xFFFFF830  }
0x8e: {  	v0 =	vld [tilespmem:s19+$0xFFFFFFF0]  }
0x8f: {  	v2 =	vld [tilespmem:s19+$0x10]  }
0x90: {  	s22 =	simm.s32 $0x0;
	v1 =	vld [tilespmem:s19+$0xFFFFFFE0]  }
0x91: {  	v4 =	vld [tilespmem:s22+$0x1CCA0]  }
0x92: {  	v5 =	vld [tilespmem:s19+$0x0];
	_ =	sdelay $0x3  }
0x93: {  	v1 =	vmul.f32 v1, v4;
	v3 =	vmul.f32 v2, v4  }
0x94: {  	s16 =	simm.s32 $0x40;
	s14 =	simm.s32 $0x17EA0;
	v2 =	vmul.f32 v0, v4;
	v0 =	vmul.f32 v5, v4  }
.LBB2_7:
0x95: {  	p0 =	sne.s32 s16, $0x1F00  }
0x96: {  	[tilespmem:s19+$0x10] =	vst v3;
	s14 =	sadd.s32 $0x40, s14;
	s22 =	smov.u32 s16;
	s16 =	sadd.s32 $0x40, s16  }
0x97: {  	v4 =	vld [tilespmem:s14+$0xFFFFFFF0];
	[tilespmem:s19+$0xFFFFFFE0] =	vst v1  }
0x98: {  	v3 =	vld [tilespmem:s14+$0x10];
	[tilespmem:s19+$0xFFFFFFF0] =	vst v2  }
0x99: {  	s22 =	sshra.s32 s22, $0x2;
	v1 =	vld [tilespmem:s14+$0xFFFFFFE0];
	[tilespmem:s19+$0x0] =	vst v0;
	s19 =	smov.u32 s14  }
0x9a: {  	v0 =	vld [tilespmem:s22+$0x1CCA0]  }
0x9b: {  	v5 =	vld [tilespmem:s14+$0x0]  }
.Ltmp4:
0x9c: {  	(pc) =	sbr.rel @p0 .LBB2_7-.Ltmp4, $3  }
0x9d: {  	_ =	sdelay $0x1  }
0x9e: {  	v1 =	vmul.f32 v1, v0;
	v3 =	vmul.f32 v3, v0  }
0x9f: {  	v2 =	vmul.f32 v4, v0;
	v0 =	vmul.f32 v5, v0  }
0xa0: {  	[tilespmem:s19+$0x10] =	vst v3  }
0xa1: {  	[tilespmem:s19+$0xFFFFFFE0] =	vst v1  }
0xa2: {  	[tilespmem:s19+$0xFFFFFFF0] =	vst v2  }
0xa3: {  	s14 =	sadd.s32 $0x5100, s18;
	[tilespmem:s19+$0x0] =	vst v0  }
0xa4: {  	[spmem:s2] =	stream.indirect.scatter.add.f32 [tilespmem:s28], [sflag:$0x7], $0x40, s14, s20, $0xb8;
	[tilespmem:$0x1DC40] =	vst v63  }
0xa5: {  	_ =	swait.ge [sflag:s7], $0x1F40  }
0xa6: {  	[sflag:s7] =	ssyncset.done $0x0  }
0xa7: {  	[sflag:s7] =	ssyncadd.s32 $0xFFFFE0C0  }
0xa8: {  	_ =	swait.ge [sflag:s8], $0x7D0  }
0xa9: {  	[sflag:s8] =	ssyncset.done $0x0  }
0xaa: {  	s19 =	simm.s32 $0x19DE0;
	[sflag:s8] =	ssyncadd.s32 $0xFFFFF830  }
0xab: {  	v0 =	vld [tilespmem:s19+$0xFFFFFFF0]  }
0xac: {  	v2 =	vld [tilespmem:s19+$0x10]  }
0xad: {  	s22 =	simm.s32 $0x0;
	v1 =	vld [tilespmem:s19+$0xFFFFFFE0]  }
0xae: {  	v4 =	vld [tilespmem:s22+$0x1D470]  }
0xaf: {  	v5 =	vld [tilespmem:s19+$0x0];
	_ =	sdelay $0x3  }
0xb0: {  	v1 =	vmul.f32 v1, v4;
	v3 =	vmul.f32 v2, v4  }
0xb1: {  	s16 =	simm.s32 $0x40;
	s14 =	simm.s32 $0x19DE0;
	v2 =	vmul.f32 v0, v4;
	v0 =	vmul.f32 v5, v4  }
.LBB2_9:
0xb2: {  	p0 =	sne.s32 s16, $0x1F00  }
0xb3: {  	[tilespmem:s19+$0x10] =	vst v3;
	s14 =	sadd.s32 $0x40, s14;
	s22 =	smov.u32 s16;
	s16 =	sadd.s32 $0x40, s16  }
0xb4: {  	v4 =	vld [tilespmem:s14+$0xFFFFFFF0];
	[tilespmem:s19+$0xFFFFFFE0] =	vst v1  }
0xb5: {  	v3 =	vld [tilespmem:s14+$0x10];
	[tilespmem:s19+$0xFFFFFFF0] =	vst v2  }
0xb6: {  	s22 =	sshra.s32 s22, $0x2;
	v1 =	vld [tilespmem:s14+$0xFFFFFFE0];
	[tilespmem:s19+$0x0] =	vst v0;
	s19 =	smov.u32 s14  }
0xb7: {  	v0 =	vld [tilespmem:s22+$0x1D470]  }
0xb8: {  	v5 =	vld [tilespmem:s14+$0x0]  }
.Ltmp5:
0xb9: {  	(pc) =	sbr.rel @p0 .LBB2_9-.Ltmp5, $3  }
0xba: {  	_ =	sdelay $0x1  }
0xbb: {  	v1 =	vmul.f32 v1, v0;
	v3 =	vmul.f32 v3, v0  }
0xbc: {  	v2 =	vmul.f32 v4, v0;
	v0 =	vmul.f32 v5, v0  }
0xbd: {  	[tilespmem:s19+$0x10] =	vst v3  }
0xbe: {  	[tilespmem:s19+$0xFFFFFFE0] =	vst v1  }
0xbf: {  	p0 =	seq.s32 s15, $0x27;
	[tilespmem:s19+$0xFFFFFFF0] =	vst v2  }
.Ltmp6:
0xc0: {  	s14 =	sadd.s32 $0x5180, s18;
	[tilespmem:s19+$0x0] =	vst v0;
	(pc) =	sbr.rel @p0 .LBB2_12-.Ltmp6, $4  }
0xc1: {  	[spmem:s2] =	stream.indirect.scatter.add.f32 [tilespmem:s31], [sflag:$0x8], $0x40, s14, s20, $0xb8;
	[tilespmem:$0x1DC40] =	vst v63  }
0xc2: {  	_ =	swait.ge [sflag:s10], $0x1F40  }
0xc3: {  	[sflag:s10] =	ssyncset.done $0x0  }
0xc4: {  	[sflag:s10] =	ssyncadd.s32 $0xFFFFE0C0  }
0xc5: {  	s14 =	sshll.u32 s15, $0x2  }
0xc6: {  	s14 =	sadd.s32 s6, s14  }
0xc7: {  	s16 =	sadd.s32 $0x200, s18;
	s14 =	smul.u32 $0x7D0, s14  }
0xc8: {  	[tilespmem:s21], [sflag:$0x1] =	stream.indirect.gather [hbm4b:s9+s20], $0x40, s16, s20, $0xb8;
	[tilespmem:$0x1DC40] =	vst v63  }
0xc9: {  	s14 =	sshrl.u32 s14, $0x3  }
0xca: {  	s14 =	sadd.s32 s4, s14  }
0xcb: {  	s19 =	simm.s32 $0x1BD00;
	s22 =	sadd.s32 $0x3E8, s14  }
0xcc: {  	[tilespmem:s19], [sflag:$0x9] =	stream.linear.gather [hbm4b:s22+s3], $0x7D0, $0x38;
	[tilespmem:$0x1DC40] =	vst v63  }
0xcd: {  	_ =	swait.ge [sflag:s11], $0x1F40  }
0xce: {  	[sflag:s11] =	ssyncset.done $0x0  }
0xcf: {  	s22 =	sadd.s32 $0x280, s18;
	[sflag:s11] =	ssyncadd.s32 $0xFFFFE0C0  }
0xd0: {  	[tilespmem:s24], [sflag:$0x2] =	stream.indirect.gather [hbm4b:s9+s20], $0x40, s22, s20, $0xb8;
	[tilespmem:$0x1DC40] =	vst v63  }
0xd1: {  	s19 =	sadd.s32 $0x4E2, s14  }
0xd2: {  	[tilespmem:s25], [sflag:$0xA] =	stream.linear.gather [hbm4b:s19+s3], $0x7D0, $0x38;
	[tilespmem:$0x1DC40] =	vst v63  }
0xd3: {  	_ =	swait.ge [sflag:s12], $0x1F40  }
0xd4: {  	[sflag:s12] =	ssyncset.done $0x0  }
0xd5: {  	s22 =	sadd.s32 $0x300, s18;
	[sflag:s12] =	ssyncadd.s32 $0xFFFFE0C0  }
0xd6: {  	[tilespmem:s28], [sflag:$0x3] =	stream.indirect.gather [hbm4b:s9+s20], $0x40, s22, s20, $0xb8;
	[tilespmem:$0x1DC40] =	vst v63  }
0xd7: {  	s19 =	sadd.s32 $0x5DC, s14  }
0xd8: {  	[tilespmem:s29], [sflag:$0xB] =	stream.linear.gather [hbm4b:s19+s3], $0x7D0, $0x38;
	[tilespmem:$0x1DC40] =	vst v63  }
0xd9: {  	_ =	swait.ge [sflag:s13], $0x1F40  }
.Ltmp7:
0xda: {  	[sflag:s13] =	ssyncset.done $0x0;
	(pc) =	sbr.rel .LBB2_2-.Ltmp7, $4  }
0xdb: {  	s22 =	sadd.s32 $0x380, s18;
	[sflag:s13] =	ssyncadd.s32 $0xFFFFE0C0  }
0xdc: {  	[tilespmem:s31], [sflag:$0x4] =	stream.indirect.gather [hbm4b:s9+s20], $0x40, s22, s20, $0xb8;
	[tilespmem:$0x1DC40] =	vst v63  }
0xdd: {  	s15 =	sadd.s32 $0x1, s15;
	s14 =	sadd.s32 $0x6D6, s14  }
0xde: {  	[tilespmem:s1], [sflag:$0xC] =	stream.linear.gather [hbm4b:s14+s3], $0x7D0, $0x38;
	[tilespmem:$0x1DC40] =	vst v63  }
.LBB2_13:
0xdf: {  	_ =	sfence.sel $0x180000  }
0xe0: {  	[bflag:$0x0] =	sbarrier.arrive $0xFFFF  }
0xe1: {  	_ =	strace $0x90000053  }
0xe2: {  	s0 =	stileid.u32;
	[bflag:$0x2] =	sbarrier.arrive $0xFFFF  }
0xe3: {  	p0 =	sne.s32 s0, $0x0;
	s0 =	rddreg [dreg:$0x2]  }
0xe4: {  	s0 =	sadd.s32 @!p0 $0x100000, s0  }
0xe5: {  	[sflag:s0] =	ssyncadd.tile.s32 @!p0 $0x1;
	_ =	shalt  }
.Lfunc_end2:
_tile_overlayer_lowered:
.L_overlay_start_2:
0xe6: {  	(tag) =	ssettag $0x2  }
0xe7: {  	s0 =	rddreg [dreg:$0x0];
	s2 =	stileid.u32  }
0xe8: {  	s1 =	rddreg [dreg:$0x1];
	p0 =	sne.s32 s2, $0x0  }
0xe9: {  	s3 =	rddreg [dreg:$0x2];
	[bflag:$0x3] =	sbarrier.arrive $0xFFFF;
	s2 =	simm.s32 @!p0 $0x1C0D  }
0xea: {  	[timem:s3], [sflag:s2] =	dma.local @!p0 [hbm:s0], s1  }
0xeb: {  	s0 =	simm.s32 @!p0 $0xD  }
0xec: {  	_ =	swait.ge @!p0 [sflag:s0], s1  }
0xed: {  	s1 =	ssub.s32 @!p0 $0x0, s1;
	[sflag:s0] =	ssyncset.done @!p0 $0x0  }
0xee: {  	[sflag:s0] =	ssyncadd.s32 @!p0 s1  }
0xef: {  	[bflag:$0x3] =	sbarrier.arrive $0xFFFF  }
0xf0: {  	_ =	shalt  }

</sc_bundles>
